<compile_context>
chip_gen: v7x
topology: tpu7x:2x2x1
jax: 0.10.2.dev20260603
libtpu: 0.0.44.dev20260713+nightly
codegen_flags: <defaults>
</compile_context>

<pallas_src>
import jax
import jax.numpy as jnp
from jax import lax
from jax.experimental import pallas as pl
from jax.experimental.pallas import tpu as pltpu
from jax.experimental.pallas import tpu_sc as plsc

N = 300
E = 9600
HID = 64
AH = 32
F32 = jnp.float32
EPS = 1e-5

RP = 304
EW0 = 384
EW1 = 256
FLAT = 91648
ZCH = FLAT // 16
RPW = N // 15


def _adj_body(edge, out0, out1, src_v, dst_v, fidx_v, ones_v, zero_v, row_v,
              shared):
    c = lax.axis_index("c")
    s = lax.axis_index("s")

    for j in range(ZCH // 16):
        zero_v[pl.ds(16 * j, 16)] = jnp.zeros((16,), F32)
    pltpu.sync_copy(zero_v, shared.at[pl.ds(s * ZCH, ZCH)])
    for j in range(8):
        ones_v[pl.ds(16 * j, 16)] = jnp.ones((16,), F32)

    def load_fidx(ew, base):
        pltpu.sync_copy(edge.at[0, pl.ds(base, ew)], src_v.at[pl.ds(0, ew)])
        pltpu.sync_copy(edge.at[1, pl.ds(base, ew)], dst_v.at[pl.ds(0, ew)])
        for j in range(ew // 16):
            s16 = src_v[pl.ds(16 * j, 16)]
            d16 = dst_v[pl.ds(16 * j, 16)]
            fidx_v[j // 8, pl.ds((j % 8) * 16, 16)] = d16 * RP + s16

    @pl.when(jnp.logical_and(s < 15, c == 0))
    def _l0():
        load_fidx(EW0, s * EW0)

    @pl.when(jnp.logical_and(s < 15, c == 1))
    def _l1():
        load_fidx(EW1, 15 * EW0 + s * EW1)

    plsc.subcore_barrier()

    @pl.when(jnp.logical_and(s < 15, c == 0))
    def _s0():
        for ch in range(EW0 // 128):
            pltpu.sync_copy(ones_v, shared.at[fidx_v.at[ch]], add=True)

    @pl.when(jnp.logical_and(s < 15, c == 1))
    def _s1():
        for ch in range(EW1 // 128):
            pltpu.sync_copy(ones_v, shared.at[fidx_v.at[ch]], add=True)

    plsc.subcore_barrier()

    def writeout(out):
        r0 = s * RPW
        pltpu.sync_copy(shared.at[pl.ds(r0 * RP, RPW * RP)], row_v)
        pltpu.sync_copy(row_v, out.at[pl.ds(r0 * RP, RPW * RP)])

    @pl.when(jnp.logical_and(s < 15, c == 0))
    def _w0():
        writeout(out0)

    @pl.when(jnp.logical_and(s < 15, c == 1))
    def _w1():
        writeout(out1)


def _adj_sc(edge_index):
    mesh = plsc.VectorSubcoreMesh(core_axis_name="c", subcore_axis_name="s")
    kern = pl.kernel(
        _adj_body,
        out_type=(jax.ShapeDtypeStruct((N * RP,), F32),
                  jax.ShapeDtypeStruct((N * RP,), F32)),
        mesh=mesh,
        scratch_types=[
            pltpu.VMEM((EW0,), jnp.int32),
            pltpu.VMEM((EW0,), jnp.int32),
            pltpu.VMEM((EW0 // 128, 128), jnp.int32),
            pltpu.VMEM((128,), F32),
            pltpu.VMEM((ZCH,), F32),
            pltpu.VMEM((RPW * RP,), F32),
            pltpu.VMEM_SHARED((FLAT,), F32),
        ],
    )
    return kern(edge_index)


def _fwd_body(adj, feat,
              W01, b01, ga1, be1, W11, b11,
              W02, b02, ga2, be2, W12, b12,
              Wa0, ba0, Wa1,
              Wc0, bc0, Wc1, bc1,
              pi_ref, val_ref):
    adjv = adj[...]

    def gin(x, W0, b0, ga, be, W1, b1):
        xp = jnp.concatenate(
            [x, jnp.zeros((RP - N, x.shape[1]), F32)], axis=0)
        xa = x + jnp.dot(adjv, xp, preferred_element_type=F32)
        h = jnp.dot(xa, W0[...], preferred_element_type=F32) + b0[...]
        mu = jnp.mean(h, axis=0, keepdims=True)
        var = jnp.mean((h - mu) ** 2, axis=0, keepdims=True)
        h = ga[...] * (h - mu) / jnp.sqrt(var + EPS) + be[...]
        h = jnp.maximum(h, 0.0)
        return jnp.dot(h, W1[...], preferred_element_type=F32) + b1[...]

    x1 = gin(feat[...], W01, b01, ga1, be1, W11, b11)
    x2 = gin(x1, W02, b02, ga2, be2, W12, b12)

    g = jnp.mean(x2, axis=0, keepdims=True)

    hc = jnp.maximum(jnp.dot(g, Wc0[...], preferred_element_type=F32)
                     + bc0[...], 0.0)
    val_ref[...] = jnp.dot(hc, Wc1[...], preferred_element_type=F32) + bc1[...]

    AT = lax.dot_general(Wa0[HID:2 * HID, :], x2, (((0,), (1,)), ((), ())),
                         preferred_element_type=F32)
    B = jnp.dot(x2, Wa0[2 * HID:, :], preferred_element_type=F32)
    gA = jnp.dot(g, Wa0[:HID, :], preferred_element_type=F32) \
        + ba0[...][None, :]

    L = jnp.zeros((N, N), F32)
    for k in range(AH):
        zk = AT[k:k + 1, :] + B[:, k:k + 1] + gA[0:1, k:k + 1]
        L = L + jnp.maximum(zk, 0.0) * Wa1[k:k + 1, 0:1]
    m = jnp.max(L, keepdims=True)
    ex = jnp.exp(L - m)
    pi_ref[...] = ex / jnp.sum(ex, keepdims=True)


_OUT_SHAPE = (jax.ShapeDtypeStruct((N, N), F32),
              jax.ShapeDtypeStruct((1, 1), F32))


def _flat_args(adj, features, params):
    gp = params['gin']
    ap = params['actor']
    cp = params['critic']
    return [
        adj, features,
        gp[0]['W0'], gp[0]['b0'], gp[0]['gamma'], gp[0]['beta'],
        gp[0]['W1'], gp[0]['b1'],
        gp[1]['W0'], gp[1]['b0'], gp[1]['gamma'], gp[1]['beta'],
        gp[1]['W1'], gp[1]['b1'],
        ap['W0'], ap['b0'], ap['W1'],
        cp['W0'], cp['b0'], cp['W1'], cp['b1'].reshape(1, 1),
    ]


def kernel(features, edge_index, params):
    adj0f, adj1f = _adj_sc(edge_index)
    adj = (adj0f + adj1f).reshape(N, RP)
    args = _flat_args(adj, features, params)
    pi300, val = pl.pallas_call(_fwd_body, out_shape=_OUT_SHAPE)(*args)
    return (pi300.reshape(N * N, 1), val)

# --- scband reference (transcript-rebuilt; emitter-appended) ---
"""Pipeline reference for scband-actor-critic-4887672783655 (READ-ONLY COPY).

The authoritative reference and input builder live on the scoring server;
editing this copy changes nothing except your own understanding.
"""

import jax, jax.numpy as jnp
import numpy as np

N_JOBS = 20
N_MACHINES = 15
N_NODES = N_JOBS * N_MACHINES  # 300
IN_DIM = 2
HID = 64
N_EDGES = 9600
ACT_HID = 32
CRIT_HID = 32
N_GIN_LAYERS = 2  # n_layers_feature_extractor - 1


def _init_linear(key, fan_in, fan_out):
    k1, k2 = jax.random.split(key)
    bound = 1.0 / np.sqrt(fan_in)
    W = jax.random.uniform(k1, (fan_in, fan_out), minval=-bound, maxval=bound, dtype=jnp.float32)
    b = jax.random.uniform(k2, (fan_out,), minval=-bound, maxval=bound, dtype=jnp.float32)
    return W, b


def setup_inputs(seed: int = 0) -> dict:
    key = jax.random.key(seed)
    ks = jax.random.split(key, 32)
    features = jax.random.normal(ks[0], (N_NODES, IN_DIM), dtype=jnp.float32)
    edge_index = jax.random.randint(ks[1], (2, N_EDGES), 0, N_NODES, dtype=jnp.int32)

    gin_params = []
    kidx = 2
    in_dim = IN_DIM
    for layer in range(N_GIN_LAYERS):
        W0, b0 = _init_linear(ks[kidx], in_dim, HID); kidx += 1
        W1, b1 = _init_linear(ks[kidx], HID, HID); kidx += 1
        gin_params.append({
            'W0': W0, 'b0': b0,
            'gamma': jnp.ones((HID,), dtype=jnp.float32),
            'beta': jnp.zeros((HID,), dtype=jnp.float32),
            'W1': W1, 'b1': b1,
        })
        in_dim = HID

    Wa0, ba0 = _init_linear(ks[kidx], 3 * HID, ACT_HID); kidx += 1
    Wa1, ba1 = _init_linear(ks[kidx], ACT_HID, 1); kidx += 1
    Wc0, bc0 = _init_linear(ks[kidx], HID, CRIT_HID); kidx += 1
    Wc1, bc1 = _init_linear(ks[kidx], CRIT_HID, 1); kidx += 1

    params = {
        'gin': gin_params,
        'actor': {'W0': Wa0, 'b0': ba0, 'W1': Wa1, 'b1': ba1},
        'critic': {'W0': Wc0, 'b0': bc0, 'W1': Wc1, 'b1': bc1},
    }
    return {'features': features, 'edge_index': edge_index, 'params': params}


def _batch_norm(x, gamma, beta, eps=1e-5):
    mu = jnp.mean(x, axis=0)
    var = jnp.var(x, axis=0)
    return gamma * (x - mu) / jnp.sqrt(var + eps) + beta


def _mlp_bn(x, p):
    h = x @ p['W0'] + p['b0']
    h = _batch_norm(h, p['gamma'], p['beta'])
    h = jax.nn.relu(h)
    return h @ p['W1'] + p['b1']


def _mlp_plain(x, p):
    h = jax.nn.relu(x @ p['W0'] + p['b0'])
    return h @ p['W1'] + p['b1']


def _gin_conv(x, edge_index, p):
    src = edge_index[0]
    dst = edge_index[1]
    agg = jnp.zeros((x.shape[0], x.shape[1]), dtype=x.dtype).at[dst].add(x[src])
    return _mlp_bn(x + agg, p)


def reference(features, edge_index, params):
    x = features
    for p in params['gin']:
        x = _gin_conv(x, edge_index, p)
    # graph pooling: mean over nodes (equivalent to sparse.mm with 1/n row)
    graph_embedding = jnp.mean(x, axis=0, keepdims=True)  # [1, HID]
    value = _mlp_plain(graph_embedding, params['critic'])  # [1, 1]
    n2 = N_NODES * N_NODES
    states = jnp.tile(graph_embedding, (n2, 1))            # [N^2, HID]
    nodes1 = jnp.tile(x, (N_NODES, 1))                     # [N^2, HID] (repeat)
    nodes2 = jnp.repeat(x, N_NODES, axis=0)                # [N^2, HID] (repeat_interleave)
    s_a_pairs = jnp.concatenate([states, nodes1, nodes2], axis=1)  # [N^2, 3*HID]
    logits = _mlp_plain(s_a_pairs, params['actor'])        # [N^2, 1]
    pi = jax.nn.softmax(logits, axis=0)
    return (pi, value)

if __name__ == "__main__":
    import jax
    _d = setup_inputs()
    print(jax.jit(kernel)(*tuple(_d.values())))

</pallas_src>

<mosaic_0001>
#map = affine_map<(d0, d1) -> (0, 0)>
#map1 = affine_map<(d0, d1) -> (0)>
module attributes {stable_mosaic.version = 14 : i64} {
  func.func @_adj_body(%arg0: i32, %arg1: i32, %arg2: memref<2x9600xi32, #tpu.memory_space<hbm>>, %arg3: memref<91200xf32, #tpu.memory_space<hbm>>, %arg4: memref<91200xf32, #tpu.memory_space<hbm>>, %arg5: memref<384xi32, #tpu.memory_space<vmem>>, %arg6: memref<384xi32, #tpu.memory_space<vmem>>, %arg7: memref<3x128xi32, #tpu.memory_space<vmem>>, %arg8: memref<128xf32, #tpu.memory_space<vmem>>, %arg9: memref<5728xf32, #tpu.memory_space<vmem>>, %arg10: memref<6080xf32, #tpu.memory_space<vmem>>, %arg11: memref<91648xf32, #tpu.memory_space<vmem_shared>>) attributes {dimension_semantics = [#tpu.dimension_semantics<core_parallel>, #tpu.dimension_semantics<subcore_parallel>], iteration_bounds = array<i64: 2, 16>, scalar_prefetch = 0 : i64, scratch_operands = 7 : i64, tpu.core_type = #tpu.core_type<sc_vector_subcore>, window_params = [{transform_indices = #map}, {transform_indices = #map1}, {transform_indices = #map1}]} {
    %broadcast_in_dim3A = arith.constant 0.000000e+00 : f32
    %broadcast_in_dim3A_0 = vector.broadcast %broadcast_in_dim3A : f32 to vector<16xf32>
    %swap3A = arith.constant 0 : index
    %swap3A_1 = tpu.vector_load %arg9[%swap3A] {strides = array<i32>} : memref<5728xf32, #tpu.memory_space<vmem>>, vector<16xf32>,
    %swap3A_2 = vector.shape_cast %swap3A_1 : vector<16xf32> to vector<16xf32>
    %swap3A_3 = vector.shape_cast %broadcast_in_dim3A_0 : vector<16xf32> to vector<16xf32>
    tpu.vector_store %arg9[%swap3A], %swap3A_3 {strides = array<i32>} : memref<5728xf32, #tpu.memory_space<vmem>>, vector<16xf32>,
    %broadcast_in_dim3A_4 = arith.constant 0.000000e+00 : f32
    %broadcast_in_dim3A_5 = vector.broadcast %broadcast_in_dim3A_4 : f32 to vector<16xf32>
    %swap3A_6 = arith.constant 16 : index
    %swap3A_7 = tpu.vector_load %arg9[%swap3A_6] {strides = array<i32>} : memref<5728xf32, #tpu.memory_space<vmem>>, vector<16xf32>,
    %swap3A_8 = vector.shape_cast %swap3A_7 : vector<16xf32> to vector<16xf32>
    %swap3A_9 = vector.shape_cast %broadcast_in_dim3A_5 : vector<16xf32> to vector<16xf32>
    tpu.vector_store %arg9[%swap3A_6], %swap3A_9 {strides = array<i32>} : memref<5728xf32, #tpu.memory_space<vmem>>, vector<16xf32>,
    %broadcast_in_dim3A_10 = arith.constant 0.000000e+00 : f32
    %broadcast_in_dim3A_11 = vector.broadcast %broadcast_in_dim3A_10 : f32 to vector<16xf32>
    %swap3A_12 = arith.constant 32 : index
    %swap3A_13 = tpu.vector_load %arg9[%swap3A_12] {strides = array<i32>} : memref<5728xf32, #tpu.memory_space<vmem>>, vector<16xf32>,
    %swap3A_14 = vector.shape_cast %swap3A_13 : vector<16xf32> to vector<16xf32>
    %swap3A_15 = vector.shape_cast %broadcast_in_dim3A_11 : vector<16xf32> to vector<16xf32>
    tpu.vector_store %arg9[%swap3A_12], %swap3A_15 {strides = array<i32>} : memref<5728xf32, #tpu.memory_space<vmem>>, vector<16xf32>,
    %broadcast_in_dim3A_16 = arith.constant 0.000000e+00 : f32
    %broadcast_in_dim3A_17 = vector.broadcast %broadcast_in_dim3A_16 : f32 to vector<16xf32>
    %swap3A_18 = arith.constant 48 : index
    %swap3A_19 = tpu.vector_load %arg9[%swap3A_18] {strides = array<i32>} : memref<5728xf32, #tpu.memory_space<vmem>>, vector<16xf32>,
    %swap3A_20 = vector.shape_cast %swap3A_19 : vector<16xf32> to vector<16xf32>
    %swap3A_21 = vector.shape_cast %broadcast_in_dim3A_17 : vector<16xf32> to vector<16xf32>
    tpu.vector_store %arg9[%swap3A_18], %swap3A_21 {strides = array<i32>} : memref<5728xf32, #tpu.memory_space<vmem>>, vector<16xf32>,
    %broadcast_in_dim3A_22 = arith.constant 0.000000e+00 : f32
    %broadcast_in_dim3A_23 = vector.broadcast %broadcast_in_dim3A_22 : f32 to vector<16xf32>
    %swap3A_24 = arith.constant 64 : index
    %swap3A_25 = tpu.vector_load %arg9[%swap3A_24] {strides = array<i32>} : memref<5728xf32, #tpu.memory_space<vmem>>, vector<16xf32>,
    %swap3A_26 = vector.shape_cast %swap3A_25 : vector<16xf32> to vector<16xf32>
    %swap3A_27 = vector.shape_cast %broadcast_in_dim3A_23 : vector<16xf32> to vector<16xf32>
    tpu.vector_store %arg9[%swap3A_24], %swap3A_27 {strides = array<i32>} : memref<5728xf32, #tpu.memory_space<vmem>>, vector<16xf32>,
    %broadcast_in_dim3A_28 = arith.constant 0.000000e+00 : f32
    %broadcast_in_dim3A_29 = vector.broadcast %broadcast_in_dim3A_28 : f32 to vector<16xf32>
    %swap3A_30 = arith.constant 80 : index
    %swap3A_31 = tpu.vector_load %arg9[%swap3A_30] {strides = array<i32>} : memref<5728xf32, #tpu.memory_space<vmem>>, vector<16xf32>,
    %swap3A_32 = vector.shape_cast %swap3A_31 : vector<16xf32> to vector<16xf32>
    %swap3A_33 = vector.shape_cast %broadcast_in_dim3A_29 : vector<16xf32> to vector<16xf32>
    tpu.vector_store %arg9[%swap3A_30], %swap3A_33 {strides = array<i32>} : memref<5728xf32, #tpu.memory_space<vmem>>, vector<16xf32>,
    %broadcast_in_dim3A_34 = arith.constant 0.000000e+00 : f32
    %broadcast_in_dim3A_35 = vector.broadcast %broadcast_in_dim3A_34 : f32 to vector<16xf32>
    %swap3A_36 = arith.constant 96 : index
    %swap3A_37 = tpu.vector_load %arg9[%swap3A_36] {strides = array<i32>} : memref<5728xf32, #tpu.memory_space<vmem>>, vector<16xf32>,
    %swap3A_38 = vector.shape_cast %swap3A_37 : vector<16xf32> to vector<16xf32>
    %swap3A_39 = vector.shape_cast %broadcast_in_dim3A_35 : vector<16xf32> to vector<16xf32>
    tpu.vector_store %arg9[%swap3A_36], %swap3A_39 {strides = array<i32>} : memref<5728xf32, #tpu.memory_space<vmem>>, vector<16xf32>,
    %broadcast_in_dim3A_40 = arith.constant 0.000000e+00 : f32
    %broadcast_in_dim3A_41 = vector.broadcast %broadcast_in_dim3A_40 : f32 to vector<16xf32>
    %swap3A_42 = arith.constant 112 : index
    %swap3A_43 = tpu.vector_load %arg9[%swap3A_42] {strides = array<i32>} : memref<5728xf32, #tpu.memory_space<vmem>>, vector<16xf32>,
    %swap3A_44 = vector.shape_cast %swap3A_43 : vector<16xf32> to vector<16xf32>
    %swap3A_45 = vector.shape_cast %broadcast_in_dim3A_41 : vector<16xf32> to vector<16xf32>
    tpu.vector_store %arg9[%swap3A_42], %swap3A_45 {strides = array<i32>} : memref<5728xf32, #tpu.memory_space<vmem>>, vector<16xf32>,
    %broadcast_in_dim3A_46 = arith.constant 0.000000e+00 : f32
    %broadcast_in_dim3A_47 = vector.broadcast %broadcast_in_dim3A_46 : f32 to vector<16xf32>
    %swap3A_48 = arith.constant 128 : index
    %swap3A_49 = tpu.vector_load %arg9[%swap3A_48] {strides = array<i32>} : memref<5728xf32, #tpu.memory_space<vmem>>, vector<16xf32>,
    %swap3A_50 = vector.shape_cast %swap3A_49 : vector<16xf32> to vector<16xf32>
    %swap3A_51 = vector.shape_cast %broadcast_in_dim3A_47 : vector<16xf32> to vector<16xf32>
    tpu.vector_store %arg9[%swap3A_48], %swap3A_51 {strides = array<i32>} : memref<5728xf32, #tpu.memory_space<vmem>>, vector<16xf32>,
    %broadcast_in_dim3A_52 = arith.constant 0.000000e+00 : f32
    %broadcast_in_dim3A_53 = vector.broadcast %broadcast_in_dim3A_52 : f32 to vector<16xf32>
    %swap3A_54 = arith.constant 144 : index
    %swap3A_55 = tpu.vector_load %arg9[%swap3A_54] {strides = array<i32>} : memref<5728xf32, #tpu.memory_space<vmem>>, vector<16xf32>,
    %swap3A_56 = vector.shape_cast %swap3A_55 : vector<16xf32> to vector<16xf32>
    %swap3A_57 = vector.shape_cast %broadcast_in_dim3A_53 : vector<16xf32> to vector<16xf32>
    tpu.vector_store %arg9[%swap3A_54], %swap3A_57 {strides = array<i32>} : memref<5728xf32, #tpu.memory_space<vmem>>, vector<16xf32>,
    %broadcast_in_dim3A_58 = arith.constant 0.000000e+00 : f32
    %broadcast_in_dim3A_59 = vector.broadcast %broadcast_in_dim3A_58 : f32 to vector<16xf32>
    %swap3A_60 = arith.constant 160 : index
    %swap3A_61 = tpu.vector_load %arg9[%swap3A_60] {strides = array<i32>} : memref<5728xf32, #tpu.memory_space<vmem>>, vector<16xf32>,
    %swap3A_62 = vector.shape_cast %swap3A_61 : vector<16xf32> to vector<16xf32>
    %swap3A_63 = vector.shape_cast %broadcast_in_dim3A_59 : vector<16xf32> to vector<16xf32>
    tpu.vector_store %arg9[%swap3A_60], %swap3A_63 {strides = array<i32>} : memref<5728xf32, #tpu.memory_space<vmem>>, vector<16xf32>,
    %broadcast_in_dim3A_64 = arith.constant 0.000000e+00 : f32
    %broadcast_in_dim3A_65 = vector.broadcast %broadcast_in_dim3A_64 : f32 to vector<16xf32>
    %swap3A_66 = arith.constant 176 : index
    %swap3A_67 = tpu.vector_load %arg9[%swap3A_66] {strides = array<i32>} : memref<5728xf32, #tpu.memory_space<vmem>>, vector<16xf32>,
    %swap3A_68 = vector.shape_cast %swap3A_67 : vector<16xf32> to vector<16xf32>
    %swap3A_69 = vector.shape_cast %broadcast_in_dim3A_65 : vector<16xf32> to vector<16xf32>
    tpu.vector_store %arg9[%swap3A_66], %swap3A_69 {strides = array<i32>} : memref<5728xf32, #tpu.memory_space<vmem>>, vector<16xf32>,
    %broadcast_in_dim3A_70 = arith.constant 0.000000e+00 : f32
    %broadcast_in_dim3A_71 = vector.broadcast %broadcast_in_dim3A_70 : f32 to vector<16xf32>
    %swap3A_72 = arith.constant 192 : index
    %swap3A_73 = tpu.vector_load %arg9[%swap3A_72] {strides = array<i32>} : memref<5728xf32, #tpu.memory_space<vmem>>, vector<16xf32>,
    %swap3A_74 = vector.shape_cast %swap3A_73 : vector<16xf32> to vector<16xf32>
    %swap3A_75 = vector.shape_cast %broadcast_in_dim3A_71 : vector<16xf32> to vector<16xf32>
    tpu.vector_store %arg9[%swap3A_72], %swap3A_75 {strides = array<i32>} : memref<5728xf32, #tpu.memory_space<vmem>>, vector<16xf32>,
    %broadcast_in_dim3A_76 = arith.constant 0.000000e+00 : f32
    %broadcast_in_dim3A_77 = vector.broadcast %broadcast_in_dim3A_76 : f32 to vector<16xf32>
    %swap3A_78 = arith.constant 208 : index
    %swap3A_79 = tpu.vector_load %arg9[%swap3A_78] {strides = array<i32>} : memref<5728xf32, #tpu.memory_space<vmem>>, vector<16xf32>,
    %swap3A_80 = vector.shape_cast %swap3A_79 : vector<16xf32> to vector<16xf32>
    %swap3A_81 = vector.shape_cast %broadcast_in_dim3A_77 : vector<16xf32> to vector<16xf32>
    tpu.vector_store %arg9[%swap3A_78], %swap3A_81 {strides = array<i32>} : memref<5728xf32, #tpu.memory_space<vmem>>, vector<16xf32>,
    %broadcast_in_dim3A_82 = arith.constant 0.000000e+00 : f32
    %broadcast_in_dim3A_83 = vector.broadcast %broadcast_in_dim3A_82 : f32 to vector<16xf32>
    %swap3A_84 = arith.constant 224 : index
    %swap3A_85 = tpu.vector_load %arg9[%swap3A_84] {strides = array<i32>} : memref<5728xf32, #tpu.memory_space<vmem>>, vector<16xf32>,
    %swap3A_86 = vector.shape_cast %swap3A_85 : vector<16xf32> to vector<16xf32>
    %swap3A_87 = vector.shape_cast %broadcast_in_dim3A_83 : vector<16xf32> to vector<16xf32>
    tpu.vector_store %arg9[%swap3A_84], %swap3A_87 {strides = array<i32>} : memref<5728xf32, #tpu.memory_space<vmem>>, vector<16xf32>,
    %broadcast_in_dim3A_88 = arith.constant 0.000000e+00 : f32
    %broadcast_in_dim3A_89 = vector.broadcast %broadcast_in_dim3A_88 : f32 to vector<16xf32>
    %swap3A_90 = arith.constant 240 : index
    %swap3A_91 = tpu.vector_load %arg9[%swap3A_90] {strides = array<i32>} : memref<5728xf32, #tpu.memory_space<vmem>>, vector<16xf32>,
    %swap3A_92 = vector.shape_cast %swap3A_91 : vector<16xf32> to vector<16xf32>
    %swap3A_93 = vector.shape_cast %broadcast_in_dim3A_89 : vector<16xf32> to vector<16xf32>
    tpu.vector_store %arg9[%swap3A_90], %swap3A_93 {strides = array<i32>} : memref<5728xf32, #tpu.memory_space<vmem>>, vector<16xf32>,
    %broadcast_in_dim3A_94 = arith.constant 0.000000e+00 : f32
    %broadcast_in_dim3A_95 = vector.broadcast %broadcast_in_dim3A_94 : f32 to vector<16xf32>
    %swap3A_96 = arith.constant 256 : index
    %swap3A_97 = tpu.vector_load %arg9[%swap3A_96] {strides = array<i32>} : memref<5728xf32, #tpu.memory_space<vmem>>, vector<16xf32>,
    %swap3A_98 = vector.shape_cast %swap3A_97 : vector<16xf32> to vector<16xf32>
    %swap3A_99 = vector.shape_cast %broadcast_in_dim3A_95 : vector<16xf32> to vector<16xf32>
    tpu.vector_store %arg9[%swap3A_96], %swap3A_99 {strides = array<i32>} : memref<5728xf32, #tpu.memory_space<vmem>>, vector<16xf32>,
    %broadcast_in_dim3A_100 = arith.constant 0.000000e+00 : f32
    %broadcast_in_dim3A_101 = vector.broadcast %broadcast_in_dim3A_100 : f32 to vector<16xf32>
    %swap3A_102 = arith.constant 272 : index
    %swap3A_103 = tpu.vector_load %arg9[%swap3A_102] {strides = array<i32>} : memref<5728xf32, #tpu.memory_space<vmem>>, vector<16xf32>,
    %swap3A_104 = vector.shape_cast %swap3A_103 : vector<16xf32> to vector<16xf32>
    %swap3A_105 = vector.shape_cast %broadcast_in_dim3A_101 : vector<16xf32> to vector<16xf32>
    tpu.vector_store %arg9[%swap3A_102], %swap3A_105 {strides = array<i32>} : memref<5728xf32, #tpu.memory_space<vmem>>, vector<16xf32>,
    %broadcast_in_dim3A_106 = arith.constant 0.000000e+00 : f32
    %broadcast_in_dim3A_107 = vector.broadcast %broadcast_in_dim3A_106 : f32 to vector<16xf32>
    %swap3A_108 = arith.constant 288 : index
    %swap3A_109 = tpu.vector_load %arg9[%swap3A_108] {strides = array<i32>} : memref<5728xf32, #tpu.memory_space<vmem>>, vector<16xf32>,
    %swap3A_110 = vector.shape_cast %swap3A_109 : vector<16xf32> to vector<16xf32>
    %swap3A_111 = vector.shape_cast %broadcast_in_dim3A_107 : vector<16xf32> to vector<16xf32>
    tpu.vector_store %arg9[%swap3A_108], %swap3A_111 {strides = array<i32>} : memref<5728xf32, #tpu.memory_space<vmem>>, vector<16xf32>,
    %broadcast_in_dim3A_112 = arith.constant 0.000000e+00 : f32
    %broadcast_in_dim3A_113 = vector.broadcast %broadcast_in_dim3A_112 : f32 to vector<16xf32>
    %swap3A_114 = arith.constant 304 : index
    %swap3A_115 = tpu.vector_load %arg9[%swap3A_114] {strides = array<i32>} : memref<5728xf32, #tpu.memory_space<vmem>>, vector<16xf32>,
    %swap3A_116 = vector.shape_cast %swap3A_115 : vector<16xf32> to vector<16xf32>
    %swap3A_117 = vector.shape_cast %broadcast_in_dim3A_113 : vector<16xf32> to vector<16xf32>
    tpu.vector_store %arg9[%swap3A_114], %swap3A_117 {strides = array<i32>} : memref<5728xf32, #tpu.memory_space<vmem>>, vector<16xf32>,
    %broadcast_in_dim3A_118 = arith.constant 0.000000e+00 : f32
    %broadcast_in_dim3A_119 = vector.broadcast %broadcast_in_dim3A_118 : f32 to vector<16xf32>
    %swap3A_120 = arith.constant 320 : index
    %swap3A_121 = tpu.vector_load %arg9[%swap3A_120] {strides = array<i32>} : memref<5728xf32, #tpu.memory_space<vmem>>, vector<16xf32>,
    %swap3A_122 = vector.shape_cast %swap3A_121 : vector<16xf32> to vector<16xf32>
    %swap3A_123 = vector.shape_cast %broadcast_in_dim3A_119 : vector<16xf32> to vector<16xf32>
    tpu.vector_store %arg9[%swap3A_120], %swap3A_123 {strides = array<i32>} : memref<5728xf32, #tpu.memory_space<vmem>>, vector<16xf32>,
    %broadcast_in_dim3A_124 = arith.constant 0.000000e+00 : f32
    %broadcast_in_dim3A_125 = vector.broadcast %broadcast_in_dim3A_124 : f32 to vector<16xf32>
    %swap3A_126 = arith.constant 336 : index
    %swap3A_127 = tpu.vector_load %arg9[%swap3A_126] {strides = array<i32>} : memref<5728xf32, #tpu.memory_space<vmem>>, vector<16xf32>,
    %swap3A_128 = vector.shape_cast %swap3A_127 : vector<16xf32> to vector<16xf32>
    %swap3A_129 = vector.shape_cast %broadcast_in_dim3A_125 : vector<16xf32> to vector<16xf32>
    tpu.vector_store %arg9[%swap3A_126], %swap3A_129 {strides = array<i32>} : memref<5728xf32, #tpu.memory_space<vmem>>, vector<16xf32>,
    %broadcast_in_dim3A_130 = arith.constant 0.000000e+00 : f32
    %broadcast_in_dim3A_131 = vector.broadcast %broadcast_in_dim3A_130 : f32 to vector<16xf32>
    %swap3A_132 = arith.constant 352 : index
    %swap3A_133 = tpu.vector_load %arg9[%swap3A_132] {strides = array<i32>} : memref<5728xf32, #tpu.memory_space<vmem>>, vector<16xf32>,
    %swap3A_134 = vector.shape_cast %swap3A_133 : vector<16xf32> to vector<16xf32>
    %swap3A_135 = vector.shape_cast %broadcast_in_dim3A_131 : vector<16xf32> to vector<16xf32>
    tpu.vector_store %arg9[%swap3A_132], %swap3A_135 {strides = array<i32>} : memref<5728xf32, #tpu.memory_space<vmem>>, vector<16xf32>,
    %broadcast_in_dim3A_136 = arith.constant 0.000000e+00 : f32
    %broadcast_in_dim3A_137 = vector.broadcast %broadcast_in_dim3A_136 : f32 to vector<16xf32>
    %swap3A_138 = arith.constant 368 : index
    %swap3A_139 = tpu.vector_load %arg9[%swap3A_138] {strides = array<i32>} : memref<5728xf32, #tpu.memory_space<vmem>>, vector<16xf32>,
    %swap3A_140 = vector.shape_cast %swap3A_139 : vector<16xf32> to vector<16xf32>
    %swap3A_141 = vector.shape_cast %broadcast_in_dim3A_137 : vector<16xf32> to vector<16xf32>
    tpu.vector_store %arg9[%swap3A_138], %swap3A_141 {strides = array<i32>} : memref<5728xf32, #tpu.memory_space<vmem>>, vector<16xf32>,
    %broadcast_in_dim3A_142 = arith.constant 0.000000e+00 : f32
    %broadcast_in_dim3A_143 = vector.broadcast %broadcast_in_dim3A_142 : f32 to vector<16xf32>
    %swap3A_144 = arith.constant 384 : index
    %swap3A_145 = tpu.vector_load %arg9[%swap3A_144] {strides = array<i32>} : memref<5728xf32, #tpu.memory_space<vmem>>, vector<16xf32>,
    %swap3A_146 = vector.shape_cast %swap3A_145 : vector<16xf32> to vector<16xf32>
    %swap3A_147 = vector.shape_cast %broadcast_in_dim3A_143 : vector<16xf32> to vector<16xf32>
    tpu.vector_store %arg9[%swap3A_144], %swap3A_147 {strides = array<i32>} : memref<5728xf32, #tpu.memory_space<vmem>>, vector<16xf32>,
    %broadcast_in_dim3A_148 = arith.constant 0.000000e+00 : f32
    %broadcast_in_dim3A_149 = vector.broadcast %broadcast_in_dim3A_148 : f32 to vector<16xf32>
    %swap3A_150 = arith.constant 400 : index
    %swap3A_151 = tpu.vector_load %arg9[%swap3A_150] {strides = array<i32>} : memref<5728xf32, #tpu.memory_space<vmem>>, vector<16xf32>,
    %swap3A_152 = vector.shape_cast %swap3A_151 : vector<16xf32> to vector<16xf32>
    %swap3A_153 = vector.shape_cast %broadcast_in_dim3A_149 : vector<16xf32> to vector<16xf32>
    tpu.vector_store %arg9[%swap3A_150], %swap3A_153 {strides = array<i32>} : memref<5728xf32, #tpu.memory_space<vmem>>, vector<16xf32>,
    %broadcast_in_dim3A_154 = arith.constant 0.000000e+00 : f32
    %broadcast_in_dim3A_155 = vector.broadcast %broadcast_in_dim3A_154 : f32 to vector<16xf32>
    %swap3A_156 = arith.constant 416 : index
    %swap3A_157 = tpu.vector_load %arg9[%swap3A_156] {strides = array<i32>} : memref<5728xf32, #tpu.memory_space<vmem>>, vector<16xf32>,
    %swap3A_158 = vector.shape_cast %swap3A_157 : vector<16xf32> to vector<16xf32>
    %swap3A_159 = vector.shape_cast %broadcast_in_dim3A_155 : vector<16xf32> to vector<16xf32>
    tpu.vector_store %arg9[%swap3A_156], %swap3A_159 {strides = array<i32>} : memref<5728xf32, #tpu.memory_space<vmem>>, vector<16xf32>,
    %broadcast_in_dim3A_160 = arith.constant 0.000000e+00 : f32
    %broadcast_in_dim3A_161 = vector.broadcast %broadcast_in_dim3A_160 : f32 to vector<16xf32>
    %swap3A_162 = arith.constant 432 : index
    %swap3A_163 = tpu.vector_load %arg9[%swap3A_162] {strides = array<i32>} : memref<5728xf32, #tpu.memory_space<vmem>>, vector<16xf32>,
    %swap3A_164 = vector.shape_cast %swap3A_163 : vector<16xf32> to vector<16xf32>
    %swap3A_165 = vector.shape_cast %broadcast_in_dim3A_161 : vector<16xf32> to vector<16xf32>
    tpu.vector_store %arg9[%swap3A_162], %swap3A_165 {strides = array<i32>} : memref<5728xf32, #tpu.memory_space<vmem>>, vector<16xf32>,
    %broadcast_in_dim3A_166 = arith.constant 0.000000e+00 : f32
    %broadcast_in_dim3A_167 = vector.broadcast %broadcast_in_dim3A_166 : f32 to vector<16xf32>
    %swap3A_168 = arith.constant 448 : index
    %swap3A_169 = tpu.vector_load %arg9[%swap3A_168] {strides = array<i32>} : memref<5728xf32, #tpu.memory_space<vmem>>, vector<16xf32>,
    %swap3A_170 = vector.shape_cast %swap3A_169 : vector<16xf32> to vector<16xf32>
    %swap3A_171 = vector.shape_cast %broadcast_in_dim3A_167 : vector<16xf32> to vector<16xf32>
    tpu.vector_store %arg9[%swap3A_168], %swap3A_171 {strides = array<i32>} : memref<5728xf32, #tpu.memory_space<vmem>>, vector<16xf32>,
    %broadcast_in_dim3A_172 = arith.constant 0.000000e+00 : f32
    %broadcast_in_dim3A_173 = vector.broadcast %broadcast_in_dim3A_172 : f32 to vector<16xf32>
    %swap3A_174 = arith.constant 464 : index
    %swap3A_175 = tpu.vector_load %arg9[%swap3A_174] {strides = array<i32>} : memref<5728xf32, #tpu.memory_space<vmem>>, vector<16xf32>,
    %swap3A_176 = vector.shape_cast %swap3A_175 : vector<16xf32> to vector<16xf32>
    %swap3A_177 = vector.shape_cast %broadcast_in_dim3A_173 : vector<16xf32> to vector<16xf32>
    tpu.vector_store %arg9[%swap3A_174], %swap3A_177 {strides = array<i32>} : memref<5728xf32, #tpu.memory_space<vmem>>, vector<16xf32>,
    %broadcast_in_dim3A_178 = arith.constant 0.000000e+00 : f32
    %broadcast_in_dim3A_179 = vector.broadcast %broadcast_in_dim3A_178 : f32 to vector<16xf32>
    %swap3A_180 = arith.constant 480 : index
    %swap3A_181 = tpu.vector_load %arg9[%swap3A_180] {strides = array<i32>} : memref<5728xf32, #tpu.memory_space<vmem>>, vector<16xf32>,
    %swap3A_182 = vector.shape_cast %swap3A_181 : vector<16xf32> to vector<16xf32>
    %swap3A_183 = vector.shape_cast %broadcast_in_dim3A_179 : vector<16xf32> to vector<16xf32>
    tpu.vector_store %arg9[%swap3A_180], %swap3A_183 {strides = array<i32>} : memref<5728xf32, #tpu.memory_space<vmem>>, vector<16xf32>,
    %broadcast_in_dim3A_184 = arith.constant 0.000000e+00 : f32
    %broadcast_in_dim3A_185 = vector.broadcast %broadcast_in_dim3A_184 : f32 to vector<16xf32>
    %swap3A_186 = arith.constant 496 : index
    %swap3A_187 = tpu.vector_load %arg9[%swap3A_186] {strides = array<i32>} : memref<5728xf32, #tpu.memory_space<vmem>>, vector<16xf32>,
    %swap3A_188 = vector.shape_cast %swap3A_187 : vector<16xf32> to vector<16xf32>
    %swap3A_189 = vector.shape_cast %broadcast_in_dim3A_185 : vector<16xf32> to vector<16xf32>
    tpu.vector_store %arg9[%swap3A_186], %swap3A_189 {strides = array<i32>} : memref<5728xf32, #tpu.memory_space<vmem>>, vector<16xf32>,
    %broadcast_in_dim3A_190 = arith.constant 0.000000e+00 : f32
    %broadcast_in_dim3A_191 = vector.broadcast %broadcast_in_dim3A_190 : f32 to vector<16xf32>
    %swap3A_192 = arith.constant 512 : index
    %swap3A_193 = tpu.vector_load %arg9[%swap3A_192] {strides = array<i32>} : memref<5728xf32, #tpu.memory_space<vmem>>, vector<16xf32>,
    %swap3A_194 = vector.shape_cast %swap3A_193 : vector<16xf32> to vector<16xf32>
    %swap3A_195 = vector.shape_cast %broadcast_in_dim3A_191 : vector<16xf32> to vector<16xf32>
    tpu.vector_store %arg9[%swap3A_192], %swap3A_195 {strides = array<i32>} : memref<5728xf32, #tpu.memory_space<vmem>>, vector<16xf32>,
    %broadcast_in_dim3A_196 = arith.constant 0.000000e+00 : f32
    %broadcast_in_dim3A_197 = vector.broadcast %broadcast_in_dim3A_196 : f32 to vector<16xf32>
    %swap3A_198 = arith.constant 528 : index
    %swap3A_199 = tpu.vector_load %arg9[%swap3A_198] {strides = array<i32>} : memref<5728xf32, #tpu.memory_space<vmem>>, vector<16xf32>,
    %swap3A_200 = vector.shape_cast %swap3A_199 : vector<16xf32> to vector<16xf32>
    %swap3A_201 = vector.shape_cast %broadcast_in_dim3A_197 : vector<16xf32> to vector<16xf32>
    tpu.vector_store %arg9[%swap3A_198], %swap3A_201 {strides = array<i32>} : memref<5728xf32, #tpu.memory_space<vmem>>, vector<16xf32>,
    %broadcast_in_dim3A_202 = arith.constant 0.000000e+00 : f32
    %broadcast_in_dim3A_203 = vector.broadcast %broadcast_in_dim3A_202 : f32 to vector<16xf32>
    %swap3A_204 = arith.constant 544 : index
    %swap3A_205 = tpu.vector_load %arg9[%swap3A_204] {strides = array<i32>} : memref<5728xf32, #tpu.memory_space<vmem>>, vector<16xf32>,
    %swap3A_206 = vector.shape_cast %swap3A_205 : vector<16xf32> to vector<16xf32>
    %swap3A_207 = vector.shape_cast %broadcast_in_dim3A_203 : vector<16xf32> to vector<16xf32>
    tpu.vector_store %arg9[%swap3A_204], %swap3A_207 {strides = array<i32>} : memref<5728xf32, #tpu.memory_space<vmem>>, vector<16xf32>,
    %broadcast_in_dim3A_208 = arith.constant 0.000000e+00 : f32
    %broadcast_in_dim3A_209 = vector.broadcast %broadcast_in_dim3A_208 : f32 to vector<16xf32>
    %swap3A_210 = arith.constant 560 : index
    %swap3A_211 = tpu.vector_load %arg9[%swap3A_210] {strides = array<i32>} : memref<5728xf32, #tpu.memory_space<vmem>>, vector<16xf32>,
    %swap3A_212 = vector.shape_cast %swap3A_211 : vector<16xf32> to vector<16xf32>
    %swap3A_213 = vector.shape_cast %broadcast_in_dim3A_209 : vector<16xf32> to vector<16xf32>
    tpu.vector_store %arg9[%swap3A_210], %swap3A_213 {strides = array<i32>} : memref<5728xf32, #tpu.memory_space<vmem>>, vector<16xf32>,
    %broadcast_in_dim3A_214 = arith.constant 0.000000e+00 : f32
    %broadcast_in_dim3A_215 = vector.broadcast %broadcast_in_dim3A_214 : f32 to vector<16xf32>
    %swap3A_216 = arith.constant 576 : index
    %swap3A_217 = tpu.vector_load %arg9[%swap3A_216] {strides = array<i32>} : memref<5728xf32, #tpu.memory_space<vmem>>, vector<16xf32>,
    %swap3A_218 = vector.shape_cast %swap3A_217 : vector<16xf32> to vector<16xf32>
    %swap3A_219 = vector.shape_cast %broadcast_in_dim3A_215 : vector<16xf32> to vector<16xf32>
    tpu.vector_store %arg9[%swap3A_216], %swap3A_219 {strides = array<i32>} : memref<5728xf32, #tpu.memory_space<vmem>>, vector<16xf32>,
    %broadcast_in_dim3A_220 = arith.constant 0.000000e+00 : f32
    %broadcast_in_dim3A_221 = vector.broadcast %broadcast_in_dim3A_220 : f32 to vector<16xf32>
    %swap3A_222 = arith.constant 592 : index
    %swap3A_223 = tpu.vector_load %arg9[%swap3A_222] {strides = array<i32>} : memref<5728xf32, #tpu.memory_space<vmem>>, vector<16xf32>,
    %swap3A_224 = vector.shape_cast %swap3A_223 : vector<16xf32> to vector<16xf32>
    %swap3A_225 = vector.shape_cast %broadcast_in_dim3A_221 : vector<16xf32> to vector<16xf32>
    tpu.vector_store %arg9[%swap3A_222], %swap3A_225 {strides = array<i32>} : memref<5728xf32, #tpu.memory_space<vmem>>, vector<16xf32>,
    %broadcast_in_dim3A_226 = arith.constant 0.000000e+00 : f32
    %broadcast_in_dim3A_227 = vector.broadcast %broadcast_in_dim3A_226 : f32 to vector<16xf32>
    %swap3A_228 = arith.constant 608 : index
    %swap3A_229 = tpu.vector_load %arg9[%swap3A_228] {strides = array<i32>} : memref<5728xf32, #tpu.memory_space<vmem>>, vector<16xf32>,
    %swap3A_230 = vector.shape_cast %swap3A_229 : vector<16xf32> to vector<16xf32>
    %swap3A_231 = vector.shape_cast %broadcast_in_dim3A_227 : vector<16xf32> to vector<16xf32>
    tpu.vector_store %arg9[%swap3A_228], %swap3A_231 {strides = array<i32>} : memref<5728xf32, #tpu.memory_space<vmem>>, vector<16xf32>,
    %broadcast_in_dim3A_232 = arith.constant 0.000000e+00 : f32
    %broadcast_in_dim3A_233 = vector.broadcast %broadcast_in_dim3A_232 : f32 to vector<16xf32>
    %swap3A_234 = arith.constant 624 : index
    %swap3A_235 = tpu.vector_load %arg9[%swap3A_234] {strides = array<i32>} : memref<5728xf32, #tpu.memory_space<vmem>>, vector<16xf32>,
    %swap3A_236 = vector.shape_cast %swap3A_235 : vector<16xf32> to vector<16xf32>
    %swap3A_237 = vector.shape_cast %broadcast_in_dim3A_233 : vector<16xf32> to vector<16xf32>
    tpu.vector_store %arg9[%swap3A_234], %swap3A_237 {strides = array<i32>} : memref<5728xf32, #tpu.memory_space<vmem>>, vector<16xf32>,
    %broadcast_in_dim3A_238 = arith.constant 0.000000e+00 : f32
    %broadcast_in_dim3A_239 = vector.broadcast %broadcast_in_dim3A_238 : f32 to vector<16xf32>
    %swap3A_240 = arith.constant 640 : index
    %swap3A_241 = tpu.vector_load %arg9[%swap3A_240] {strides = array<i32>} : memref<5728xf32, #tpu.memory_space<vmem>>, vector<16xf32>,
    %swap3A_242 = vector.shape_cast %swap3A_241 : vector<16xf32> to vector<16xf32>
    %swap3A_243 = vector.shape_cast %broadcast_in_dim3A_239 : vector<16xf32> to vector<16xf32>
    tpu.vector_store %arg9[%swap3A_240], %swap3A_243 {strides = array<i32>} : memref<5728xf32, #tpu.memory_space<vmem>>, vector<16xf32>,
    %broadcast_in_dim3A_244 = arith.constant 0.000000e+00 : f32
    %broadcast_in_dim3A_245 = vector.broadcast %broadcast_in_dim3A_244 : f32 to vector<16xf32>
    %swap3A_246 = arith.constant 656 : index
    %swap3A_247 = tpu.vector_load %arg9[%swap3A_246] {strides = array<i32>} : memref<5728xf32, #tpu.memory_space<vmem>>, vector<16xf32>,
    %swap3A_248 = vector.shape_cast %swap3A_247 : vector<16xf32> to vector<16xf32>
    %swap3A_249 = vector.shape_cast %broadcast_in_dim3A_245 : vector<16xf32> to vector<16xf32>
    tpu.vector_store %arg9[%swap3A_246], %swap3A_249 {strides = array<i32>} : memref<5728xf32, #tpu.memory_space<vmem>>, vector<16xf32>,
    %broadcast_in_dim3A_250 = arith.constant 0.000000e+00 : f32
    %broadcast_in_dim3A_251 = vector.broadcast %broadcast_in_dim3A_250 : f32 to vector<16xf32>
    %swap3A_252 = arith.constant 672 : index
    %swap3A_253 = tpu.vector_load %arg9[%swap3A_252] {strides = array<i32>} : memref<5728xf32, #tpu.memory_space<vmem>>, vector<16xf32>,
    %swap3A_254 = vector.shape_cast %swap3A_253 : vector<16xf32> to vector<16xf32>
    %swap3A_255 = vector.shape_cast %broadcast_in_dim3A_251 : vector<16xf32> to vector<16xf32>
    tpu.vector_store %arg9[%swap3A_252], %swap3A_255 {strides = array<i32>} : memref<5728xf32, #tpu.memory_space<vmem>>, vector<16xf32>,
    %broadcast_in_dim3A_256 = arith.constant 0.000000e+00 : f32
    %broadcast_in_dim3A_257 = vector.broadcast %broadcast_in_dim3A_256 : f32 to vector<16xf32>
    %swap3A_258 = arith.constant 688 : index
    %swap3A_259 = tpu.vector_load %arg9[%swap3A_258] {strides = array<i32>} : memref<5728xf32, #tpu.memory_space<vmem>>, vector<16xf32>,
    %swap3A_260 = vector.shape_cast %swap3A_259 : vector<16xf32> to vector<16xf32>
    %swap3A_261 = vector.shape_cast %broadcast_in_dim3A_257 : vector<16xf32> to vector<16xf32>
    tpu.vector_store %arg9[%swap3A_258], %swap3A_261 {strides = array<i32>} : memref<5728xf32, #tpu.memory_space<vmem>>, vector<16xf32>,
    %broadcast_in_dim3A_262 = arith.constant 0.000000e+00 : f32
    %broadcast_in_dim3A_263 = vector.broadcast %broadcast_in_dim3A_262 : f32 to vector<16xf32>
    %swap3A_264 = arith.constant 704 : index
    %swap3A_265 = tpu.vector_load %arg9[%swap3A_264] {strides = array<i32>} : memref<5728xf32, #tpu.memory_space<vmem>>, vector<16xf32>,
    %swap3A_266 = vector.shape_cast %swap3A_265 : vector<16xf32> to vector<16xf32>
    %swap3A_267 = vector.shape_cast %broadcast_in_dim3A_263 : vector<16xf32> to vector<16xf32>
    tpu.vector_store %arg9[%swap3A_264], %swap3A_267 {strides = array<i32>} : memref<5728xf32, #tpu.memory_space<vmem>>, vector<16xf32>,
    %broadcast_in_dim3A_268 = arith.constant 0.000000e+00 : f32
    %broadcast_in_dim3A_269 = vector.broadcast %broadcast_in_dim3A_268 : f32 to vector<16xf32>
    %swap3A_270 = arith.constant 720 : index
    %swap3A_271 = tpu.vector_load %arg9[%swap3A_270] {strides = array<i32>} : memref<5728xf32, #tpu.memory_space<vmem>>, vector<16xf32>,
    %swap3A_272 = vector.shape_cast %swap3A_271 : vector<16xf32> to vector<16xf32>
    %swap3A_273 = vector.shape_cast %broadcast_in_dim3A_269 : vector<16xf32> to vector<16xf32>
    tpu.vector_store %arg9[%swap3A_270], %swap3A_273 {strides = array<i32>} : memref<5728xf32, #tpu.memory_space<vmem>>, vector<16xf32>,
    %broadcast_in_dim3A_274 = arith.constant 0.000000e+00 : f32
    %broadcast_in_dim3A_275 = vector.broadcast %broadcast_in_dim3A_274 : f32 to vector<16xf32>
    %swap3A_276 = arith.constant 736 : index
    %swap3A_277 = tpu.vector_load %arg9[%swap3A_276] {strides = array<i32>} : memref<5728xf32, #tpu.memory_space<vmem>>, vector<16xf32>,
    %swap3A_278 = vector.shape_cast %swap3A_277 : vector<16xf32> to vector<16xf32>
    %swap3A_279 = vector.shape_cast %broadcast_in_dim3A_275 : vector<16xf32> to vector<16xf32>
    tpu.vector_store %arg9[%swap3A_276], %swap3A_279 {strides = array<i32>} : memref<5728xf32, #tpu.memory_space<vmem>>, vector<16xf32>,
    %broadcast_in_dim3A_280 = arith.constant 0.000000e+00 : f32
    %broadcast_in_dim3A_281 = vector.broadcast %broadcast_in_dim3A_280 : f32 to vector<16xf32>
    %swap3A_282 = arith.constant 752 : index
    %swap3A_283 = tpu.vector_load %arg9[%swap3A_282] {strides = array<i32>} : memref<5728xf32, #tpu.memory_space<vmem>>, vector<16xf32>,
    %swap3A_284 = vector.shape_cast %swap3A_283 : vector<16xf32> to vector<16xf32>
    %swap3A_285 = vector.shape_cast %broadcast_in_dim3A_281 : vector<16xf32> to vector<16xf32>
    tpu.vector_store %arg9[%swap3A_282], %swap3A_285 {strides = array<i32>} : memref<5728xf32, #tpu.memory_space<vmem>>, vector<16xf32>,
    %broadcast_in_dim3A_286 = arith.constant 0.000000e+00 : f32
    %broadcast_in_dim3A_287 = vector.broadcast %broadcast_in_dim3A_286 : f32 to vector<16xf32>
    %swap3A_288 = arith.constant 768 : index
    %swap3A_289 = tpu.vector_load %arg9[%swap3A_288] {strides = array<i32>} : memref<5728xf32, #tpu.memory_space<vmem>>, vector<16xf32>,
    %swap3A_290 = vector.shape_cast %swap3A_289 : vector<16xf32> to vector<16xf32>
    %swap3A_291 = vector.shape_cast %broadcast_in_dim3A_287 : vector<16xf32> to vector<16xf32>
    tpu.vector_store %arg9[%swap3A_288], %swap3A_291 {strides = array<i32>} : memref<5728xf32, #tpu.memory_space<vmem>>, vector<16xf32>,
    %broadcast_in_dim3A_292 = arith.constant 0.000000e+00 : f32
    %broadcast_in_dim3A_293 = vector.broadcast %broadcast_in_dim3A_292 : f32 to vector<16xf32>
    %swap3A_294 = arith.constant 784 : index
    %swap3A_295 = tpu.vector_load %arg9[%swap3A_294] {strides = array<i32>} : memref<5728xf32, #tpu.memory_space<vmem>>, vector<16xf32>,
    %swap3A_296 = vector.shape_cast %swap3A_295 : vector<16xf32> to vector<16xf32>
    %swap3A_297 = vector.shape_cast %broadcast_in_dim3A_293 : vector<16xf32> to vector<16xf32>
    tpu.vector_store %arg9[%swap3A_294], %swap3A_297 {strides = array<i32>} : memref<5728xf32, #tpu.memory_space<vmem>>, vector<16xf32>,
    %broadcast_in_dim3A_298 = arith.constant 0.000000e+00 : f32
    %broadcast_in_dim3A_299 = vector.broadcast %broadcast_in_dim3A_298 : f32 to vector<16xf32>
    %swap3A_300 = arith.constant 800 : index
    %swap3A_301 = tpu.vector_load %arg9[%swap3A_300] {strides = array<i32>} : memref<5728xf32, #tpu.memory_space<vmem>>, vector<16xf32>,
    %swap3A_302 = vector.shape_cast %swap3A_301 : vector<16xf32> to vector<16xf32>
    %swap3A_303 = vector.shape_cast %broadcast_in_dim3A_299 : vector<16xf32> to vector<16xf32>
    tpu.vector_store %arg9[%swap3A_300], %swap3A_303 {strides = array<i32>} : memref<5728xf32, #tpu.memory_space<vmem>>, vector<16xf32>,
    %broadcast_in_dim3A_304 = arith.constant 0.000000e+00 : f32
    %broadcast_in_dim3A_305 = vector.broadcast %broadcast_in_dim3A_304 : f32 to vector<16xf32>
    %swap3A_306 = arith.constant 816 : index
    %swap3A_307 = tpu.vector_load %arg9[%swap3A_306] {strides = array<i32>} : memref<5728xf32, #tpu.memory_space<vmem>>, vector<16xf32>,
    %swap3A_308 = vector.shape_cast %swap3A_307 : vector<16xf32> to vector<16xf32>
    %swap3A_309 = vector.shape_cast %broadcast_in_dim3A_305 : vector<16xf32> to vector<16xf32>
    tpu.vector_store %arg9[%swap3A_306], %swap3A_309 {strides = array<i32>} : memref<5728xf32, #tpu.memory_space<vmem>>, vector<16xf32>,
    %broadcast_in_dim3A_310 = arith.constant 0.000000e+00 : f32
    %broadcast_in_dim3A_311 = vector.broadcast %broadcast_in_dim3A_310 : f32 to vector<16xf32>
    %swap3A_312 = arith.constant 832 : index
    %swap3A_313 = tpu.vector_load %arg9[%swap3A_312] {strides = array<i32>} : memref<5728xf32, #tpu.memory_space<vmem>>, vector<16xf32>,
    %swap3A_314 = vector.shape_cast %swap3A_313 : vector<16xf32> to vector<16xf32>
    %swap3A_315 = vector.shape_cast %broadcast_in_dim3A_311 : vector<16xf32> to vector<16xf32>
    tpu.vector_store %arg9[%swap3A_312], %swap3A_315 {strides = array<i32>} : memref<5728xf32, #tpu.memory_space<vmem>>, vector<16xf32>,
    %broadcast_in_dim3A_316 = arith.constant 0.000000e+00 : f32
    %broadcast_in_dim3A_317 = vector.broadcast %broadcast_in_dim3A_316 : f32 to vector<16xf32>
    %swap3A_318 = arith.constant 848 : index
    %swap3A_319 = tpu.vector_load %arg9[%swap3A_318] {strides = array<i32>} : memref<5728xf32, #tpu.memory_space<vmem>>, vector<16xf32>,
    %swap3A_320 = vector.shape_cast %swap3A_319 : vector<16xf32> to vector<16xf32>
    %swap3A_321 = vector.shape_cast %broadcast_in_dim3A_317 : vector<16xf32> to vector<16xf32>
    tpu.vector_store %arg9[%swap3A_318], %swap3A_321 {strides = array<i32>} : memref<5728xf32, #tpu.memory_space<vmem>>, vector<16xf32>,
    %broadcast_in_dim3A_322 = arith.constant 0.000000e+00 : f32
    %broadcast_in_dim3A_323 = vector.broadcast %broadcast_in_dim3A_322 : f32 to vector<16xf32>
    %swap3A_324 = arith.constant 864 : index
    %swap3A_325 = tpu.vector_load %arg9[%swap3A_324] {strides = array<i32>} : memref<5728xf32, #tpu.memory_space<vmem>>, vector<16xf32>,
    %swap3A_326 = vector.shape_cast %swap3A_325 : vector<16xf32> to vector<16xf32>
    %swap3A_327 = vector.shape_cast %broadcast_in_dim3A_323 : vector<16xf32> to vector<16xf32>
    tpu.vector_store %arg9[%swap3A_324], %swap3A_327 {strides = array<i32>} : memref<5728xf32, #tpu.memory_space<vmem>>, vector<16xf32>,
    %broadcast_in_dim3A_328 = arith.constant 0.000000e+00 : f32
    %broadcast_in_dim3A_329 = vector.broadcast %broadcast_in_dim3A_328 : f32 to vector<16xf32>
    %swap3A_330 = arith.constant 880 : index
    %swap3A_331 = tpu.vector_load %arg9[%swap3A_330] {strides = array<i32>} : memref<5728xf32, #tpu.memory_space<vmem>>, vector<16xf32>,
    %swap3A_332 = vector.shape_cast %swap3A_331 : vector<16xf32> to vector<16xf32>
    %swap3A_333 = vector.shape_cast %broadcast_in_dim3A_329 : vector<16xf32> to vector<16xf32>
    tpu.vector_store %arg9[%swap3A_330], %swap3A_333 {strides = array<i32>} : memref<5728xf32, #tpu.memory_space<vmem>>, vector<16xf32>,
    %broadcast_in_dim3A_334 = arith.constant 0.000000e+00 : f32
    %broadcast_in_dim3A_335 = vector.broadcast %broadcast_in_dim3A_334 : f32 to vector<16xf32>
    %swap3A_336 = arith.constant 896 : index
    %swap3A_337 = tpu.vector_load %arg9[%swap3A_336] {strides = array<i32>} : memref<5728xf32, #tpu.memory_space<vmem>>, vector<16xf32>,
    %swap3A_338 = vector.shape_cast %swap3A_337 : vector<16xf32> to vector<16xf32>
    %swap3A_339 = vector.shape_cast %broadcast_in_dim3A_335 : vector<16xf32> to vector<16xf32>
    tpu.vector_store %arg9[%swap3A_336], %swap3A_339 {strides = array<i32>} : memref<5728xf32, #tpu.memory_space<vmem>>, vector<16xf32>,
    %broadcast_in_dim3A_340 = arith.constant 0.000000e+00 : f32
    %broadcast_in_dim3A_341 = vector.broadcast %broadcast_in_dim3A_340 : f32 to vector<16xf32>
    %swap3A_342 = arith.constant 912 : index
    %swap3A_343 = tpu.vector_load %arg9[%swap3A_342] {strides = array<i32>} : memref<5728xf32, #tpu.memory_space<vmem>>, vector<16xf32>,
    %swap3A_344 = vector.shape_cast %swap3A_343 : vector<16xf32> to vector<16xf32>
    %swap3A_345 = vector.shape_cast %broadcast_in_dim3A_341 : vector<16xf32> to vector<16xf32>
    tpu.vector_store %arg9[%swap3A_342], %swap3A_345 {strides = array<i32>} : memref<5728xf32, #tpu.memory_space<vmem>>, vector<16xf32>,
    %broadcast_in_dim3A_346 = arith.constant 0.000000e+00 : f32
    %broadcast_in_dim3A_347 = vector.broadcast %broadcast_in_dim3A_346 : f32 to vector<16xf32>
    %swap3A_348 = arith.constant 928 : index
    %swap3A_349 = tpu.vector_load %arg9[%swap3A_348] {strides = array<i32>} : memref<5728xf32, #tpu.memory_space<vmem>>, vector<16xf32>,
    %swap3A_350 = vector.shape_cast %swap3A_349 : vector<16xf32> to vector<16xf32>
    %swap3A_351 = vector.shape_cast %broadcast_in_dim3A_347 : vector<16xf32> to vector<16xf32>
    tpu.vector_store %arg9[%swap3A_348], %swap3A_351 {strides = array<i32>} : memref<5728xf32, #tpu.memory_space<vmem>>, vector<16xf32>,
    %broadcast_in_dim3A_352 = arith.constant 0.000000e+00 : f32
    %broadcast_in_dim3A_353 = vector.broadcast %broadcast_in_dim3A_352 : f32 to vector<16xf32>
    %swap3A_354 = arith.constant 944 : index
    %swap3A_355 = tpu.vector_load %arg9[%swap3A_354] {strides = array<i32>} : memref<5728xf32, #tpu.memory_space<vmem>>, vector<16xf32>,
    %swap3A_356 = vector.shape_cast %swap3A_355 : vector<16xf32> to vector<16xf32>
    %swap3A_357 = vector.shape_cast %broadcast_in_dim3A_353 : vector<16xf32> to vector<16xf32>
    tpu.vector_store %arg9[%swap3A_354], %swap3A_357 {strides = array<i32>} : memref<5728xf32, #tpu.memory_space<vmem>>, vector<16xf32>,
    %broadcast_in_dim3A_358 = arith.constant 0.000000e+00 : f32
    %broadcast_in_dim3A_359 = vector.broadcast %broadcast_in_dim3A_358 : f32 to vector<16xf32>
    %swap3A_360 = arith.constant 960 : index
    %swap3A_361 = tpu.vector_load %arg9[%swap3A_360] {strides = array<i32>} : memref<5728xf32, #tpu.memory_space<vmem>>, vector<16xf32>,
    %swap3A_362 = vector.shape_cast %swap3A_361 : vector<16xf32> to vector<16xf32>
    %swap3A_363 = vector.shape_cast %broadcast_in_dim3A_359 : vector<16xf32> to vector<16xf32>
    tpu.vector_store %arg9[%swap3A_360], %swap3A_363 {strides = array<i32>} : memref<5728xf32, #tpu.memory_space<vmem>>, vector<16xf32>,
    %broadcast_in_dim3A_364 = arith.constant 0.000000e+00 : f32
    %broadcast_in_dim3A_365 = vector.broadcast %broadcast_in_dim3A_364 : f32 to vector<16xf32>
    %swap3A_366 = arith.constant 976 : index
    %swap3A_367 = tpu.vector_load %arg9[%swap3A_366] {strides = array<i32>} : memref<5728xf32, #tpu.memory_space<vmem>>, vector<16xf32>,
    %swap3A_368 = vector.shape_cast %swap3A_367 : vector<16xf32> to vector<16xf32>
    %swap3A_369 = vector.shape_cast %broadcast_in_dim3A_365 : vector<16xf32> to vector<16xf32>
    tpu.vector_store %arg9[%swap3A_366], %swap3A_369 {strides = array<i32>} : memref<5728xf32, #tpu.memory_space<vmem>>, vector<16xf32>,
    %broadcast_in_dim3A_370 = arith.constant 0.000000e+00 : f32
    %broadcast_in_dim3A_371 = vector.broadcast %broadcast_in_dim3A_370 : f32 to vector<16xf32>
    %swap3A_372 = arith.constant 992 : index
    %swap3A_373 = tpu.vector_load %arg9[%swap3A_372] {strides = array<i32>} : memref<5728xf32, #tpu.memory_space<vmem>>, vector<16xf32>,
    %swap3A_374 = vector.shape_cast %swap3A_373 : vector<16xf32> to vector<16xf32>
    %swap3A_375 = vector.shape_cast %broadcast_in_dim3A_371 : vector<16xf32> to vector<16xf32>
    tpu.vector_store %arg9[%swap3A_372], %swap3A_375 {strides = array<i32>} : memref<5728xf32, #tpu.memory_space<vmem>>, vector<16xf32>,
    %broadcast_in_dim3A_376 = arith.constant 0.000000e+00 : f32
    %broadcast_in_dim3A_377 = vector.broadcast %broadcast_in_dim3A_376 : f32 to vector<16xf32>
    %swap3A_378 = arith.constant 1008 : index
    %swap3A_379 = tpu.vector_load %arg9[%swap3A_378] {strides = array<i32>} : memref<5728xf32, #tpu.memory_space<vmem>>, vector<16xf32>,
    %swap3A_380 = vector.shape_cast %swap3A_379 : vector<16xf32> to vector<16xf32>
    %swap3A_381 = vector.shape_cast %broadcast_in_dim3A_377 : vector<16xf32> to vector<16xf32>
    tpu.vector_store %arg9[%swap3A_378], %swap3A_381 {strides = array<i32>} : memref<5728xf32, #tpu.memory_space<vmem>>, vector<16xf32>,
    %broadcast_in_dim3A_382 = arith.constant 0.000000e+00 : f32
    %broadcast_in_dim3A_383 = vector.broadcast %broadcast_in_dim3A_382 : f32 to vector<16xf32>
    %swap3A_384 = arith.constant 1024 : index
    %swap3A_385 = tpu.vector_load %arg9[%swap3A_384] {strides = array<i32>} : memref<5728xf32, #tpu.memory_space<vmem>>, vector<16xf32>,
    %swap3A_386 = vector.shape_cast %swap3A_385 : vector<16xf32> to vector<16xf32>
    %swap3A_387 = vector.shape_cast %broadcast_in_dim3A_383 : vector<16xf32> to vector<16xf32>
    tpu.vector_store %arg9[%swap3A_384], %swap3A_387 {strides = array<i32>} : memref<5728xf32, #tpu.memory_space<vmem>>, vector<16xf32>,
    %broadcast_in_dim3A_388 = arith.constant 0.000000e+00 : f32
    %broadcast_in_dim3A_389 = vector.broadcast %broadcast_in_dim3A_388 : f32 to vector<16xf32>
    %swap3A_390 = arith.constant 1040 : index
    %swap3A_391 = tpu.vector_load %arg9[%swap3A_390] {strides = array<i32>} : memref<5728xf32, #tpu.memory_space<vmem>>, vector<16xf32>,
    %swap3A_392 = vector.shape_cast %swap3A_391 : vector<16xf32> to vector<16xf32>
    %swap3A_393 = vector.shape_cast %broadcast_in_dim3A_389 : vector<16xf32> to vector<16xf32>
    tpu.vector_store %arg9[%swap3A_390], %swap3A_393 {strides = array<i32>} : memref<5728xf32, #tpu.memory_space<vmem>>, vector<16xf32>,
    %broadcast_in_dim3A_394 = arith.constant 0.000000e+00 : f32
    %broadcast_in_dim3A_395 = vector.broadcast %broadcast_in_dim3A_394 : f32 to vector<16xf32>
    %swap3A_396 = arith.constant 1056 : index
    %swap3A_397 = tpu.vector_load %arg9[%swap3A_396] {strides = array<i32>} : memref<5728xf32, #tpu.memory_space<vmem>>, vector<16xf32>,
    %swap3A_398 = vector.shape_cast %swap3A_397 : vector<16xf32> to vector<16xf32>
    %swap3A_399 = vector.shape_cast %broadcast_in_dim3A_395 : vector<16xf32> to vector<16xf32>
    tpu.vector_store %arg9[%swap3A_396], %swap3A_399 {strides = array<i32>} : memref<5728xf32, #tpu.memory_space<vmem>>, vector<16xf32>,
    %broadcast_in_dim3A_400 = arith.constant 0.000000e+00 : f32
    %broadcast_in_dim3A_401 = vector.broadcast %broadcast_in_dim3A_400 : f32 to vector<16xf32>
    %swap3A_402 = arith.constant 1072 : index
    %swap3A_403 = tpu.vector_load %arg9[%swap3A_402] {strides = array<i32>} : memref<5728xf32, #tpu.memory_space<vmem>>, vector<16xf32>,
    %swap3A_404 = vector.shape_cast %swap3A_403 : vector<16xf32> to vector<16xf32>
    %swap3A_405 = vector.shape_cast %broadcast_in_dim3A_401 : vector<16xf32> to vector<16xf32>
    tpu.vector_store %arg9[%swap3A_402], %swap3A_405 {strides = array<i32>} : memref<5728xf32, #tpu.memory_space<vmem>>, vector<16xf32>,
    %broadcast_in_dim3A_406 = arith.constant 0.000000e+00 : f32
    %broadcast_in_dim3A_407 = vector.broadcast %broadcast_in_dim3A_406 : f32 to vector<16xf32>
    %swap3A_408 = arith.constant 1088 : index
    %swap3A_409 = tpu.vector_load %arg9[%swap3A_408] {strides = array<i32>} : memref<5728xf32, #tpu.memory_space<vmem>>, vector<16xf32>,
    %swap3A_410 = vector.shape_cast %swap3A_409 : vector<16xf32> to vector<16xf32>
    %swap3A_411 = vector.shape_cast %broadcast_in_dim3A_407 : vector<16xf32> to vector<16xf32>
    tpu.vector_store %arg9[%swap3A_408], %swap3A_411 {strides = array<i32>} : memref<5728xf32, #tpu.memory_space<vmem>>, vector<16xf32>,
    %broadcast_in_dim3A_412 = arith.constant 0.000000e+00 : f32
    %broadcast_in_dim3A_413 = vector.broadcast %broadcast_in_dim3A_412 : f32 to vector<16xf32>
    %swap3A_414 = arith.constant 1104 : index
    %swap3A_415 = tpu.vector_load %arg9[%swap3A_414] {strides = array<i32>} : memref<5728xf32, #tpu.memory_space<vmem>>, vector<16xf32>,
    %swap3A_416 = vector.shape_cast %swap3A_415 : vector<16xf32> to vector<16xf32>
    %swap3A_417 = vector.shape_cast %broadcast_in_dim3A_413 : vector<16xf32> to vector<16xf32>
    tpu.vector_store %arg9[%swap3A_414], %swap3A_417 {strides = array<i32>} : memref<5728xf32, #tpu.memory_space<vmem>>, vector<16xf32>,
    %broadcast_in_dim3A_418 = arith.constant 0.000000e+00 : f32
    %broadcast_in_dim3A_419 = vector.broadcast %broadcast_in_dim3A_418 : f32 to vector<16xf32>
    %swap3A_420 = arith.constant 1120 : index
    %swap3A_421 = tpu.vector_load %arg9[%swap3A_420] {strides = array<i32>} : memref<5728xf32, #tpu.memory_space<vmem>>, vector<16xf32>,
    %swap3A_422 = vector.shape_cast %swap3A_421 : vector<16xf32> to vector<16xf32>
    %swap3A_423 = vector.shape_cast %broadcast_in_dim3A_419 : vector<16xf32> to vector<16xf32>
    tpu.vector_store %arg9[%swap3A_420], %swap3A_423 {strides = array<i32>} : memref<5728xf32, #tpu.memory_space<vmem>>, vector<16xf32>,
    %broadcast_in_dim3A_424 = arith.constant 0.000000e+00 : f32
    %broadcast_in_dim3A_425 = vector.broadcast %broadcast_in_dim3A_424 : f32 to vector<16xf32>
    %swap3A_426 = arith.constant 1136 : index
    %swap3A_427 = tpu.vector_load %arg9[%swap3A_426] {strides = array<i32>} : memref<5728xf32, #tpu.memory_space<vmem>>, vector<16xf32>,
    %swap3A_428 = vector.shape_cast %swap3A_427 : vector<16xf32> to vector<16xf32>
    %swap3A_429 = vector.shape_cast %broadcast_in_dim3A_425 : vector<16xf32> to vector<16xf32>
    tpu.vector_store %arg9[%swap3A_426], %swap3A_429 {strides = array<i32>} : memref<5728xf32, #tpu.memory_space<vmem>>, vector<16xf32>,
    %broadcast_in_dim3A_430 = arith.constant 0.000000e+00 : f32
    %broadcast_in_dim3A_431 = vector.broadcast %broadcast_in_dim3A_430 : f32 to vector<16xf32>
    %swap3A_432 = arith.constant 1152 : index
    %swap3A_433 = tpu.vector_load %arg9[%swap3A_432] {strides = array<i32>} : memref<5728xf32, #tpu.memory_space<vmem>>, vector<16xf32>,
    %swap3A_434 = vector.shape_cast %swap3A_433 : vector<16xf32> to vector<16xf32>
    %swap3A_435 = vector.shape_cast %broadcast_in_dim3A_431 : vector<16xf32> to vector<16xf32>
    tpu.vector_store %arg9[%swap3A_432], %swap3A_435 {strides = array<i32>} : memref<5728xf32, #tpu.memory_space<vmem>>, vector<16xf32>,
    %broadcast_in_dim3A_436 = arith.constant 0.000000e+00 : f32
    %broadcast_in_dim3A_437 = vector.broadcast %broadcast_in_dim3A_436 : f32 to vector<16xf32>
    %swap3A_438 = arith.constant 1168 : index
    %swap3A_439 = tpu.vector_load %arg9[%swap3A_438] {strides = array<i32>} : memref<5728xf32, #tpu.memory_space<vmem>>, vector<16xf32>,
    %swap3A_440 = vector.shape_cast %swap3A_439 : vector<16xf32> to vector<16xf32>
    %swap3A_441 = vector.shape_cast %broadcast_in_dim3A_437 : vector<16xf32> to vector<16xf32>
    tpu.vector_store %arg9[%swap3A_438], %swap3A_441 {strides = array<i32>} : memref<5728xf32, #tpu.memory_space<vmem>>, vector<16xf32>,
    %broadcast_in_dim3A_442 = arith.constant 0.000000e+00 : f32
    %broadcast_in_dim3A_443 = vector.broadcast %broadcast_in_dim3A_442 : f32 to vector<16xf32>
    %swap3A_444 = arith.constant 1184 : index
    %swap3A_445 = tpu.vector_load %arg9[%swap3A_444] {strides = array<i32>} : memref<5728xf32, #tpu.memory_space<vmem>>, vector<16xf32>,
    %swap3A_446 = vector.shape_cast %swap3A_445 : vector<16xf32> to vector<16xf32>
    %swap3A_447 = vector.shape_cast %broadcast_in_dim3A_443 : vector<16xf32> to vector<16xf32>
    tpu.vector_store %arg9[%swap3A_444], %swap3A_447 {strides = array<i32>} : memref<5728xf32, #tpu.memory_space<vmem>>, vector<16xf32>,
    %broadcast_in_dim3A_448 = arith.constant 0.000000e+00 : f32
    %broadcast_in_dim3A_449 = vector.broadcast %broadcast_in_dim3A_448 : f32 to vector<16xf32>
    %swap3A_450 = arith.constant 1200 : index
    %swap3A_451 = tpu.vector_load %arg9[%swap3A_450] {strides = array<i32>} : memref<5728xf32, #tpu.memory_space<vmem>>, vector<16xf32>,
    %swap3A_452 = vector.shape_cast %swap3A_451 : vector<16xf32> to vector<16xf32>
    %swap3A_453 = vector.shape_cast %broadcast_in_dim3A_449 : vector<16xf32> to vector<16xf32>
    tpu.vector_store %arg9[%swap3A_450], %swap3A_453 {strides = array<i32>} : memref<5728xf32, #tpu.memory_space<vmem>>, vector<16xf32>,
    %broadcast_in_dim3A_454 = arith.constant 0.000000e+00 : f32
    %broadcast_in_dim3A_455 = vector.broadcast %broadcast_in_dim3A_454 : f32 to vector<16xf32>
    %swap3A_456 = arith.constant 1216 : index
    %swap3A_457 = tpu.vector_load %arg9[%swap3A_456] {strides = array<i32>} : memref<5728xf32, #tpu.memory_space<vmem>>, vector<16xf32>,
    %swap3A_458 = vector.shape_cast %swap3A_457 : vector<16xf32> to vector<16xf32>
    %swap3A_459 = vector.shape_cast %broadcast_in_dim3A_455 : vector<16xf32> to vector<16xf32>
    tpu.vector_store %arg9[%swap3A_456], %swap3A_459 {strides = array<i32>} : memref<5728xf32, #tpu.memory_space<vmem>>, vector<16xf32>,
    %broadcast_in_dim3A_460 = arith.constant 0.000000e+00 : f32
    %broadcast_in_dim3A_461 = vector.broadcast %broadcast_in_dim3A_460 : f32 to vector<16xf32>
    %swap3A_462 = arith.constant 1232 : index
    %swap3A_463 = tpu.vector_load %arg9[%swap3A_462] {strides = array<i32>} : memref<5728xf32, #tpu.memory_space<vmem>>, vector<16xf32>,
    %swap3A_464 = vector.shape_cast %swap3A_463 : vector<16xf32> to vector<16xf32>
    %swap3A_465 = vector.shape_cast %broadcast_in_dim3A_461 : vector<16xf32> to vector<16xf32>
    tpu.vector_store %arg9[%swap3A_462], %swap3A_465 {strides = array<i32>} : memref<5728xf32, #tpu.memory_space<vmem>>, vector<16xf32>,
    %broadcast_in_dim3A_466 = arith.constant 0.000000e+00 : f32
    %broadcast_in_dim3A_467 = vector.broadcast %broadcast_in_dim3A_466 : f32 to vector<16xf32>
    %swap3A_468 = arith.constant 1248 : index
    %swap3A_469 = tpu.vector_load %arg9[%swap3A_468] {strides = array<i32>} : memref<5728xf32, #tpu.memory_space<vmem>>, vector<16xf32>,
    %swap3A_470 = vector.shape_cast %swap3A_469 : vector<16xf32> to vector<16xf32>
    %swap3A_471 = vector.shape_cast %broadcast_in_dim3A_467 : vector<16xf32> to vector<16xf32>
    tpu.vector_store %arg9[%swap3A_468], %swap3A_471 {strides = array<i32>} : memref<5728xf32, #tpu.memory_space<vmem>>, vector<16xf32>,
    %broadcast_in_dim3A_472 = arith.constant 0.000000e+00 : f32
    %broadcast_in_dim3A_473 = vector.broadcast %broadcast_in_dim3A_472 : f32 to vector<16xf32>
    %swap3A_474 = arith.constant 1264 : index
    %swap3A_475 = tpu.vector_load %arg9[%swap3A_474] {strides = array<i32>} : memref<5728xf32, #tpu.memory_space<vmem>>, vector<16xf32>,
    %swap3A_476 = vector.shape_cast %swap3A_475 : vector<16xf32> to vector<16xf32>
    %swap3A_477 = vector.shape_cast %broadcast_in_dim3A_473 : vector<16xf32> to vector<16xf32>
    tpu.vector_store %arg9[%swap3A_474], %swap3A_477 {strides = array<i32>} : memref<5728xf32, #tpu.memory_space<vmem>>, vector<16xf32>,
    %broadcast_in_dim3A_478 = arith.constant 0.000000e+00 : f32
    %broadcast_in_dim3A_479 = vector.broadcast %broadcast_in_dim3A_478 : f32 to vector<16xf32>
    %swap3A_480 = arith.constant 1280 : index
    %swap3A_481 = tpu.vector_load %arg9[%swap3A_480] {strides = array<i32>} : memref<5728xf32, #tpu.memory_space<vmem>>, vector<16xf32>,
    %swap3A_482 = vector.shape_cast %swap3A_481 : vector<16xf32> to vector<16xf32>
    %swap3A_483 = vector.shape_cast %broadcast_in_dim3A_479 : vector<16xf32> to vector<16xf32>
    tpu.vector_store %arg9[%swap3A_480], %swap3A_483 {strides = array<i32>} : memref<5728xf32, #tpu.memory_space<vmem>>, vector<16xf32>,
    %broadcast_in_dim3A_484 = arith.constant 0.000000e+00 : f32
    %broadcast_in_dim3A_485 = vector.broadcast %broadcast_in_dim3A_484 : f32 to vector<16xf32>
    %swap3A_486 = arith.constant 1296 : index
    %swap3A_487 = tpu.vector_load %arg9[%swap3A_486] {strides = array<i32>} : memref<5728xf32, #tpu.memory_space<vmem>>, vector<16xf32>,
    %swap3A_488 = vector.shape_cast %swap3A_487 : vector<16xf32> to vector<16xf32>
    %swap3A_489 = vector.shape_cast %broadcast_in_dim3A_485 : vector<16xf32> to vector<16xf32>
    tpu.vector_store %arg9[%swap3A_486], %swap3A_489 {strides = array<i32>} : memref<5728xf32, #tpu.memory_space<vmem>>, vector<16xf32>,
    %broadcast_in_dim3A_490 = arith.constant 0.000000e+00 : f32
    %broadcast_in_dim3A_491 = vector.broadcast %broadcast_in_dim3A_490 : f32 to vector<16xf32>
    %swap3A_492 = arith.constant 1312 : index
    %swap3A_493 = tpu.vector_load %arg9[%swap3A_492] {strides = array<i32>} : memref<5728xf32, #tpu.memory_space<vmem>>, vector<16xf32>,
    %swap3A_494 = vector.shape_cast %swap3A_493 : vector<16xf32> to vector<16xf32>
    %swap3A_495 = vector.shape_cast %broadcast_in_dim3A_491 : vector<16xf32> to vector<16xf32>
    tpu.vector_store %arg9[%swap3A_492], %swap3A_495 {strides = array<i32>} : memref<5728xf32, #tpu.memory_space<vmem>>, vector<16xf32>,
    %broadcast_in_dim3A_496 = arith.constant 0.000000e+00 : f32
    %broadcast_in_dim3A_497 = vector.broadcast %broadcast_in_dim3A_496 : f32 to vector<16xf32>
    %swap3A_498 = arith.constant 1328 : index
    %swap3A_499 = tpu.vector_load %arg9[%swap3A_498] {strides = array<i32>} : memref<5728xf32, #tpu.memory_space<vmem>>, vector<16xf32>,
    %swap3A_500 = vector.shape_cast %swap3A_499 : vector<16xf32> to vector<16xf32>
    %swap3A_501 = vector.shape_cast %broadcast_in_dim3A_497 : vector<16xf32> to vector<16xf32>
    tpu.vector_store %arg9[%swap3A_498], %swap3A_501 {strides = array<i32>} : memref<5728xf32, #tpu.memory_space<vmem>>, vector<16xf32>,
    %broadcast_in_dim3A_502 = arith.constant 0.000000e+00 : f32
    %broadcast_in_dim3A_503 = vector.broadcast %broadcast_in_dim3A_502 : f32 to vector<16xf32>
    %swap3A_504 = arith.constant 1344 : index
    %swap3A_505 = tpu.vector_load %arg9[%swap3A_504] {strides = array<i32>} : memref<5728xf32, #tpu.memory_space<vmem>>, vector<16xf32>,
    %swap3A_506 = vector.shape_cast %swap3A_505 : vector<16xf32> to vector<16xf32>
    %swap3A_507 = vector.shape_cast %broadcast_in_dim3A_503 : vector<16xf32> to vector<16xf32>
    tpu.vector_store %arg9[%swap3A_504], %swap3A_507 {strides = array<i32>} : memref<5728xf32, #tpu.memory_space<vmem>>, vector<16xf32>,
    %broadcast_in_dim3A_508 = arith.constant 0.000000e+00 : f32
    %broadcast_in_dim3A_509 = vector.broadcast %broadcast_in_dim3A_508 : f32 to vector<16xf32>
    %swap3A_510 = arith.constant 1360 : index
    %swap3A_511 = tpu.vector_load %arg9[%swap3A_510] {strides = array<i32>} : memref<5728xf32, #tpu.memory_space<vmem>>, vector<16xf32>,
    %swap3A_512 = vector.shape_cast %swap3A_511 : vector<16xf32> to vector<16xf32>
    %swap3A_513 = vector.shape_cast %broadcast_in_dim3A_509 : vector<16xf32> to vector<16xf32>
    tpu.vector_store %arg9[%swap3A_510], %swap3A_513 {strides = array<i32>} : memref<5728xf32, #tpu.memory_space<vmem>>, vector<16xf32>,
    %broadcast_in_dim3A_514 = arith.constant 0.000000e+00 : f32
    %broadcast_in_dim3A_515 = vector.broadcast %broadcast_in_dim3A_514 : f32 to vector<16xf32>
    %swap3A_516 = arith.constant 1376 : index
    %swap3A_517 = tpu.vector_load %arg9[%swap3A_516] {strides = array<i32>} : memref<5728xf32, #tpu.memory_space<vmem>>, vector<16xf32>,
    %swap3A_518 = vector.shape_cast %swap3A_517 : vector<16xf32> to vector<16xf32>
    %swap3A_519 = vector.shape_cast %broadcast_in_dim3A_515 : vector<16xf32> to vector<16xf32>
    tpu.vector_store %arg9[%swap3A_516], %swap3A_519 {strides = array<i32>} : memref<5728xf32, #tpu.memory_space<vmem>>, vector<16xf32>,
    %broadcast_in_dim3A_520 = arith.constant 0.000000e+00 : f32
    %broadcast_in_dim3A_521 = vector.broadcast %broadcast_in_dim3A_520 : f32 to vector<16xf32>
    %swap3A_522 = arith.constant 1392 : index
    %swap3A_523 = tpu.vector_load %arg9[%swap3A_522] {strides = array<i32>} : memref<5728xf32, #tpu.memory_space<vmem>>, vector<16xf32>,
    %swap3A_524 = vector.shape_cast %swap3A_523 : vector<16xf32> to vector<16xf32>
    %swap3A_525 = vector.shape_cast %broadcast_in_dim3A_521 : vector<16xf32> to vector<16xf32>
    tpu.vector_store %arg9[%swap3A_522], %swap3A_525 {strides = array<i32>} : memref<5728xf32, #tpu.memory_space<vmem>>, vector<16xf32>,
    %broadcast_in_dim3A_526 = arith.constant 0.000000e+00 : f32
    %broadcast_in_dim3A_527 = vector.broadcast %broadcast_in_dim3A_526 : f32 to vector<16xf32>
    %swap3A_528 = arith.constant 1408 : index
    %swap3A_529 = tpu.vector_load %arg9[%swap3A_528] {strides = array<i32>} : memref<5728xf32, #tpu.memory_space<vmem>>, vector<16xf32>,
    %swap3A_530 = vector.shape_cast %swap3A_529 : vector<16xf32> to vector<16xf32>
    %swap3A_531 = vector.shape_cast %broadcast_in_dim3A_527 : vector<16xf32> to vector<16xf32>
    tpu.vector_store %arg9[%swap3A_528], %swap3A_531 {strides = array<i32>} : memref<5728xf32, #tpu.memory_space<vmem>>, vector<16xf32>,
    %broadcast_in_dim3A_532 = arith.constant 0.000000e+00 : f32
    %broadcast_in_dim3A_533 = vector.broadcast %broadcast_in_dim3A_532 : f32 to vector<16xf32>
    %swap3A_534 = arith.constant 1424 : index
    %swap3A_535 = tpu.vector_load %arg9[%swap3A_534] {strides = array<i32>} : memref<5728xf32, #tpu.memory_space<vmem>>, vector<16xf32>,
    %swap3A_536 = vector.shape_cast %swap3A_535 : vector<16xf32> to vector<16xf32>
    %swap3A_537 = vector.shape_cast %broadcast_in_dim3A_533 : vector<16xf32> to vector<16xf32>
    tpu.vector_store %arg9[%swap3A_534], %swap3A_537 {strides = array<i32>} : memref<5728xf32, #tpu.memory_space<vmem>>, vector<16xf32>,
    %broadcast_in_dim3A_538 = arith.constant 0.000000e+00 : f32
    %broadcast_in_dim3A_539 = vector.broadcast %broadcast_in_dim3A_538 : f32 to vector<16xf32>
    %swap3A_540 = arith.constant 1440 : index
    %swap3A_541 = tpu.vector_load %arg9[%swap3A_540] {strides = array<i32>} : memref<5728xf32, #tpu.memory_space<vmem>>, vector<16xf32>,
    %swap3A_542 = vector.shape_cast %swap3A_541 : vector<16xf32> to vector<16xf32>
    %swap3A_543 = vector.shape_cast %broadcast_in_dim3A_539 : vector<16xf32> to vector<16xf32>
    tpu.vector_store %arg9[%swap3A_540], %swap3A_543 {strides = array<i32>} : memref<5728xf32, #tpu.memory_space<vmem>>, vector<16xf32>,
    %broadcast_in_dim3A_544 = arith.constant 0.000000e+00 : f32
    %broadcast_in_dim3A_545 = vector.broadcast %broadcast_in_dim3A_544 : f32 to vector<16xf32>
    %swap3A_546 = arith.constant 1456 : index
    %swap3A_547 = tpu.vector_load %arg9[%swap3A_546] {strides = array<i32>} : memref<5728xf32, #tpu.memory_space<vmem>>, vector<16xf32>,
    %swap3A_548 = vector.shape_cast %swap3A_547 : vector<16xf32> to vector<16xf32>
    %swap3A_549 = vector.shape_cast %broadcast_in_dim3A_545 : vector<16xf32> to vector<16xf32>
    tpu.vector_store %arg9[%swap3A_546], %swap3A_549 {strides = array<i32>} : memref<5728xf32, #tpu.memory_space<vmem>>, vector<16xf32>,
    %broadcast_in_dim3A_550 = arith.constant 0.000000e+00 : f32
    %broadcast_in_dim3A_551 = vector.broadcast %broadcast_in_dim3A_550 : f32 to vector<16xf32>
    %swap3A_552 = arith.constant 1472 : index
    %swap3A_553 = tpu.vector_load %arg9[%swap3A_552] {strides = array<i32>} : memref<5728xf32, #tpu.memory_space<vmem>>, vector<16xf32>,
    %swap3A_554 = vector.shape_cast %swap3A_553 : vector<16xf32> to vector<16xf32>
    %swap3A_555 = vector.shape_cast %broadcast_in_dim3A_551 : vector<16xf32> to vector<16xf32>
    tpu.vector_store %arg9[%swap3A_552], %swap3A_555 {strides = array<i32>} : memref<5728xf32, #tpu.memory_space<vmem>>, vector<16xf32>,
    %broadcast_in_dim3A_556 = arith.constant 0.000000e+00 : f32
    %broadcast_in_dim3A_557 = vector.broadcast %broadcast_in_dim3A_556 : f32 to vector<16xf32>
    %swap3A_558 = arith.constant 1488 : index
    %swap3A_559 = tpu.vector_load %arg9[%swap3A_558] {strides = array<i32>} : memref<5728xf32, #tpu.memory_space<vmem>>, vector<16xf32>,
    %swap3A_560 = vector.shape_cast %swap3A_559 : vector<16xf32> to vector<16xf32>
    %swap3A_561 = vector.shape_cast %broadcast_in_dim3A_557 : vector<16xf32> to vector<16xf32>
    tpu.vector_store %arg9[%swap3A_558], %swap3A_561 {strides = array<i32>} : memref<5728xf32, #tpu.memory_space<vmem>>, vector<16xf32>,
    %broadcast_in_dim3A_562 = arith.constant 0.000000e+00 : f32
    %broadcast_in_dim3A_563 = vector.broadcast %broadcast_in_dim3A_562 : f32 to vector<16xf32>
    %swap3A_564 = arith.constant 1504 : index
    %swap3A_565 = tpu.vector_load %arg9[%swap3A_564] {strides = array<i32>} : memref<5728xf32, #tpu.memory_space<vmem>>, vector<16xf32>,
    %swap3A_566 = vector.shape_cast %swap3A_565 : vector<16xf32> to vector<16xf32>
    %swap3A_567 = vector.shape_cast %broadcast_in_dim3A_563 : vector<16xf32> to vector<16xf32>
    tpu.vector_store %arg9[%swap3A_564], %swap3A_567 {strides = array<i32>} : memref<5728xf32, #tpu.memory_space<vmem>>, vector<16xf32>,
    %broadcast_in_dim3A_568 = arith.constant 0.000000e+00 : f32
    %broadcast_in_dim3A_569 = vector.broadcast %broadcast_in_dim3A_568 : f32 to vector<16xf32>
    %swap3A_570 = arith.constant 1520 : index
    %swap3A_571 = tpu.vector_load %arg9[%swap3A_570] {strides = array<i32>} : memref<5728xf32, #tpu.memory_space<vmem>>, vector<16xf32>,
    %swap3A_572 = vector.shape_cast %swap3A_571 : vector<16xf32> to vector<16xf32>
    %swap3A_573 = vector.shape_cast %broadcast_in_dim3A_569 : vector<16xf32> to vector<16xf32>
    tpu.vector_store %arg9[%swap3A_570], %swap3A_573 {strides = array<i32>} : memref<5728xf32, #tpu.memory_space<vmem>>, vector<16xf32>,
    %broadcast_in_dim3A_574 = arith.constant 0.000000e+00 : f32
    %broadcast_in_dim3A_575 = vector.broadcast %broadcast_in_dim3A_574 : f32 to vector<16xf32>
    %swap3A_576 = arith.constant 1536 : index
    %swap3A_577 = tpu.vector_load %arg9[%swap3A_576] {strides = array<i32>} : memref<5728xf32, #tpu.memory_space<vmem>>, vector<16xf32>,
    %swap3A_578 = vector.shape_cast %swap3A_577 : vector<16xf32> to vector<16xf32>
    %swap3A_579 = vector.shape_cast %broadcast_in_dim3A_575 : vector<16xf32> to vector<16xf32>
    tpu.vector_store %arg9[%swap3A_576], %swap3A_579 {strides = array<i32>} : memref<5728xf32, #tpu.memory_space<vmem>>, vector<16xf32>,
    %broadcast_in_dim3A_580 = arith.constant 0.000000e+00 : f32
    %broadcast_in_dim3A_581 = vector.broadcast %broadcast_in_dim3A_580 : f32 to vector<16xf32>
    %swap3A_582 = arith.constant 1552 : index
    %swap3A_583 = tpu.vector_load %arg9[%swap3A_582] {strides = array<i32>} : memref<5728xf32, #tpu.memory_space<vmem>>, vector<16xf32>,
    %swap3A_584 = vector.shape_cast %swap3A_583 : vector<16xf32> to vector<16xf32>
    %swap3A_585 = vector.shape_cast %broadcast_in_dim3A_581 : vector<16xf32> to vector<16xf32>
    tpu.vector_store %arg9[%swap3A_582], %swap3A_585 {strides = array<i32>} : memref<5728xf32, #tpu.memory_space<vmem>>, vector<16xf32>,
    %broadcast_in_dim3A_586 = arith.constant 0.000000e+00 : f32
    %broadcast_in_dim3A_587 = vector.broadcast %broadcast_in_dim3A_586 : f32 to vector<16xf32>
    %swap3A_588 = arith.constant 1568 : index
    %swap3A_589 = tpu.vector_load %arg9[%swap3A_588] {strides = array<i32>} : memref<5728xf32, #tpu.memory_space<vmem>>, vector<16xf32>,
    %swap3A_590 = vector.shape_cast %swap3A_589 : vector<16xf32> to vector<16xf32>
    %swap3A_591 = vector.shape_cast %broadcast_in_dim3A_587 : vector<16xf32> to vector<16xf32>
    tpu.vector_store %arg9[%swap3A_588], %swap3A_591 {strides = array<i32>} : memref<5728xf32, #tpu.memory_space<vmem>>, vector<16xf32>,
    %broadcast_in_dim3A_592 = arith.constant 0.000000e+00 : f32
    %broadcast_in_dim3A_593 = vector.broadcast %broadcast_in_dim3A_592 : f32 to vector<16xf32>
    %swap3A_594 = arith.constant 1584 : index
    %swap3A_595 = tpu.vector_load %arg9[%swap3A_594] {strides = array<i32>} : memref<5728xf32, #tpu.memory_space<vmem>>, vector<16xf32>,
    %swap3A_596 = vector.shape_cast %swap3A_595 : vector<16xf32> to vector<16xf32>
    %swap3A_597 = vector.shape_cast %broadcast_in_dim3A_593 : vector<16xf32> to vector<16xf32>
    tpu.vector_store %arg9[%swap3A_594], %swap3A_597 {strides = array<i32>} : memref<5728xf32, #tpu.memory_space<vmem>>, vector<16xf32>,
    %broadcast_in_dim3A_598 = arith.constant 0.000000e+00 : f32
    %broadcast_in_dim3A_599 = vector.broadcast %broadcast_in_dim3A_598 : f32 to vector<16xf32>
    %swap3A_600 = arith.constant 1600 : index
    %swap3A_601 = tpu.vector_load %arg9[%swap3A_600] {strides = array<i32>} : memref<5728xf32, #tpu.memory_space<vmem>>, vector<16xf32>,
    %swap3A_602 = vector.shape_cast %swap3A_601 : vector<16xf32> to vector<16xf32>
    %swap3A_603 = vector.shape_cast %broadcast_in_dim3A_599 : vector<16xf32> to vector<16xf32>
    tpu.vector_store %arg9[%swap3A_600], %swap3A_603 {strides = array<i32>} : memref<5728xf32, #tpu.memory_space<vmem>>, vector<16xf32>,
    %broadcast_in_dim3A_604 = arith.constant 0.000000e+00 : f32
    %broadcast_in_dim3A_605 = vector.broadcast %broadcast_in_dim3A_604 : f32 to vector<16xf32>
    %swap3A_606 = arith.constant 1616 : index
    %swap3A_607 = tpu.vector_load %arg9[%swap3A_606] {strides = array<i32>} : memref<5728xf32, #tpu.memory_space<vmem>>, vector<16xf32>,
    %swap3A_608 = vector.shape_cast %swap3A_607 : vector<16xf32> to vector<16xf32>
    %swap3A_609 = vector.shape_cast %broadcast_in_dim3A_605 : vector<16xf32> to vector<16xf32>
    tpu.vector_store %arg9[%swap3A_606], %swap3A_609 {strides = array<i32>} : memref<5728xf32, #tpu.memory_space<vmem>>, vector<16xf32>,
    %broadcast_in_dim3A_610 = arith.constant 0.000000e+00 : f32
    %broadcast_in_dim3A_611 = vector.broadcast %broadcast_in_dim3A_610 : f32 to vector<16xf32>
    %swap3A_612 = arith.constant 1632 : index
    %swap3A_613 = tpu.vector_load %arg9[%swap3A_612] {strides = array<i32>} : memref<5728xf32, #tpu.memory_space<vmem>>, vector<16xf32>,
    %swap3A_614 = vector.shape_cast %swap3A_613 : vector<16xf32> to vector<16xf32>
    %swap3A_615 = vector.shape_cast %broadcast_in_dim3A_611 : vector<16xf32> to vector<16xf32>
    tpu.vector_store %arg9[%swap3A_612], %swap3A_615 {strides = array<i32>} : memref<5728xf32, #tpu.memory_space<vmem>>, vector<16xf32>,
    %broadcast_in_dim3A_616 = arith.constant 0.000000e+00 : f32
    %broadcast_in_dim3A_617 = vector.broadcast %broadcast_in_dim3A_616 : f32 to vector<16xf32>
    %swap3A_618 = arith.constant 1648 : index
    %swap3A_619 = tpu.vector_load %arg9[%swap3A_618] {strides = array<i32>} : memref<5728xf32, #tpu.memory_space<vmem>>, vector<16xf32>,
    %swap3A_620 = vector.shape_cast %swap3A_619 : vector<16xf32> to vector<16xf32>
    %swap3A_621 = vector.shape_cast %broadcast_in_dim3A_617 : vector<16xf32> to vector<16xf32>
    tpu.vector_store %arg9[%swap3A_618], %swap3A_621 {strides = array<i32>} : memref<5728xf32, #tpu.memory_space<vmem>>, vector<16xf32>,
    %broadcast_in_dim3A_622 = arith.constant 0.000000e+00 : f32
    %broadcast_in_dim3A_623 = vector.broadcast %broadcast_in_dim3A_622 : f32 to vector<16xf32>
    %swap3A_624 = arith.constant 1664 : index
    %swap3A_625 = tpu.vector_load %arg9[%swap3A_624] {strides = array<i32>} : memref<5728xf32, #tpu.memory_space<vmem>>, vector<16xf32>,
    %swap3A_626 = vector.shape_cast %swap3A_625 : vector<16xf32> to vector<16xf32>
    %swap3A_627 = vector.shape_cast %broadcast_in_dim3A_623 : vector<16xf32> to vector<16xf32>
    tpu.vector_store %arg9[%swap3A_624], %swap3A_627 {strides = array<i32>} : memref<5728xf32, #tpu.memory_space<vmem>>, vector<16xf32>,
    %broadcast_in_dim3A_628 = arith.constant 0.000000e+00 : f32
    %broadcast_in_dim3A_629 = vector.broadcast %broadcast_in_dim3A_628 : f32 to vector<16xf32>
    %swap3A_630 = arith.constant 1680 : index
    %swap3A_631 = tpu.vector_load %arg9[%swap3A_630] {strides = array<i32>} : memref<5728xf32, #tpu.memory_space<vmem>>, vector<16xf32>,
    %swap3A_632 = vector.shape_cast %swap3A_631 : vector<16xf32> to vector<16xf32>
    %swap3A_633 = vector.shape_cast %broadcast_in_dim3A_629 : vector<16xf32> to vector<16xf32>
    tpu.vector_store %arg9[%swap3A_630], %swap3A_633 {strides = array<i32>} : memref<5728xf32, #tpu.memory_space<vmem>>, vector<16xf32>,
    %broadcast_in_dim3A_634 = arith.constant 0.000000e+00 : f32
    %broadcast_in_dim3A_635 = vector.broadcast %broadcast_in_dim3A_634 : f32 to vector<16xf32>
    %swap3A_636 = arith.constant 1696 : index
    %swap3A_637 = tpu.vector_load %arg9[%swap3A_636] {strides = array<i32>} : memref<5728xf32, #tpu.memory_space<vmem>>, vector<16xf32>,
    %swap3A_638 = vector.shape_cast %swap3A_637 : vector<16xf32> to vector<16xf32>
    %swap3A_639 = vector.shape_cast %broadcast_in_dim3A_635 : vector<16xf32> to vector<16xf32>
    tpu.vector_store %arg9[%swap3A_636], %swap3A_639 {strides = array<i32>} : memref<5728xf32, #tpu.memory_space<vmem>>, vector<16xf32>,
    %broadcast_in_dim3A_640 = arith.constant 0.000000e+00 : f32
    %broadcast_in_dim3A_641 = vector.broadcast %broadcast_in_dim3A_640 : f32 to vector<16xf32>
    %swap3A_642 = arith.constant 1712 : index
    %swap3A_643 = tpu.vector_load %arg9[%swap3A_642] {strides = array<i32>} : memref<5728xf32, #tpu.memory_space<vmem>>, vector<16xf32>,
    %swap3A_644 = vector.shape_cast %swap3A_643 : vector<16xf32> to vector<16xf32>
    %swap3A_645 = vector.shape_cast %broadcast_in_dim3A_641 : vector<16xf32> to vector<16xf32>
    tpu.vector_store %arg9[%swap3A_642], %swap3A_645 {strides = array<i32>} : memref<5728xf32, #tpu.memory_space<vmem>>, vector<16xf32>,
    %broadcast_in_dim3A_646 = arith.constant 0.000000e+00 : f32
    %broadcast_in_dim3A_647 = vector.broadcast %broadcast_in_dim3A_646 : f32 to vector<16xf32>
    %swap3A_648 = arith.constant 1728 : index
    %swap3A_649 = tpu.vector_load %arg9[%swap3A_648] {strides = array<i32>} : memref<5728xf32, #tpu.memory_space<vmem>>, vector<16xf32>,
    %swap3A_650 = vector.shape_cast %swap3A_649 : vector<16xf32> to vector<16xf32>
    %swap3A_651 = vector.shape_cast %broadcast_in_dim3A_647 : vector<16xf32> to vector<16xf32>
    tpu.vector_store %arg9[%swap3A_648], %swap3A_651 {strides = array<i32>} : memref<5728xf32, #tpu.memory_space<vmem>>, vector<16xf32>,
    %broadcast_in_dim3A_652 = arith.constant 0.000000e+00 : f32
    %broadcast_in_dim3A_653 = vector.broadcast %broadcast_in_dim3A_652 : f32 to vector<16xf32>
    %swap3A_654 = arith.constant 1744 : index
    %swap3A_655 = tpu.vector_load %arg9[%swap3A_654] {strides = array<i32>} : memref<5728xf32, #tpu.memory_space<vmem>>, vector<16xf32>,
    %swap3A_656 = vector.shape_cast %swap3A_655 : vector<16xf32> to vector<16xf32>
    %swap3A_657 = vector.shape_cast %broadcast_in_dim3A_653 : vector<16xf32> to vector<16xf32>
    tpu.vector_store %arg9[%swap3A_654], %swap3A_657 {strides = array<i32>} : memref<5728xf32, #tpu.memory_space<vmem>>, vector<16xf32>,
    %broadcast_in_dim3A_658 = arith.constant 0.000000e+00 : f32
    %broadcast_in_dim3A_659 = vector.broadcast %broadcast_in_dim3A_658 : f32 to vector<16xf32>
    %swap3A_660 = arith.constant 1760 : index
    %swap3A_661 = tpu.vector_load %arg9[%swap3A_660] {strides = array<i32>} : memref<5728xf32, #tpu.memory_space<vmem>>, vector<16xf32>,
    %swap3A_662 = vector.shape_cast %swap3A_661 : vector<16xf32> to vector<16xf32>
    %swap3A_663 = vector.shape_cast %broadcast_in_dim3A_659 : vector<16xf32> to vector<16xf32>
    tpu.vector_store %arg9[%swap3A_660], %swap3A_663 {strides = array<i32>} : memref<5728xf32, #tpu.memory_space<vmem>>, vector<16xf32>,
    %broadcast_in_dim3A_664 = arith.constant 0.000000e+00 : f32
    %broadcast_in_dim3A_665 = vector.broadcast %broadcast_in_dim3A_664 : f32 to vector<16xf32>
    %swap3A_666 = arith.constant 1776 : index
    %swap3A_667 = tpu.vector_load %arg9[%swap3A_666] {strides = array<i32>} : memref<5728xf32, #tpu.memory_space<vmem>>, vector<16xf32>,
    %swap3A_668 = vector.shape_cast %swap3A_667 : vector<16xf32> to vector<16xf32>
    %swap3A_669 = vector.shape_cast %broadcast_in_dim3A_665 : vector<16xf32> to vector<16xf32>
    tpu.vector_store %arg9[%swap3A_666], %swap3A_669 {strides = array<i32>} : memref<5728xf32, #tpu.memory_space<vmem>>, vector<16xf32>,
    %broadcast_in_dim3A_670 = arith.constant 0.000000e+00 : f32
    %broadcast_in_dim3A_671 = vector.broadcast %broadcast_in_dim3A_670 : f32 to vector<16xf32>
    %swap3A_672 = arith.constant 1792 : index
    %swap3A_673 = tpu.vector_load %arg9[%swap3A_672] {strides = array<i32>} : memref<5728xf32, #tpu.memory_space<vmem>>, vector<16xf32>,
    %swap3A_674 = vector.shape_cast %swap3A_673 : vector<16xf32> to vector<16xf32>
    %swap3A_675 = vector.shape_cast %broadcast_in_dim3A_671 : vector<16xf32> to vector<16xf32>
    tpu.vector_store %arg9[%swap3A_672], %swap3A_675 {strides = array<i32>} : memref<5728xf32, #tpu.memory_space<vmem>>, vector<16xf32>,
    %broadcast_in_dim3A_676 = arith.constant 0.000000e+00 : f32
    %broadcast_in_dim3A_677 = vector.broadcast %broadcast_in_dim3A_676 : f32 to vector<16xf32>
    %swap3A_678 = arith.constant 1808 : index
    %swap3A_679 = tpu.vector_load %arg9[%swap3A_678] {strides = array<i32>} : memref<5728xf32, #tpu.memory_space<vmem>>, vector<16xf32>,
    %swap3A_680 = vector.shape_cast %swap3A_679 : vector<16xf32> to vector<16xf32>
    %swap3A_681 = vector.shape_cast %broadcast_in_dim3A_677 : vector<16xf32> to vector<16xf32>
    tpu.vector_store %arg9[%swap3A_678], %swap3A_681 {strides = array<i32>} : memref<5728xf32, #tpu.memory_space<vmem>>, vector<16xf32>,
    %broadcast_in_dim3A_682 = arith.constant 0.000000e+00 : f32
    %broadcast_in_dim3A_683 = vector.broadcast %broadcast_in_dim3A_682 : f32 to vector<16xf32>
    %swap3A_684 = arith.constant 1824 : index
    %swap3A_685 = tpu.vector_load %arg9[%swap3A_684] {strides = array<i32>} : memref<5728xf32, #tpu.memory_space<vmem>>, vector<16xf32>,
    %swap3A_686 = vector.shape_cast %swap3A_685 : vector<16xf32> to vector<16xf32>
    %swap3A_687 = vector.shape_cast %broadcast_in_dim3A_683 : vector<16xf32> to vector<16xf32>
    tpu.vector_store %arg9[%swap3A_684], %swap3A_687 {strides = array<i32>} : memref<5728xf32, #tpu.memory_space<vmem>>, vector<16xf32>,
    %broadcast_in_dim3A_688 = arith.constant 0.000000e+00 : f32
    %broadcast_in_dim3A_689 = vector.broadcast %broadcast_in_dim3A_688 : f32 to vector<16xf32>
    %swap3A_690 = arith.constant 1840 : index
    %swap3A_691 = tpu.vector_load %arg9[%swap3A_690] {strides = array<i32>} : memref<5728xf32, #tpu.memory_space<vmem>>, vector<16xf32>,
    %swap3A_692 = vector.shape_cast %swap3A_691 : vector<16xf32> to vector<16xf32>
    %swap3A_693 = vector.shape_cast %broadcast_in_dim3A_689 : vector<16xf32> to vector<16xf32>
    tpu.vector_store %arg9[%swap3A_690], %swap3A_693 {strides = array<i32>} : memref<5728xf32, #tpu.memory_space<vmem>>, vector<16xf32>,
    %broadcast_in_dim3A_694 = arith.constant 0.000000e+00 : f32
    %broadcast_in_dim3A_695 = vector.broadcast %broadcast_in_dim3A_694 : f32 to vector<16xf32>
    %swap3A_696 = arith.constant 1856 : index
    %swap3A_697 = tpu.vector_load %arg9[%swap3A_696] {strides = array<i32>} : memref<5728xf32, #tpu.memory_space<vmem>>, vector<16xf32>,
    %swap3A_698 = vector.shape_cast %swap3A_697 : vector<16xf32> to vector<16xf32>
    %swap3A_699 = vector.shape_cast %broadcast_in_dim3A_695 : vector<16xf32> to vector<16xf32>
    tpu.vector_store %arg9[%swap3A_696], %swap3A_699 {strides = array<i32>} : memref<5728xf32, #tpu.memory_space<vmem>>, vector<16xf32>,
    %broadcast_in_dim3A_700 = arith.constant 0.000000e+00 : f32
    %broadcast_in_dim3A_701 = vector.broadcast %broadcast_in_dim3A_700 : f32 to vector<16xf32>
    %swap3A_702 = arith.constant 1872 : index
    %swap3A_703 = tpu.vector_load %arg9[%swap3A_702] {strides = array<i32>} : memref<5728xf32, #tpu.memory_space<vmem>>, vector<16xf32>,
    %swap3A_704 = vector.shape_cast %swap3A_703 : vector<16xf32> to vector<16xf32>
    %swap3A_705 = vector.shape_cast %broadcast_in_dim3A_701 : vector<16xf32> to vector<16xf32>
    tpu.vector_store %arg9[%swap3A_702], %swap3A_705 {strides = array<i32>} : memref<5728xf32, #tpu.memory_space<vmem>>, vector<16xf32>,
    %broadcast_in_dim3A_706 = arith.constant 0.000000e+00 : f32
    %broadcast_in_dim3A_707 = vector.broadcast %broadcast_in_dim3A_706 : f32 to vector<16xf32>
    %swap3A_708 = arith.constant 1888 : index
    %swap3A_709 = tpu.vector_load %arg9[%swap3A_708] {strides = array<i32>} : memref<5728xf32, #tpu.memory_space<vmem>>, vector<16xf32>,
    %swap3A_710 = vector.shape_cast %swap3A_709 : vector<16xf32> to vector<16xf32>
    %swap3A_711 = vector.shape_cast %broadcast_in_dim3A_707 : vector<16xf32> to vector<16xf32>
    tpu.vector_store %arg9[%swap3A_708], %swap3A_711 {strides = array<i32>} : memref<5728xf32, #tpu.memory_space<vmem>>, vector<16xf32>,
    %broadcast_in_dim3A_712 = arith.constant 0.000000e+00 : f32
    %broadcast_in_dim3A_713 = vector.broadcast %broadcast_in_dim3A_712 : f32 to vector<16xf32>
    %swap3A_714 = arith.constant 1904 : index
    %swap3A_715 = tpu.vector_load %arg9[%swap3A_714] {strides = array<i32>} : memref<5728xf32, #tpu.memory_space<vmem>>, vector<16xf32>,
    %swap3A_716 = vector.shape_cast %swap3A_715 : vector<16xf32> to vector<16xf32>
    %swap3A_717 = vector.shape_cast %broadcast_in_dim3A_713 : vector<16xf32> to vector<16xf32>
    tpu.vector_store %arg9[%swap3A_714], %swap3A_717 {strides = array<i32>} : memref<5728xf32, #tpu.memory_space<vmem>>, vector<16xf32>,
    %broadcast_in_dim3A_718 = arith.constant 0.000000e+00 : f32
    %broadcast_in_dim3A_719 = vector.broadcast %broadcast_in_dim3A_718 : f32 to vector<16xf32>
    %swap3A_720 = arith.constant 1920 : index
    %swap3A_721 = tpu.vector_load %arg9[%swap3A_720] {strides = array<i32>} : memref<5728xf32, #tpu.memory_space<vmem>>, vector<16xf32>,
    %swap3A_722 = vector.shape_cast %swap3A_721 : vector<16xf32> to vector<16xf32>
    %swap3A_723 = vector.shape_cast %broadcast_in_dim3A_719 : vector<16xf32> to vector<16xf32>
    tpu.vector_store %arg9[%swap3A_720], %swap3A_723 {strides = array<i32>} : memref<5728xf32, #tpu.memory_space<vmem>>, vector<16xf32>,
    %broadcast_in_dim3A_724 = arith.constant 0.000000e+00 : f32
    %broadcast_in_dim3A_725 = vector.broadcast %broadcast_in_dim3A_724 : f32 to vector<16xf32>
    %swap3A_726 = arith.constant 1936 : index
    %swap3A_727 = tpu.vector_load %arg9[%swap3A_726] {strides = array<i32>} : memref<5728xf32, #tpu.memory_space<vmem>>, vector<16xf32>,
    %swap3A_728 = vector.shape_cast %swap3A_727 : vector<16xf32> to vector<16xf32>
    %swap3A_729 = vector.shape_cast %broadcast_in_dim3A_725 : vector<16xf32> to vector<16xf32>
    tpu.vector_store %arg9[%swap3A_726], %swap3A_729 {strides = array<i32>} : memref<5728xf32, #tpu.memory_space<vmem>>, vector<16xf32>,
    %broadcast_in_dim3A_730 = arith.constant 0.000000e+00 : f32
    %broadcast_in_dim3A_731 = vector.broadcast %broadcast_in_dim3A_730 : f32 to vector<16xf32>
    %swap3A_732 = arith.constant 1952 : index
    %swap3A_733 = tpu.vector_load %arg9[%swap3A_732] {strides = array<i32>} : memref<5728xf32, #tpu.memory_space<vmem>>, vector<16xf32>,
    %swap3A_734 = vector.shape_cast %swap3A_733 : vector<16xf32> to vector<16xf32>
    %swap3A_735 = vector.shape_cast %broadcast_in_dim3A_731 : vector<16xf32> to vector<16xf32>
    tpu.vector_store %arg9[%swap3A_732], %swap3A_735 {strides = array<i32>} : memref<5728xf32, #tpu.memory_space<vmem>>, vector<16xf32>,
    %broadcast_in_dim3A_736 = arith.constant 0.000000e+00 : f32
    %broadcast_in_dim3A_737 = vector.broadcast %broadcast_in_dim3A_736 : f32 to vector<16xf32>
    %swap3A_738 = arith.constant 1968 : index
    %swap3A_739 = tpu.vector_load %arg9[%swap3A_738] {strides = array<i32>} : memref<5728xf32, #tpu.memory_space<vmem>>, vector<16xf32>,
    %swap3A_740 = vector.shape_cast %swap3A_739 : vector<16xf32> to vector<16xf32>
    %swap3A_741 = vector.shape_cast %broadcast_in_dim3A_737 : vector<16xf32> to vector<16xf32>
    tpu.vector_store %arg9[%swap3A_738], %swap3A_741 {strides = array<i32>} : memref<5728xf32, #tpu.memory_space<vmem>>, vector<16xf32>,
    %broadcast_in_dim3A_742 = arith.constant 0.000000e+00 : f32
    %broadcast_in_dim3A_743 = vector.broadcast %broadcast_in_dim3A_742 : f32 to vector<16xf32>
    %swap3A_744 = arith.constant 1984 : index
    %swap3A_745 = tpu.vector_load %arg9[%swap3A_744] {strides = array<i32>} : memref<5728xf32, #tpu.memory_space<vmem>>, vector<16xf32>,
    %swap3A_746 = vector.shape_cast %swap3A_745 : vector<16xf32> to vector<16xf32>
    %swap3A_747 = vector.shape_cast %broadcast_in_dim3A_743 : vector<16xf32> to vector<16xf32>
    tpu.vector_store %arg9[%swap3A_744], %swap3A_747 {strides = array<i32>} : memref<5728xf32, #tpu.memory_space<vmem>>, vector<16xf32>,
    %broadcast_in_dim3A_748 = arith.constant 0.000000e+00 : f32
    %broadcast_in_dim3A_749 = vector.broadcast %broadcast_in_dim3A_748 : f32 to vector<16xf32>
    %swap3A_750 = arith.constant 2000 : index
    %swap3A_751 = tpu.vector_load %arg9[%swap3A_750] {strides = array<i32>} : memref<5728xf32, #tpu.memory_space<vmem>>, vector<16xf32>,
    %swap3A_752 = vector.shape_cast %swap3A_751 : vector<16xf32> to vector<16xf32>
    %swap3A_753 = vector.shape_cast %broadcast_in_dim3A_749 : vector<16xf32> to vector<16xf32>
    tpu.vector_store %arg9[%swap3A_750], %swap3A_753 {strides = array<i32>} : memref<5728xf32, #tpu.memory_space<vmem>>, vector<16xf32>,
    %broadcast_in_dim3A_754 = arith.constant 0.000000e+00 : f32
    %broadcast_in_dim3A_755 = vector.broadcast %broadcast_in_dim3A_754 : f32 to vector<16xf32>
    %swap3A_756 = arith.constant 2016 : index
    %swap3A_757 = tpu.vector_load %arg9[%swap3A_756] {strides = array<i32>} : memref<5728xf32, #tpu.memory_space<vmem>>, vector<16xf32>,
    %swap3A_758 = vector.shape_cast %swap3A_757 : vector<16xf32> to vector<16xf32>
    %swap3A_759 = vector.shape_cast %broadcast_in_dim3A_755 : vector<16xf32> to vector<16xf32>
    tpu.vector_store %arg9[%swap3A_756], %swap3A_759 {strides = array<i32>} : memref<5728xf32, #tpu.memory_space<vmem>>, vector<16xf32>,
    %broadcast_in_dim3A_760 = arith.constant 0.000000e+00 : f32
    %broadcast_in_dim3A_761 = vector.broadcast %broadcast_in_dim3A_760 : f32 to vector<16xf32>
    %swap3A_762 = arith.constant 2032 : index
    %swap3A_763 = tpu.vector_load %arg9[%swap3A_762] {strides = array<i32>} : memref<5728xf32, #tpu.memory_space<vmem>>, vector<16xf32>,
    %swap3A_764 = vector.shape_cast %swap3A_763 : vector<16xf32> to vector<16xf32>
    %swap3A_765 = vector.shape_cast %broadcast_in_dim3A_761 : vector<16xf32> to vector<16xf32>
    tpu.vector_store %arg9[%swap3A_762], %swap3A_765 {strides = array<i32>} : memref<5728xf32, #tpu.memory_space<vmem>>, vector<16xf32>,
    %broadcast_in_dim3A_766 = arith.constant 0.000000e+00 : f32
    %broadcast_in_dim3A_767 = vector.broadcast %broadcast_in_dim3A_766 : f32 to vector<16xf32>
    %swap3A_768 = arith.constant 2048 : index
    %swap3A_769 = tpu.vector_load %arg9[%swap3A_768] {strides = array<i32>} : memref<5728xf32, #tpu.memory_space<vmem>>, vector<16xf32>,
    %swap3A_770 = vector.shape_cast %swap3A_769 : vector<16xf32> to vector<16xf32>
    %swap3A_771 = vector.shape_cast %broadcast_in_dim3A_767 : vector<16xf32> to vector<16xf32>
    tpu.vector_store %arg9[%swap3A_768], %swap3A_771 {strides = array<i32>} : memref<5728xf32, #tpu.memory_space<vmem>>, vector<16xf32>,
    %broadcast_in_dim3A_772 = arith.constant 0.000000e+00 : f32
    %broadcast_in_dim3A_773 = vector.broadcast %broadcast_in_dim3A_772 : f32 to vector<16xf32>
    %swap3A_774 = arith.constant 2064 : index
    %swap3A_775 = tpu.vector_load %arg9[%swap3A_774] {strides = array<i32>} : memref<5728xf32, #tpu.memory_space<vmem>>, vector<16xf32>,
    %swap3A_776 = vector.shape_cast %swap3A_775 : vector<16xf32> to vector<16xf32>
    %swap3A_777 = vector.shape_cast %broadcast_in_dim3A_773 : vector<16xf32> to vector<16xf32>
    tpu.vector_store %arg9[%swap3A_774], %swap3A_777 {strides = array<i32>} : memref<5728xf32, #tpu.memory_space<vmem>>, vector<16xf32>,
    %broadcast_in_dim3A_778 = arith.constant 0.000000e+00 : f32
    %broadcast_in_dim3A_779 = vector.broadcast %broadcast_in_dim3A_778 : f32 to vector<16xf32>
    %swap3A_780 = arith.constant 2080 : index
    %swap3A_781 = tpu.vector_load %arg9[%swap3A_780] {strides = array<i32>} : memref<5728xf32, #tpu.memory_space<vmem>>, vector<16xf32>,
    %swap3A_782 = vector.shape_cast %swap3A_781 : vector<16xf32> to vector<16xf32>
    %swap3A_783 = vector.shape_cast %broadcast_in_dim3A_779 : vector<16xf32> to vector<16xf32>
    tpu.vector_store %arg9[%swap3A_780], %swap3A_783 {strides = array<i32>} : memref<5728xf32, #tpu.memory_space<vmem>>, vector<16xf32>,
    %broadcast_in_dim3A_784 = arith.constant 0.000000e+00 : f32
    %broadcast_in_dim3A_785 = vector.broadcast %broadcast_in_dim3A_784 : f32 to vector<16xf32>
    %swap3A_786 = arith.constant 2096 : index
    %swap3A_787 = tpu.vector_load %arg9[%swap3A_786] {strides = array<i32>} : memref<5728xf32, #tpu.memory_space<vmem>>, vector<16xf32>,
    %swap3A_788 = vector.shape_cast %swap3A_787 : vector<16xf32> to vector<16xf32>
    %swap3A_789 = vector.shape_cast %broadcast_in_dim3A_785 : vector<16xf32> to vector<16xf32>
    tpu.vector_store %arg9[%swap3A_786], %swap3A_789 {strides = array<i32>} : memref<5728xf32, #tpu.memory_space<vmem>>, vector<16xf32>,
    %broadcast_in_dim3A_790 = arith.constant 0.000000e+00 : f32
    %broadcast_in_dim3A_791 = vector.broadcast %broadcast_in_dim3A_790 : f32 to vector<16xf32>
    %swap3A_792 = arith.constant 2112 : index
    %swap3A_793 = tpu.vector_load %arg9[%swap3A_792] {strides = array<i32>} : memref<5728xf32, #tpu.memory_space<vmem>>, vector<16xf32>,
    %swap3A_794 = vector.shape_cast %swap3A_793 : vector<16xf32> to vector<16xf32>
    %swap3A_795 = vector.shape_cast %broadcast_in_dim3A_791 : vector<16xf32> to vector<16xf32>
    tpu.vector_store %arg9[%swap3A_792], %swap3A_795 {strides = array<i32>} : memref<5728xf32, #tpu.memory_space<vmem>>, vector<16xf32>,
    %broadcast_in_dim3A_796 = arith.constant 0.000000e+00 : f32
    %broadcast_in_dim3A_797 = vector.broadcast %broadcast_in_dim3A_796 : f32 to vector<16xf32>
    %swap3A_798 = arith.constant 2128 : index
    %swap3A_799 = tpu.vector_load %arg9[%swap3A_798] {strides = array<i32>} : memref<5728xf32, #tpu.memory_space<vmem>>, vector<16xf32>,
    %swap3A_800 = vector.shape_cast %swap3A_799 : vector<16xf32> to vector<16xf32>
    %swap3A_801 = vector.shape_cast %broadcast_in_dim3A_797 : vector<16xf32> to vector<16xf32>
    tpu.vector_store %arg9[%swap3A_798], %swap3A_801 {strides = array<i32>} : memref<5728xf32, #tpu.memory_space<vmem>>, vector<16xf32>,
    %broadcast_in_dim3A_802 = arith.constant 0.000000e+00 : f32
    %broadcast_in_dim3A_803 = vector.broadcast %broadcast_in_dim3A_802 : f32 to vector<16xf32>
    %swap3A_804 = arith.constant 2144 : index
    %swap3A_805 = tpu.vector_load %arg9[%swap3A_804] {strides = array<i32>} : memref<5728xf32, #tpu.memory_space<vmem>>, vector<16xf32>,
    %swap3A_806 = vector.shape_cast %swap3A_805 : vector<16xf32> to vector<16xf32>
    %swap3A_807 = vector.shape_cast %broadcast_in_dim3A_803 : vector<16xf32> to vector<16xf32>
    tpu.vector_store %arg9[%swap3A_804], %swap3A_807 {strides = array<i32>} : memref<5728xf32, #tpu.memory_space<vmem>>, vector<16xf32>,
    %broadcast_in_dim3A_808 = arith.constant 0.000000e+00 : f32
    %broadcast_in_dim3A_809 = vector.broadcast %broadcast_in_dim3A_808 : f32 to vector<16xf32>
    %swap3A_810 = arith.constant 2160 : index
    %swap3A_811 = tpu.vector_load %arg9[%swap3A_810] {strides = array<i32>} : memref<5728xf32, #tpu.memory_space<vmem>>, vector<16xf32>,
    %swap3A_812 = vector.shape_cast %swap3A_811 : vector<16xf32> to vector<16xf32>
    %swap3A_813 = vector.shape_cast %broadcast_in_dim3A_809 : vector<16xf32> to vector<16xf32>
    tpu.vector_store %arg9[%swap3A_810], %swap3A_813 {strides = array<i32>} : memref<5728xf32, #tpu.memory_space<vmem>>, vector<16xf32>,
    %broadcast_in_dim3A_814 = arith.constant 0.000000e+00 : f32
    %broadcast_in_dim3A_815 = vector.broadcast %broadcast_in_dim3A_814 : f32 to vector<16xf32>
    %swap3A_816 = arith.constant 2176 : index
    %swap3A_817 = tpu.vector_load %arg9[%swap3A_816] {strides = array<i32>} : memref<5728xf32, #tpu.memory_space<vmem>>, vector<16xf32>,
    %swap3A_818 = vector.shape_cast %swap3A_817 : vector<16xf32> to vector<16xf32>
    %swap3A_819 = vector.shape_cast %broadcast_in_dim3A_815 : vector<16xf32> to vector<16xf32>
    tpu.vector_store %arg9[%swap3A_816], %swap3A_819 {strides = array<i32>} : memref<5728xf32, #tpu.memory_space<vmem>>, vector<16xf32>,
    %broadcast_in_dim3A_820 = arith.constant 0.000000e+00 : f32
    %broadcast_in_dim3A_821 = vector.broadcast %broadcast_in_dim3A_820 : f32 to vector<16xf32>
    %swap3A_822 = arith.constant 2192 : index
    %swap3A_823 = tpu.vector_load %arg9[%swap3A_822] {strides = array<i32>} : memref<5728xf32, #tpu.memory_space<vmem>>, vector<16xf32>,
    %swap3A_824 = vector.shape_cast %swap3A_823 : vector<16xf32> to vector<16xf32>
    %swap3A_825 = vector.shape_cast %broadcast_in_dim3A_821 : vector<16xf32> to vector<16xf32>
    tpu.vector_store %arg9[%swap3A_822], %swap3A_825 {strides = array<i32>} : memref<5728xf32, #tpu.memory_space<vmem>>, vector<16xf32>,
    %broadcast_in_dim3A_826 = arith.constant 0.000000e+00 : f32
    %broadcast_in_dim3A_827 = vector.broadcast %broadcast_in_dim3A_826 : f32 to vector<16xf32>
    %swap3A_828 = arith.constant 2208 : index
    %swap3A_829 = tpu.vector_load %arg9[%swap3A_828] {strides = array<i32>} : memref<5728xf32, #tpu.memory_space<vmem>>, vector<16xf32>,
    %swap3A_830 = vector.shape_cast %swap3A_829 : vector<16xf32> to vector<16xf32>
    %swap3A_831 = vector.shape_cast %broadcast_in_dim3A_827 : vector<16xf32> to vector<16xf32>
    tpu.vector_store %arg9[%swap3A_828], %swap3A_831 {strides = array<i32>} : memref<5728xf32, #tpu.memory_space<vmem>>, vector<16xf32>,
    %broadcast_in_dim3A_832 = arith.constant 0.000000e+00 : f32
    %broadcast_in_dim3A_833 = vector.broadcast %broadcast_in_dim3A_832 : f32 to vector<16xf32>
    %swap3A_834 = arith.constant 2224 : index
    %swap3A_835 = tpu.vector_load %arg9[%swap3A_834] {strides = array<i32>} : memref<5728xf32, #tpu.memory_space<vmem>>, vector<16xf32>,
    %swap3A_836 = vector.shape_cast %swap3A_835 : vector<16xf32> to vector<16xf32>
    %swap3A_837 = vector.shape_cast %broadcast_in_dim3A_833 : vector<16xf32> to vector<16xf32>
    tpu.vector_store %arg9[%swap3A_834], %swap3A_837 {strides = array<i32>} : memref<5728xf32, #tpu.memory_space<vmem>>, vector<16xf32>,
    %broadcast_in_dim3A_838 = arith.constant 0.000000e+00 : f32
    %broadcast_in_dim3A_839 = vector.broadcast %broadcast_in_dim3A_838 : f32 to vector<16xf32>
    %swap3A_840 = arith.constant 2240 : index
    %swap3A_841 = tpu.vector_load %arg9[%swap3A_840] {strides = array<i32>} : memref<5728xf32, #tpu.memory_space<vmem>>, vector<16xf32>,
    %swap3A_842 = vector.shape_cast %swap3A_841 : vector<16xf32> to vector<16xf32>
    %swap3A_843 = vector.shape_cast %broadcast_in_dim3A_839 : vector<16xf32> to vector<16xf32>
    tpu.vector_store %arg9[%swap3A_840], %swap3A_843 {strides = array<i32>} : memref<5728xf32, #tpu.memory_space<vmem>>, vector<16xf32>,
    %broadcast_in_dim3A_844 = arith.constant 0.000000e+00 : f32
    %broadcast_in_dim3A_845 = vector.broadcast %broadcast_in_dim3A_844 : f32 to vector<16xf32>
    %swap3A_846 = arith.constant 2256 : index
    %swap3A_847 = tpu.vector_load %arg9[%swap3A_846] {strides = array<i32>} : memref<5728xf32, #tpu.memory_space<vmem>>, vector<16xf32>,
    %swap3A_848 = vector.shape_cast %swap3A_847 : vector<16xf32> to vector<16xf32>
    %swap3A_849 = vector.shape_cast %broadcast_in_dim3A_845 : vector<16xf32> to vector<16xf32>
    tpu.vector_store %arg9[%swap3A_846], %swap3A_849 {strides = array<i32>} : memref<5728xf32, #tpu.memory_space<vmem>>, vector<16xf32>,
    %broadcast_in_dim3A_850 = arith.constant 0.000000e+00 : f32
    %broadcast_in_dim3A_851 = vector.broadcast %broadcast_in_dim3A_850 : f32 to vector<16xf32>
    %swap3A_852 = arith.constant 2272 : index
    %swap3A_853 = tpu.vector_load %arg9[%swap3A_852] {strides = array<i32>} : memref<5728xf32, #tpu.memory_space<vmem>>, vector<16xf32>,
    %swap3A_854 = vector.shape_cast %swap3A_853 : vector<16xf32> to vector<16xf32>
    %swap3A_855 = vector.shape_cast %broadcast_in_dim3A_851 : vector<16xf32> to vector<16xf32>
    tpu.vector_store %arg9[%swap3A_852], %swap3A_855 {strides = array<i32>} : memref<5728xf32, #tpu.memory_space<vmem>>, vector<16xf32>,
    %broadcast_in_dim3A_856 = arith.constant 0.000000e+00 : f32
    %broadcast_in_dim3A_857 = vector.broadcast %broadcast_in_dim3A_856 : f32 to vector<16xf32>
    %swap3A_858 = arith.constant 2288 : index
    %swap3A_859 = tpu.vector_load %arg9[%swap3A_858] {strides = array<i32>} : memref<5728xf32, #tpu.memory_space<vmem>>, vector<16xf32>,
    %swap3A_860 = vector.shape_cast %swap3A_859 : vector<16xf32> to vector<16xf32>
    %swap3A_861 = vector.shape_cast %broadcast_in_dim3A_857 : vector<16xf32> to vector<16xf32>
    tpu.vector_store %arg9[%swap3A_858], %swap3A_861 {strides = array<i32>} : memref<5728xf32, #tpu.memory_space<vmem>>, vector<16xf32>,
    %broadcast_in_dim3A_862 = arith.constant 0.000000e+00 : f32
    %broadcast_in_dim3A_863 = vector.broadcast %broadcast_in_dim3A_862 : f32 to vector<16xf32>
    %swap3A_864 = arith.constant 2304 : index
    %swap3A_865 = tpu.vector_load %arg9[%swap3A_864] {strides = array<i32>} : memref<5728xf32, #tpu.memory_space<vmem>>, vector<16xf32>,
    %swap3A_866 = vector.shape_cast %swap3A_865 : vector<16xf32> to vector<16xf32>
    %swap3A_867 = vector.shape_cast %broadcast_in_dim3A_863 : vector<16xf32> to vector<16xf32>
    tpu.vector_store %arg9[%swap3A_864], %swap3A_867 {strides = array<i32>} : memref<5728xf32, #tpu.memory_space<vmem>>, vector<16xf32>,
    %broadcast_in_dim3A_868 = arith.constant 0.000000e+00 : f32
    %broadcast_in_dim3A_869 = vector.broadcast %broadcast_in_dim3A_868 : f32 to vector<16xf32>
    %swap3A_870 = arith.constant 2320 : index
    %swap3A_871 = tpu.vector_load %arg9[%swap3A_870] {strides = array<i32>} : memref<5728xf32, #tpu.memory_space<vmem>>, vector<16xf32>,
    %swap3A_872 = vector.shape_cast %swap3A_871 : vector<16xf32> to vector<16xf32>
    %swap3A_873 = vector.shape_cast %broadcast_in_dim3A_869 : vector<16xf32> to vector<16xf32>
    tpu.vector_store %arg9[%swap3A_870], %swap3A_873 {strides = array<i32>} : memref<5728xf32, #tpu.memory_space<vmem>>, vector<16xf32>,
    %broadcast_in_dim3A_874 = arith.constant 0.000000e+00 : f32
    %broadcast_in_dim3A_875 = vector.broadcast %broadcast_in_dim3A_874 : f32 to vector<16xf32>
    %swap3A_876 = arith.constant 2336 : index
    %swap3A_877 = tpu.vector_load %arg9[%swap3A_876] {strides = array<i32>} : memref<5728xf32, #tpu.memory_space<vmem>>, vector<16xf32>,
    %swap3A_878 = vector.shape_cast %swap3A_877 : vector<16xf32> to vector<16xf32>
    %swap3A_879 = vector.shape_cast %broadcast_in_dim3A_875 : vector<16xf32> to vector<16xf32>
    tpu.vector_store %arg9[%swap3A_876], %swap3A_879 {strides = array<i32>} : memref<5728xf32, #tpu.memory_space<vmem>>, vector<16xf32>,
    %broadcast_in_dim3A_880 = arith.constant 0.000000e+00 : f32
    %broadcast_in_dim3A_881 = vector.broadcast %broadcast_in_dim3A_880 : f32 to vector<16xf32>
    %swap3A_882 = arith.constant 2352 : index
    %swap3A_883 = tpu.vector_load %arg9[%swap3A_882] {strides = array<i32>} : memref<5728xf32, #tpu.memory_space<vmem>>, vector<16xf32>,
    %swap3A_884 = vector.shape_cast %swap3A_883 : vector<16xf32> to vector<16xf32>
    %swap3A_885 = vector.shape_cast %broadcast_in_dim3A_881 : vector<16xf32> to vector<16xf32>
    tpu.vector_store %arg9[%swap3A_882], %swap3A_885 {strides = array<i32>} : memref<5728xf32, #tpu.memory_space<vmem>>, vector<16xf32>,
    %broadcast_in_dim3A_886 = arith.constant 0.000000e+00 : f32
    %broadcast_in_dim3A_887 = vector.broadcast %broadcast_in_dim3A_886 : f32 to vector<16xf32>
    %swap3A_888 = arith.constant 2368 : index
    %swap3A_889 = tpu.vector_load %arg9[%swap3A_888] {strides = array<i32>} : memref<5728xf32, #tpu.memory_space<vmem>>, vector<16xf32>,
    %swap3A_890 = vector.shape_cast %swap3A_889 : vector<16xf32> to vector<16xf32>
    %swap3A_891 = vector.shape_cast %broadcast_in_dim3A_887 : vector<16xf32> to vector<16xf32>
    tpu.vector_store %arg9[%swap3A_888], %swap3A_891 {strides = array<i32>} : memref<5728xf32, #tpu.memory_space<vmem>>, vector<16xf32>,
    %broadcast_in_dim3A_892 = arith.constant 0.000000e+00 : f32
    %broadcast_in_dim3A_893 = vector.broadcast %broadcast_in_dim3A_892 : f32 to vector<16xf32>
    %swap3A_894 = arith.constant 2384 : index
    %swap3A_895 = tpu.vector_load %arg9[%swap3A_894] {strides = array<i32>} : memref<5728xf32, #tpu.memory_space<vmem>>, vector<16xf32>,
    %swap3A_896 = vector.shape_cast %swap3A_895 : vector<16xf32> to vector<16xf32>
    %swap3A_897 = vector.shape_cast %broadcast_in_dim3A_893 : vector<16xf32> to vector<16xf32>
    tpu.vector_store %arg9[%swap3A_894], %swap3A_897 {strides = array<i32>} : memref<5728xf32, #tpu.memory_space<vmem>>, vector<16xf32>,
    %broadcast_in_dim3A_898 = arith.constant 0.000000e+00 : f32
    %broadcast_in_dim3A_899 = vector.broadcast %broadcast_in_dim3A_898 : f32 to vector<16xf32>
    %swap3A_900 = arith.constant 2400 : index
    %swap3A_901 = tpu.vector_load %arg9[%swap3A_900] {strides = array<i32>} : memref<5728xf32, #tpu.memory_space<vmem>>, vector<16xf32>,
    %swap3A_902 = vector.shape_cast %swap3A_901 : vector<16xf32> to vector<16xf32>
    %swap3A_903 = vector.shape_cast %broadcast_in_dim3A_899 : vector<16xf32> to vector<16xf32>
    tpu.vector_store %arg9[%swap3A_900], %swap3A_903 {strides = array<i32>} : memref<5728xf32, #tpu.memory_space<vmem>>, vector<16xf32>,
    %broadcast_in_dim3A_904 = arith.constant 0.000000e+00 : f32
    %broadcast_in_dim3A_905 = vector.broadcast %broadcast_in_dim3A_904 : f32 to vector<16xf32>
    %swap3A_906 = arith.constant 2416 : index
    %swap3A_907 = tpu.vector_load %arg9[%swap3A_906] {strides = array<i32>} : memref<5728xf32, #tpu.memory_space<vmem>>, vector<16xf32>,
    %swap3A_908 = vector.shape_cast %swap3A_907 : vector<16xf32> to vector<16xf32>
    %swap3A_909 = vector.shape_cast %broadcast_in_dim3A_905 : vector<16xf32> to vector<16xf32>
    tpu.vector_store %arg9[%swap3A_906], %swap3A_909 {strides = array<i32>} : memref<5728xf32, #tpu.memory_space<vmem>>, vector<16xf32>,
    %broadcast_in_dim3A_910 = arith.constant 0.000000e+00 : f32
    %broadcast_in_dim3A_911 = vector.broadcast %broadcast_in_dim3A_910 : f32 to vector<16xf32>
    %swap3A_912 = arith.constant 2432 : index
    %swap3A_913 = tpu.vector_load %arg9[%swap3A_912] {strides = array<i32>} : memref<5728xf32, #tpu.memory_space<vmem>>, vector<16xf32>,
    %swap3A_914 = vector.shape_cast %swap3A_913 : vector<16xf32> to vector<16xf32>
    %swap3A_915 = vector.shape_cast %broadcast_in_dim3A_911 : vector<16xf32> to vector<16xf32>
    tpu.vector_store %arg9[%swap3A_912], %swap3A_915 {strides = array<i32>} : memref<5728xf32, #tpu.memory_space<vmem>>, vector<16xf32>,
    %broadcast_in_dim3A_916 = arith.constant 0.000000e+00 : f32
    %broadcast_in_dim3A_917 = vector.broadcast %broadcast_in_dim3A_916 : f32 to vector<16xf32>
    %swap3A_918 = arith.constant 2448 : index
    %swap3A_919 = tpu.vector_load %arg9[%swap3A_918] {strides = array<i32>} : memref<5728xf32, #tpu.memory_space<vmem>>, vector<16xf32>,
    %swap3A_920 = vector.shape_cast %swap3A_919 : vector<16xf32> to vector<16xf32>
    %swap3A_921 = vector.shape_cast %broadcast_in_dim3A_917 : vector<16xf32> to vector<16xf32>
    tpu.vector_store %arg9[%swap3A_918], %swap3A_921 {strides = array<i32>} : memref<5728xf32, #tpu.memory_space<vmem>>, vector<16xf32>,
    %broadcast_in_dim3A_922 = arith.constant 0.000000e+00 : f32
    %broadcast_in_dim3A_923 = vector.broadcast %broadcast_in_dim3A_922 : f32 to vector<16xf32>
    %swap3A_924 = arith.constant 2464 : index
    %swap3A_925 = tpu.vector_load %arg9[%swap3A_924] {strides = array<i32>} : memref<5728xf32, #tpu.memory_space<vmem>>, vector<16xf32>,
    %swap3A_926 = vector.shape_cast %swap3A_925 : vector<16xf32> to vector<16xf32>
    %swap3A_927 = vector.shape_cast %broadcast_in_dim3A_923 : vector<16xf32> to vector<16xf32>
    tpu.vector_store %arg9[%swap3A_924], %swap3A_927 {strides = array<i32>} : memref<5728xf32, #tpu.memory_space<vmem>>, vector<16xf32>,
    %broadcast_in_dim3A_928 = arith.constant 0.000000e+00 : f32
    %broadcast_in_dim3A_929 = vector.broadcast %broadcast_in_dim3A_928 : f32 to vector<16xf32>
    %swap3A_930 = arith.constant 2480 : index
    %swap3A_931 = tpu.vector_load %arg9[%swap3A_930] {strides = array<i32>} : memref<5728xf32, #tpu.memory_space<vmem>>, vector<16xf32>,
    %swap3A_932 = vector.shape_cast %swap3A_931 : vector<16xf32> to vector<16xf32>
    %swap3A_933 = vector.shape_cast %broadcast_in_dim3A_929 : vector<16xf32> to vector<16xf32>
    tpu.vector_store %arg9[%swap3A_930], %swap3A_933 {strides = array<i32>} : memref<5728xf32, #tpu.memory_space<vmem>>, vector<16xf32>,
    %broadcast_in_dim3A_934 = arith.constant 0.000000e+00 : f32
    %broadcast_in_dim3A_935 = vector.broadcast %broadcast_in_dim3A_934 : f32 to vector<16xf32>
    %swap3A_936 = arith.constant 2496 : index
    %swap3A_937 = tpu.vector_load %arg9[%swap3A_936] {strides = array<i32>} : memref<5728xf32, #tpu.memory_space<vmem>>, vector<16xf32>,
    %swap3A_938 = vector.shape_cast %swap3A_937 : vector<16xf32> to vector<16xf32>
    %swap3A_939 = vector.shape_cast %broadcast_in_dim3A_935 : vector<16xf32> to vector<16xf32>
    tpu.vector_store %arg9[%swap3A_936], %swap3A_939 {strides = array<i32>} : memref<5728xf32, #tpu.memory_space<vmem>>, vector<16xf32>,
    %broadcast_in_dim3A_940 = arith.constant 0.000000e+00 : f32
    %broadcast_in_dim3A_941 = vector.broadcast %broadcast_in_dim3A_940 : f32 to vector<16xf32>
    %swap3A_942 = arith.constant 2512 : index
    %swap3A_943 = tpu.vector_load %arg9[%swap3A_942] {strides = array<i32>} : memref<5728xf32, #tpu.memory_space<vmem>>, vector<16xf32>,
    %swap3A_944 = vector.shape_cast %swap3A_943 : vector<16xf32> to vector<16xf32>
    %swap3A_945 = vector.shape_cast %broadcast_in_dim3A_941 : vector<16xf32> to vector<16xf32>
    tpu.vector_store %arg9[%swap3A_942], %swap3A_945 {strides = array<i32>} : memref<5728xf32, #tpu.memory_space<vmem>>, vector<16xf32>,
    %broadcast_in_dim3A_946 = arith.constant 0.000000e+00 : f32
    %broadcast_in_dim3A_947 = vector.broadcast %broadcast_in_dim3A_946 : f32 to vector<16xf32>
    %swap3A_948 = arith.constant 2528 : index
    %swap3A_949 = tpu.vector_load %arg9[%swap3A_948] {strides = array<i32>} : memref<5728xf32, #tpu.memory_space<vmem>>, vector<16xf32>,
    %swap3A_950 = vector.shape_cast %swap3A_949 : vector<16xf32> to vector<16xf32>
    %swap3A_951 = vector.shape_cast %broadcast_in_dim3A_947 : vector<16xf32> to vector<16xf32>
    tpu.vector_store %arg9[%swap3A_948], %swap3A_951 {strides = array<i32>} : memref<5728xf32, #tpu.memory_space<vmem>>, vector<16xf32>,
    %broadcast_in_dim3A_952 = arith.constant 0.000000e+00 : f32
    %broadcast_in_dim3A_953 = vector.broadcast %broadcast_in_dim3A_952 : f32 to vector<16xf32>
    %swap3A_954 = arith.constant 2544 : index
    %swap3A_955 = tpu.vector_load %arg9[%swap3A_954] {strides = array<i32>} : memref<5728xf32, #tpu.memory_space<vmem>>, vector<16xf32>,
    %swap3A_956 = vector.shape_cast %swap3A_955 : vector<16xf32> to vector<16xf32>
    %swap3A_957 = vector.shape_cast %broadcast_in_dim3A_953 : vector<16xf32> to vector<16xf32>
    tpu.vector_store %arg9[%swap3A_954], %swap3A_957 {strides = array<i32>} : memref<5728xf32, #tpu.memory_space<vmem>>, vector<16xf32>,
    %broadcast_in_dim3A_958 = arith.constant 0.000000e+00 : f32
    %broadcast_in_dim3A_959 = vector.broadcast %broadcast_in_dim3A_958 : f32 to vector<16xf32>
    %swap3A_960 = arith.constant 2560 : index
    %swap3A_961 = tpu.vector_load %arg9[%swap3A_960] {strides = array<i32>} : memref<5728xf32, #tpu.memory_space<vmem>>, vector<16xf32>,
    %swap3A_962 = vector.shape_cast %swap3A_961 : vector<16xf32> to vector<16xf32>
    %swap3A_963 = vector.shape_cast %broadcast_in_dim3A_959 : vector<16xf32> to vector<16xf32>
    tpu.vector_store %arg9[%swap3A_960], %swap3A_963 {strides = array<i32>} : memref<5728xf32, #tpu.memory_space<vmem>>, vector<16xf32>,
    %broadcast_in_dim3A_964 = arith.constant 0.000000e+00 : f32
    %broadcast_in_dim3A_965 = vector.broadcast %broadcast_in_dim3A_964 : f32 to vector<16xf32>
    %swap3A_966 = arith.constant 2576 : index
    %swap3A_967 = tpu.vector_load %arg9[%swap3A_966] {strides = array<i32>} : memref<5728xf32, #tpu.memory_space<vmem>>, vector<16xf32>,
    %swap3A_968 = vector.shape_cast %swap3A_967 : vector<16xf32> to vector<16xf32>
    %swap3A_969 = vector.shape_cast %broadcast_in_dim3A_965 : vector<16xf32> to vector<16xf32>
    tpu.vector_store %arg9[%swap3A_966], %swap3A_969 {strides = array<i32>} : memref<5728xf32, #tpu.memory_space<vmem>>, vector<16xf32>,
    %broadcast_in_dim3A_970 = arith.constant 0.000000e+00 : f32
    %broadcast_in_dim3A_971 = vector.broadcast %broadcast_in_dim3A_970 : f32 to vector<16xf32>
    %swap3A_972 = arith.constant 2592 : index
    %swap3A_973 = tpu.vector_load %arg9[%swap3A_972] {strides = array<i32>} : memref<5728xf32, #tpu.memory_space<vmem>>, vector<16xf32>,
    %swap3A_974 = vector.shape_cast %swap3A_973 : vector<16xf32> to vector<16xf32>
    %swap3A_975 = vector.shape_cast %broadcast_in_dim3A_971 : vector<16xf32> to vector<16xf32>
    tpu.vector_store %arg9[%swap3A_972], %swap3A_975 {strides = array<i32>} : memref<5728xf32, #tpu.memory_space<vmem>>, vector<16xf32>,
    %broadcast_in_dim3A_976 = arith.constant 0.000000e+00 : f32
    %broadcast_in_dim3A_977 = vector.broadcast %broadcast_in_dim3A_976 : f32 to vector<16xf32>
    %swap3A_978 = arith.constant 2608 : index
    %swap3A_979 = tpu.vector_load %arg9[%swap3A_978] {strides = array<i32>} : memref<5728xf32, #tpu.memory_space<vmem>>, vector<16xf32>,
    %swap3A_980 = vector.shape_cast %swap3A_979 : vector<16xf32> to vector<16xf32>
    %swap3A_981 = vector.shape_cast %broadcast_in_dim3A_977 : vector<16xf32> to vector<16xf32>
    tpu.vector_store %arg9[%swap3A_978], %swap3A_981 {strides = array<i32>} : memref<5728xf32, #tpu.memory_space<vmem>>, vector<16xf32>,
    %broadcast_in_dim3A_982 = arith.constant 0.000000e+00 : f32
    %broadcast_in_dim3A_983 = vector.broadcast %broadcast_in_dim3A_982 : f32 to vector<16xf32>
    %swap3A_984 = arith.constant 2624 : index
    %swap3A_985 = tpu.vector_load %arg9[%swap3A_984] {strides = array<i32>} : memref<5728xf32, #tpu.memory_space<vmem>>, vector<16xf32>,
    %swap3A_986 = vector.shape_cast %swap3A_985 : vector<16xf32> to vector<16xf32>
    %swap3A_987 = vector.shape_cast %broadcast_in_dim3A_983 : vector<16xf32> to vector<16xf32>
    tpu.vector_store %arg9[%swap3A_984], %swap3A_987 {strides = array<i32>} : memref<5728xf32, #tpu.memory_space<vmem>>, vector<16xf32>,
    %broadcast_in_dim3A_988 = arith.constant 0.000000e+00 : f32
    %broadcast_in_dim3A_989 = vector.broadcast %broadcast_in_dim3A_988 : f32 to vector<16xf32>
    %swap3A_990 = arith.constant 2640 : index
    %swap3A_991 = tpu.vector_load %arg9[%swap3A_990] {strides = array<i32>} : memref<5728xf32, #tpu.memory_space<vmem>>, vector<16xf32>,
    %swap3A_992 = vector.shape_cast %swap3A_991 : vector<16xf32> to vector<16xf32>
    %swap3A_993 = vector.shape_cast %broadcast_in_dim3A_989 : vector<16xf32> to vector<16xf32>
    tpu.vector_store %arg9[%swap3A_990], %swap3A_993 {strides = array<i32>} : memref<5728xf32, #tpu.memory_space<vmem>>, vector<16xf32>,
    %broadcast_in_dim3A_994 = arith.constant 0.000000e+00 : f32
    %broadcast_in_dim3A_995 = vector.broadcast %broadcast_in_dim3A_994 : f32 to vector<16xf32>
    %swap3A_996 = arith.constant 2656 : index
    %swap3A_997 = tpu.vector_load %arg9[%swap3A_996] {strides = array<i32>} : memref<5728xf32, #tpu.memory_space<vmem>>, vector<16xf32>,
    %swap3A_998 = vector.shape_cast %swap3A_997 : vector<16xf32> to vector<16xf32>
    %swap3A_999 = vector.shape_cast %broadcast_in_dim3A_995 : vector<16xf32> to vector<16xf32>
    tpu.vector_store %arg9[%swap3A_996], %swap3A_999 {strides = array<i32>} : memref<5728xf32, #tpu.memory_space<vmem>>, vector<16xf32>,
    %broadcast_in_dim3A_1000 = arith.constant 0.000000e+00 : f32
    %broadcast_in_dim3A_1001 = vector.broadcast %broadcast_in_dim3A_1000 : f32 to vector<16xf32>
    %swap3A_1002 = arith.constant 2672 : index
    %swap3A_1003 = tpu.vector_load %arg9[%swap3A_1002] {strides = array<i32>} : memref<5728xf32, #tpu.memory_space<vmem>>, vector<16xf32>,
    %swap3A_1004 = vector.shape_cast %swap3A_1003 : vector<16xf32> to vector<16xf32>
    %swap3A_1005 = vector.shape_cast %broadcast_in_dim3A_1001 : vector<16xf32> to vector<16xf32>
    tpu.vector_store %arg9[%swap3A_1002], %swap3A_1005 {strides = array<i32>} : memref<5728xf32, #tpu.memory_space<vmem>>, vector<16xf32>,
    %broadcast_in_dim3A_1006 = arith.constant 0.000000e+00 : f32
    %broadcast_in_dim3A_1007 = vector.broadcast %broadcast_in_dim3A_1006 : f32 to vector<16xf32>
    %swap3A_1008 = arith.constant 2688 : index
    %swap3A_1009 = tpu.vector_load %arg9[%swap3A_1008] {strides = array<i32>} : memref<5728xf32, #tpu.memory_space<vmem>>, vector<16xf32>,
    %swap3A_1010 = vector.shape_cast %swap3A_1009 : vector<16xf32> to vector<16xf32>
    %swap3A_1011 = vector.shape_cast %broadcast_in_dim3A_1007 : vector<16xf32> to vector<16xf32>
    tpu.vector_store %arg9[%swap3A_1008], %swap3A_1011 {strides = array<i32>} : memref<5728xf32, #tpu.memory_space<vmem>>, vector<16xf32>,
    %broadcast_in_dim3A_1012 = arith.constant 0.000000e+00 : f32
    %broadcast_in_dim3A_1013 = vector.broadcast %broadcast_in_dim3A_1012 : f32 to vector<16xf32>
    %swap3A_1014 = arith.constant 2704 : index
    %swap3A_1015 = tpu.vector_load %arg9[%swap3A_1014] {strides = array<i32>} : memref<5728xf32, #tpu.memory_space<vmem>>, vector<16xf32>,
    %swap3A_1016 = vector.shape_cast %swap3A_1015 : vector<16xf32> to vector<16xf32>
    %swap3A_1017 = vector.shape_cast %broadcast_in_dim3A_1013 : vector<16xf32> to vector<16xf32>
    tpu.vector_store %arg9[%swap3A_1014], %swap3A_1017 {strides = array<i32>} : memref<5728xf32, #tpu.memory_space<vmem>>, vector<16xf32>,
    %broadcast_in_dim3A_1018 = arith.constant 0.000000e+00 : f32
    %broadcast_in_dim3A_1019 = vector.broadcast %broadcast_in_dim3A_1018 : f32 to vector<16xf32>
    %swap3A_1020 = arith.constant 2720 : index
    %swap3A_1021 = tpu.vector_load %arg9[%swap3A_1020] {strides = array<i32>} : memref<5728xf32, #tpu.memory_space<vmem>>, vector<16xf32>,
    %swap3A_1022 = vector.shape_cast %swap3A_1021 : vector<16xf32> to vector<16xf32>
    %swap3A_1023 = vector.shape_cast %broadcast_in_dim3A_1019 : vector<16xf32> to vector<16xf32>
    tpu.vector_store %arg9[%swap3A_1020], %swap3A_1023 {strides = array<i32>} : memref<5728xf32, #tpu.memory_space<vmem>>, vector<16xf32>,
    %broadcast_in_dim3A_1024 = arith.constant 0.000000e+00 : f32
    %broadcast_in_dim3A_1025 = vector.broadcast %broadcast_in_dim3A_1024 : f32 to vector<16xf32>
    %swap3A_1026 = arith.constant 2736 : index
    %swap3A_1027 = tpu.vector_load %arg9[%swap3A_1026] {strides = array<i32>} : memref<5728xf32, #tpu.memory_space<vmem>>, vector<16xf32>,
    %swap3A_1028 = vector.shape_cast %swap3A_1027 : vector<16xf32> to vector<16xf32>
    %swap3A_1029 = vector.shape_cast %broadcast_in_dim3A_1025 : vector<16xf32> to vector<16xf32>
    tpu.vector_store %arg9[%swap3A_1026], %swap3A_1029 {strides = array<i32>} : memref<5728xf32, #tpu.memory_space<vmem>>, vector<16xf32>,
    %broadcast_in_dim3A_1030 = arith.constant 0.000000e+00 : f32
    %broadcast_in_dim3A_1031 = vector.broadcast %broadcast_in_dim3A_1030 : f32 to vector<16xf32>
    %swap3A_1032 = arith.constant 2752 : index
    %swap3A_1033 = tpu.vector_load %arg9[%swap3A_1032] {strides = array<i32>} : memref<5728xf32, #tpu.memory_space<vmem>>, vector<16xf32>,
    %swap3A_1034 = vector.shape_cast %swap3A_1033 : vector<16xf32> to vector<16xf32>
    %swap3A_1035 = vector.shape_cast %broadcast_in_dim3A_1031 : vector<16xf32> to vector<16xf32>
    tpu.vector_store %arg9[%swap3A_1032], %swap3A_1035 {strides = array<i32>} : memref<5728xf32, #tpu.memory_space<vmem>>, vector<16xf32>,
    %broadcast_in_dim3A_1036 = arith.constant 0.000000e+00 : f32
    %broadcast_in_dim3A_1037 = vector.broadcast %broadcast_in_dim3A_1036 : f32 to vector<16xf32>
    %swap3A_1038 = arith.constant 2768 : index
    %swap3A_1039 = tpu.vector_load %arg9[%swap3A_1038] {strides = array<i32>} : memref<5728xf32, #tpu.memory_space<vmem>>, vector<16xf32>,
    %swap3A_1040 = vector.shape_cast %swap3A_1039 : vector<16xf32> to vector<16xf32>
    %swap3A_1041 = vector.shape_cast %broadcast_in_dim3A_1037 : vector<16xf32> to vector<16xf32>
    tpu.vector_store %arg9[%swap3A_1038], %swap3A_1041 {strides = array<i32>} : memref<5728xf32, #tpu.memory_space<vmem>>, vector<16xf32>,
    %broadcast_in_dim3A_1042 = arith.constant 0.000000e+00 : f32
    %broadcast_in_dim3A_1043 = vector.broadcast %broadcast_in_dim3A_1042 : f32 to vector<16xf32>
    %swap3A_1044 = arith.constant 2784 : index
    %swap3A_1045 = tpu.vector_load %arg9[%swap3A_1044] {strides = array<i32>} : memref<5728xf32, #tpu.memory_space<vmem>>, vector<16xf32>,
    %swap3A_1046 = vector.shape_cast %swap3A_1045 : vector<16xf32> to vector<16xf32>
    %swap3A_1047 = vector.shape_cast %broadcast_in_dim3A_1043 : vector<16xf32> to vector<16xf32>
    tpu.vector_store %arg9[%swap3A_1044], %swap3A_1047 {strides = array<i32>} : memref<5728xf32, #tpu.memory_space<vmem>>, vector<16xf32>,
    %broadcast_in_dim3A_1048 = arith.constant 0.000000e+00 : f32
    %broadcast_in_dim3A_1049 = vector.broadcast %broadcast_in_dim3A_1048 : f32 to vector<16xf32>
    %swap3A_1050 = arith.constant 2800 : index
    %swap3A_1051 = tpu.vector_load %arg9[%swap3A_1050] {strides = array<i32>} : memref<5728xf32, #tpu.memory_space<vmem>>, vector<16xf32>,
    %swap3A_1052 = vector.shape_cast %swap3A_1051 : vector<16xf32> to vector<16xf32>
    %swap3A_1053 = vector.shape_cast %broadcast_in_dim3A_1049 : vector<16xf32> to vector<16xf32>
    tpu.vector_store %arg9[%swap3A_1050], %swap3A_1053 {strides = array<i32>} : memref<5728xf32, #tpu.memory_space<vmem>>, vector<16xf32>,
    %broadcast_in_dim3A_1054 = arith.constant 0.000000e+00 : f32
    %broadcast_in_dim3A_1055 = vector.broadcast %broadcast_in_dim3A_1054 : f32 to vector<16xf32>
    %swap3A_1056 = arith.constant 2816 : index
    %swap3A_1057 = tpu.vector_load %arg9[%swap3A_1056] {strides = array<i32>} : memref<5728xf32, #tpu.memory_space<vmem>>, vector<16xf32>,
    %swap3A_1058 = vector.shape_cast %swap3A_1057 : vector<16xf32> to vector<16xf32>
    %swap3A_1059 = vector.shape_cast %broadcast_in_dim3A_1055 : vector<16xf32> to vector<16xf32>
    tpu.vector_store %arg9[%swap3A_1056], %swap3A_1059 {strides = array<i32>} : memref<5728xf32, #tpu.memory_space<vmem>>, vector<16xf32>,
    %broadcast_in_dim3A_1060 = arith.constant 0.000000e+00 : f32
    %broadcast_in_dim3A_1061 = vector.broadcast %broadcast_in_dim3A_1060 : f32 to vector<16xf32>
    %swap3A_1062 = arith.constant 2832 : index
    %swap3A_1063 = tpu.vector_load %arg9[%swap3A_1062] {strides = array<i32>} : memref<5728xf32, #tpu.memory_space<vmem>>, vector<16xf32>,
    %swap3A_1064 = vector.shape_cast %swap3A_1063 : vector<16xf32> to vector<16xf32>
    %swap3A_1065 = vector.shape_cast %broadcast_in_dim3A_1061 : vector<16xf32> to vector<16xf32>
    tpu.vector_store %arg9[%swap3A_1062], %swap3A_1065 {strides = array<i32>} : memref<5728xf32, #tpu.memory_space<vmem>>, vector<16xf32>,
    %broadcast_in_dim3A_1066 = arith.constant 0.000000e+00 : f32
    %broadcast_in_dim3A_1067 = vector.broadcast %broadcast_in_dim3A_1066 : f32 to vector<16xf32>
    %swap3A_1068 = arith.constant 2848 : index
    %swap3A_1069 = tpu.vector_load %arg9[%swap3A_1068] {strides = array<i32>} : memref<5728xf32, #tpu.memory_space<vmem>>, vector<16xf32>,
    %swap3A_1070 = vector.shape_cast %swap3A_1069 : vector<16xf32> to vector<16xf32>
    %swap3A_1071 = vector.shape_cast %broadcast_in_dim3A_1067 : vector<16xf32> to vector<16xf32>
    tpu.vector_store %arg9[%swap3A_1068], %swap3A_1071 {strides = array<i32>} : memref<5728xf32, #tpu.memory_space<vmem>>, vector<16xf32>,
    %broadcast_in_dim3A_1072 = arith.constant 0.000000e+00 : f32
    %broadcast_in_dim3A_1073 = vector.broadcast %broadcast_in_dim3A_1072 : f32 to vector<16xf32>
    %swap3A_1074 = arith.constant 2864 : index
    %swap3A_1075 = tpu.vector_load %arg9[%swap3A_1074] {strides = array<i32>} : memref<5728xf32, #tpu.memory_space<vmem>>, vector<16xf32>,
    %swap3A_1076 = vector.shape_cast %swap3A_1075 : vector<16xf32> to vector<16xf32>
    %swap3A_1077 = vector.shape_cast %broadcast_in_dim3A_1073 : vector<16xf32> to vector<16xf32>
    tpu.vector_store %arg9[%swap3A_1074], %swap3A_1077 {strides = array<i32>} : memref<5728xf32, #tpu.memory_space<vmem>>, vector<16xf32>,
    %broadcast_in_dim3A_1078 = arith.constant 0.000000e+00 : f32
    %broadcast_in_dim3A_1079 = vector.broadcast %broadcast_in_dim3A_1078 : f32 to vector<16xf32>
    %swap3A_1080 = arith.constant 2880 : index
    %swap3A_1081 = tpu.vector_load %arg9[%swap3A_1080] {strides = array<i32>} : memref<5728xf32, #tpu.memory_space<vmem>>, vector<16xf32>,
    %swap3A_1082 = vector.shape_cast %swap3A_1081 : vector<16xf32> to vector<16xf32>
    %swap3A_1083 = vector.shape_cast %broadcast_in_dim3A_1079 : vector<16xf32> to vector<16xf32>
    tpu.vector_store %arg9[%swap3A_1080], %swap3A_1083 {strides = array<i32>} : memref<5728xf32, #tpu.memory_space<vmem>>, vector<16xf32>,
    %broadcast_in_dim3A_1084 = arith.constant 0.000000e+00 : f32
    %broadcast_in_dim3A_1085 = vector.broadcast %broadcast_in_dim3A_1084 : f32 to vector<16xf32>
    %swap3A_1086 = arith.constant 2896 : index
    %swap3A_1087 = tpu.vector_load %arg9[%swap3A_1086] {strides = array<i32>} : memref<5728xf32, #tpu.memory_space<vmem>>, vector<16xf32>,
    %swap3A_1088 = vector.shape_cast %swap3A_1087 : vector<16xf32> to vector<16xf32>
    %swap3A_1089 = vector.shape_cast %broadcast_in_dim3A_1085 : vector<16xf32> to vector<16xf32>
    tpu.vector_store %arg9[%swap3A_1086], %swap3A_1089 {strides = array<i32>} : memref<5728xf32, #tpu.memory_space<vmem>>, vector<16xf32>,
    %broadcast_in_dim3A_1090 = arith.constant 0.000000e+00 : f32
    %broadcast_in_dim3A_1091 = vector.broadcast %broadcast_in_dim3A_1090 : f32 to vector<16xf32>
    %swap3A_1092 = arith.constant 2912 : index
    %swap3A_1093 = tpu.vector_load %arg9[%swap3A_1092] {strides = array<i32>} : memref<5728xf32, #tpu.memory_space<vmem>>, vector<16xf32>,
    %swap3A_1094 = vector.shape_cast %swap3A_1093 : vector<16xf32> to vector<16xf32>
    %swap3A_1095 = vector.shape_cast %broadcast_in_dim3A_1091 : vector<16xf32> to vector<16xf32>
    tpu.vector_store %arg9[%swap3A_1092], %swap3A_1095 {strides = array<i32>} : memref<5728xf32, #tpu.memory_space<vmem>>, vector<16xf32>,
    %broadcast_in_dim3A_1096 = arith.constant 0.000000e+00 : f32
    %broadcast_in_dim3A_1097 = vector.broadcast %broadcast_in_dim3A_1096 : f32 to vector<16xf32>
    %swap3A_1098 = arith.constant 2928 : index
    %swap3A_1099 = tpu.vector_load %arg9[%swap3A_1098] {strides = array<i32>} : memref<5728xf32, #tpu.memory_space<vmem>>, vector<16xf32>,
    %swap3A_1100 = vector.shape_cast %swap3A_1099 : vector<16xf32> to vector<16xf32>
    %swap3A_1101 = vector.shape_cast %broadcast_in_dim3A_1097 : vector<16xf32> to vector<16xf32>
    tpu.vector_store %arg9[%swap3A_1098], %swap3A_1101 {strides = array<i32>} : memref<5728xf32, #tpu.memory_space<vmem>>, vector<16xf32>,
    %broadcast_in_dim3A_1102 = arith.constant 0.000000e+00 : f32
    %broadcast_in_dim3A_1103 = vector.broadcast %broadcast_in_dim3A_1102 : f32 to vector<16xf32>
    %swap3A_1104 = arith.constant 2944 : index
    %swap3A_1105 = tpu.vector_load %arg9[%swap3A_1104] {strides = array<i32>} : memref<5728xf32, #tpu.memory_space<vmem>>, vector<16xf32>,
    %swap3A_1106 = vector.shape_cast %swap3A_1105 : vector<16xf32> to vector<16xf32>
    %swap3A_1107 = vector.shape_cast %broadcast_in_dim3A_1103 : vector<16xf32> to vector<16xf32>
    tpu.vector_store %arg9[%swap3A_1104], %swap3A_1107 {strides = array<i32>} : memref<5728xf32, #tpu.memory_space<vmem>>, vector<16xf32>,
    %broadcast_in_dim3A_1108 = arith.constant 0.000000e+00 : f32
    %broadcast_in_dim3A_1109 = vector.broadcast %broadcast_in_dim3A_1108 : f32 to vector<16xf32>
    %swap3A_1110 = arith.constant 2960 : index
    %swap3A_1111 = tpu.vector_load %arg9[%swap3A_1110] {strides = array<i32>} : memref<5728xf32, #tpu.memory_space<vmem>>, vector<16xf32>,
    %swap3A_1112 = vector.shape_cast %swap3A_1111 : vector<16xf32> to vector<16xf32>
    %swap3A_1113 = vector.shape_cast %broadcast_in_dim3A_1109 : vector<16xf32> to vector<16xf32>
    tpu.vector_store %arg9[%swap3A_1110], %swap3A_1113 {strides = array<i32>} : memref<5728xf32, #tpu.memory_space<vmem>>, vector<16xf32>,
    %broadcast_in_dim3A_1114 = arith.constant 0.000000e+00 : f32
    %broadcast_in_dim3A_1115 = vector.broadcast %broadcast_in_dim3A_1114 : f32 to vector<16xf32>
    %swap3A_1116 = arith.constant 2976 : index
    %swap3A_1117 = tpu.vector_load %arg9[%swap3A_1116] {strides = array<i32>} : memref<5728xf32, #tpu.memory_space<vmem>>, vector<16xf32>,
    %swap3A_1118 = vector.shape_cast %swap3A_1117 : vector<16xf32> to vector<16xf32>
    %swap3A_1119 = vector.shape_cast %broadcast_in_dim3A_1115 : vector<16xf32> to vector<16xf32>
    tpu.vector_store %arg9[%swap3A_1116], %swap3A_1119 {strides = array<i32>} : memref<5728xf32, #tpu.memory_space<vmem>>, vector<16xf32>,
    %broadcast_in_dim3A_1120 = arith.constant 0.000000e+00 : f32
    %broadcast_in_dim3A_1121 = vector.broadcast %broadcast_in_dim3A_1120 : f32 to vector<16xf32>
    %swap3A_1122 = arith.constant 2992 : index
    %swap3A_1123 = tpu.vector_load %arg9[%swap3A_1122] {strides = array<i32>} : memref<5728xf32, #tpu.memory_space<vmem>>, vector<16xf32>,
    %swap3A_1124 = vector.shape_cast %swap3A_1123 : vector<16xf32> to vector<16xf32>
    %swap3A_1125 = vector.shape_cast %broadcast_in_dim3A_1121 : vector<16xf32> to vector<16xf32>
    tpu.vector_store %arg9[%swap3A_1122], %swap3A_1125 {strides = array<i32>} : memref<5728xf32, #tpu.memory_space<vmem>>, vector<16xf32>,
    %broadcast_in_dim3A_1126 = arith.constant 0.000000e+00 : f32
    %broadcast_in_dim3A_1127 = vector.broadcast %broadcast_in_dim3A_1126 : f32 to vector<16xf32>
    %swap3A_1128 = arith.constant 3008 : index
    %swap3A_1129 = tpu.vector_load %arg9[%swap3A_1128] {strides = array<i32>} : memref<5728xf32, #tpu.memory_space<vmem>>, vector<16xf32>,
    %swap3A_1130 = vector.shape_cast %swap3A_1129 : vector<16xf32> to vector<16xf32>
    %swap3A_1131 = vector.shape_cast %broadcast_in_dim3A_1127 : vector<16xf32> to vector<16xf32>
    tpu.vector_store %arg9[%swap3A_1128], %swap3A_1131 {strides = array<i32>} : memref<5728xf32, #tpu.memory_space<vmem>>, vector<16xf32>,
    %broadcast_in_dim3A_1132 = arith.constant 0.000000e+00 : f32
    %broadcast_in_dim3A_1133 = vector.broadcast %broadcast_in_dim3A_1132 : f32 to vector<16xf32>
    %swap3A_1134 = arith.constant 3024 : index
    %swap3A_1135 = tpu.vector_load %arg9[%swap3A_1134] {strides = array<i32>} : memref<5728xf32, #tpu.memory_space<vmem>>, vector<16xf32>,
    %swap3A_1136 = vector.shape_cast %swap3A_1135 : vector<16xf32> to vector<16xf32>
    %swap3A_1137 = vector.shape_cast %broadcast_in_dim3A_1133 : vector<16xf32> to vector<16xf32>
    tpu.vector_store %arg9[%swap3A_1134], %swap3A_1137 {strides = array<i32>} : memref<5728xf32, #tpu.memory_space<vmem>>, vector<16xf32>,
    %broadcast_in_dim3A_1138 = arith.constant 0.000000e+00 : f32
    %broadcast_in_dim3A_1139 = vector.broadcast %broadcast_in_dim3A_1138 : f32 to vector<16xf32>
    %swap3A_1140 = arith.constant 3040 : index
    %swap3A_1141 = tpu.vector_load %arg9[%swap3A_1140] {strides = array<i32>} : memref<5728xf32, #tpu.memory_space<vmem>>, vector<16xf32>,
    %swap3A_1142 = vector.shape_cast %swap3A_1141 : vector<16xf32> to vector<16xf32>
    %swap3A_1143 = vector.shape_cast %broadcast_in_dim3A_1139 : vector<16xf32> to vector<16xf32>
    tpu.vector_store %arg9[%swap3A_1140], %swap3A_1143 {strides = array<i32>} : memref<5728xf32, #tpu.memory_space<vmem>>, vector<16xf32>,
    %broadcast_in_dim3A_1144 = arith.constant 0.000000e+00 : f32
    %broadcast_in_dim3A_1145 = vector.broadcast %broadcast_in_dim3A_1144 : f32 to vector<16xf32>
    %swap3A_1146 = arith.constant 3056 : index
    %swap3A_1147 = tpu.vector_load %arg9[%swap3A_1146] {strides = array<i32>} : memref<5728xf32, #tpu.memory_space<vmem>>, vector<16xf32>,
    %swap3A_1148 = vector.shape_cast %swap3A_1147 : vector<16xf32> to vector<16xf32>
    %swap3A_1149 = vector.shape_cast %broadcast_in_dim3A_1145 : vector<16xf32> to vector<16xf32>
    tpu.vector_store %arg9[%swap3A_1146], %swap3A_1149 {strides = array<i32>} : memref<5728xf32, #tpu.memory_space<vmem>>, vector<16xf32>,
    %broadcast_in_dim3A_1150 = arith.constant 0.000000e+00 : f32
    %broadcast_in_dim3A_1151 = vector.broadcast %broadcast_in_dim3A_1150 : f32 to vector<16xf32>
    %swap3A_1152 = arith.constant 3072 : index
    %swap3A_1153 = tpu.vector_load %arg9[%swap3A_1152] {strides = array<i32>} : memref<5728xf32, #tpu.memory_space<vmem>>, vector<16xf32>,
    %swap3A_1154 = vector.shape_cast %swap3A_1153 : vector<16xf32> to vector<16xf32>
    %swap3A_1155 = vector.shape_cast %broadcast_in_dim3A_1151 : vector<16xf32> to vector<16xf32>
    tpu.vector_store %arg9[%swap3A_1152], %swap3A_1155 {strides = array<i32>} : memref<5728xf32, #tpu.memory_space<vmem>>, vector<16xf32>,
    %broadcast_in_dim3A_1156 = arith.constant 0.000000e+00 : f32
    %broadcast_in_dim3A_1157 = vector.broadcast %broadcast_in_dim3A_1156 : f32 to vector<16xf32>
    %swap3A_1158 = arith.constant 3088 : index
    %swap3A_1159 = tpu.vector_load %arg9[%swap3A_1158] {strides = array<i32>} : memref<5728xf32, #tpu.memory_space<vmem>>, vector<16xf32>,
    %swap3A_1160 = vector.shape_cast %swap3A_1159 : vector<16xf32> to vector<16xf32>
    %swap3A_1161 = vector.shape_cast %broadcast_in_dim3A_1157 : vector<16xf32> to vector<16xf32>
    tpu.vector_store %arg9[%swap3A_1158], %swap3A_1161 {strides = array<i32>} : memref<5728xf32, #tpu.memory_space<vmem>>, vector<16xf32>,
    %broadcast_in_dim3A_1162 = arith.constant 0.000000e+00 : f32
    %broadcast_in_dim3A_1163 = vector.broadcast %broadcast_in_dim3A_1162 : f32 to vector<16xf32>
    %swap3A_1164 = arith.constant 3104 : index
    %swap3A_1165 = tpu.vector_load %arg9[%swap3A_1164] {strides = array<i32>} : memref<5728xf32, #tpu.memory_space<vmem>>, vector<16xf32>,
    %swap3A_1166 = vector.shape_cast %swap3A_1165 : vector<16xf32> to vector<16xf32>
    %swap3A_1167 = vector.shape_cast %broadcast_in_dim3A_1163 : vector<16xf32> to vector<16xf32>
    tpu.vector_store %arg9[%swap3A_1164], %swap3A_1167 {strides = array<i32>} : memref<5728xf32, #tpu.memory_space<vmem>>, vector<16xf32>,
    %broadcast_in_dim3A_1168 = arith.constant 0.000000e+00 : f32
    %broadcast_in_dim3A_1169 = vector.broadcast %broadcast_in_dim3A_1168 : f32 to vector<16xf32>
    %swap3A_1170 = arith.constant 3120 : index
    %swap3A_1171 = tpu.vector_load %arg9[%swap3A_1170] {strides = array<i32>} : memref<5728xf32, #tpu.memory_space<vmem>>, vector<16xf32>,
    %swap3A_1172 = vector.shape_cast %swap3A_1171 : vector<16xf32> to vector<16xf32>
    %swap3A_1173 = vector.shape_cast %broadcast_in_dim3A_1169 : vector<16xf32> to vector<16xf32>
    tpu.vector_store %arg9[%swap3A_1170], %swap3A_1173 {strides = array<i32>} : memref<5728xf32, #tpu.memory_space<vmem>>, vector<16xf32>,
    %broadcast_in_dim3A_1174 = arith.constant 0.000000e+00 : f32
    %broadcast_in_dim3A_1175 = vector.broadcast %broadcast_in_dim3A_1174 : f32 to vector<16xf32>
    %swap3A_1176 = arith.constant 3136 : index
    %swap3A_1177 = tpu.vector_load %arg9[%swap3A_1176] {strides = array<i32>} : memref<5728xf32, #tpu.memory_space<vmem>>, vector<16xf32>,
    %swap3A_1178 = vector.shape_cast %swap3A_1177 : vector<16xf32> to vector<16xf32>
    %swap3A_1179 = vector.shape_cast %broadcast_in_dim3A_1175 : vector<16xf32> to vector<16xf32>
    tpu.vector_store %arg9[%swap3A_1176], %swap3A_1179 {strides = array<i32>} : memref<5728xf32, #tpu.memory_space<vmem>>, vector<16xf32>,
    %broadcast_in_dim3A_1180 = arith.constant 0.000000e+00 : f32
    %broadcast_in_dim3A_1181 = vector.broadcast %broadcast_in_dim3A_1180 : f32 to vector<16xf32>
    %swap3A_1182 = arith.constant 3152 : index
    %swap3A_1183 = tpu.vector_load %arg9[%swap3A_1182] {strides = array<i32>} : memref<5728xf32, #tpu.memory_space<vmem>>, vector<16xf32>,
    %swap3A_1184 = vector.shape_cast %swap3A_1183 : vector<16xf32> to vector<16xf32>
    %swap3A_1185 = vector.shape_cast %broadcast_in_dim3A_1181 : vector<16xf32> to vector<16xf32>
    tpu.vector_store %arg9[%swap3A_1182], %swap3A_1185 {strides = array<i32>} : memref<5728xf32, #tpu.memory_space<vmem>>, vector<16xf32>,
    %broadcast_in_dim3A_1186 = arith.constant 0.000000e+00 : f32
    %broadcast_in_dim3A_1187 = vector.broadcast %broadcast_in_dim3A_1186 : f32 to vector<16xf32>
    %swap3A_1188 = arith.constant 3168 : index
    %swap3A_1189 = tpu.vector_load %arg9[%swap3A_1188] {strides = array<i32>} : memref<5728xf32, #tpu.memory_space<vmem>>, vector<16xf32>,
    %swap3A_1190 = vector.shape_cast %swap3A_1189 : vector<16xf32> to vector<16xf32>
    %swap3A_1191 = vector.shape_cast %broadcast_in_dim3A_1187 : vector<16xf32> to vector<16xf32>
    tpu.vector_store %arg9[%swap3A_1188], %swap3A_1191 {strides = array<i32>} : memref<5728xf32, #tpu.memory_space<vmem>>, vector<16xf32>,
    %broadcast_in_dim3A_1192 = arith.constant 0.000000e+00 : f32
    %broadcast_in_dim3A_1193 = vector.broadcast %broadcast_in_dim3A_1192 : f32 to vector<16xf32>
    %swap3A_1194 = arith.constant 3184 : index
    %swap3A_1195 = tpu.vector_load %arg9[%swap3A_1194] {strides = array<i32>} : memref<5728xf32, #tpu.memory_space<vmem>>, vector<16xf32>,
    %swap3A_1196 = vector.shape_cast %swap3A_1195 : vector<16xf32> to vector<16xf32>
    %swap3A_1197 = vector.shape_cast %broadcast_in_dim3A_1193 : vector<16xf32> to vector<16xf32>
    tpu.vector_store %arg9[%swap3A_1194], %swap3A_1197 {strides = array<i32>} : memref<5728xf32, #tpu.memory_space<vmem>>, vector<16xf32>,
    %broadcast_in_dim3A_1198 = arith.constant 0.000000e+00 : f32
    %broadcast_in_dim3A_1199 = vector.broadcast %broadcast_in_dim3A_1198 : f32 to vector<16xf32>
    %swap3A_1200 = arith.constant 3200 : index
    %swap3A_1201 = tpu.vector_load %arg9[%swap3A_1200] {strides = array<i32>} : memref<5728xf32, #tpu.memory_space<vmem>>, vector<16xf32>,
    %swap3A_1202 = vector.shape_cast %swap3A_1201 : vector<16xf32> to vector<16xf32>
    %swap3A_1203 = vector.shape_cast %broadcast_in_dim3A_1199 : vector<16xf32> to vector<16xf32>
    tpu.vector_store %arg9[%swap3A_1200], %swap3A_1203 {strides = array<i32>} : memref<5728xf32, #tpu.memory_space<vmem>>, vector<16xf32>,
    %broadcast_in_dim3A_1204 = arith.constant 0.000000e+00 : f32
    %broadcast_in_dim3A_1205 = vector.broadcast %broadcast_in_dim3A_1204 : f32 to vector<16xf32>
    %swap3A_1206 = arith.constant 3216 : index
    %swap3A_1207 = tpu.vector_load %arg9[%swap3A_1206] {strides = array<i32>} : memref<5728xf32, #tpu.memory_space<vmem>>, vector<16xf32>,
    %swap3A_1208 = vector.shape_cast %swap3A_1207 : vector<16xf32> to vector<16xf32>
    %swap3A_1209 = vector.shape_cast %broadcast_in_dim3A_1205 : vector<16xf32> to vector<16xf32>
    tpu.vector_store %arg9[%swap3A_1206], %swap3A_1209 {strides = array<i32>} : memref<5728xf32, #tpu.memory_space<vmem>>, vector<16xf32>,
    %broadcast_in_dim3A_1210 = arith.constant 0.000000e+00 : f32
    %broadcast_in_dim3A_1211 = vector.broadcast %broadcast_in_dim3A_1210 : f32 to vector<16xf32>
    %swap3A_1212 = arith.constant 3232 : index
    %swap3A_1213 = tpu.vector_load %arg9[%swap3A_1212] {strides = array<i32>} : memref<5728xf32, #tpu.memory_space<vmem>>, vector<16xf32>,
    %swap3A_1214 = vector.shape_cast %swap3A_1213 : vector<16xf32> to vector<16xf32>
    %swap3A_1215 = vector.shape_cast %broadcast_in_dim3A_1211 : vector<16xf32> to vector<16xf32>
    tpu.vector_store %arg9[%swap3A_1212], %swap3A_1215 {strides = array<i32>} : memref<5728xf32, #tpu.memory_space<vmem>>, vector<16xf32>,
    %broadcast_in_dim3A_1216 = arith.constant 0.000000e+00 : f32
    %broadcast_in_dim3A_1217 = vector.broadcast %broadcast_in_dim3A_1216 : f32 to vector<16xf32>
    %swap3A_1218 = arith.constant 3248 : index
    %swap3A_1219 = tpu.vector_load %arg9[%swap3A_1218] {strides = array<i32>} : memref<5728xf32, #tpu.memory_space<vmem>>, vector<16xf32>,
    %swap3A_1220 = vector.shape_cast %swap3A_1219 : vector<16xf32> to vector<16xf32>
    %swap3A_1221 = vector.shape_cast %broadcast_in_dim3A_1217 : vector<16xf32> to vector<16xf32>
    tpu.vector_store %arg9[%swap3A_1218], %swap3A_1221 {strides = array<i32>} : memref<5728xf32, #tpu.memory_space<vmem>>, vector<16xf32>,
    %broadcast_in_dim3A_1222 = arith.constant 0.000000e+00 : f32
    %broadcast_in_dim3A_1223 = vector.broadcast %broadcast_in_dim3A_1222 : f32 to vector<16xf32>
    %swap3A_1224 = arith.constant 3264 : index
    %swap3A_1225 = tpu.vector_load %arg9[%swap3A_1224] {strides = array<i32>} : memref<5728xf32, #tpu.memory_space<vmem>>, vector<16xf32>,
    %swap3A_1226 = vector.shape_cast %swap3A_1225 : vector<16xf32> to vector<16xf32>
    %swap3A_1227 = vector.shape_cast %broadcast_in_dim3A_1223 : vector<16xf32> to vector<16xf32>
    tpu.vector_store %arg9[%swap3A_1224], %swap3A_1227 {strides = array<i32>} : memref<5728xf32, #tpu.memory_space<vmem>>, vector<16xf32>,
    %broadcast_in_dim3A_1228 = arith.constant 0.000000e+00 : f32
    %broadcast_in_dim3A_1229 = vector.broadcast %broadcast_in_dim3A_1228 : f32 to vector<16xf32>
    %swap3A_1230 = arith.constant 3280 : index
    %swap3A_1231 = tpu.vector_load %arg9[%swap3A_1230] {strides = array<i32>} : memref<5728xf32, #tpu.memory_space<vmem>>, vector<16xf32>,
    %swap3A_1232 = vector.shape_cast %swap3A_1231 : vector<16xf32> to vector<16xf32>
    %swap3A_1233 = vector.shape_cast %broadcast_in_dim3A_1229 : vector<16xf32> to vector<16xf32>
    tpu.vector_store %arg9[%swap3A_1230], %swap3A_1233 {strides = array<i32>} : memref<5728xf32, #tpu.memory_space<vmem>>, vector<16xf32>,
    %broadcast_in_dim3A_1234 = arith.constant 0.000000e+00 : f32
    %broadcast_in_dim3A_1235 = vector.broadcast %broadcast_in_dim3A_1234 : f32 to vector<16xf32>
    %swap3A_1236 = arith.constant 3296 : index
    %swap3A_1237 = tpu.vector_load %arg9[%swap3A_1236] {strides = array<i32>} : memref<5728xf32, #tpu.memory_space<vmem>>, vector<16xf32>,
    %swap3A_1238 = vector.shape_cast %swap3A_1237 : vector<16xf32> to vector<16xf32>
    %swap3A_1239 = vector.shape_cast %broadcast_in_dim3A_1235 : vector<16xf32> to vector<16xf32>
    tpu.vector_store %arg9[%swap3A_1236], %swap3A_1239 {strides = array<i32>} : memref<5728xf32, #tpu.memory_space<vmem>>, vector<16xf32>,
    %broadcast_in_dim3A_1240 = arith.constant 0.000000e+00 : f32
    %broadcast_in_dim3A_1241 = vector.broadcast %broadcast_in_dim3A_1240 : f32 to vector<16xf32>
    %swap3A_1242 = arith.constant 3312 : index
    %swap3A_1243 = tpu.vector_load %arg9[%swap3A_1242] {strides = array<i32>} : memref<5728xf32, #tpu.memory_space<vmem>>, vector<16xf32>,
    %swap3A_1244 = vector.shape_cast %swap3A_1243 : vector<16xf32> to vector<16xf32>
    %swap3A_1245 = vector.shape_cast %broadcast_in_dim3A_1241 : vector<16xf32> to vector<16xf32>
    tpu.vector_store %arg9[%swap3A_1242], %swap3A_1245 {strides = array<i32>} : memref<5728xf32, #tpu.memory_space<vmem>>, vector<16xf32>,
    %broadcast_in_dim3A_1246 = arith.constant 0.000000e+00 : f32
    %broadcast_in_dim3A_1247 = vector.broadcast %broadcast_in_dim3A_1246 : f32 to vector<16xf32>
    %swap3A_1248 = arith.constant 3328 : index
    %swap3A_1249 = tpu.vector_load %arg9[%swap3A_1248] {strides = array<i32>} : memref<5728xf32, #tpu.memory_space<vmem>>, vector<16xf32>,
    %swap3A_1250 = vector.shape_cast %swap3A_1249 : vector<16xf32> to vector<16xf32>
    %swap3A_1251 = vector.shape_cast %broadcast_in_dim3A_1247 : vector<16xf32> to vector<16xf32>
    tpu.vector_store %arg9[%swap3A_1248], %swap3A_1251 {strides = array<i32>} : memref<5728xf32, #tpu.memory_space<vmem>>, vector<16xf32>,
    %broadcast_in_dim3A_1252 = arith.constant 0.000000e+00 : f32
    %broadcast_in_dim3A_1253 = vector.broadcast %broadcast_in_dim3A_1252 : f32 to vector<16xf32>
    %swap3A_1254 = arith.constant 3344 : index
    %swap3A_1255 = tpu.vector_load %arg9[%swap3A_1254] {strides = array<i32>} : memref<5728xf32, #tpu.memory_space<vmem>>, vector<16xf32>,
    %swap3A_1256 = vector.shape_cast %swap3A_1255 : vector<16xf32> to vector<16xf32>
    %swap3A_1257 = vector.shape_cast %broadcast_in_dim3A_1253 : vector<16xf32> to vector<16xf32>
    tpu.vector_store %arg9[%swap3A_1254], %swap3A_1257 {strides = array<i32>} : memref<5728xf32, #tpu.memory_space<vmem>>, vector<16xf32>,
    %broadcast_in_dim3A_1258 = arith.constant 0.000000e+00 : f32
    %broadcast_in_dim3A_1259 = vector.broadcast %broadcast_in_dim3A_1258 : f32 to vector<16xf32>
    %swap3A_1260 = arith.constant 3360 : index
    %swap3A_1261 = tpu.vector_load %arg9[%swap3A_1260] {strides = array<i32>} : memref<5728xf32, #tpu.memory_space<vmem>>, vector<16xf32>,
    %swap3A_1262 = vector.shape_cast %swap3A_1261 : vector<16xf32> to vector<16xf32>
    %swap3A_1263 = vector.shape_cast %broadcast_in_dim3A_1259 : vector<16xf32> to vector<16xf32>
    tpu.vector_store %arg9[%swap3A_1260], %swap3A_1263 {strides = array<i32>} : memref<5728xf32, #tpu.memory_space<vmem>>, vector<16xf32>,
    %broadcast_in_dim3A_1264 = arith.constant 0.000000e+00 : f32
    %broadcast_in_dim3A_1265 = vector.broadcast %broadcast_in_dim3A_1264 : f32 to vector<16xf32>
    %swap3A_1266 = arith.constant 3376 : index
    %swap3A_1267 = tpu.vector_load %arg9[%swap3A_1266] {strides = array<i32>} : memref<5728xf32, #tpu.memory_space<vmem>>, vector<16xf32>,
    %swap3A_1268 = vector.shape_cast %swap3A_1267 : vector<16xf32> to vector<16xf32>
    %swap3A_1269 = vector.shape_cast %broadcast_in_dim3A_1265 : vector<16xf32> to vector<16xf32>
    tpu.vector_store %arg9[%swap3A_1266], %swap3A_1269 {strides = array<i32>} : memref<5728xf32, #tpu.memory_space<vmem>>, vector<16xf32>,
    %broadcast_in_dim3A_1270 = arith.constant 0.000000e+00 : f32
    %broadcast_in_dim3A_1271 = vector.broadcast %broadcast_in_dim3A_1270 : f32 to vector<16xf32>
    %swap3A_1272 = arith.constant 3392 : index
    %swap3A_1273 = tpu.vector_load %arg9[%swap3A_1272] {strides = array<i32>} : memref<5728xf32, #tpu.memory_space<vmem>>, vector<16xf32>,
    %swap3A_1274 = vector.shape_cast %swap3A_1273 : vector<16xf32> to vector<16xf32>
    %swap3A_1275 = vector.shape_cast %broadcast_in_dim3A_1271 : vector<16xf32> to vector<16xf32>
    tpu.vector_store %arg9[%swap3A_1272], %swap3A_1275 {strides = array<i32>} : memref<5728xf32, #tpu.memory_space<vmem>>, vector<16xf32>,
    %broadcast_in_dim3A_1276 = arith.constant 0.000000e+00 : f32
    %broadcast_in_dim3A_1277 = vector.broadcast %broadcast_in_dim3A_1276 : f32 to vector<16xf32>
    %swap3A_1278 = arith.constant 3408 : index
    %swap3A_1279 = tpu.vector_load %arg9[%swap3A_1278] {strides = array<i32>} : memref<5728xf32, #tpu.memory_space<vmem>>, vector<16xf32>,
    %swap3A_1280 = vector.shape_cast %swap3A_1279 : vector<16xf32> to vector<16xf32>
    %swap3A_1281 = vector.shape_cast %broadcast_in_dim3A_1277 : vector<16xf32> to vector<16xf32>
    tpu.vector_store %arg9[%swap3A_1278], %swap3A_1281 {strides = array<i32>} : memref<5728xf32, #tpu.memory_space<vmem>>, vector<16xf32>,
    %broadcast_in_dim3A_1282 = arith.constant 0.000000e+00 : f32
    %broadcast_in_dim3A_1283 = vector.broadcast %broadcast_in_dim3A_1282 : f32 to vector<16xf32>
    %swap3A_1284 = arith.constant 3424 : index
    %swap3A_1285 = tpu.vector_load %arg9[%swap3A_1284] {strides = array<i32>} : memref<5728xf32, #tpu.memory_space<vmem>>, vector<16xf32>,
    %swap3A_1286 = vector.shape_cast %swap3A_1285 : vector<16xf32> to vector<16xf32>
    %swap3A_1287 = vector.shape_cast %broadcast_in_dim3A_1283 : vector<16xf32> to vector<16xf32>
    tpu.vector_store %arg9[%swap3A_1284], %swap3A_1287 {strides = array<i32>} : memref<5728xf32, #tpu.memory_space<vmem>>, vector<16xf32>,
    %broadcast_in_dim3A_1288 = arith.constant 0.000000e+00 : f32
    %broadcast_in_dim3A_1289 = vector.broadcast %broadcast_in_dim3A_1288 : f32 to vector<16xf32>
    %swap3A_1290 = arith.constant 3440 : index
    %swap3A_1291 = tpu.vector_load %arg9[%swap3A_1290] {strides = array<i32>} : memref<5728xf32, #tpu.memory_space<vmem>>, vector<16xf32>,
    %swap3A_1292 = vector.shape_cast %swap3A_1291 : vector<16xf32> to vector<16xf32>
    %swap3A_1293 = vector.shape_cast %broadcast_in_dim3A_1289 : vector<16xf32> to vector<16xf32>
    tpu.vector_store %arg9[%swap3A_1290], %swap3A_1293 {strides = array<i32>} : memref<5728xf32, #tpu.memory_space<vmem>>, vector<16xf32>,
    %broadcast_in_dim3A_1294 = arith.constant 0.000000e+00 : f32
    %broadcast_in_dim3A_1295 = vector.broadcast %broadcast_in_dim3A_1294 : f32 to vector<16xf32>
    %swap3A_1296 = arith.constant 3456 : index
    %swap3A_1297 = tpu.vector_load %arg9[%swap3A_1296] {strides = array<i32>} : memref<5728xf32, #tpu.memory_space<vmem>>, vector<16xf32>,
    %swap3A_1298 = vector.shape_cast %swap3A_1297 : vector<16xf32> to vector<16xf32>
    %swap3A_1299 = vector.shape_cast %broadcast_in_dim3A_1295 : vector<16xf32> to vector<16xf32>
    tpu.vector_store %arg9[%swap3A_1296], %swap3A_1299 {strides = array<i32>} : memref<5728xf32, #tpu.memory_space<vmem>>, vector<16xf32>,
    %broadcast_in_dim3A_1300 = arith.constant 0.000000e+00 : f32
    %broadcast_in_dim3A_1301 = vector.broadcast %broadcast_in_dim3A_1300 : f32 to vector<16xf32>
    %swap3A_1302 = arith.constant 3472 : index
    %swap3A_1303 = tpu.vector_load %arg9[%swap3A_1302] {strides = array<i32>} : memref<5728xf32, #tpu.memory_space<vmem>>, vector<16xf32>,
    %swap3A_1304 = vector.shape_cast %swap3A_1303 : vector<16xf32> to vector<16xf32>
    %swap3A_1305 = vector.shape_cast %broadcast_in_dim3A_1301 : vector<16xf32> to vector<16xf32>
    tpu.vector_store %arg9[%swap3A_1302], %swap3A_1305 {strides = array<i32>} : memref<5728xf32, #tpu.memory_space<vmem>>, vector<16xf32>,
    %broadcast_in_dim3A_1306 = arith.constant 0.000000e+00 : f32
    %broadcast_in_dim3A_1307 = vector.broadcast %broadcast_in_dim3A_1306 : f32 to vector<16xf32>
    %swap3A_1308 = arith.constant 3488 : index
    %swap3A_1309 = tpu.vector_load %arg9[%swap3A_1308] {strides = array<i32>} : memref<5728xf32, #tpu.memory_space<vmem>>, vector<16xf32>,
    %swap3A_1310 = vector.shape_cast %swap3A_1309 : vector<16xf32> to vector<16xf32>
    %swap3A_1311 = vector.shape_cast %broadcast_in_dim3A_1307 : vector<16xf32> to vector<16xf32>
    tpu.vector_store %arg9[%swap3A_1308], %swap3A_1311 {strides = array<i32>} : memref<5728xf32, #tpu.memory_space<vmem>>, vector<16xf32>,
    %broadcast_in_dim3A_1312 = arith.constant 0.000000e+00 : f32
    %broadcast_in_dim3A_1313 = vector.broadcast %broadcast_in_dim3A_1312 : f32 to vector<16xf32>
    %swap3A_1314 = arith.constant 3504 : index
    %swap3A_1315 = tpu.vector_load %arg9[%swap3A_1314] {strides = array<i32>} : memref<5728xf32, #tpu.memory_space<vmem>>, vector<16xf32>,
    %swap3A_1316 = vector.shape_cast %swap3A_1315 : vector<16xf32> to vector<16xf32>
    %swap3A_1317 = vector.shape_cast %broadcast_in_dim3A_1313 : vector<16xf32> to vector<16xf32>
    tpu.vector_store %arg9[%swap3A_1314], %swap3A_1317 {strides = array<i32>} : memref<5728xf32, #tpu.memory_space<vmem>>, vector<16xf32>,
    %broadcast_in_dim3A_1318 = arith.constant 0.000000e+00 : f32
    %broadcast_in_dim3A_1319 = vector.broadcast %broadcast_in_dim3A_1318 : f32 to vector<16xf32>
    %swap3A_1320 = arith.constant 3520 : index
    %swap3A_1321 = tpu.vector_load %arg9[%swap3A_1320] {strides = array<i32>} : memref<5728xf32, #tpu.memory_space<vmem>>, vector<16xf32>,
    %swap3A_1322 = vector.shape_cast %swap3A_1321 : vector<16xf32> to vector<16xf32>
    %swap3A_1323 = vector.shape_cast %broadcast_in_dim3A_1319 : vector<16xf32> to vector<16xf32>
    tpu.vector_store %arg9[%swap3A_1320], %swap3A_1323 {strides = array<i32>} : memref<5728xf32, #tpu.memory_space<vmem>>, vector<16xf32>,
    %broadcast_in_dim3A_1324 = arith.constant 0.000000e+00 : f32
    %broadcast_in_dim3A_1325 = vector.broadcast %broadcast_in_dim3A_1324 : f32 to vector<16xf32>
    %swap3A_1326 = arith.constant 3536 : index
    %swap3A_1327 = tpu.vector_load %arg9[%swap3A_1326] {strides = array<i32>} : memref<5728xf32, #tpu.memory_space<vmem>>, vector<16xf32>,
    %swap3A_1328 = vector.shape_cast %swap3A_1327 : vector<16xf32> to vector<16xf32>
    %swap3A_1329 = vector.shape_cast %broadcast_in_dim3A_1325 : vector<16xf32> to vector<16xf32>
    tpu.vector_store %arg9[%swap3A_1326], %swap3A_1329 {strides = array<i32>} : memref<5728xf32, #tpu.memory_space<vmem>>, vector<16xf32>,
    %broadcast_in_dim3A_1330 = arith.constant 0.000000e+00 : f32
    %broadcast_in_dim3A_1331 = vector.broadcast %broadcast_in_dim3A_1330 : f32 to vector<16xf32>
    %swap3A_1332 = arith.constant 3552 : index
    %swap3A_1333 = tpu.vector_load %arg9[%swap3A_1332] {strides = array<i32>} : memref<5728xf32, #tpu.memory_space<vmem>>, vector<16xf32>,
    %swap3A_1334 = vector.shape_cast %swap3A_1333 : vector<16xf32> to vector<16xf32>
    %swap3A_1335 = vector.shape_cast %broadcast_in_dim3A_1331 : vector<16xf32> to vector<16xf32>
    tpu.vector_store %arg9[%swap3A_1332], %swap3A_1335 {strides = array<i32>} : memref<5728xf32, #tpu.memory_space<vmem>>, vector<16xf32>,
    %broadcast_in_dim3A_1336 = arith.constant 0.000000e+00 : f32
    %broadcast_in_dim3A_1337 = vector.broadcast %broadcast_in_dim3A_1336 : f32 to vector<16xf32>
    %swap3A_1338 = arith.constant 3568 : index
    %swap3A_1339 = tpu.vector_load %arg9[%swap3A_1338] {strides = array<i32>} : memref<5728xf32, #tpu.memory_space<vmem>>, vector<16xf32>,
    %swap3A_1340 = vector.shape_cast %swap3A_1339 : vector<16xf32> to vector<16xf32>
    %swap3A_1341 = vector.shape_cast %broadcast_in_dim3A_1337 : vector<16xf32> to vector<16xf32>
    tpu.vector_store %arg9[%swap3A_1338], %swap3A_1341 {strides = array<i32>} : memref<5728xf32, #tpu.memory_space<vmem>>, vector<16xf32>,
    %broadcast_in_dim3A_1342 = arith.constant 0.000000e+00 : f32
    %broadcast_in_dim3A_1343 = vector.broadcast %broadcast_in_dim3A_1342 : f32 to vector<16xf32>
    %swap3A_1344 = arith.constant 3584 : index
    %swap3A_1345 = tpu.vector_load %arg9[%swap3A_1344] {strides = array<i32>} : memref<5728xf32, #tpu.memory_space<vmem>>, vector<16xf32>,
    %swap3A_1346 = vector.shape_cast %swap3A_1345 : vector<16xf32> to vector<16xf32>
    %swap3A_1347 = vector.shape_cast %broadcast_in_dim3A_1343 : vector<16xf32> to vector<16xf32>
    tpu.vector_store %arg9[%swap3A_1344], %swap3A_1347 {strides = array<i32>} : memref<5728xf32, #tpu.memory_space<vmem>>, vector<16xf32>,
    %broadcast_in_dim3A_1348 = arith.constant 0.000000e+00 : f32
    %broadcast_in_dim3A_1349 = vector.broadcast %broadcast_in_dim3A_1348 : f32 to vector<16xf32>
    %swap3A_1350 = arith.constant 3600 : index
    %swap3A_1351 = tpu.vector_load %arg9[%swap3A_1350] {strides = array<i32>} : memref<5728xf32, #tpu.memory_space<vmem>>, vector<16xf32>,
    %swap3A_1352 = vector.shape_cast %swap3A_1351 : vector<16xf32> to vector<16xf32>
    %swap3A_1353 = vector.shape_cast %broadcast_in_dim3A_1349 : vector<16xf32> to vector<16xf32>
    tpu.vector_store %arg9[%swap3A_1350], %swap3A_1353 {strides = array<i32>} : memref<5728xf32, #tpu.memory_space<vmem>>, vector<16xf32>,
    %broadcast_in_dim3A_1354 = arith.constant 0.000000e+00 : f32
    %broadcast_in_dim3A_1355 = vector.broadcast %broadcast_in_dim3A_1354 : f32 to vector<16xf32>
    %swap3A_1356 = arith.constant 3616 : index
    %swap3A_1357 = tpu.vector_load %arg9[%swap3A_1356] {strides = array<i32>} : memref<5728xf32, #tpu.memory_space<vmem>>, vector<16xf32>,
    %swap3A_1358 = vector.shape_cast %swap3A_1357 : vector<16xf32> to vector<16xf32>
    %swap3A_1359 = vector.shape_cast %broadcast_in_dim3A_1355 : vector<16xf32> to vector<16xf32>
    tpu.vector_store %arg9[%swap3A_1356], %swap3A_1359 {strides = array<i32>} : memref<5728xf32, #tpu.memory_space<vmem>>, vector<16xf32>,
    %broadcast_in_dim3A_1360 = arith.constant 0.000000e+00 : f32
    %broadcast_in_dim3A_1361 = vector.broadcast %broadcast_in_dim3A_1360 : f32 to vector<16xf32>
    %swap3A_1362 = arith.constant 3632 : index
    %swap3A_1363 = tpu.vector_load %arg9[%swap3A_1362] {strides = array<i32>} : memref<5728xf32, #tpu.memory_space<vmem>>, vector<16xf32>,
    %swap3A_1364 = vector.shape_cast %swap3A_1363 : vector<16xf32> to vector<16xf32>
    %swap3A_1365 = vector.shape_cast %broadcast_in_dim3A_1361 : vector<16xf32> to vector<16xf32>
    tpu.vector_store %arg9[%swap3A_1362], %swap3A_1365 {strides = array<i32>} : memref<5728xf32, #tpu.memory_space<vmem>>, vector<16xf32>,
    %broadcast_in_dim3A_1366 = arith.constant 0.000000e+00 : f32
    %broadcast_in_dim3A_1367 = vector.broadcast %broadcast_in_dim3A_1366 : f32 to vector<16xf32>
    %swap3A_1368 = arith.constant 3648 : index
    %swap3A_1369 = tpu.vector_load %arg9[%swap3A_1368] {strides = array<i32>} : memref<5728xf32, #tpu.memory_space<vmem>>, vector<16xf32>,
    %swap3A_1370 = vector.shape_cast %swap3A_1369 : vector<16xf32> to vector<16xf32>
    %swap3A_1371 = vector.shape_cast %broadcast_in_dim3A_1367 : vector<16xf32> to vector<16xf32>
    tpu.vector_store %arg9[%swap3A_1368], %swap3A_1371 {strides = array<i32>} : memref<5728xf32, #tpu.memory_space<vmem>>, vector<16xf32>,
    %broadcast_in_dim3A_1372 = arith.constant 0.000000e+00 : f32
    %broadcast_in_dim3A_1373 = vector.broadcast %broadcast_in_dim3A_1372 : f32 to vector<16xf32>
    %swap3A_1374 = arith.constant 3664 : index
    %swap3A_1375 = tpu.vector_load %arg9[%swap3A_1374] {strides = array<i32>} : memref<5728xf32, #tpu.memory_space<vmem>>, vector<16xf32>,
    %swap3A_1376 = vector.shape_cast %swap3A_1375 : vector<16xf32> to vector<16xf32>
    %swap3A_1377 = vector.shape_cast %broadcast_in_dim3A_1373 : vector<16xf32> to vector<16xf32>
    tpu.vector_store %arg9[%swap3A_1374], %swap3A_1377 {strides = array<i32>} : memref<5728xf32, #tpu.memory_space<vmem>>, vector<16xf32>,
    %broadcast_in_dim3A_1378 = arith.constant 0.000000e+00 : f32
    %broadcast_in_dim3A_1379 = vector.broadcast %broadcast_in_dim3A_1378 : f32 to vector<16xf32>
    %swap3A_1380 = arith.constant 3680 : index
    %swap3A_1381 = tpu.vector_load %arg9[%swap3A_1380] {strides = array<i32>} : memref<5728xf32, #tpu.memory_space<vmem>>, vector<16xf32>,
    %swap3A_1382 = vector.shape_cast %swap3A_1381 : vector<16xf32> to vector<16xf32>
    %swap3A_1383 = vector.shape_cast %broadcast_in_dim3A_1379 : vector<16xf32> to vector<16xf32>
    tpu.vector_store %arg9[%swap3A_1380], %swap3A_1383 {strides = array<i32>} : memref<5728xf32, #tpu.memory_space<vmem>>, vector<16xf32>,
    %broadcast_in_dim3A_1384 = arith.constant 0.000000e+00 : f32
    %broadcast_in_dim3A_1385 = vector.broadcast %broadcast_in_dim3A_1384 : f32 to vector<16xf32>
    %swap3A_1386 = arith.constant 3696 : index
    %swap3A_1387 = tpu.vector_load %arg9[%swap3A_1386] {strides = array<i32>} : memref<5728xf32, #tpu.memory_space<vmem>>, vector<16xf32>,
    %swap3A_1388 = vector.shape_cast %swap3A_1387 : vector<16xf32> to vector<16xf32>
    %swap3A_1389 = vector.shape_cast %broadcast_in_dim3A_1385 : vector<16xf32> to vector<16xf32>
    tpu.vector_store %arg9[%swap3A_1386], %swap3A_1389 {strides = array<i32>} : memref<5728xf32, #tpu.memory_space<vmem>>, vector<16xf32>,
    %broadcast_in_dim3A_1390 = arith.constant 0.000000e+00 : f32
    %broadcast_in_dim3A_1391 = vector.broadcast %broadcast_in_dim3A_1390 : f32 to vector<16xf32>
    %swap3A_1392 = arith.constant 3712 : index
    %swap3A_1393 = tpu.vector_load %arg9[%swap3A_1392] {strides = array<i32>} : memref<5728xf32, #tpu.memory_space<vmem>>, vector<16xf32>,
    %swap3A_1394 = vector.shape_cast %swap3A_1393 : vector<16xf32> to vector<16xf32>
    %swap3A_1395 = vector.shape_cast %broadcast_in_dim3A_1391 : vector<16xf32> to vector<16xf32>
    tpu.vector_store %arg9[%swap3A_1392], %swap3A_1395 {strides = array<i32>} : memref<5728xf32, #tpu.memory_space<vmem>>, vector<16xf32>,
    %broadcast_in_dim3A_1396 = arith.constant 0.000000e+00 : f32
    %broadcast_in_dim3A_1397 = vector.broadcast %broadcast_in_dim3A_1396 : f32 to vector<16xf32>
    %swap3A_1398 = arith.constant 3728 : index
    %swap3A_1399 = tpu.vector_load %arg9[%swap3A_1398] {strides = array<i32>} : memref<5728xf32, #tpu.memory_space<vmem>>, vector<16xf32>,
    %swap3A_1400 = vector.shape_cast %swap3A_1399 : vector<16xf32> to vector<16xf32>
    %swap3A_1401 = vector.shape_cast %broadcast_in_dim3A_1397 : vector<16xf32> to vector<16xf32>
    tpu.vector_store %arg9[%swap3A_1398], %swap3A_1401 {strides = array<i32>} : memref<5728xf32, #tpu.memory_space<vmem>>, vector<16xf32>,
    %broadcast_in_dim3A_1402 = arith.constant 0.000000e+00 : f32
    %broadcast_in_dim3A_1403 = vector.broadcast %broadcast_in_dim3A_1402 : f32 to vector<16xf32>
    %swap3A_1404 = arith.constant 3744 : index
    %swap3A_1405 = tpu.vector_load %arg9[%swap3A_1404] {strides = array<i32>} : memref<5728xf32, #tpu.memory_space<vmem>>, vector<16xf32>,
    %swap3A_1406 = vector.shape_cast %swap3A_1405 : vector<16xf32> to vector<16xf32>
    %swap3A_1407 = vector.shape_cast %broadcast_in_dim3A_1403 : vector<16xf32> to vector<16xf32>
    tpu.vector_store %arg9[%swap3A_1404], %swap3A_1407 {strides = array<i32>} : memref<5728xf32, #tpu.memory_space<vmem>>, vector<16xf32>,
    %broadcast_in_dim3A_1408 = arith.constant 0.000000e+00 : f32
    %broadcast_in_dim3A_1409 = vector.broadcast %broadcast_in_dim3A_1408 : f32 to vector<16xf32>
    %swap3A_1410 = arith.constant 3760 : index
    %swap3A_1411 = tpu.vector_load %arg9[%swap3A_1410] {strides = array<i32>} : memref<5728xf32, #tpu.memory_space<vmem>>, vector<16xf32>,
    %swap3A_1412 = vector.shape_cast %swap3A_1411 : vector<16xf32> to vector<16xf32>
    %swap3A_1413 = vector.shape_cast %broadcast_in_dim3A_1409 : vector<16xf32> to vector<16xf32>
    tpu.vector_store %arg9[%swap3A_1410], %swap3A_1413 {strides = array<i32>} : memref<5728xf32, #tpu.memory_space<vmem>>, vector<16xf32>,
    %broadcast_in_dim3A_1414 = arith.constant 0.000000e+00 : f32
    %broadcast_in_dim3A_1415 = vector.broadcast %broadcast_in_dim3A_1414 : f32 to vector<16xf32>
    %swap3A_1416 = arith.constant 3776 : index
    %swap3A_1417 = tpu.vector_load %arg9[%swap3A_1416] {strides = array<i32>} : memref<5728xf32, #tpu.memory_space<vmem>>, vector<16xf32>,
    %swap3A_1418 = vector.shape_cast %swap3A_1417 : vector<16xf32> to vector<16xf32>
    %swap3A_1419 = vector.shape_cast %broadcast_in_dim3A_1415 : vector<16xf32> to vector<16xf32>
    tpu.vector_store %arg9[%swap3A_1416], %swap3A_1419 {strides = array<i32>} : memref<5728xf32, #tpu.memory_space<vmem>>, vector<16xf32>,
    %broadcast_in_dim3A_1420 = arith.constant 0.000000e+00 : f32
    %broadcast_in_dim3A_1421 = vector.broadcast %broadcast_in_dim3A_1420 : f32 to vector<16xf32>
    %swap3A_1422 = arith.constant 3792 : index
    %swap3A_1423 = tpu.vector_load %arg9[%swap3A_1422] {strides = array<i32>} : memref<5728xf32, #tpu.memory_space<vmem>>, vector<16xf32>,
    %swap3A_1424 = vector.shape_cast %swap3A_1423 : vector<16xf32> to vector<16xf32>
    %swap3A_1425 = vector.shape_cast %broadcast_in_dim3A_1421 : vector<16xf32> to vector<16xf32>
    tpu.vector_store %arg9[%swap3A_1422], %swap3A_1425 {strides = array<i32>} : memref<5728xf32, #tpu.memory_space<vmem>>, vector<16xf32>,
    %broadcast_in_dim3A_1426 = arith.constant 0.000000e+00 : f32
    %broadcast_in_dim3A_1427 = vector.broadcast %broadcast_in_dim3A_1426 : f32 to vector<16xf32>
    %swap3A_1428 = arith.constant 3808 : index
    %swap3A_1429 = tpu.vector_load %arg9[%swap3A_1428] {strides = array<i32>} : memref<5728xf32, #tpu.memory_space<vmem>>, vector<16xf32>,
    %swap3A_1430 = vector.shape_cast %swap3A_1429 : vector<16xf32> to vector<16xf32>
    %swap3A_1431 = vector.shape_cast %broadcast_in_dim3A_1427 : vector<16xf32> to vector<16xf32>
    tpu.vector_store %arg9[%swap3A_1428], %swap3A_1431 {strides = array<i32>} : memref<5728xf32, #tpu.memory_space<vmem>>, vector<16xf32>,
    %broadcast_in_dim3A_1432 = arith.constant 0.000000e+00 : f32
    %broadcast_in_dim3A_1433 = vector.broadcast %broadcast_in_dim3A_1432 : f32 to vector<16xf32>
    %swap3A_1434 = arith.constant 3824 : index
    %swap3A_1435 = tpu.vector_load %arg9[%swap3A_1434] {strides = array<i32>} : memref<5728xf32, #tpu.memory_space<vmem>>, vector<16xf32>,
    %swap3A_1436 = vector.shape_cast %swap3A_1435 : vector<16xf32> to vector<16xf32>
    %swap3A_1437 = vector.shape_cast %broadcast_in_dim3A_1433 : vector<16xf32> to vector<16xf32>
    tpu.vector_store %arg9[%swap3A_1434], %swap3A_1437 {strides = array<i32>} : memref<5728xf32, #tpu.memory_space<vmem>>, vector<16xf32>,
    %broadcast_in_dim3A_1438 = arith.constant 0.000000e+00 : f32
    %broadcast_in_dim3A_1439 = vector.broadcast %broadcast_in_dim3A_1438 : f32 to vector<16xf32>
    %swap3A_1440 = arith.constant 3840 : index
    %swap3A_1441 = tpu.vector_load %arg9[%swap3A_1440] {strides = array<i32>} : memref<5728xf32, #tpu.memory_space<vmem>>, vector<16xf32>,
    %swap3A_1442 = vector.shape_cast %swap3A_1441 : vector<16xf32> to vector<16xf32>
    %swap3A_1443 = vector.shape_cast %broadcast_in_dim3A_1439 : vector<16xf32> to vector<16xf32>
    tpu.vector_store %arg9[%swap3A_1440], %swap3A_1443 {strides = array<i32>} : memref<5728xf32, #tpu.memory_space<vmem>>, vector<16xf32>,
    %broadcast_in_dim3A_1444 = arith.constant 0.000000e+00 : f32
    %broadcast_in_dim3A_1445 = vector.broadcast %broadcast_in_dim3A_1444 : f32 to vector<16xf32>
    %swap3A_1446 = arith.constant 3856 : index
    %swap3A_1447 = tpu.vector_load %arg9[%swap3A_1446] {strides = array<i32>} : memref<5728xf32, #tpu.memory_space<vmem>>, vector<16xf32>,
    %swap3A_1448 = vector.shape_cast %swap3A_1447 : vector<16xf32> to vector<16xf32>
    %swap3A_1449 = vector.shape_cast %broadcast_in_dim3A_1445 : vector<16xf32> to vector<16xf32>
    tpu.vector_store %arg9[%swap3A_1446], %swap3A_1449 {strides = array<i32>} : memref<5728xf32, #tpu.memory_space<vmem>>, vector<16xf32>,
    %broadcast_in_dim3A_1450 = arith.constant 0.000000e+00 : f32
    %broadcast_in_dim3A_1451 = vector.broadcast %broadcast_in_dim3A_1450 : f32 to vector<16xf32>
    %swap3A_1452 = arith.constant 3872 : index
    %swap3A_1453 = tpu.vector_load %arg9[%swap3A_1452] {strides = array<i32>} : memref<5728xf32, #tpu.memory_space<vmem>>, vector<16xf32>,
    %swap3A_1454 = vector.shape_cast %swap3A_1453 : vector<16xf32> to vector<16xf32>
    %swap3A_1455 = vector.shape_cast %broadcast_in_dim3A_1451 : vector<16xf32> to vector<16xf32>
    tpu.vector_store %arg9[%swap3A_1452], %swap3A_1455 {strides = array<i32>} : memref<5728xf32, #tpu.memory_space<vmem>>, vector<16xf32>,
    %broadcast_in_dim3A_1456 = arith.constant 0.000000e+00 : f32
    %broadcast_in_dim3A_1457 = vector.broadcast %broadcast_in_dim3A_1456 : f32 to vector<16xf32>
    %swap3A_1458 = arith.constant 3888 : index
    %swap3A_1459 = tpu.vector_load %arg9[%swap3A_1458] {strides = array<i32>} : memref<5728xf32, #tpu.memory_space<vmem>>, vector<16xf32>,
    %swap3A_1460 = vector.shape_cast %swap3A_1459 : vector<16xf32> to vector<16xf32>
    %swap3A_1461 = vector.shape_cast %broadcast_in_dim3A_1457 : vector<16xf32> to vector<16xf32>
    tpu.vector_store %arg9[%swap3A_1458], %swap3A_1461 {strides = array<i32>} : memref<5728xf32, #tpu.memory_space<vmem>>, vector<16xf32>,
    %broadcast_in_dim3A_1462 = arith.constant 0.000000e+00 : f32
    %broadcast_in_dim3A_1463 = vector.broadcast %broadcast_in_dim3A_1462 : f32 to vector<16xf32>
    %swap3A_1464 = arith.constant 3904 : index
    %swap3A_1465 = tpu.vector_load %arg9[%swap3A_1464] {strides = array<i32>} : memref<5728xf32, #tpu.memory_space<vmem>>, vector<16xf32>,
    %swap3A_1466 = vector.shape_cast %swap3A_1465 : vector<16xf32> to vector<16xf32>
    %swap3A_1467 = vector.shape_cast %broadcast_in_dim3A_1463 : vector<16xf32> to vector<16xf32>
    tpu.vector_store %arg9[%swap3A_1464], %swap3A_1467 {strides = array<i32>} : memref<5728xf32, #tpu.memory_space<vmem>>, vector<16xf32>,
    %broadcast_in_dim3A_1468 = arith.constant 0.000000e+00 : f32
    %broadcast_in_dim3A_1469 = vector.broadcast %broadcast_in_dim3A_1468 : f32 to vector<16xf32>
    %swap3A_1470 = arith.constant 3920 : index
    %swap3A_1471 = tpu.vector_load %arg9[%swap3A_1470] {strides = array<i32>} : memref<5728xf32, #tpu.memory_space<vmem>>, vector<16xf32>,
    %swap3A_1472 = vector.shape_cast %swap3A_1471 : vector<16xf32> to vector<16xf32>
    %swap3A_1473 = vector.shape_cast %broadcast_in_dim3A_1469 : vector<16xf32> to vector<16xf32>
    tpu.vector_store %arg9[%swap3A_1470], %swap3A_1473 {strides = array<i32>} : memref<5728xf32, #tpu.memory_space<vmem>>, vector<16xf32>,
    %broadcast_in_dim3A_1474 = arith.constant 0.000000e+00 : f32
    %broadcast_in_dim3A_1475 = vector.broadcast %broadcast_in_dim3A_1474 : f32 to vector<16xf32>
    %swap3A_1476 = arith.constant 3936 : index
    %swap3A_1477 = tpu.vector_load %arg9[%swap3A_1476] {strides = array<i32>} : memref<5728xf32, #tpu.memory_space<vmem>>, vector<16xf32>,
    %swap3A_1478 = vector.shape_cast %swap3A_1477 : vector<16xf32> to vector<16xf32>
    %swap3A_1479 = vector.shape_cast %broadcast_in_dim3A_1475 : vector<16xf32> to vector<16xf32>
    tpu.vector_store %arg9[%swap3A_1476], %swap3A_1479 {strides = array<i32>} : memref<5728xf32, #tpu.memory_space<vmem>>, vector<16xf32>,
    %broadcast_in_dim3A_1480 = arith.constant 0.000000e+00 : f32
    %broadcast_in_dim3A_1481 = vector.broadcast %broadcast_in_dim3A_1480 : f32 to vector<16xf32>
    %swap3A_1482 = arith.constant 3952 : index
    %swap3A_1483 = tpu.vector_load %arg9[%swap3A_1482] {strides = array<i32>} : memref<5728xf32, #tpu.memory_space<vmem>>, vector<16xf32>,
    %swap3A_1484 = vector.shape_cast %swap3A_1483 : vector<16xf32> to vector<16xf32>
    %swap3A_1485 = vector.shape_cast %broadcast_in_dim3A_1481 : vector<16xf32> to vector<16xf32>
    tpu.vector_store %arg9[%swap3A_1482], %swap3A_1485 {strides = array<i32>} : memref<5728xf32, #tpu.memory_space<vmem>>, vector<16xf32>,
    %broadcast_in_dim3A_1486 = arith.constant 0.000000e+00 : f32
    %broadcast_in_dim3A_1487 = vector.broadcast %broadcast_in_dim3A_1486 : f32 to vector<16xf32>
    %swap3A_1488 = arith.constant 3968 : index
    %swap3A_1489 = tpu.vector_load %arg9[%swap3A_1488] {strides = array<i32>} : memref<5728xf32, #tpu.memory_space<vmem>>, vector<16xf32>,
    %swap3A_1490 = vector.shape_cast %swap3A_1489 : vector<16xf32> to vector<16xf32>
    %swap3A_1491 = vector.shape_cast %broadcast_in_dim3A_1487 : vector<16xf32> to vector<16xf32>
    tpu.vector_store %arg9[%swap3A_1488], %swap3A_1491 {strides = array<i32>} : memref<5728xf32, #tpu.memory_space<vmem>>, vector<16xf32>,
    %broadcast_in_dim3A_1492 = arith.constant 0.000000e+00 : f32
    %broadcast_in_dim3A_1493 = vector.broadcast %broadcast_in_dim3A_1492 : f32 to vector<16xf32>
    %swap3A_1494 = arith.constant 3984 : index
    %swap3A_1495 = tpu.vector_load %arg9[%swap3A_1494] {strides = array<i32>} : memref<5728xf32, #tpu.memory_space<vmem>>, vector<16xf32>,
    %swap3A_1496 = vector.shape_cast %swap3A_1495 : vector<16xf32> to vector<16xf32>
    %swap3A_1497 = vector.shape_cast %broadcast_in_dim3A_1493 : vector<16xf32> to vector<16xf32>
    tpu.vector_store %arg9[%swap3A_1494], %swap3A_1497 {strides = array<i32>} : memref<5728xf32, #tpu.memory_space<vmem>>, vector<16xf32>,
    %broadcast_in_dim3A_1498 = arith.constant 0.000000e+00 : f32
    %broadcast_in_dim3A_1499 = vector.broadcast %broadcast_in_dim3A_1498 : f32 to vector<16xf32>
    %swap3A_1500 = arith.constant 4000 : index
    %swap3A_1501 = tpu.vector_load %arg9[%swap3A_1500] {strides = array<i32>} : memref<5728xf32, #tpu.memory_space<vmem>>, vector<16xf32>,
    %swap3A_1502 = vector.shape_cast %swap3A_1501 : vector<16xf32> to vector<16xf32>
    %swap3A_1503 = vector.shape_cast %broadcast_in_dim3A_1499 : vector<16xf32> to vector<16xf32>
    tpu.vector_store %arg9[%swap3A_1500], %swap3A_1503 {strides = array<i32>} : memref<5728xf32, #tpu.memory_space<vmem>>, vector<16xf32>,
    %broadcast_in_dim3A_1504 = arith.constant 0.000000e+00 : f32
    %broadcast_in_dim3A_1505 = vector.broadcast %broadcast_in_dim3A_1504 : f32 to vector<16xf32>
    %swap3A_1506 = arith.constant 4016 : index
    %swap3A_1507 = tpu.vector_load %arg9[%swap3A_1506] {strides = array<i32>} : memref<5728xf32, #tpu.memory_space<vmem>>, vector<16xf32>,
    %swap3A_1508 = vector.shape_cast %swap3A_1507 : vector<16xf32> to vector<16xf32>
    %swap3A_1509 = vector.shape_cast %broadcast_in_dim3A_1505 : vector<16xf32> to vector<16xf32>
    tpu.vector_store %arg9[%swap3A_1506], %swap3A_1509 {strides = array<i32>} : memref<5728xf32, #tpu.memory_space<vmem>>, vector<16xf32>,
    %broadcast_in_dim3A_1510 = arith.constant 0.000000e+00 : f32
    %broadcast_in_dim3A_1511 = vector.broadcast %broadcast_in_dim3A_1510 : f32 to vector<16xf32>
    %swap3A_1512 = arith.constant 4032 : index
    %swap3A_1513 = tpu.vector_load %arg9[%swap3A_1512] {strides = array<i32>} : memref<5728xf32, #tpu.memory_space<vmem>>, vector<16xf32>,
    %swap3A_1514 = vector.shape_cast %swap3A_1513 : vector<16xf32> to vector<16xf32>
    %swap3A_1515 = vector.shape_cast %broadcast_in_dim3A_1511 : vector<16xf32> to vector<16xf32>
    tpu.vector_store %arg9[%swap3A_1512], %swap3A_1515 {strides = array<i32>} : memref<5728xf32, #tpu.memory_space<vmem>>, vector<16xf32>,
    %broadcast_in_dim3A_1516 = arith.constant 0.000000e+00 : f32
    %broadcast_in_dim3A_1517 = vector.broadcast %broadcast_in_dim3A_1516 : f32 to vector<16xf32>
    %swap3A_1518 = arith.constant 4048 : index
    %swap3A_1519 = tpu.vector_load %arg9[%swap3A_1518] {strides = array<i32>} : memref<5728xf32, #tpu.memory_space<vmem>>, vector<16xf32>,
    %swap3A_1520 = vector.shape_cast %swap3A_1519 : vector<16xf32> to vector<16xf32>
    %swap3A_1521 = vector.shape_cast %broadcast_in_dim3A_1517 : vector<16xf32> to vector<16xf32>
    tpu.vector_store %arg9[%swap3A_1518], %swap3A_1521 {strides = array<i32>} : memref<5728xf32, #tpu.memory_space<vmem>>, vector<16xf32>,
    %broadcast_in_dim3A_1522 = arith.constant 0.000000e+00 : f32
    %broadcast_in_dim3A_1523 = vector.broadcast %broadcast_in_dim3A_1522 : f32 to vector<16xf32>
    %swap3A_1524 = arith.constant 4064 : index
    %swap3A_1525 = tpu.vector_load %arg9[%swap3A_1524] {strides = array<i32>} : memref<5728xf32, #tpu.memory_space<vmem>>, vector<16xf32>,
    %swap3A_1526 = vector.shape_cast %swap3A_1525 : vector<16xf32> to vector<16xf32>
    %swap3A_1527 = vector.shape_cast %broadcast_in_dim3A_1523 : vector<16xf32> to vector<16xf32>
    tpu.vector_store %arg9[%swap3A_1524], %swap3A_1527 {strides = array<i32>} : memref<5728xf32, #tpu.memory_space<vmem>>, vector<16xf32>,
    %broadcast_in_dim3A_1528 = arith.constant 0.000000e+00 : f32
    %broadcast_in_dim3A_1529 = vector.broadcast %broadcast_in_dim3A_1528 : f32 to vector<16xf32>
    %swap3A_1530 = arith.constant 4080 : index
    %swap3A_1531 = tpu.vector_load %arg9[%swap3A_1530] {strides = array<i32>} : memref<5728xf32, #tpu.memory_space<vmem>>, vector<16xf32>,
    %swap3A_1532 = vector.shape_cast %swap3A_1531 : vector<16xf32> to vector<16xf32>
    %swap3A_1533 = vector.shape_cast %broadcast_in_dim3A_1529 : vector<16xf32> to vector<16xf32>
    tpu.vector_store %arg9[%swap3A_1530], %swap3A_1533 {strides = array<i32>} : memref<5728xf32, #tpu.memory_space<vmem>>, vector<16xf32>,
    %broadcast_in_dim3A_1534 = arith.constant 0.000000e+00 : f32
    %broadcast_in_dim3A_1535 = vector.broadcast %broadcast_in_dim3A_1534 : f32 to vector<16xf32>
    %swap3A_1536 = arith.constant 4096 : index
    %swap3A_1537 = tpu.vector_load %arg9[%swap3A_1536] {strides = array<i32>} : memref<5728xf32, #tpu.memory_space<vmem>>, vector<16xf32>,
    %swap3A_1538 = vector.shape_cast %swap3A_1537 : vector<16xf32> to vector<16xf32>
    %swap3A_1539 = vector.shape_cast %broadcast_in_dim3A_1535 : vector<16xf32> to vector<16xf32>
    tpu.vector_store %arg9[%swap3A_1536], %swap3A_1539 {strides = array<i32>} : memref<5728xf32, #tpu.memory_space<vmem>>, vector<16xf32>,
    %broadcast_in_dim3A_1540 = arith.constant 0.000000e+00 : f32
    %broadcast_in_dim3A_1541 = vector.broadcast %broadcast_in_dim3A_1540 : f32 to vector<16xf32>
    %swap3A_1542 = arith.constant 4112 : index
    %swap3A_1543 = tpu.vector_load %arg9[%swap3A_1542] {strides = array<i32>} : memref<5728xf32, #tpu.memory_space<vmem>>, vector<16xf32>,
    %swap3A_1544 = vector.shape_cast %swap3A_1543 : vector<16xf32> to vector<16xf32>
    %swap3A_1545 = vector.shape_cast %broadcast_in_dim3A_1541 : vector<16xf32> to vector<16xf32>
    tpu.vector_store %arg9[%swap3A_1542], %swap3A_1545 {strides = array<i32>} : memref<5728xf32, #tpu.memory_space<vmem>>, vector<16xf32>,
    %broadcast_in_dim3A_1546 = arith.constant 0.000000e+00 : f32
    %broadcast_in_dim3A_1547 = vector.broadcast %broadcast_in_dim3A_1546 : f32 to vector<16xf32>
    %swap3A_1548 = arith.constant 4128 : index
    %swap3A_1549 = tpu.vector_load %arg9[%swap3A_1548] {strides = array<i32>} : memref<5728xf32, #tpu.memory_space<vmem>>, vector<16xf32>,
    %swap3A_1550 = vector.shape_cast %swap3A_1549 : vector<16xf32> to vector<16xf32>
    %swap3A_1551 = vector.shape_cast %broadcast_in_dim3A_1547 : vector<16xf32> to vector<16xf32>
    tpu.vector_store %arg9[%swap3A_1548], %swap3A_1551 {strides = array<i32>} : memref<5728xf32, #tpu.memory_space<vmem>>, vector<16xf32>,
    %broadcast_in_dim3A_1552 = arith.constant 0.000000e+00 : f32
    %broadcast_in_dim3A_1553 = vector.broadcast %broadcast_in_dim3A_1552 : f32 to vector<16xf32>
    %swap3A_1554 = arith.constant 4144 : index
    %swap3A_1555 = tpu.vector_load %arg9[%swap3A_1554] {strides = array<i32>} : memref<5728xf32, #tpu.memory_space<vmem>>, vector<16xf32>,
    %swap3A_1556 = vector.shape_cast %swap3A_1555 : vector<16xf32> to vector<16xf32>
    %swap3A_1557 = vector.shape_cast %broadcast_in_dim3A_1553 : vector<16xf32> to vector<16xf32>
    tpu.vector_store %arg9[%swap3A_1554], %swap3A_1557 {strides = array<i32>} : memref<5728xf32, #tpu.memory_space<vmem>>, vector<16xf32>,
    %broadcast_in_dim3A_1558 = arith.constant 0.000000e+00 : f32
    %broadcast_in_dim3A_1559 = vector.broadcast %broadcast_in_dim3A_1558 : f32 to vector<16xf32>
    %swap3A_1560 = arith.constant 4160 : index
    %swap3A_1561 = tpu.vector_load %arg9[%swap3A_1560] {strides = array<i32>} : memref<5728xf32, #tpu.memory_space<vmem>>, vector<16xf32>,
    %swap3A_1562 = vector.shape_cast %swap3A_1561 : vector<16xf32> to vector<16xf32>
    %swap3A_1563 = vector.shape_cast %broadcast_in_dim3A_1559 : vector<16xf32> to vector<16xf32>
    tpu.vector_store %arg9[%swap3A_1560], %swap3A_1563 {strides = array<i32>} : memref<5728xf32, #tpu.memory_space<vmem>>, vector<16xf32>,
    %broadcast_in_dim3A_1564 = arith.constant 0.000000e+00 : f32
    %broadcast_in_dim3A_1565 = vector.broadcast %broadcast_in_dim3A_1564 : f32 to vector<16xf32>
    %swap3A_1566 = arith.constant 4176 : index
    %swap3A_1567 = tpu.vector_load %arg9[%swap3A_1566] {strides = array<i32>} : memref<5728xf32, #tpu.memory_space<vmem>>, vector<16xf32>,
    %swap3A_1568 = vector.shape_cast %swap3A_1567 : vector<16xf32> to vector<16xf32>
    %swap3A_1569 = vector.shape_cast %broadcast_in_dim3A_1565 : vector<16xf32> to vector<16xf32>
    tpu.vector_store %arg9[%swap3A_1566], %swap3A_1569 {strides = array<i32>} : memref<5728xf32, #tpu.memory_space<vmem>>, vector<16xf32>,
    %broadcast_in_dim3A_1570 = arith.constant 0.000000e+00 : f32
    %broadcast_in_dim3A_1571 = vector.broadcast %broadcast_in_dim3A_1570 : f32 to vector<16xf32>
    %swap3A_1572 = arith.constant 4192 : index
    %swap3A_1573 = tpu.vector_load %arg9[%swap3A_1572] {strides = array<i32>} : memref<5728xf32, #tpu.memory_space<vmem>>, vector<16xf32>,
    %swap3A_1574 = vector.shape_cast %swap3A_1573 : vector<16xf32> to vector<16xf32>
    %swap3A_1575 = vector.shape_cast %broadcast_in_dim3A_1571 : vector<16xf32> to vector<16xf32>
    tpu.vector_store %arg9[%swap3A_1572], %swap3A_1575 {strides = array<i32>} : memref<5728xf32, #tpu.memory_space<vmem>>, vector<16xf32>,
    %broadcast_in_dim3A_1576 = arith.constant 0.000000e+00 : f32
    %broadcast_in_dim3A_1577 = vector.broadcast %broadcast_in_dim3A_1576 : f32 to vector<16xf32>
    %swap3A_1578 = arith.constant 4208 : index
    %swap3A_1579 = tpu.vector_load %arg9[%swap3A_1578] {strides = array<i32>} : memref<5728xf32, #tpu.memory_space<vmem>>, vector<16xf32>,
    %swap3A_1580 = vector.shape_cast %swap3A_1579 : vector<16xf32> to vector<16xf32>
    %swap3A_1581 = vector.shape_cast %broadcast_in_dim3A_1577 : vector<16xf32> to vector<16xf32>
    tpu.vector_store %arg9[%swap3A_1578], %swap3A_1581 {strides = array<i32>} : memref<5728xf32, #tpu.memory_space<vmem>>, vector<16xf32>,
    %broadcast_in_dim3A_1582 = arith.constant 0.000000e+00 : f32
    %broadcast_in_dim3A_1583 = vector.broadcast %broadcast_in_dim3A_1582 : f32 to vector<16xf32>
    %swap3A_1584 = arith.constant 4224 : index
    %swap3A_1585 = tpu.vector_load %arg9[%swap3A_1584] {strides = array<i32>} : memref<5728xf32, #tpu.memory_space<vmem>>, vector<16xf32>,
    %swap3A_1586 = vector.shape_cast %swap3A_1585 : vector<16xf32> to vector<16xf32>
    %swap3A_1587 = vector.shape_cast %broadcast_in_dim3A_1583 : vector<16xf32> to vector<16xf32>
    tpu.vector_store %arg9[%swap3A_1584], %swap3A_1587 {strides = array<i32>} : memref<5728xf32, #tpu.memory_space<vmem>>, vector<16xf32>,
    %broadcast_in_dim3A_1588 = arith.constant 0.000000e+00 : f32
    %broadcast_in_dim3A_1589 = vector.broadcast %broadcast_in_dim3A_1588 : f32 to vector<16xf32>
    %swap3A_1590 = arith.constant 4240 : index
    %swap3A_1591 = tpu.vector_load %arg9[%swap3A_1590] {strides = array<i32>} : memref<5728xf32, #tpu.memory_space<vmem>>, vector<16xf32>,
    %swap3A_1592 = vector.shape_cast %swap3A_1591 : vector<16xf32> to vector<16xf32>
    %swap3A_1593 = vector.shape_cast %broadcast_in_dim3A_1589 : vector<16xf32> to vector<16xf32>
    tpu.vector_store %arg9[%swap3A_1590], %swap3A_1593 {strides = array<i32>} : memref<5728xf32, #tpu.memory_space<vmem>>, vector<16xf32>,
    %broadcast_in_dim3A_1594 = arith.constant 0.000000e+00 : f32
    %broadcast_in_dim3A_1595 = vector.broadcast %broadcast_in_dim3A_1594 : f32 to vector<16xf32>
    %swap3A_1596 = arith.constant 4256 : index
    %swap3A_1597 = tpu.vector_load %arg9[%swap3A_1596] {strides = array<i32>} : memref<5728xf32, #tpu.memory_space<vmem>>, vector<16xf32>,
    %swap3A_1598 = vector.shape_cast %swap3A_1597 : vector<16xf32> to vector<16xf32>
    %swap3A_1599 = vector.shape_cast %broadcast_in_dim3A_1595 : vector<16xf32> to vector<16xf32>
    tpu.vector_store %arg9[%swap3A_1596], %swap3A_1599 {strides = array<i32>} : memref<5728xf32, #tpu.memory_space<vmem>>, vector<16xf32>,
    %broadcast_in_dim3A_1600 = arith.constant 0.000000e+00 : f32
    %broadcast_in_dim3A_1601 = vector.broadcast %broadcast_in_dim3A_1600 : f32 to vector<16xf32>
    %swap3A_1602 = arith.constant 4272 : index
    %swap3A_1603 = tpu.vector_load %arg9[%swap3A_1602] {strides = array<i32>} : memref<5728xf32, #tpu.memory_space<vmem>>, vector<16xf32>,
    %swap3A_1604 = vector.shape_cast %swap3A_1603 : vector<16xf32> to vector<16xf32>
    %swap3A_1605 = vector.shape_cast %broadcast_in_dim3A_1601 : vector<16xf32> to vector<16xf32>
    tpu.vector_store %arg9[%swap3A_1602], %swap3A_1605 {strides = array<i32>} : memref<5728xf32, #tpu.memory_space<vmem>>, vector<16xf32>,
    %broadcast_in_dim3A_1606 = arith.constant 0.000000e+00 : f32
    %broadcast_in_dim3A_1607 = vector.broadcast %broadcast_in_dim3A_1606 : f32 to vector<16xf32>
    %swap3A_1608 = arith.constant 4288 : index
    %swap3A_1609 = tpu.vector_load %arg9[%swap3A_1608] {strides = array<i32>} : memref<5728xf32, #tpu.memory_space<vmem>>, vector<16xf32>,
    %swap3A_1610 = vector.shape_cast %swap3A_1609 : vector<16xf32> to vector<16xf32>
    %swap3A_1611 = vector.shape_cast %broadcast_in_dim3A_1607 : vector<16xf32> to vector<16xf32>
    tpu.vector_store %arg9[%swap3A_1608], %swap3A_1611 {strides = array<i32>} : memref<5728xf32, #tpu.memory_space<vmem>>, vector<16xf32>,
    %broadcast_in_dim3A_1612 = arith.constant 0.000000e+00 : f32
    %broadcast_in_dim3A_1613 = vector.broadcast %broadcast_in_dim3A_1612 : f32 to vector<16xf32>
    %swap3A_1614 = arith.constant 4304 : index
    %swap3A_1615 = tpu.vector_load %arg9[%swap3A_1614] {strides = array<i32>} : memref<5728xf32, #tpu.memory_space<vmem>>, vector<16xf32>,
    %swap3A_1616 = vector.shape_cast %swap3A_1615 : vector<16xf32> to vector<16xf32>
    %swap3A_1617 = vector.shape_cast %broadcast_in_dim3A_1613 : vector<16xf32> to vector<16xf32>
    tpu.vector_store %arg9[%swap3A_1614], %swap3A_1617 {strides = array<i32>} : memref<5728xf32, #tpu.memory_space<vmem>>, vector<16xf32>,
    %broadcast_in_dim3A_1618 = arith.constant 0.000000e+00 : f32
    %broadcast_in_dim3A_1619 = vector.broadcast %broadcast_in_dim3A_1618 : f32 to vector<16xf32>
    %swap3A_1620 = arith.constant 4320 : index
    %swap3A_1621 = tpu.vector_load %arg9[%swap3A_1620] {strides = array<i32>} : memref<5728xf32, #tpu.memory_space<vmem>>, vector<16xf32>,
    %swap3A_1622 = vector.shape_cast %swap3A_1621 : vector<16xf32> to vector<16xf32>
    %swap3A_1623 = vector.shape_cast %broadcast_in_dim3A_1619 : vector<16xf32> to vector<16xf32>
    tpu.vector_store %arg9[%swap3A_1620], %swap3A_1623 {strides = array<i32>} : memref<5728xf32, #tpu.memory_space<vmem>>, vector<16xf32>,
    %broadcast_in_dim3A_1624 = arith.constant 0.000000e+00 : f32
    %broadcast_in_dim3A_1625 = vector.broadcast %broadcast_in_dim3A_1624 : f32 to vector<16xf32>
    %swap3A_1626 = arith.constant 4336 : index
    %swap3A_1627 = tpu.vector_load %arg9[%swap3A_1626] {strides = array<i32>} : memref<5728xf32, #tpu.memory_space<vmem>>, vector<16xf32>,
    %swap3A_1628 = vector.shape_cast %swap3A_1627 : vector<16xf32> to vector<16xf32>
    %swap3A_1629 = vector.shape_cast %broadcast_in_dim3A_1625 : vector<16xf32> to vector<16xf32>
    tpu.vector_store %arg9[%swap3A_1626], %swap3A_1629 {strides = array<i32>} : memref<5728xf32, #tpu.memory_space<vmem>>, vector<16xf32>,
    %broadcast_in_dim3A_1630 = arith.constant 0.000000e+00 : f32
    %broadcast_in_dim3A_1631 = vector.broadcast %broadcast_in_dim3A_1630 : f32 to vector<16xf32>
    %swap3A_1632 = arith.constant 4352 : index
    %swap3A_1633 = tpu.vector_load %arg9[%swap3A_1632] {strides = array<i32>} : memref<5728xf32, #tpu.memory_space<vmem>>, vector<16xf32>,
    %swap3A_1634 = vector.shape_cast %swap3A_1633 : vector<16xf32> to vector<16xf32>
    %swap3A_1635 = vector.shape_cast %broadcast_in_dim3A_1631 : vector<16xf32> to vector<16xf32>
    tpu.vector_store %arg9[%swap3A_1632], %swap3A_1635 {strides = array<i32>} : memref<5728xf32, #tpu.memory_space<vmem>>, vector<16xf32>,
    %broadcast_in_dim3A_1636 = arith.constant 0.000000e+00 : f32
    %broadcast_in_dim3A_1637 = vector.broadcast %broadcast_in_dim3A_1636 : f32 to vector<16xf32>
    %swap3A_1638 = arith.constant 4368 : index
    %swap3A_1639 = tpu.vector_load %arg9[%swap3A_1638] {strides = array<i32>} : memref<5728xf32, #tpu.memory_space<vmem>>, vector<16xf32>,
    %swap3A_1640 = vector.shape_cast %swap3A_1639 : vector<16xf32> to vector<16xf32>
    %swap3A_1641 = vector.shape_cast %broadcast_in_dim3A_1637 : vector<16xf32> to vector<16xf32>
    tpu.vector_store %arg9[%swap3A_1638], %swap3A_1641 {strides = array<i32>} : memref<5728xf32, #tpu.memory_space<vmem>>, vector<16xf32>,
    %broadcast_in_dim3A_1642 = arith.constant 0.000000e+00 : f32
    %broadcast_in_dim3A_1643 = vector.broadcast %broadcast_in_dim3A_1642 : f32 to vector<16xf32>
    %swap3A_1644 = arith.constant 4384 : index
    %swap3A_1645 = tpu.vector_load %arg9[%swap3A_1644] {strides = array<i32>} : memref<5728xf32, #tpu.memory_space<vmem>>, vector<16xf32>,
    %swap3A_1646 = vector.shape_cast %swap3A_1645 : vector<16xf32> to vector<16xf32>
    %swap3A_1647 = vector.shape_cast %broadcast_in_dim3A_1643 : vector<16xf32> to vector<16xf32>
    tpu.vector_store %arg9[%swap3A_1644], %swap3A_1647 {strides = array<i32>} : memref<5728xf32, #tpu.memory_space<vmem>>, vector<16xf32>,
    %broadcast_in_dim3A_1648 = arith.constant 0.000000e+00 : f32
    %broadcast_in_dim3A_1649 = vector.broadcast %broadcast_in_dim3A_1648 : f32 to vector<16xf32>
    %swap3A_1650 = arith.constant 4400 : index
    %swap3A_1651 = tpu.vector_load %arg9[%swap3A_1650] {strides = array<i32>} : memref<5728xf32, #tpu.memory_space<vmem>>, vector<16xf32>,
    %swap3A_1652 = vector.shape_cast %swap3A_1651 : vector<16xf32> to vector<16xf32>
    %swap3A_1653 = vector.shape_cast %broadcast_in_dim3A_1649 : vector<16xf32> to vector<16xf32>
    tpu.vector_store %arg9[%swap3A_1650], %swap3A_1653 {strides = array<i32>} : memref<5728xf32, #tpu.memory_space<vmem>>, vector<16xf32>,
    %broadcast_in_dim3A_1654 = arith.constant 0.000000e+00 : f32
    %broadcast_in_dim3A_1655 = vector.broadcast %broadcast_in_dim3A_1654 : f32 to vector<16xf32>
    %swap3A_1656 = arith.constant 4416 : index
    %swap3A_1657 = tpu.vector_load %arg9[%swap3A_1656] {strides = array<i32>} : memref<5728xf32, #tpu.memory_space<vmem>>, vector<16xf32>,
    %swap3A_1658 = vector.shape_cast %swap3A_1657 : vector<16xf32> to vector<16xf32>
    %swap3A_1659 = vector.shape_cast %broadcast_in_dim3A_1655 : vector<16xf32> to vector<16xf32>
    tpu.vector_store %arg9[%swap3A_1656], %swap3A_1659 {strides = array<i32>} : memref<5728xf32, #tpu.memory_space<vmem>>, vector<16xf32>,
    %broadcast_in_dim3A_1660 = arith.constant 0.000000e+00 : f32
    %broadcast_in_dim3A_1661 = vector.broadcast %broadcast_in_dim3A_1660 : f32 to vector<16xf32>
    %swap3A_1662 = arith.constant 4432 : index
    %swap3A_1663 = tpu.vector_load %arg9[%swap3A_1662] {strides = array<i32>} : memref<5728xf32, #tpu.memory_space<vmem>>, vector<16xf32>,
    %swap3A_1664 = vector.shape_cast %swap3A_1663 : vector<16xf32> to vector<16xf32>
    %swap3A_1665 = vector.shape_cast %broadcast_in_dim3A_1661 : vector<16xf32> to vector<16xf32>
    tpu.vector_store %arg9[%swap3A_1662], %swap3A_1665 {strides = array<i32>} : memref<5728xf32, #tpu.memory_space<vmem>>, vector<16xf32>,
    %broadcast_in_dim3A_1666 = arith.constant 0.000000e+00 : f32
    %broadcast_in_dim3A_1667 = vector.broadcast %broadcast_in_dim3A_1666 : f32 to vector<16xf32>
    %swap3A_1668 = arith.constant 4448 : index
    %swap3A_1669 = tpu.vector_load %arg9[%swap3A_1668] {strides = array<i32>} : memref<5728xf32, #tpu.memory_space<vmem>>, vector<16xf32>,
    %swap3A_1670 = vector.shape_cast %swap3A_1669 : vector<16xf32> to vector<16xf32>
    %swap3A_1671 = vector.shape_cast %broadcast_in_dim3A_1667 : vector<16xf32> to vector<16xf32>
    tpu.vector_store %arg9[%swap3A_1668], %swap3A_1671 {strides = array<i32>} : memref<5728xf32, #tpu.memory_space<vmem>>, vector<16xf32>,
    %broadcast_in_dim3A_1672 = arith.constant 0.000000e+00 : f32
    %broadcast_in_dim3A_1673 = vector.broadcast %broadcast_in_dim3A_1672 : f32 to vector<16xf32>
    %swap3A_1674 = arith.constant 4464 : index
    %swap3A_1675 = tpu.vector_load %arg9[%swap3A_1674] {strides = array<i32>} : memref<5728xf32, #tpu.memory_space<vmem>>, vector<16xf32>,
    %swap3A_1676 = vector.shape_cast %swap3A_1675 : vector<16xf32> to vector<16xf32>
    %swap3A_1677 = vector.shape_cast %broadcast_in_dim3A_1673 : vector<16xf32> to vector<16xf32>
    tpu.vector_store %arg9[%swap3A_1674], %swap3A_1677 {strides = array<i32>} : memref<5728xf32, #tpu.memory_space<vmem>>, vector<16xf32>,
    %broadcast_in_dim3A_1678 = arith.constant 0.000000e+00 : f32
    %broadcast_in_dim3A_1679 = vector.broadcast %broadcast_in_dim3A_1678 : f32 to vector<16xf32>
    %swap3A_1680 = arith.constant 4480 : index
    %swap3A_1681 = tpu.vector_load %arg9[%swap3A_1680] {strides = array<i32>} : memref<5728xf32, #tpu.memory_space<vmem>>, vector<16xf32>,
    %swap3A_1682 = vector.shape_cast %swap3A_1681 : vector<16xf32> to vector<16xf32>
    %swap3A_1683 = vector.shape_cast %broadcast_in_dim3A_1679 : vector<16xf32> to vector<16xf32>
    tpu.vector_store %arg9[%swap3A_1680], %swap3A_1683 {strides = array<i32>} : memref<5728xf32, #tpu.memory_space<vmem>>, vector<16xf32>,
    %broadcast_in_dim3A_1684 = arith.constant 0.000000e+00 : f32
    %broadcast_in_dim3A_1685 = vector.broadcast %broadcast_in_dim3A_1684 : f32 to vector<16xf32>
    %swap3A_1686 = arith.constant 4496 : index
    %swap3A_1687 = tpu.vector_load %arg9[%swap3A_1686] {strides = array<i32>} : memref<5728xf32, #tpu.memory_space<vmem>>, vector<16xf32>,
    %swap3A_1688 = vector.shape_cast %swap3A_1687 : vector<16xf32> to vector<16xf32>
    %swap3A_1689 = vector.shape_cast %broadcast_in_dim3A_1685 : vector<16xf32> to vector<16xf32>
    tpu.vector_store %arg9[%swap3A_1686], %swap3A_1689 {strides = array<i32>} : memref<5728xf32, #tpu.memory_space<vmem>>, vector<16xf32>,
    %broadcast_in_dim3A_1690 = arith.constant 0.000000e+00 : f32
    %broadcast_in_dim3A_1691 = vector.broadcast %broadcast_in_dim3A_1690 : f32 to vector<16xf32>
    %swap3A_1692 = arith.constant 4512 : index
    %swap3A_1693 = tpu.vector_load %arg9[%swap3A_1692] {strides = array<i32>} : memref<5728xf32, #tpu.memory_space<vmem>>, vector<16xf32>,
    %swap3A_1694 = vector.shape_cast %swap3A_1693 : vector<16xf32> to vector<16xf32>
    %swap3A_1695 = vector.shape_cast %broadcast_in_dim3A_1691 : vector<16xf32> to vector<16xf32>
    tpu.vector_store %arg9[%swap3A_1692], %swap3A_1695 {strides = array<i32>} : memref<5728xf32, #tpu.memory_space<vmem>>, vector<16xf32>,
    %broadcast_in_dim3A_1696 = arith.constant 0.000000e+00 : f32
    %broadcast_in_dim3A_1697 = vector.broadcast %broadcast_in_dim3A_1696 : f32 to vector<16xf32>
    %swap3A_1698 = arith.constant 4528 : index
    %swap3A_1699 = tpu.vector_load %arg9[%swap3A_1698] {strides = array<i32>} : memref<5728xf32, #tpu.memory_space<vmem>>, vector<16xf32>,
    %swap3A_1700 = vector.shape_cast %swap3A_1699 : vector<16xf32> to vector<16xf32>
    %swap3A_1701 = vector.shape_cast %broadcast_in_dim3A_1697 : vector<16xf32> to vector<16xf32>
    tpu.vector_store %arg9[%swap3A_1698], %swap3A_1701 {strides = array<i32>} : memref<5728xf32, #tpu.memory_space<vmem>>, vector<16xf32>,
    %broadcast_in_dim3A_1702 = arith.constant 0.000000e+00 : f32
    %broadcast_in_dim3A_1703 = vector.broadcast %broadcast_in_dim3A_1702 : f32 to vector<16xf32>
    %swap3A_1704 = arith.constant 4544 : index
    %swap3A_1705 = tpu.vector_load %arg9[%swap3A_1704] {strides = array<i32>} : memref<5728xf32, #tpu.memory_space<vmem>>, vector<16xf32>,
    %swap3A_1706 = vector.shape_cast %swap3A_1705 : vector<16xf32> to vector<16xf32>
    %swap3A_1707 = vector.shape_cast %broadcast_in_dim3A_1703 : vector<16xf32> to vector<16xf32>
    tpu.vector_store %arg9[%swap3A_1704], %swap3A_1707 {strides = array<i32>} : memref<5728xf32, #tpu.memory_space<vmem>>, vector<16xf32>,
    %broadcast_in_dim3A_1708 = arith.constant 0.000000e+00 : f32
    %broadcast_in_dim3A_1709 = vector.broadcast %broadcast_in_dim3A_1708 : f32 to vector<16xf32>
    %swap3A_1710 = arith.constant 4560 : index
    %swap3A_1711 = tpu.vector_load %arg9[%swap3A_1710] {strides = array<i32>} : memref<5728xf32, #tpu.memory_space<vmem>>, vector<16xf32>,
    %swap3A_1712 = vector.shape_cast %swap3A_1711 : vector<16xf32> to vector<16xf32>
    %swap3A_1713 = vector.shape_cast %broadcast_in_dim3A_1709 : vector<16xf32> to vector<16xf32>
    tpu.vector_store %arg9[%swap3A_1710], %swap3A_1713 {strides = array<i32>} : memref<5728xf32, #tpu.memory_space<vmem>>, vector<16xf32>,
    %broadcast_in_dim3A_1714 = arith.constant 0.000000e+00 : f32
    %broadcast_in_dim3A_1715 = vector.broadcast %broadcast_in_dim3A_1714 : f32 to vector<16xf32>
    %swap3A_1716 = arith.constant 4576 : index
    %swap3A_1717 = tpu.vector_load %arg9[%swap3A_1716] {strides = array<i32>} : memref<5728xf32, #tpu.memory_space<vmem>>, vector<16xf32>,
    %swap3A_1718 = vector.shape_cast %swap3A_1717 : vector<16xf32> to vector<16xf32>
    %swap3A_1719 = vector.shape_cast %broadcast_in_dim3A_1715 : vector<16xf32> to vector<16xf32>
    tpu.vector_store %arg9[%swap3A_1716], %swap3A_1719 {strides = array<i32>} : memref<5728xf32, #tpu.memory_space<vmem>>, vector<16xf32>,
    %broadcast_in_dim3A_1720 = arith.constant 0.000000e+00 : f32
    %broadcast_in_dim3A_1721 = vector.broadcast %broadcast_in_dim3A_1720 : f32 to vector<16xf32>
    %swap3A_1722 = arith.constant 4592 : index
    %swap3A_1723 = tpu.vector_load %arg9[%swap3A_1722] {strides = array<i32>} : memref<5728xf32, #tpu.memory_space<vmem>>, vector<16xf32>,
    %swap3A_1724 = vector.shape_cast %swap3A_1723 : vector<16xf32> to vector<16xf32>
    %swap3A_1725 = vector.shape_cast %broadcast_in_dim3A_1721 : vector<16xf32> to vector<16xf32>
    tpu.vector_store %arg9[%swap3A_1722], %swap3A_1725 {strides = array<i32>} : memref<5728xf32, #tpu.memory_space<vmem>>, vector<16xf32>,
    %broadcast_in_dim3A_1726 = arith.constant 0.000000e+00 : f32
    %broadcast_in_dim3A_1727 = vector.broadcast %broadcast_in_dim3A_1726 : f32 to vector<16xf32>
    %swap3A_1728 = arith.constant 4608 : index
    %swap3A_1729 = tpu.vector_load %arg9[%swap3A_1728] {strides = array<i32>} : memref<5728xf32, #tpu.memory_space<vmem>>, vector<16xf32>,
    %swap3A_1730 = vector.shape_cast %swap3A_1729 : vector<16xf32> to vector<16xf32>
    %swap3A_1731 = vector.shape_cast %broadcast_in_dim3A_1727 : vector<16xf32> to vector<16xf32>
    tpu.vector_store %arg9[%swap3A_1728], %swap3A_1731 {strides = array<i32>} : memref<5728xf32, #tpu.memory_space<vmem>>, vector<16xf32>,
    %broadcast_in_dim3A_1732 = arith.constant 0.000000e+00 : f32
    %broadcast_in_dim3A_1733 = vector.broadcast %broadcast_in_dim3A_1732 : f32 to vector<16xf32>
    %swap3A_1734 = arith.constant 4624 : index
    %swap3A_1735 = tpu.vector_load %arg9[%swap3A_1734] {strides = array<i32>} : memref<5728xf32, #tpu.memory_space<vmem>>, vector<16xf32>,
    %swap3A_1736 = vector.shape_cast %swap3A_1735 : vector<16xf32> to vector<16xf32>
    %swap3A_1737 = vector.shape_cast %broadcast_in_dim3A_1733 : vector<16xf32> to vector<16xf32>
    tpu.vector_store %arg9[%swap3A_1734], %swap3A_1737 {strides = array<i32>} : memref<5728xf32, #tpu.memory_space<vmem>>, vector<16xf32>,
    %broadcast_in_dim3A_1738 = arith.constant 0.000000e+00 : f32
    %broadcast_in_dim3A_1739 = vector.broadcast %broadcast_in_dim3A_1738 : f32 to vector<16xf32>
    %swap3A_1740 = arith.constant 4640 : index
    %swap3A_1741 = tpu.vector_load %arg9[%swap3A_1740] {strides = array<i32>} : memref<5728xf32, #tpu.memory_space<vmem>>, vector<16xf32>,
    %swap3A_1742 = vector.shape_cast %swap3A_1741 : vector<16xf32> to vector<16xf32>
    %swap3A_1743 = vector.shape_cast %broadcast_in_dim3A_1739 : vector<16xf32> to vector<16xf32>
    tpu.vector_store %arg9[%swap3A_1740], %swap3A_1743 {strides = array<i32>} : memref<5728xf32, #tpu.memory_space<vmem>>, vector<16xf32>,
    %broadcast_in_dim3A_1744 = arith.constant 0.000000e+00 : f32
    %broadcast_in_dim3A_1745 = vector.broadcast %broadcast_in_dim3A_1744 : f32 to vector<16xf32>
    %swap3A_1746 = arith.constant 4656 : index
    %swap3A_1747 = tpu.vector_load %arg9[%swap3A_1746] {strides = array<i32>} : memref<5728xf32, #tpu.memory_space<vmem>>, vector<16xf32>,
    %swap3A_1748 = vector.shape_cast %swap3A_1747 : vector<16xf32> to vector<16xf32>
    %swap3A_1749 = vector.shape_cast %broadcast_in_dim3A_1745 : vector<16xf32> to vector<16xf32>
    tpu.vector_store %arg9[%swap3A_1746], %swap3A_1749 {strides = array<i32>} : memref<5728xf32, #tpu.memory_space<vmem>>, vector<16xf32>,
    %broadcast_in_dim3A_1750 = arith.constant 0.000000e+00 : f32
    %broadcast_in_dim3A_1751 = vector.broadcast %broadcast_in_dim3A_1750 : f32 to vector<16xf32>
    %swap3A_1752 = arith.constant 4672 : index
    %swap3A_1753 = tpu.vector_load %arg9[%swap3A_1752] {strides = array<i32>} : memref<5728xf32, #tpu.memory_space<vmem>>, vector<16xf32>,
    %swap3A_1754 = vector.shape_cast %swap3A_1753 : vector<16xf32> to vector<16xf32>
    %swap3A_1755 = vector.shape_cast %broadcast_in_dim3A_1751 : vector<16xf32> to vector<16xf32>
    tpu.vector_store %arg9[%swap3A_1752], %swap3A_1755 {strides = array<i32>} : memref<5728xf32, #tpu.memory_space<vmem>>, vector<16xf32>,
    %broadcast_in_dim3A_1756 = arith.constant 0.000000e+00 : f32
    %broadcast_in_dim3A_1757 = vector.broadcast %broadcast_in_dim3A_1756 : f32 to vector<16xf32>
    %swap3A_1758 = arith.constant 4688 : index
    %swap3A_1759 = tpu.vector_load %arg9[%swap3A_1758] {strides = array<i32>} : memref<5728xf32, #tpu.memory_space<vmem>>, vector<16xf32>,
    %swap3A_1760 = vector.shape_cast %swap3A_1759 : vector<16xf32> to vector<16xf32>
    %swap3A_1761 = vector.shape_cast %broadcast_in_dim3A_1757 : vector<16xf32> to vector<16xf32>
    tpu.vector_store %arg9[%swap3A_1758], %swap3A_1761 {strides = array<i32>} : memref<5728xf32, #tpu.memory_space<vmem>>, vector<16xf32>,
    %broadcast_in_dim3A_1762 = arith.constant 0.000000e+00 : f32
    %broadcast_in_dim3A_1763 = vector.broadcast %broadcast_in_dim3A_1762 : f32 to vector<16xf32>
    %swap3A_1764 = arith.constant 4704 : index
    %swap3A_1765 = tpu.vector_load %arg9[%swap3A_1764] {strides = array<i32>} : memref<5728xf32, #tpu.memory_space<vmem>>, vector<16xf32>,
    %swap3A_1766 = vector.shape_cast %swap3A_1765 : vector<16xf32> to vector<16xf32>
    %swap3A_1767 = vector.shape_cast %broadcast_in_dim3A_1763 : vector<16xf32> to vector<16xf32>
    tpu.vector_store %arg9[%swap3A_1764], %swap3A_1767 {strides = array<i32>} : memref<5728xf32, #tpu.memory_space<vmem>>, vector<16xf32>,
    %broadcast_in_dim3A_1768 = arith.constant 0.000000e+00 : f32
    %broadcast_in_dim3A_1769 = vector.broadcast %broadcast_in_dim3A_1768 : f32 to vector<16xf32>
    %swap3A_1770 = arith.constant 4720 : index
    %swap3A_1771 = tpu.vector_load %arg9[%swap3A_1770] {strides = array<i32>} : memref<5728xf32, #tpu.memory_space<vmem>>, vector<16xf32>,
    %swap3A_1772 = vector.shape_cast %swap3A_1771 : vector<16xf32> to vector<16xf32>
    %swap3A_1773 = vector.shape_cast %broadcast_in_dim3A_1769 : vector<16xf32> to vector<16xf32>
    tpu.vector_store %arg9[%swap3A_1770], %swap3A_1773 {strides = array<i32>} : memref<5728xf32, #tpu.memory_space<vmem>>, vector<16xf32>,
    %broadcast_in_dim3A_1774 = arith.constant 0.000000e+00 : f32
    %broadcast_in_dim3A_1775 = vector.broadcast %broadcast_in_dim3A_1774 : f32 to vector<16xf32>
    %swap3A_1776 = arith.constant 4736 : index
    %swap3A_1777 = tpu.vector_load %arg9[%swap3A_1776] {strides = array<i32>} : memref<5728xf32, #tpu.memory_space<vmem>>, vector<16xf32>,
    %swap3A_1778 = vector.shape_cast %swap3A_1777 : vector<16xf32> to vector<16xf32>
    %swap3A_1779 = vector.shape_cast %broadcast_in_dim3A_1775 : vector<16xf32> to vector<16xf32>
    tpu.vector_store %arg9[%swap3A_1776], %swap3A_1779 {strides = array<i32>} : memref<5728xf32, #tpu.memory_space<vmem>>, vector<16xf32>,
    %broadcast_in_dim3A_1780 = arith.constant 0.000000e+00 : f32
    %broadcast_in_dim3A_1781 = vector.broadcast %broadcast_in_dim3A_1780 : f32 to vector<16xf32>
    %swap3A_1782 = arith.constant 4752 : index
    %swap3A_1783 = tpu.vector_load %arg9[%swap3A_1782] {strides = array<i32>} : memref<5728xf32, #tpu.memory_space<vmem>>, vector<16xf32>,
    %swap3A_1784 = vector.shape_cast %swap3A_1783 : vector<16xf32> to vector<16xf32>
    %swap3A_1785 = vector.shape_cast %broadcast_in_dim3A_1781 : vector<16xf32> to vector<16xf32>
    tpu.vector_store %arg9[%swap3A_1782], %swap3A_1785 {strides = array<i32>} : memref<5728xf32, #tpu.memory_space<vmem>>, vector<16xf32>,
    %broadcast_in_dim3A_1786 = arith.constant 0.000000e+00 : f32
    %broadcast_in_dim3A_1787 = vector.broadcast %broadcast_in_dim3A_1786 : f32 to vector<16xf32>
    %swap3A_1788 = arith.constant 4768 : index
    %swap3A_1789 = tpu.vector_load %arg9[%swap3A_1788] {strides = array<i32>} : memref<5728xf32, #tpu.memory_space<vmem>>, vector<16xf32>,
    %swap3A_1790 = vector.shape_cast %swap3A_1789 : vector<16xf32> to vector<16xf32>
    %swap3A_1791 = vector.shape_cast %broadcast_in_dim3A_1787 : vector<16xf32> to vector<16xf32>
    tpu.vector_store %arg9[%swap3A_1788], %swap3A_1791 {strides = array<i32>} : memref<5728xf32, #tpu.memory_space<vmem>>, vector<16xf32>,
    %broadcast_in_dim3A_1792 = arith.constant 0.000000e+00 : f32
    %broadcast_in_dim3A_1793 = vector.broadcast %broadcast_in_dim3A_1792 : f32 to vector<16xf32>
    %swap3A_1794 = arith.constant 4784 : index
    %swap3A_1795 = tpu.vector_load %arg9[%swap3A_1794] {strides = array<i32>} : memref<5728xf32, #tpu.memory_space<vmem>>, vector<16xf32>,
    %swap3A_1796 = vector.shape_cast %swap3A_1795 : vector<16xf32> to vector<16xf32>
    %swap3A_1797 = vector.shape_cast %broadcast_in_dim3A_1793 : vector<16xf32> to vector<16xf32>
    tpu.vector_store %arg9[%swap3A_1794], %swap3A_1797 {strides = array<i32>} : memref<5728xf32, #tpu.memory_space<vmem>>, vector<16xf32>,
    %broadcast_in_dim3A_1798 = arith.constant 0.000000e+00 : f32
    %broadcast_in_dim3A_1799 = vector.broadcast %broadcast_in_dim3A_1798 : f32 to vector<16xf32>
    %swap3A_1800 = arith.constant 4800 : index
    %swap3A_1801 = tpu.vector_load %arg9[%swap3A_1800] {strides = array<i32>} : memref<5728xf32, #tpu.memory_space<vmem>>, vector<16xf32>,
    %swap3A_1802 = vector.shape_cast %swap3A_1801 : vector<16xf32> to vector<16xf32>
    %swap3A_1803 = vector.shape_cast %broadcast_in_dim3A_1799 : vector<16xf32> to vector<16xf32>
    tpu.vector_store %arg9[%swap3A_1800], %swap3A_1803 {strides = array<i32>} : memref<5728xf32, #tpu.memory_space<vmem>>, vector<16xf32>,
    %broadcast_in_dim3A_1804 = arith.constant 0.000000e+00 : f32
    %broadcast_in_dim3A_1805 = vector.broadcast %broadcast_in_dim3A_1804 : f32 to vector<16xf32>
    %swap3A_1806 = arith.constant 4816 : index
    %swap3A_1807 = tpu.vector_load %arg9[%swap3A_1806] {strides = array<i32>} : memref<5728xf32, #tpu.memory_space<vmem>>, vector<16xf32>,
    %swap3A_1808 = vector.shape_cast %swap3A_1807 : vector<16xf32> to vector<16xf32>
    %swap3A_1809 = vector.shape_cast %broadcast_in_dim3A_1805 : vector<16xf32> to vector<16xf32>
    tpu.vector_store %arg9[%swap3A_1806], %swap3A_1809 {strides = array<i32>} : memref<5728xf32, #tpu.memory_space<vmem>>, vector<16xf32>,
    %broadcast_in_dim3A_1810 = arith.constant 0.000000e+00 : f32
    %broadcast_in_dim3A_1811 = vector.broadcast %broadcast_in_dim3A_1810 : f32 to vector<16xf32>
    %swap3A_1812 = arith.constant 4832 : index
    %swap3A_1813 = tpu.vector_load %arg9[%swap3A_1812] {strides = array<i32>} : memref<5728xf32, #tpu.memory_space<vmem>>, vector<16xf32>,
    %swap3A_1814 = vector.shape_cast %swap3A_1813 : vector<16xf32> to vector<16xf32>
    %swap3A_1815 = vector.shape_cast %broadcast_in_dim3A_1811 : vector<16xf32> to vector<16xf32>
    tpu.vector_store %arg9[%swap3A_1812], %swap3A_1815 {strides = array<i32>} : memref<5728xf32, #tpu.memory_space<vmem>>, vector<16xf32>,
    %broadcast_in_dim3A_1816 = arith.constant 0.000000e+00 : f32
    %broadcast_in_dim3A_1817 = vector.broadcast %broadcast_in_dim3A_1816 : f32 to vector<16xf32>
    %swap3A_1818 = arith.constant 4848 : index
    %swap3A_1819 = tpu.vector_load %arg9[%swap3A_1818] {strides = array<i32>} : memref<5728xf32, #tpu.memory_space<vmem>>, vector<16xf32>,
    %swap3A_1820 = vector.shape_cast %swap3A_1819 : vector<16xf32> to vector<16xf32>
    %swap3A_1821 = vector.shape_cast %broadcast_in_dim3A_1817 : vector<16xf32> to vector<16xf32>
    tpu.vector_store %arg9[%swap3A_1818], %swap3A_1821 {strides = array<i32>} : memref<5728xf32, #tpu.memory_space<vmem>>, vector<16xf32>,
    %broadcast_in_dim3A_1822 = arith.constant 0.000000e+00 : f32
    %broadcast_in_dim3A_1823 = vector.broadcast %broadcast_in_dim3A_1822 : f32 to vector<16xf32>
    %swap3A_1824 = arith.constant 4864 : index
    %swap3A_1825 = tpu.vector_load %arg9[%swap3A_1824] {strides = array<i32>} : memref<5728xf32, #tpu.memory_space<vmem>>, vector<16xf32>,
    %swap3A_1826 = vector.shape_cast %swap3A_1825 : vector<16xf32> to vector<16xf32>
    %swap3A_1827 = vector.shape_cast %broadcast_in_dim3A_1823 : vector<16xf32> to vector<16xf32>
    tpu.vector_store %arg9[%swap3A_1824], %swap3A_1827 {strides = array<i32>} : memref<5728xf32, #tpu.memory_space<vmem>>, vector<16xf32>,
    %broadcast_in_dim3A_1828 = arith.constant 0.000000e+00 : f32
    %broadcast_in_dim3A_1829 = vector.broadcast %broadcast_in_dim3A_1828 : f32 to vector<16xf32>
    %swap3A_1830 = arith.constant 4880 : index
    %swap3A_1831 = tpu.vector_load %arg9[%swap3A_1830] {strides = array<i32>} : memref<5728xf32, #tpu.memory_space<vmem>>, vector<16xf32>,
    %swap3A_1832 = vector.shape_cast %swap3A_1831 : vector<16xf32> to vector<16xf32>
    %swap3A_1833 = vector.shape_cast %broadcast_in_dim3A_1829 : vector<16xf32> to vector<16xf32>
    tpu.vector_store %arg9[%swap3A_1830], %swap3A_1833 {strides = array<i32>} : memref<5728xf32, #tpu.memory_space<vmem>>, vector<16xf32>,
    %broadcast_in_dim3A_1834 = arith.constant 0.000000e+00 : f32
    %broadcast_in_dim3A_1835 = vector.broadcast %broadcast_in_dim3A_1834 : f32 to vector<16xf32>
    %swap3A_1836 = arith.constant 4896 : index
    %swap3A_1837 = tpu.vector_load %arg9[%swap3A_1836] {strides = array<i32>} : memref<5728xf32, #tpu.memory_space<vmem>>, vector<16xf32>,
    %swap3A_1838 = vector.shape_cast %swap3A_1837 : vector<16xf32> to vector<16xf32>
    %swap3A_1839 = vector.shape_cast %broadcast_in_dim3A_1835 : vector<16xf32> to vector<16xf32>
    tpu.vector_store %arg9[%swap3A_1836], %swap3A_1839 {strides = array<i32>} : memref<5728xf32, #tpu.memory_space<vmem>>, vector<16xf32>,
    %broadcast_in_dim3A_1840 = arith.constant 0.000000e+00 : f32
    %broadcast_in_dim3A_1841 = vector.broadcast %broadcast_in_dim3A_1840 : f32 to vector<16xf32>
    %swap3A_1842 = arith.constant 4912 : index
    %swap3A_1843 = tpu.vector_load %arg9[%swap3A_1842] {strides = array<i32>} : memref<5728xf32, #tpu.memory_space<vmem>>, vector<16xf32>,
    %swap3A_1844 = vector.shape_cast %swap3A_1843 : vector<16xf32> to vector<16xf32>
    %swap3A_1845 = vector.shape_cast %broadcast_in_dim3A_1841 : vector<16xf32> to vector<16xf32>
    tpu.vector_store %arg9[%swap3A_1842], %swap3A_1845 {strides = array<i32>} : memref<5728xf32, #tpu.memory_space<vmem>>, vector<16xf32>,
    %broadcast_in_dim3A_1846 = arith.constant 0.000000e+00 : f32
    %broadcast_in_dim3A_1847 = vector.broadcast %broadcast_in_dim3A_1846 : f32 to vector<16xf32>
    %swap3A_1848 = arith.constant 4928 : index
    %swap3A_1849 = tpu.vector_load %arg9[%swap3A_1848] {strides = array<i32>} : memref<5728xf32, #tpu.memory_space<vmem>>, vector<16xf32>,
    %swap3A_1850 = vector.shape_cast %swap3A_1849 : vector<16xf32> to vector<16xf32>
    %swap3A_1851 = vector.shape_cast %broadcast_in_dim3A_1847 : vector<16xf32> to vector<16xf32>
    tpu.vector_store %arg9[%swap3A_1848], %swap3A_1851 {strides = array<i32>} : memref<5728xf32, #tpu.memory_space<vmem>>, vector<16xf32>,
    %broadcast_in_dim3A_1852 = arith.constant 0.000000e+00 : f32
    %broadcast_in_dim3A_1853 = vector.broadcast %broadcast_in_dim3A_1852 : f32 to vector<16xf32>
    %swap3A_1854 = arith.constant 4944 : index
    %swap3A_1855 = tpu.vector_load %arg9[%swap3A_1854] {strides = array<i32>} : memref<5728xf32, #tpu.memory_space<vmem>>, vector<16xf32>,
    %swap3A_1856 = vector.shape_cast %swap3A_1855 : vector<16xf32> to vector<16xf32>
    %swap3A_1857 = vector.shape_cast %broadcast_in_dim3A_1853 : vector<16xf32> to vector<16xf32>
    tpu.vector_store %arg9[%swap3A_1854], %swap3A_1857 {strides = array<i32>} : memref<5728xf32, #tpu.memory_space<vmem>>, vector<16xf32>,
    %broadcast_in_dim3A_1858 = arith.constant 0.000000e+00 : f32
    %broadcast_in_dim3A_1859 = vector.broadcast %broadcast_in_dim3A_1858 : f32 to vector<16xf32>
    %swap3A_1860 = arith.constant 4960 : index
    %swap3A_1861 = tpu.vector_load %arg9[%swap3A_1860] {strides = array<i32>} : memref<5728xf32, #tpu.memory_space<vmem>>, vector<16xf32>,
    %swap3A_1862 = vector.shape_cast %swap3A_1861 : vector<16xf32> to vector<16xf32>
    %swap3A_1863 = vector.shape_cast %broadcast_in_dim3A_1859 : vector<16xf32> to vector<16xf32>
    tpu.vector_store %arg9[%swap3A_1860], %swap3A_1863 {strides = array<i32>} : memref<5728xf32, #tpu.memory_space<vmem>>, vector<16xf32>,
    %broadcast_in_dim3A_1864 = arith.constant 0.000000e+00 : f32
    %broadcast_in_dim3A_1865 = vector.broadcast %broadcast_in_dim3A_1864 : f32 to vector<16xf32>
    %swap3A_1866 = arith.constant 4976 : index
    %swap3A_1867 = tpu.vector_load %arg9[%swap3A_1866] {strides = array<i32>} : memref<5728xf32, #tpu.memory_space<vmem>>, vector<16xf32>,
    %swap3A_1868 = vector.shape_cast %swap3A_1867 : vector<16xf32> to vector<16xf32>
    %swap3A_1869 = vector.shape_cast %broadcast_in_dim3A_1865 : vector<16xf32> to vector<16xf32>
    tpu.vector_store %arg9[%swap3A_1866], %swap3A_1869 {strides = array<i32>} : memref<5728xf32, #tpu.memory_space<vmem>>, vector<16xf32>,
    %broadcast_in_dim3A_1870 = arith.constant 0.000000e+00 : f32
    %broadcast_in_dim3A_1871 = vector.broadcast %broadcast_in_dim3A_1870 : f32 to vector<16xf32>
    %swap3A_1872 = arith.constant 4992 : index
    %swap3A_1873 = tpu.vector_load %arg9[%swap3A_1872] {strides = array<i32>} : memref<5728xf32, #tpu.memory_space<vmem>>, vector<16xf32>,
    %swap3A_1874 = vector.shape_cast %swap3A_1873 : vector<16xf32> to vector<16xf32>
    %swap3A_1875 = vector.shape_cast %broadcast_in_dim3A_1871 : vector<16xf32> to vector<16xf32>
    tpu.vector_store %arg9[%swap3A_1872], %swap3A_1875 {strides = array<i32>} : memref<5728xf32, #tpu.memory_space<vmem>>, vector<16xf32>,
    %broadcast_in_dim3A_1876 = arith.constant 0.000000e+00 : f32
    %broadcast_in_dim3A_1877 = vector.broadcast %broadcast_in_dim3A_1876 : f32 to vector<16xf32>
    %swap3A_1878 = arith.constant 5008 : index
    %swap3A_1879 = tpu.vector_load %arg9[%swap3A_1878] {strides = array<i32>} : memref<5728xf32, #tpu.memory_space<vmem>>, vector<16xf32>,
    %swap3A_1880 = vector.shape_cast %swap3A_1879 : vector<16xf32> to vector<16xf32>
    %swap3A_1881 = vector.shape_cast %broadcast_in_dim3A_1877 : vector<16xf32> to vector<16xf32>
    tpu.vector_store %arg9[%swap3A_1878], %swap3A_1881 {strides = array<i32>} : memref<5728xf32, #tpu.memory_space<vmem>>, vector<16xf32>,
    %broadcast_in_dim3A_1882 = arith.constant 0.000000e+00 : f32
    %broadcast_in_dim3A_1883 = vector.broadcast %broadcast_in_dim3A_1882 : f32 to vector<16xf32>
    %swap3A_1884 = arith.constant 5024 : index
    %swap3A_1885 = tpu.vector_load %arg9[%swap3A_1884] {strides = array<i32>} : memref<5728xf32, #tpu.memory_space<vmem>>, vector<16xf32>,
    %swap3A_1886 = vector.shape_cast %swap3A_1885 : vector<16xf32> to vector<16xf32>
    %swap3A_1887 = vector.shape_cast %broadcast_in_dim3A_1883 : vector<16xf32> to vector<16xf32>
    tpu.vector_store %arg9[%swap3A_1884], %swap3A_1887 {strides = array<i32>} : memref<5728xf32, #tpu.memory_space<vmem>>, vector<16xf32>,
    %broadcast_in_dim3A_1888 = arith.constant 0.000000e+00 : f32
    %broadcast_in_dim3A_1889 = vector.broadcast %broadcast_in_dim3A_1888 : f32 to vector<16xf32>
    %swap3A_1890 = arith.constant 5040 : index
    %swap3A_1891 = tpu.vector_load %arg9[%swap3A_1890] {strides = array<i32>} : memref<5728xf32, #tpu.memory_space<vmem>>, vector<16xf32>,
    %swap3A_1892 = vector.shape_cast %swap3A_1891 : vector<16xf32> to vector<16xf32>
    %swap3A_1893 = vector.shape_cast %broadcast_in_dim3A_1889 : vector<16xf32> to vector<16xf32>
    tpu.vector_store %arg9[%swap3A_1890], %swap3A_1893 {strides = array<i32>} : memref<5728xf32, #tpu.memory_space<vmem>>, vector<16xf32>,
    %broadcast_in_dim3A_1894 = arith.constant 0.000000e+00 : f32
    %broadcast_in_dim3A_1895 = vector.broadcast %broadcast_in_dim3A_1894 : f32 to vector<16xf32>
    %swap3A_1896 = arith.constant 5056 : index
    %swap3A_1897 = tpu.vector_load %arg9[%swap3A_1896] {strides = array<i32>} : memref<5728xf32, #tpu.memory_space<vmem>>, vector<16xf32>,
    %swap3A_1898 = vector.shape_cast %swap3A_1897 : vector<16xf32> to vector<16xf32>
    %swap3A_1899 = vector.shape_cast %broadcast_in_dim3A_1895 : vector<16xf32> to vector<16xf32>
    tpu.vector_store %arg9[%swap3A_1896], %swap3A_1899 {strides = array<i32>} : memref<5728xf32, #tpu.memory_space<vmem>>, vector<16xf32>,
    %broadcast_in_dim3A_1900 = arith.constant 0.000000e+00 : f32
    %broadcast_in_dim3A_1901 = vector.broadcast %broadcast_in_dim3A_1900 : f32 to vector<16xf32>
    %swap3A_1902 = arith.constant 5072 : index
    %swap3A_1903 = tpu.vector_load %arg9[%swap3A_1902] {strides = array<i32>} : memref<5728xf32, #tpu.memory_space<vmem>>, vector<16xf32>,
    %swap3A_1904 = vector.shape_cast %swap3A_1903 : vector<16xf32> to vector<16xf32>
    %swap3A_1905 = vector.shape_cast %broadcast_in_dim3A_1901 : vector<16xf32> to vector<16xf32>
    tpu.vector_store %arg9[%swap3A_1902], %swap3A_1905 {strides = array<i32>} : memref<5728xf32, #tpu.memory_space<vmem>>, vector<16xf32>,
    %broadcast_in_dim3A_1906 = arith.constant 0.000000e+00 : f32
    %broadcast_in_dim3A_1907 = vector.broadcast %broadcast_in_dim3A_1906 : f32 to vector<16xf32>
    %swap3A_1908 = arith.constant 5088 : index
    %swap3A_1909 = tpu.vector_load %arg9[%swap3A_1908] {strides = array<i32>} : memref<5728xf32, #tpu.memory_space<vmem>>, vector<16xf32>,
    %swap3A_1910 = vector.shape_cast %swap3A_1909 : vector<16xf32> to vector<16xf32>
    %swap3A_1911 = vector.shape_cast %broadcast_in_dim3A_1907 : vector<16xf32> to vector<16xf32>
    tpu.vector_store %arg9[%swap3A_1908], %swap3A_1911 {strides = array<i32>} : memref<5728xf32, #tpu.memory_space<vmem>>, vector<16xf32>,
    %broadcast_in_dim3A_1912 = arith.constant 0.000000e+00 : f32
    %broadcast_in_dim3A_1913 = vector.broadcast %broadcast_in_dim3A_1912 : f32 to vector<16xf32>
    %swap3A_1914 = arith.constant 5104 : index
    %swap3A_1915 = tpu.vector_load %arg9[%swap3A_1914] {strides = array<i32>} : memref<5728xf32, #tpu.memory_space<vmem>>, vector<16xf32>,
    %swap3A_1916 = vector.shape_cast %swap3A_1915 : vector<16xf32> to vector<16xf32>
    %swap3A_1917 = vector.shape_cast %broadcast_in_dim3A_1913 : vector<16xf32> to vector<16xf32>
    tpu.vector_store %arg9[%swap3A_1914], %swap3A_1917 {strides = array<i32>} : memref<5728xf32, #tpu.memory_space<vmem>>, vector<16xf32>,
    %broadcast_in_dim3A_1918 = arith.constant 0.000000e+00 : f32
    %broadcast_in_dim3A_1919 = vector.broadcast %broadcast_in_dim3A_1918 : f32 to vector<16xf32>
    %swap3A_1920 = arith.constant 5120 : index
    %swap3A_1921 = tpu.vector_load %arg9[%swap3A_1920] {strides = array<i32>} : memref<5728xf32, #tpu.memory_space<vmem>>, vector<16xf32>,
    %swap3A_1922 = vector.shape_cast %swap3A_1921 : vector<16xf32> to vector<16xf32>
    %swap3A_1923 = vector.shape_cast %broadcast_in_dim3A_1919 : vector<16xf32> to vector<16xf32>
    tpu.vector_store %arg9[%swap3A_1920], %swap3A_1923 {strides = array<i32>} : memref<5728xf32, #tpu.memory_space<vmem>>, vector<16xf32>,
    %broadcast_in_dim3A_1924 = arith.constant 0.000000e+00 : f32
    %broadcast_in_dim3A_1925 = vector.broadcast %broadcast_in_dim3A_1924 : f32 to vector<16xf32>
    %swap3A_1926 = arith.constant 5136 : index
    %swap3A_1927 = tpu.vector_load %arg9[%swap3A_1926] {strides = array<i32>} : memref<5728xf32, #tpu.memory_space<vmem>>, vector<16xf32>,
    %swap3A_1928 = vector.shape_cast %swap3A_1927 : vector<16xf32> to vector<16xf32>
    %swap3A_1929 = vector.shape_cast %broadcast_in_dim3A_1925 : vector<16xf32> to vector<16xf32>
    tpu.vector_store %arg9[%swap3A_1926], %swap3A_1929 {strides = array<i32>} : memref<5728xf32, #tpu.memory_space<vmem>>, vector<16xf32>,
    %broadcast_in_dim3A_1930 = arith.constant 0.000000e+00 : f32
    %broadcast_in_dim3A_1931 = vector.broadcast %broadcast_in_dim3A_1930 : f32 to vector<16xf32>
    %swap3A_1932 = arith.constant 5152 : index
    %swap3A_1933 = tpu.vector_load %arg9[%swap3A_1932] {strides = array<i32>} : memref<5728xf32, #tpu.memory_space<vmem>>, vector<16xf32>,
    %swap3A_1934 = vector.shape_cast %swap3A_1933 : vector<16xf32> to vector<16xf32>
    %swap3A_1935 = vector.shape_cast %broadcast_in_dim3A_1931 : vector<16xf32> to vector<16xf32>
    tpu.vector_store %arg9[%swap3A_1932], %swap3A_1935 {strides = array<i32>} : memref<5728xf32, #tpu.memory_space<vmem>>, vector<16xf32>,
    %broadcast_in_dim3A_1936 = arith.constant 0.000000e+00 : f32
    %broadcast_in_dim3A_1937 = vector.broadcast %broadcast_in_dim3A_1936 : f32 to vector<16xf32>
    %swap3A_1938 = arith.constant 5168 : index
    %swap3A_1939 = tpu.vector_load %arg9[%swap3A_1938] {strides = array<i32>} : memref<5728xf32, #tpu.memory_space<vmem>>, vector<16xf32>,
    %swap3A_1940 = vector.shape_cast %swap3A_1939 : vector<16xf32> to vector<16xf32>
    %swap3A_1941 = vector.shape_cast %broadcast_in_dim3A_1937 : vector<16xf32> to vector<16xf32>
    tpu.vector_store %arg9[%swap3A_1938], %swap3A_1941 {strides = array<i32>} : memref<5728xf32, #tpu.memory_space<vmem>>, vector<16xf32>,
    %broadcast_in_dim3A_1942 = arith.constant 0.000000e+00 : f32
    %broadcast_in_dim3A_1943 = vector.broadcast %broadcast_in_dim3A_1942 : f32 to vector<16xf32>
    %swap3A_1944 = arith.constant 5184 : index
    %swap3A_1945 = tpu.vector_load %arg9[%swap3A_1944] {strides = array<i32>} : memref<5728xf32, #tpu.memory_space<vmem>>, vector<16xf32>,
    %swap3A_1946 = vector.shape_cast %swap3A_1945 : vector<16xf32> to vector<16xf32>
    %swap3A_1947 = vector.shape_cast %broadcast_in_dim3A_1943 : vector<16xf32> to vector<16xf32>
    tpu.vector_store %arg9[%swap3A_1944], %swap3A_1947 {strides = array<i32>} : memref<5728xf32, #tpu.memory_space<vmem>>, vector<16xf32>,
    %broadcast_in_dim3A_1948 = arith.constant 0.000000e+00 : f32
    %broadcast_in_dim3A_1949 = vector.broadcast %broadcast_in_dim3A_1948 : f32 to vector<16xf32>
    %swap3A_1950 = arith.constant 5200 : index
    %swap3A_1951 = tpu.vector_load %arg9[%swap3A_1950] {strides = array<i32>} : memref<5728xf32, #tpu.memory_space<vmem>>, vector<16xf32>,
    %swap3A_1952 = vector.shape_cast %swap3A_1951 : vector<16xf32> to vector<16xf32>
    %swap3A_1953 = vector.shape_cast %broadcast_in_dim3A_1949 : vector<16xf32> to vector<16xf32>
    tpu.vector_store %arg9[%swap3A_1950], %swap3A_1953 {strides = array<i32>} : memref<5728xf32, #tpu.memory_space<vmem>>, vector<16xf32>,
    %broadcast_in_dim3A_1954 = arith.constant 0.000000e+00 : f32
    %broadcast_in_dim3A_1955 = vector.broadcast %broadcast_in_dim3A_1954 : f32 to vector<16xf32>
    %swap3A_1956 = arith.constant 5216 : index
    %swap3A_1957 = tpu.vector_load %arg9[%swap3A_1956] {strides = array<i32>} : memref<5728xf32, #tpu.memory_space<vmem>>, vector<16xf32>,
    %swap3A_1958 = vector.shape_cast %swap3A_1957 : vector<16xf32> to vector<16xf32>
    %swap3A_1959 = vector.shape_cast %broadcast_in_dim3A_1955 : vector<16xf32> to vector<16xf32>
    tpu.vector_store %arg9[%swap3A_1956], %swap3A_1959 {strides = array<i32>} : memref<5728xf32, #tpu.memory_space<vmem>>, vector<16xf32>,
    %broadcast_in_dim3A_1960 = arith.constant 0.000000e+00 : f32
    %broadcast_in_dim3A_1961 = vector.broadcast %broadcast_in_dim3A_1960 : f32 to vector<16xf32>
    %swap3A_1962 = arith.constant 5232 : index
    %swap3A_1963 = tpu.vector_load %arg9[%swap3A_1962] {strides = array<i32>} : memref<5728xf32, #tpu.memory_space<vmem>>, vector<16xf32>,
    %swap3A_1964 = vector.shape_cast %swap3A_1963 : vector<16xf32> to vector<16xf32>
    %swap3A_1965 = vector.shape_cast %broadcast_in_dim3A_1961 : vector<16xf32> to vector<16xf32>
    tpu.vector_store %arg9[%swap3A_1962], %swap3A_1965 {strides = array<i32>} : memref<5728xf32, #tpu.memory_space<vmem>>, vector<16xf32>,
    %broadcast_in_dim3A_1966 = arith.constant 0.000000e+00 : f32
    %broadcast_in_dim3A_1967 = vector.broadcast %broadcast_in_dim3A_1966 : f32 to vector<16xf32>
    %swap3A_1968 = arith.constant 5248 : index
    %swap3A_1969 = tpu.vector_load %arg9[%swap3A_1968] {strides = array<i32>} : memref<5728xf32, #tpu.memory_space<vmem>>, vector<16xf32>,
    %swap3A_1970 = vector.shape_cast %swap3A_1969 : vector<16xf32> to vector<16xf32>
    %swap3A_1971 = vector.shape_cast %broadcast_in_dim3A_1967 : vector<16xf32> to vector<16xf32>
    tpu.vector_store %arg9[%swap3A_1968], %swap3A_1971 {strides = array<i32>} : memref<5728xf32, #tpu.memory_space<vmem>>, vector<16xf32>,
    %broadcast_in_dim3A_1972 = arith.constant 0.000000e+00 : f32
    %broadcast_in_dim3A_1973 = vector.broadcast %broadcast_in_dim3A_1972 : f32 to vector<16xf32>
    %swap3A_1974 = arith.constant 5264 : index
    %swap3A_1975 = tpu.vector_load %arg9[%swap3A_1974] {strides = array<i32>} : memref<5728xf32, #tpu.memory_space<vmem>>, vector<16xf32>,
    %swap3A_1976 = vector.shape_cast %swap3A_1975 : vector<16xf32> to vector<16xf32>
    %swap3A_1977 = vector.shape_cast %broadcast_in_dim3A_1973 : vector<16xf32> to vector<16xf32>
    tpu.vector_store %arg9[%swap3A_1974], %swap3A_1977 {strides = array<i32>} : memref<5728xf32, #tpu.memory_space<vmem>>, vector<16xf32>,
    %broadcast_in_dim3A_1978 = arith.constant 0.000000e+00 : f32
    %broadcast_in_dim3A_1979 = vector.broadcast %broadcast_in_dim3A_1978 : f32 to vector<16xf32>
    %swap3A_1980 = arith.constant 5280 : index
    %swap3A_1981 = tpu.vector_load %arg9[%swap3A_1980] {strides = array<i32>} : memref<5728xf32, #tpu.memory_space<vmem>>, vector<16xf32>,
    %swap3A_1982 = vector.shape_cast %swap3A_1981 : vector<16xf32> to vector<16xf32>
    %swap3A_1983 = vector.shape_cast %broadcast_in_dim3A_1979 : vector<16xf32> to vector<16xf32>
    tpu.vector_store %arg9[%swap3A_1980], %swap3A_1983 {strides = array<i32>} : memref<5728xf32, #tpu.memory_space<vmem>>, vector<16xf32>,
    %broadcast_in_dim3A_1984 = arith.constant 0.000000e+00 : f32
    %broadcast_in_dim3A_1985 = vector.broadcast %broadcast_in_dim3A_1984 : f32 to vector<16xf32>
    %swap3A_1986 = arith.constant 5296 : index
    %swap3A_1987 = tpu.vector_load %arg9[%swap3A_1986] {strides = array<i32>} : memref<5728xf32, #tpu.memory_space<vmem>>, vector<16xf32>,
    %swap3A_1988 = vector.shape_cast %swap3A_1987 : vector<16xf32> to vector<16xf32>
    %swap3A_1989 = vector.shape_cast %broadcast_in_dim3A_1985 : vector<16xf32> to vector<16xf32>
    tpu.vector_store %arg9[%swap3A_1986], %swap3A_1989 {strides = array<i32>} : memref<5728xf32, #tpu.memory_space<vmem>>, vector<16xf32>,
    %broadcast_in_dim3A_1990 = arith.constant 0.000000e+00 : f32
    %broadcast_in_dim3A_1991 = vector.broadcast %broadcast_in_dim3A_1990 : f32 to vector<16xf32>
    %swap3A_1992 = arith.constant 5312 : index
    %swap3A_1993 = tpu.vector_load %arg9[%swap3A_1992] {strides = array<i32>} : memref<5728xf32, #tpu.memory_space<vmem>>, vector<16xf32>,
    %swap3A_1994 = vector.shape_cast %swap3A_1993 : vector<16xf32> to vector<16xf32>
    %swap3A_1995 = vector.shape_cast %broadcast_in_dim3A_1991 : vector<16xf32> to vector<16xf32>
    tpu.vector_store %arg9[%swap3A_1992], %swap3A_1995 {strides = array<i32>} : memref<5728xf32, #tpu.memory_space<vmem>>, vector<16xf32>,
    %broadcast_in_dim3A_1996 = arith.constant 0.000000e+00 : f32
    %broadcast_in_dim3A_1997 = vector.broadcast %broadcast_in_dim3A_1996 : f32 to vector<16xf32>
    %swap3A_1998 = arith.constant 5328 : index
    %swap3A_1999 = tpu.vector_load %arg9[%swap3A_1998] {strides = array<i32>} : memref<5728xf32, #tpu.memory_space<vmem>>, vector<16xf32>,
    %swap3A_2000 = vector.shape_cast %swap3A_1999 : vector<16xf32> to vector<16xf32>
    %swap3A_2001 = vector.shape_cast %broadcast_in_dim3A_1997 : vector<16xf32> to vector<16xf32>
    tpu.vector_store %arg9[%swap3A_1998], %swap3A_2001 {strides = array<i32>} : memref<5728xf32, #tpu.memory_space<vmem>>, vector<16xf32>,
    %broadcast_in_dim3A_2002 = arith.constant 0.000000e+00 : f32
    %broadcast_in_dim3A_2003 = vector.broadcast %broadcast_in_dim3A_2002 : f32 to vector<16xf32>
    %swap3A_2004 = arith.constant 5344 : index
    %swap3A_2005 = tpu.vector_load %arg9[%swap3A_2004] {strides = array<i32>} : memref<5728xf32, #tpu.memory_space<vmem>>, vector<16xf32>,
    %swap3A_2006 = vector.shape_cast %swap3A_2005 : vector<16xf32> to vector<16xf32>
    %swap3A_2007 = vector.shape_cast %broadcast_in_dim3A_2003 : vector<16xf32> to vector<16xf32>
    tpu.vector_store %arg9[%swap3A_2004], %swap3A_2007 {strides = array<i32>} : memref<5728xf32, #tpu.memory_space<vmem>>, vector<16xf32>,
    %broadcast_in_dim3A_2008 = arith.constant 0.000000e+00 : f32
    %broadcast_in_dim3A_2009 = vector.broadcast %broadcast_in_dim3A_2008 : f32 to vector<16xf32>
    %swap3A_2010 = arith.constant 5360 : index
    %swap3A_2011 = tpu.vector_load %arg9[%swap3A_2010] {strides = array<i32>} : memref<5728xf32, #tpu.memory_space<vmem>>, vector<16xf32>,
    %swap3A_2012 = vector.shape_cast %swap3A_2011 : vector<16xf32> to vector<16xf32>
    %swap3A_2013 = vector.shape_cast %broadcast_in_dim3A_2009 : vector<16xf32> to vector<16xf32>
    tpu.vector_store %arg9[%swap3A_2010], %swap3A_2013 {strides = array<i32>} : memref<5728xf32, #tpu.memory_space<vmem>>, vector<16xf32>,
    %broadcast_in_dim3A_2014 = arith.constant 0.000000e+00 : f32
    %broadcast_in_dim3A_2015 = vector.broadcast %broadcast_in_dim3A_2014 : f32 to vector<16xf32>
    %swap3A_2016 = arith.constant 5376 : index
    %swap3A_2017 = tpu.vector_load %arg9[%swap3A_2016] {strides = array<i32>} : memref<5728xf32, #tpu.memory_space<vmem>>, vector<16xf32>,
    %swap3A_2018 = vector.shape_cast %swap3A_2017 : vector<16xf32> to vector<16xf32>
    %swap3A_2019 = vector.shape_cast %broadcast_in_dim3A_2015 : vector<16xf32> to vector<16xf32>
    tpu.vector_store %arg9[%swap3A_2016], %swap3A_2019 {strides = array<i32>} : memref<5728xf32, #tpu.memory_space<vmem>>, vector<16xf32>,
    %broadcast_in_dim3A_2020 = arith.constant 0.000000e+00 : f32
    %broadcast_in_dim3A_2021 = vector.broadcast %broadcast_in_dim3A_2020 : f32 to vector<16xf32>
    %swap3A_2022 = arith.constant 5392 : index
    %swap3A_2023 = tpu.vector_load %arg9[%swap3A_2022] {strides = array<i32>} : memref<5728xf32, #tpu.memory_space<vmem>>, vector<16xf32>,
    %swap3A_2024 = vector.shape_cast %swap3A_2023 : vector<16xf32> to vector<16xf32>
    %swap3A_2025 = vector.shape_cast %broadcast_in_dim3A_2021 : vector<16xf32> to vector<16xf32>
    tpu.vector_store %arg9[%swap3A_2022], %swap3A_2025 {strides = array<i32>} : memref<5728xf32, #tpu.memory_space<vmem>>, vector<16xf32>,
    %broadcast_in_dim3A_2026 = arith.constant 0.000000e+00 : f32
    %broadcast_in_dim3A_2027 = vector.broadcast %broadcast_in_dim3A_2026 : f32 to vector<16xf32>
    %swap3A_2028 = arith.constant 5408 : index
    %swap3A_2029 = tpu.vector_load %arg9[%swap3A_2028] {strides = array<i32>} : memref<5728xf32, #tpu.memory_space<vmem>>, vector<16xf32>,
    %swap3A_2030 = vector.shape_cast %swap3A_2029 : vector<16xf32> to vector<16xf32>
    %swap3A_2031 = vector.shape_cast %broadcast_in_dim3A_2027 : vector<16xf32> to vector<16xf32>
    tpu.vector_store %arg9[%swap3A_2028], %swap3A_2031 {strides = array<i32>} : memref<5728xf32, #tpu.memory_space<vmem>>, vector<16xf32>,
    %broadcast_in_dim3A_2032 = arith.constant 0.000000e+00 : f32
    %broadcast_in_dim3A_2033 = vector.broadcast %broadcast_in_dim3A_2032 : f32 to vector<16xf32>
    %swap3A_2034 = arith.constant 5424 : index
    %swap3A_2035 = tpu.vector_load %arg9[%swap3A_2034] {strides = array<i32>} : memref<5728xf32, #tpu.memory_space<vmem>>, vector<16xf32>,
    %swap3A_2036 = vector.shape_cast %swap3A_2035 : vector<16xf32> to vector<16xf32>
    %swap3A_2037 = vector.shape_cast %broadcast_in_dim3A_2033 : vector<16xf32> to vector<16xf32>
    tpu.vector_store %arg9[%swap3A_2034], %swap3A_2037 {strides = array<i32>} : memref<5728xf32, #tpu.memory_space<vmem>>, vector<16xf32>,
    %broadcast_in_dim3A_2038 = arith.constant 0.000000e+00 : f32
    %broadcast_in_dim3A_2039 = vector.broadcast %broadcast_in_dim3A_2038 : f32 to vector<16xf32>
    %swap3A_2040 = arith.constant 5440 : index
    %swap3A_2041 = tpu.vector_load %arg9[%swap3A_2040] {strides = array<i32>} : memref<5728xf32, #tpu.memory_space<vmem>>, vector<16xf32>,
    %swap3A_2042 = vector.shape_cast %swap3A_2041 : vector<16xf32> to vector<16xf32>
    %swap3A_2043 = vector.shape_cast %broadcast_in_dim3A_2039 : vector<16xf32> to vector<16xf32>
    tpu.vector_store %arg9[%swap3A_2040], %swap3A_2043 {strides = array<i32>} : memref<5728xf32, #tpu.memory_space<vmem>>, vector<16xf32>,
    %broadcast_in_dim3A_2044 = arith.constant 0.000000e+00 : f32
    %broadcast_in_dim3A_2045 = vector.broadcast %broadcast_in_dim3A_2044 : f32 to vector<16xf32>
    %swap3A_2046 = arith.constant 5456 : index
    %swap3A_2047 = tpu.vector_load %arg9[%swap3A_2046] {strides = array<i32>} : memref<5728xf32, #tpu.memory_space<vmem>>, vector<16xf32>,
    %swap3A_2048 = vector.shape_cast %swap3A_2047 : vector<16xf32> to vector<16xf32>
    %swap3A_2049 = vector.shape_cast %broadcast_in_dim3A_2045 : vector<16xf32> to vector<16xf32>
    tpu.vector_store %arg9[%swap3A_2046], %swap3A_2049 {strides = array<i32>} : memref<5728xf32, #tpu.memory_space<vmem>>, vector<16xf32>,
    %broadcast_in_dim3A_2050 = arith.constant 0.000000e+00 : f32
    %broadcast_in_dim3A_2051 = vector.broadcast %broadcast_in_dim3A_2050 : f32 to vector<16xf32>
    %swap3A_2052 = arith.constant 5472 : index
    %swap3A_2053 = tpu.vector_load %arg9[%swap3A_2052] {strides = array<i32>} : memref<5728xf32, #tpu.memory_space<vmem>>, vector<16xf32>,
    %swap3A_2054 = vector.shape_cast %swap3A_2053 : vector<16xf32> to vector<16xf32>
    %swap3A_2055 = vector.shape_cast %broadcast_in_dim3A_2051 : vector<16xf32> to vector<16xf32>
    tpu.vector_store %arg9[%swap3A_2052], %swap3A_2055 {strides = array<i32>} : memref<5728xf32, #tpu.memory_space<vmem>>, vector<16xf32>,
    %broadcast_in_dim3A_2056 = arith.constant 0.000000e+00 : f32
    %broadcast_in_dim3A_2057 = vector.broadcast %broadcast_in_dim3A_2056 : f32 to vector<16xf32>
    %swap3A_2058 = arith.constant 5488 : index
    %swap3A_2059 = tpu.vector_load %arg9[%swap3A_2058] {strides = array<i32>} : memref<5728xf32, #tpu.memory_space<vmem>>, vector<16xf32>,
    %swap3A_2060 = vector.shape_cast %swap3A_2059 : vector<16xf32> to vector<16xf32>
    %swap3A_2061 = vector.shape_cast %broadcast_in_dim3A_2057 : vector<16xf32> to vector<16xf32>
    tpu.vector_store %arg9[%swap3A_2058], %swap3A_2061 {strides = array<i32>} : memref<5728xf32, #tpu.memory_space<vmem>>, vector<16xf32>,
    %broadcast_in_dim3A_2062 = arith.constant 0.000000e+00 : f32
    %broadcast_in_dim3A_2063 = vector.broadcast %broadcast_in_dim3A_2062 : f32 to vector<16xf32>
    %swap3A_2064 = arith.constant 5504 : index
    %swap3A_2065 = tpu.vector_load %arg9[%swap3A_2064] {strides = array<i32>} : memref<5728xf32, #tpu.memory_space<vmem>>, vector<16xf32>,
    %swap3A_2066 = vector.shape_cast %swap3A_2065 : vector<16xf32> to vector<16xf32>
    %swap3A_2067 = vector.shape_cast %broadcast_in_dim3A_2063 : vector<16xf32> to vector<16xf32>
    tpu.vector_store %arg9[%swap3A_2064], %swap3A_2067 {strides = array<i32>} : memref<5728xf32, #tpu.memory_space<vmem>>, vector<16xf32>,
    %broadcast_in_dim3A_2068 = arith.constant 0.000000e+00 : f32
    %broadcast_in_dim3A_2069 = vector.broadcast %broadcast_in_dim3A_2068 : f32 to vector<16xf32>
    %swap3A_2070 = arith.constant 5520 : index
    %swap3A_2071 = tpu.vector_load %arg9[%swap3A_2070] {strides = array<i32>} : memref<5728xf32, #tpu.memory_space<vmem>>, vector<16xf32>,
    %swap3A_2072 = vector.shape_cast %swap3A_2071 : vector<16xf32> to vector<16xf32>
    %swap3A_2073 = vector.shape_cast %broadcast_in_dim3A_2069 : vector<16xf32> to vector<16xf32>
    tpu.vector_store %arg9[%swap3A_2070], %swap3A_2073 {strides = array<i32>} : memref<5728xf32, #tpu.memory_space<vmem>>, vector<16xf32>,
    %broadcast_in_dim3A_2074 = arith.constant 0.000000e+00 : f32
    %broadcast_in_dim3A_2075 = vector.broadcast %broadcast_in_dim3A_2074 : f32 to vector<16xf32>
    %swap3A_2076 = arith.constant 5536 : index
    %swap3A_2077 = tpu.vector_load %arg9[%swap3A_2076] {strides = array<i32>} : memref<5728xf32, #tpu.memory_space<vmem>>, vector<16xf32>,
    %swap3A_2078 = vector.shape_cast %swap3A_2077 : vector<16xf32> to vector<16xf32>
    %swap3A_2079 = vector.shape_cast %broadcast_in_dim3A_2075 : vector<16xf32> to vector<16xf32>
    tpu.vector_store %arg9[%swap3A_2076], %swap3A_2079 {strides = array<i32>} : memref<5728xf32, #tpu.memory_space<vmem>>, vector<16xf32>,
    %broadcast_in_dim3A_2080 = arith.constant 0.000000e+00 : f32
    %broadcast_in_dim3A_2081 = vector.broadcast %broadcast_in_dim3A_2080 : f32 to vector<16xf32>
    %swap3A_2082 = arith.constant 5552 : index
    %swap3A_2083 = tpu.vector_load %arg9[%swap3A_2082] {strides = array<i32>} : memref<5728xf32, #tpu.memory_space<vmem>>, vector<16xf32>,
    %swap3A_2084 = vector.shape_cast %swap3A_2083 : vector<16xf32> to vector<16xf32>
    %swap3A_2085 = vector.shape_cast %broadcast_in_dim3A_2081 : vector<16xf32> to vector<16xf32>
    tpu.vector_store %arg9[%swap3A_2082], %swap3A_2085 {strides = array<i32>} : memref<5728xf32, #tpu.memory_space<vmem>>, vector<16xf32>,
    %broadcast_in_dim3A_2086 = arith.constant 0.000000e+00 : f32
    %broadcast_in_dim3A_2087 = vector.broadcast %broadcast_in_dim3A_2086 : f32 to vector<16xf32>
    %swap3A_2088 = arith.constant 5568 : index
    %swap3A_2089 = tpu.vector_load %arg9[%swap3A_2088] {strides = array<i32>} : memref<5728xf32, #tpu.memory_space<vmem>>, vector<16xf32>,
    %swap3A_2090 = vector.shape_cast %swap3A_2089 : vector<16xf32> to vector<16xf32>
    %swap3A_2091 = vector.shape_cast %broadcast_in_dim3A_2087 : vector<16xf32> to vector<16xf32>
    tpu.vector_store %arg9[%swap3A_2088], %swap3A_2091 {strides = array<i32>} : memref<5728xf32, #tpu.memory_space<vmem>>, vector<16xf32>,
    %broadcast_in_dim3A_2092 = arith.constant 0.000000e+00 : f32
    %broadcast_in_dim3A_2093 = vector.broadcast %broadcast_in_dim3A_2092 : f32 to vector<16xf32>
    %swap3A_2094 = arith.constant 5584 : index
    %swap3A_2095 = tpu.vector_load %arg9[%swap3A_2094] {strides = array<i32>} : memref<5728xf32, #tpu.memory_space<vmem>>, vector<16xf32>,
    %swap3A_2096 = vector.shape_cast %swap3A_2095 : vector<16xf32> to vector<16xf32>
    %swap3A_2097 = vector.shape_cast %broadcast_in_dim3A_2093 : vector<16xf32> to vector<16xf32>
    tpu.vector_store %arg9[%swap3A_2094], %swap3A_2097 {strides = array<i32>} : memref<5728xf32, #tpu.memory_space<vmem>>, vector<16xf32>,
    %broadcast_in_dim3A_2098 = arith.constant 0.000000e+00 : f32
    %broadcast_in_dim3A_2099 = vector.broadcast %broadcast_in_dim3A_2098 : f32 to vector<16xf32>
    %swap3A_2100 = arith.constant 5600 : index
    %swap3A_2101 = tpu.vector_load %arg9[%swap3A_2100] {strides = array<i32>} : memref<5728xf32, #tpu.memory_space<vmem>>, vector<16xf32>,
    %swap3A_2102 = vector.shape_cast %swap3A_2101 : vector<16xf32> to vector<16xf32>
    %swap3A_2103 = vector.shape_cast %broadcast_in_dim3A_2099 : vector<16xf32> to vector<16xf32>
    tpu.vector_store %arg9[%swap3A_2100], %swap3A_2103 {strides = array<i32>} : memref<5728xf32, #tpu.memory_space<vmem>>, vector<16xf32>,
    %broadcast_in_dim3A_2104 = arith.constant 0.000000e+00 : f32
    %broadcast_in_dim3A_2105 = vector.broadcast %broadcast_in_dim3A_2104 : f32 to vector<16xf32>
    %swap3A_2106 = arith.constant 5616 : index
    %swap3A_2107 = tpu.vector_load %arg9[%swap3A_2106] {strides = array<i32>} : memref<5728xf32, #tpu.memory_space<vmem>>, vector<16xf32>,
    %swap3A_2108 = vector.shape_cast %swap3A_2107 : vector<16xf32> to vector<16xf32>
    %swap3A_2109 = vector.shape_cast %broadcast_in_dim3A_2105 : vector<16xf32> to vector<16xf32>
    tpu.vector_store %arg9[%swap3A_2106], %swap3A_2109 {strides = array<i32>} : memref<5728xf32, #tpu.memory_space<vmem>>, vector<16xf32>,
    %broadcast_in_dim3A_2110 = arith.constant 0.000000e+00 : f32
    %broadcast_in_dim3A_2111 = vector.broadcast %broadcast_in_dim3A_2110 : f32 to vector<16xf32>
    %swap3A_2112 = arith.constant 5632 : index
    %swap3A_2113 = tpu.vector_load %arg9[%swap3A_2112] {strides = array<i32>} : memref<5728xf32, #tpu.memory_space<vmem>>, vector<16xf32>,
    %swap3A_2114 = vector.shape_cast %swap3A_2113 : vector<16xf32> to vector<16xf32>
    %swap3A_2115 = vector.shape_cast %broadcast_in_dim3A_2111 : vector<16xf32> to vector<16xf32>
    tpu.vector_store %arg9[%swap3A_2112], %swap3A_2115 {strides = array<i32>} : memref<5728xf32, #tpu.memory_space<vmem>>, vector<16xf32>,
    %broadcast_in_dim3A_2116 = arith.constant 0.000000e+00 : f32
    %broadcast_in_dim3A_2117 = vector.broadcast %broadcast_in_dim3A_2116 : f32 to vector<16xf32>
    %swap3A_2118 = arith.constant 5648 : index
    %swap3A_2119 = tpu.vector_load %arg9[%swap3A_2118] {strides = array<i32>} : memref<5728xf32, #tpu.memory_space<vmem>>, vector<16xf32>,
    %swap3A_2120 = vector.shape_cast %swap3A_2119 : vector<16xf32> to vector<16xf32>
    %swap3A_2121 = vector.shape_cast %broadcast_in_dim3A_2117 : vector<16xf32> to vector<16xf32>
    tpu.vector_store %arg9[%swap3A_2118], %swap3A_2121 {strides = array<i32>} : memref<5728xf32, #tpu.memory_space<vmem>>, vector<16xf32>,
    %broadcast_in_dim3A_2122 = arith.constant 0.000000e+00 : f32
    %broadcast_in_dim3A_2123 = vector.broadcast %broadcast_in_dim3A_2122 : f32 to vector<16xf32>
    %swap3A_2124 = arith.constant 5664 : index
    %swap3A_2125 = tpu.vector_load %arg9[%swap3A_2124] {strides = array<i32>} : memref<5728xf32, #tpu.memory_space<vmem>>, vector<16xf32>,
    %swap3A_2126 = vector.shape_cast %swap3A_2125 : vector<16xf32> to vector<16xf32>
    %swap3A_2127 = vector.shape_cast %broadcast_in_dim3A_2123 : vector<16xf32> to vector<16xf32>
    tpu.vector_store %arg9[%swap3A_2124], %swap3A_2127 {strides = array<i32>} : memref<5728xf32, #tpu.memory_space<vmem>>, vector<16xf32>,
    %broadcast_in_dim3A_2128 = arith.constant 0.000000e+00 : f32
    %broadcast_in_dim3A_2129 = vector.broadcast %broadcast_in_dim3A_2128 : f32 to vector<16xf32>
    %swap3A_2130 = arith.constant 5680 : index
    %swap3A_2131 = tpu.vector_load %arg9[%swap3A_2130] {strides = array<i32>} : memref<5728xf32, #tpu.memory_space<vmem>>, vector<16xf32>,
    %swap3A_2132 = vector.shape_cast %swap3A_2131 : vector<16xf32> to vector<16xf32>
    %swap3A_2133 = vector.shape_cast %broadcast_in_dim3A_2129 : vector<16xf32> to vector<16xf32>
    tpu.vector_store %arg9[%swap3A_2130], %swap3A_2133 {strides = array<i32>} : memref<5728xf32, #tpu.memory_space<vmem>>, vector<16xf32>,
    %broadcast_in_dim3A_2134 = arith.constant 0.000000e+00 : f32
    %broadcast_in_dim3A_2135 = vector.broadcast %broadcast_in_dim3A_2134 : f32 to vector<16xf32>
    %swap3A_2136 = arith.constant 5696 : index
    %swap3A_2137 = tpu.vector_load %arg9[%swap3A_2136] {strides = array<i32>} : memref<5728xf32, #tpu.memory_space<vmem>>, vector<16xf32>,
    %swap3A_2138 = vector.shape_cast %swap3A_2137 : vector<16xf32> to vector<16xf32>
    %swap3A_2139 = vector.shape_cast %broadcast_in_dim3A_2135 : vector<16xf32> to vector<16xf32>
    tpu.vector_store %arg9[%swap3A_2136], %swap3A_2139 {strides = array<i32>} : memref<5728xf32, #tpu.memory_space<vmem>>, vector<16xf32>,
    %broadcast_in_dim3A_2140 = arith.constant 0.000000e+00 : f32
    %broadcast_in_dim3A_2141 = vector.broadcast %broadcast_in_dim3A_2140 : f32 to vector<16xf32>
    %swap3A_2142 = arith.constant 5712 : index
    %swap3A_2143 = tpu.vector_load %arg9[%swap3A_2142] {strides = array<i32>} : memref<5728xf32, #tpu.memory_space<vmem>>, vector<16xf32>,
    %swap3A_2144 = vector.shape_cast %swap3A_2143 : vector<16xf32> to vector<16xf32>
    %swap3A_2145 = vector.shape_cast %broadcast_in_dim3A_2141 : vector<16xf32> to vector<16xf32>
    tpu.vector_store %arg9[%swap3A_2142], %swap3A_2145 {strides = array<i32>} : memref<5728xf32, #tpu.memory_space<vmem>>, vector<16xf32>,
    %mul3A = arith.constant 5728 : i32
    %mul3A_2146 = arith.muli %arg1, %mul3A : i32
    "tpu.region"() ({
      %run_scoped3A = tpu.sem_alloc : memref<!tpu.dma_semaphore, #tpu.memory_space<semaphore_mem>>
      %dma_start3A = tpu.memref_slice %arg11[%mul3A_2146] : memref<91648xf32, #tpu.memory_space<vmem_shared>> -> memref<5728xf32, #tpu.memory_space<vmem_shared>>
      %dma_start3A_2239 = tpu.memref_slice %arg11[%mul3A_2146] : memref<91648xf32, #tpu.memory_space<vmem_shared>> -> memref<5728xf32, #tpu.memory_space<vmem_shared>>
      tpu.enqueue_dma source(%arg9 : memref<5728xf32, #tpu.memory_space<vmem>>) target(%dma_start3A_2239 : memref<5728xf32, #tpu.memory_space<vmem_shared>>) target_semaphore(%run_scoped3A : memref<!tpu.dma_semaphore, #tpu.memory_space<semaphore_mem>>)
      %dma_wait3A = tpu.memref_slice %arg11[%mul3A_2146] : memref<91648xf32, #tpu.memory_space<vmem_shared>> -> memref<5728xf32, #tpu.memory_space<vmem_shared>>
      %dma_wait3A_2240 = tpu.memref_slice %arg11[%mul3A_2146] : memref<91648xf32, #tpu.memory_space<vmem_shared>> -> memref<5728xf32, #tpu.memory_space<vmem_shared>>
      tpu.wait_dma2 semaphore(%run_scoped3A : memref<!tpu.dma_semaphore, #tpu.memory_space<semaphore_mem>>) src(%arg9 : memref<5728xf32, #tpu.memory_space<vmem>>) dst(%dma_wait3A_2240 : memref<5728xf32, #tpu.memory_space<vmem_shared>>)
      tpu.yield
    }) : () -> ()
    %broadcast_in_dim3A_2147 = arith.constant 1.000000e+00 : f32
    %broadcast_in_dim3A_2148 = vector.broadcast %broadcast_in_dim3A_2147 : f32 to vector<16xf32>
    %swap3A_2149 = arith.constant 0 : index
    %swap3A_2150 = tpu.vector_load %arg8[%swap3A_2149] {strides = array<i32>} : memref<128xf32, #tpu.memory_space<vmem>>, vector<16xf32>,
    %swap3A_2151 = vector.shape_cast %swap3A_2150 : vector<16xf32> to vector<16xf32>
    %swap3A_2152 = vector.shape_cast %broadcast_in_dim3A_2148 : vector<16xf32> to vector<16xf32>
    tpu.vector_store %arg8[%swap3A_2149], %swap3A_2152 {strides = array<i32>} : memref<128xf32, #tpu.memory_space<vmem>>, vector<16xf32>,
    %broadcast_in_dim3A_2153 = arith.constant 1.000000e+00 : f32
    %broadcast_in_dim3A_2154 = vector.broadcast %broadcast_in_dim3A_2153 : f32 to vector<16xf32>
    %swap3A_2155 = arith.constant 16 : index
    %swap3A_2156 = tpu.vector_load %arg8[%swap3A_2155] {strides = array<i32>} : memref<128xf32, #tpu.memory_space<vmem>>, vector<16xf32>,
    %swap3A_2157 = vector.shape_cast %swap3A_2156 : vector<16xf32> to vector<16xf32>
    %swap3A_2158 = vector.shape_cast %broadcast_in_dim3A_2154 : vector<16xf32> to vector<16xf32>
    tpu.vector_store %arg8[%swap3A_2155], %swap3A_2158 {strides = array<i32>} : memref<128xf32, #tpu.memory_space<vmem>>, vector<16xf32>,
    %broadcast_in_dim3A_2159 = arith.constant 1.000000e+00 : f32
    %broadcast_in_dim3A_2160 = vector.broadcast %broadcast_in_dim3A_2159 : f32 to vector<16xf32>
    %swap3A_2161 = arith.constant 32 : index
    %swap3A_2162 = tpu.vector_load %arg8[%swap3A_2161] {strides = array<i32>} : memref<128xf32, #tpu.memory_space<vmem>>, vector<16xf32>,
    %swap3A_2163 = vector.shape_cast %swap3A_2162 : vector<16xf32> to vector<16xf32>
    %swap3A_2164 = vector.shape_cast %broadcast_in_dim3A_2160 : vector<16xf32> to vector<16xf32>
    tpu.vector_store %arg8[%swap3A_2161], %swap3A_2164 {strides = array<i32>} : memref<128xf32, #tpu.memory_space<vmem>>, vector<16xf32>,
    %broadcast_in_dim3A_2165 = arith.constant 1.000000e+00 : f32
    %broadcast_in_dim3A_2166 = vector.broadcast %broadcast_in_dim3A_2165 : f32 to vector<16xf32>
    %swap3A_2167 = arith.constant 48 : index
    %swap3A_2168 = tpu.vector_load %arg8[%swap3A_2167] {strides = array<i32>} : memref<128xf32, #tpu.memory_space<vmem>>, vector<16xf32>,
    %swap3A_2169 = vector.shape_cast %swap3A_2168 : vector<16xf32> to vector<16xf32>
    %swap3A_2170 = vector.shape_cast %broadcast_in_dim3A_2166 : vector<16xf32> to vector<16xf32>
    tpu.vector_store %arg8[%swap3A_2167], %swap3A_2170 {strides = array<i32>} : memref<128xf32, #tpu.memory_space<vmem>>, vector<16xf32>,
    %broadcast_in_dim3A_2171 = arith.constant 1.000000e+00 : f32
    %broadcast_in_dim3A_2172 = vector.broadcast %broadcast_in_dim3A_2171 : f32 to vector<16xf32>
    %swap3A_2173 = arith.constant 64 : index
    %swap3A_2174 = tpu.vector_load %arg8[%swap3A_2173] {strides = array<i32>} : memref<128xf32, #tpu.memory_space<vmem>>, vector<16xf32>,
    %swap3A_2175 = vector.shape_cast %swap3A_2174 : vector<16xf32> to vector<16xf32>
    %swap3A_2176 = vector.shape_cast %broadcast_in_dim3A_2172 : vector<16xf32> to vector<16xf32>
    tpu.vector_store %arg8[%swap3A_2173], %swap3A_2176 {strides = array<i32>} : memref<128xf32, #tpu.memory_space<vmem>>, vector<16xf32>,
    %broadcast_in_dim3A_2177 = arith.constant 1.000000e+00 : f32
    %broadcast_in_dim3A_2178 = vector.broadcast %broadcast_in_dim3A_2177 : f32 to vector<16xf32>
    %swap3A_2179 = arith.constant 80 : index
    %swap3A_2180 = tpu.vector_load %arg8[%swap3A_2179] {strides = array<i32>} : memref<128xf32, #tpu.memory_space<vmem>>, vector<16xf32>,
    %swap3A_2181 = vector.shape_cast %swap3A_2180 : vector<16xf32> to vector<16xf32>
    %swap3A_2182 = vector.shape_cast %broadcast_in_dim3A_2178 : vector<16xf32> to vector<16xf32>
    tpu.vector_store %arg8[%swap3A_2179], %swap3A_2182 {strides = array<i32>} : memref<128xf32, #tpu.memory_space<vmem>>, vector<16xf32>,
    %broadcast_in_dim3A_2183 = arith.constant 1.000000e+00 : f32
    %broadcast_in_dim3A_2184 = vector.broadcast %broadcast_in_dim3A_2183 : f32 to vector<16xf32>
    %swap3A_2185 = arith.constant 96 : index
    %swap3A_2186 = tpu.vector_load %arg8[%swap3A_2185] {strides = array<i32>} : memref<128xf32, #tpu.memory_space<vmem>>, vector<16xf32>,
    %swap3A_2187 = vector.shape_cast %swap3A_2186 : vector<16xf32> to vector<16xf32>
    %swap3A_2188 = vector.shape_cast %broadcast_in_dim3A_2184 : vector<16xf32> to vector<16xf32>
    tpu.vector_store %arg8[%swap3A_2185], %swap3A_2188 {strides = array<i32>} : memref<128xf32, #tpu.memory_space<vmem>>, vector<16xf32>,
    %broadcast_in_dim3A_2189 = arith.constant 1.000000e+00 : f32
    %broadcast_in_dim3A_2190 = vector.broadcast %broadcast_in_dim3A_2189 : f32 to vector<16xf32>
    %swap3A_2191 = arith.constant 112 : index
    %swap3A_2192 = tpu.vector_load %arg8[%swap3A_2191] {strides = array<i32>} : memref<128xf32, #tpu.memory_space<vmem>>, vector<16xf32>,
    %swap3A_2193 = vector.shape_cast %swap3A_2192 : vector<16xf32> to vector<16xf32>
    %swap3A_2194 = vector.shape_cast %broadcast_in_dim3A_2190 : vector<16xf32> to vector<16xf32>
    tpu.vector_store %arg8[%swap3A_2191], %swap3A_2194 {strides = array<i32>} : memref<128xf32, #tpu.memory_space<vmem>>, vector<16xf32>,
    %lt3A = arith.constant 15 : i32
    %lt3A_2195 = arith.cmpi slt, %arg1, %lt3A : i32
    %eq3A = arith.constant 0 : i32
    %eq3A_2196 = arith.cmpi eq, %arg0, %eq3A : i32
    %and3A = arith.andi %lt3A_2195, %eq3A_2196 : i1
    %convert_element_type3A = arith.extui %and3A : i1 to i32
    %cond3A = arith.constant 0 : i32
    %cond3A_2197 = arith.cmpi ne, %convert_element_type3A, %cond3A : i32
    scf.if %cond3A_2197 {
      %mul3A_2239 = arith.constant 384 : i32
      %mul3A_2240 = arith.muli %arg1, %mul3A_2239 : i32
      %run_scoped3A = arith.constant 0 : i32
      "tpu.region"() ({
        %run_scoped3A_2624 = tpu.sem_alloc : memref<!tpu.dma_semaphore, #tpu.memory_space<semaphore_mem>>
        %dma_start3A = arith.constant 0 : i32
        %dma_start3A_2625 = tpu.memref_slice %arg5[%dma_start3A] : memref<384xi32, #tpu.memory_space<vmem>> -> memref<384xi32, #tpu.memory_space<vmem>>
        %dma_start3A_2626 = tpu.memref_slice %arg2[%run_scoped3A, %mul3A_2240] : memref<2x9600xi32, #tpu.memory_space<hbm>> -> memref<1x384xi32, #tpu.memory_space<hbm>>
        %dma_start3A_2627 = tpu.memref_squeeze %dma_start3A_2626 : memref<1x384xi32, #tpu.memory_space<hbm>> -> memref<384xi32, #tpu.memory_space<hbm>>
        %dma_start3A_2628 = arith.constant 0 : i32
        %dma_start3A_2629 = tpu.memref_slice %arg5[%dma_start3A_2628] : memref<384xi32, #tpu.memory_space<vmem>> -> memref<384xi32, #tpu.memory_space<vmem>>
        %dma_start3A_2630 = tpu.memref_slice %arg2[%run_scoped3A, %mul3A_2240] : memref<2x9600xi32, #tpu.memory_space<hbm>> -> memref<1x384xi32, #tpu.memory_space<hbm>>
        %dma_start3A_2631 = tpu.memref_squeeze %dma_start3A_2630 : memref<1x384xi32, #tpu.memory_space<hbm>> -> memref<384xi32, #tpu.memory_space<hbm>>
        tpu.enqueue_dma source(%dma_start3A_2631 : memref<384xi32, #tpu.memory_space<hbm>>) target(%dma_start3A_2629 : memref<384xi32, #tpu.memory_space<vmem>>) target_semaphore(%run_scoped3A_2624 : memref<!tpu.dma_semaphore, #tpu.memory_space<semaphore_mem>>)
        %dma_wait3A = arith.constant 0 : i32
        %dma_wait3A_2632 = tpu.memref_slice %arg5[%dma_wait3A] : memref<384xi32, #tpu.memory_space<vmem>> -> memref<384xi32, #tpu.memory_space<vmem>>
        %dma_wait3A_2633 = tpu.memref_slice %arg2[%run_scoped3A, %mul3A_2240] : memref<2x9600xi32, #tpu.memory_space<hbm>> -> memref<1x384xi32, #tpu.memory_space<hbm>>
        %dma_wait3A_2634 = tpu.memref_squeeze %dma_wait3A_2633 : memref<1x384xi32, #tpu.memory_space<hbm>> -> memref<384xi32, #tpu.memory_space<hbm>>
        %dma_wait3A_2635 = arith.constant 0 : i32
        %dma_wait3A_2636 = tpu.memref_slice %arg5[%dma_wait3A_2635] : memref<384xi32, #tpu.memory_space<vmem>> -> memref<384xi32, #tpu.memory_space<vmem>>
        %dma_wait3A_2637 = tpu.memref_slice %arg2[%run_scoped3A, %mul3A_2240] : memref<2x9600xi32, #tpu.memory_space<hbm>> -> memref<1x384xi32, #tpu.memory_space<hbm>>
        %dma_wait3A_2638 = tpu.memref_squeeze %dma_wait3A_2637 : memref<1x384xi32, #tpu.memory_space<hbm>> -> memref<384xi32, #tpu.memory_space<hbm>>
        tpu.wait_dma2 semaphore(%run_scoped3A_2624 : memref<!tpu.dma_semaphore, #tpu.memory_space<semaphore_mem>>) src(%dma_wait3A_2638 : memref<384xi32, #tpu.memory_space<hbm>>) dst(%dma_wait3A_2636 : memref<384xi32, #tpu.memory_space<vmem>>)
        tpu.yield
      }) : () -> ()
      %run_scoped3A_2241 = arith.constant 1 : i32
      "tpu.region"() ({
        %run_scoped3A_2624 = tpu.sem_alloc : memref<!tpu.dma_semaphore, #tpu.memory_space<semaphore_mem>>
        %dma_start3A = arith.constant 0 : i32
        %dma_start3A_2625 = tpu.memref_slice %arg6[%dma_start3A] : memref<384xi32, #tpu.memory_space<vmem>> -> memref<384xi32, #tpu.memory_space<vmem>>
        %dma_start3A_2626 = tpu.memref_slice %arg2[%run_scoped3A_2241, %mul3A_2240] : memref<2x9600xi32, #tpu.memory_space<hbm>> -> memref<1x384xi32, #tpu.memory_space<hbm>>
        %dma_start3A_2627 = tpu.memref_squeeze %dma_start3A_2626 : memref<1x384xi32, #tpu.memory_space<hbm>> -> memref<384xi32, #tpu.memory_space<hbm>>
        %dma_start3A_2628 = arith.constant 0 : i32
        %dma_start3A_2629 = tpu.memref_slice %arg6[%dma_start3A_2628] : memref<384xi32, #tpu.memory_space<vmem>> -> memref<384xi32, #tpu.memory_space<vmem>>
        %dma_start3A_2630 = tpu.memref_slice %arg2[%run_scoped3A_2241, %mul3A_2240] : memref<2x9600xi32, #tpu.memory_space<hbm>> -> memref<1x384xi32, #tpu.memory_space<hbm>>
        %dma_start3A_2631 = tpu.memref_squeeze %dma_start3A_2630 : memref<1x384xi32, #tpu.memory_space<hbm>> -> memref<384xi32, #tpu.memory_space<hbm>>
        tpu.enqueue_dma source(%dma_start3A_2631 : memref<384xi32, #tpu.memory_space<hbm>>) target(%dma_start3A_2629 : memref<384xi32, #tpu.memory_space<vmem>>) target_semaphore(%run_scoped3A_2624 : memref<!tpu.dma_semaphore, #tpu.memory_space<semaphore_mem>>)
        %dma_wait3A = arith.constant 0 : i32
        %dma_wait3A_2632 = tpu.memref_slice %arg6[%dma_wait3A] : memref<384xi32, #tpu.memory_space<vmem>> -> memref<384xi32, #tpu.memory_space<vmem>>
        %dma_wait3A_2633 = tpu.memref_slice %arg2[%run_scoped3A_2241, %mul3A_2240] : memref<2x9600xi32, #tpu.memory_space<hbm>> -> memref<1x384xi32, #tpu.memory_space<hbm>>
        %dma_wait3A_2634 = tpu.memref_squeeze %dma_wait3A_2633 : memref<1x384xi32, #tpu.memory_space<hbm>> -> memref<384xi32, #tpu.memory_space<hbm>>
        %dma_wait3A_2635 = arith.constant 0 : i32
        %dma_wait3A_2636 = tpu.memref_slice %arg6[%dma_wait3A_2635] : memref<384xi32, #tpu.memory_space<vmem>> -> memref<384xi32, #tpu.memory_space<vmem>>
        %dma_wait3A_2637 = tpu.memref_slice %arg2[%run_scoped3A_2241, %mul3A_2240] : memref<2x9600xi32, #tpu.memory_space<hbm>> -> memref<1x384xi32, #tpu.memory_space<hbm>>
        %dma_wait3A_2638 = tpu.memref_squeeze %dma_wait3A_2637 : memref<1x384xi32, #tpu.memory_space<hbm>> -> memref<384xi32, #tpu.memory_space<hbm>>
        tpu.wait_dma2 semaphore(%run_scoped3A_2624 : memref<!tpu.dma_semaphore, #tpu.memory_space<semaphore_mem>>) src(%dma_wait3A_2638 : memref<384xi32, #tpu.memory_space<hbm>>) dst(%dma_wait3A_2636 : memref<384xi32, #tpu.memory_space<vmem>>)
        tpu.yield
      }) : () -> ()
      %get3A = arith.constant 0 : index
      %get3A_2242 = tpu.vector_load %arg5[%get3A] {strides = array<i32>} : memref<384xi32, #tpu.memory_space<vmem>>, vector<16xi32>,
      %get3A_2243 = vector.shape_cast %get3A_2242 : vector<16xi32> to vector<16xi32>
      %get3A_2244 = arith.constant 0 : index
      %get3A_2245 = tpu.vector_load %arg6[%get3A_2244] {strides = array<i32>} : memref<384xi32, #tpu.memory_space<vmem>>, vector<16xi32>,
      %get3A_2246 = vector.shape_cast %get3A_2245 : vector<16xi32> to vector<16xi32>
      %mul3A_2247 = arith.constant 304 : i32
      %mul3A_2248 = vector.broadcast %mul3A_2247 : i32 to vector<16xi32>
      %mul3A_2249 = arith.muli %get3A_2246, %mul3A_2248 : vector<16xi32>
      %add3A = arith.addi %mul3A_2249, %get3A_2243 : vector<16xi32>
      %swap3A_2250 = arith.constant 0 : i32
      %swap3A_2251 = arith.index_cast %swap3A_2250 : i32 to index
      %swap3A_2252 = arith.constant 0 : index
      %swap3A_2253 = tpu.vector_load %arg7[%swap3A_2251, %swap3A_2252] {strides = array<i32>} : memref<3x128xi32, #tpu.memory_space<vmem>>, vector<1x16xi32>,
      %swap3A_2254 = vector.shape_cast %swap3A_2253 : vector<1x16xi32> to vector<16xi32>
      %swap3A_2255 = vector.shape_cast %add3A : vector<16xi32> to vector<1x16xi32>
      tpu.vector_store %arg7[%swap3A_2251, %swap3A_2252], %swap3A_2255 {strides = array<i32>} : memref<3x128xi32, #tpu.memory_space<vmem>>, vector<1x16xi32>,
      %get3A_2256 = arith.constant 16 : index
      %get3A_2257 = tpu.vector_load %arg5[%get3A_2256] {strides = array<i32>} : memref<384xi32, #tpu.memory_space<vmem>>, vector<16xi32>,
      %get3A_2258 = vector.shape_cast %get3A_2257 : vector<16xi32> to vector<16xi32>
      %get3A_2259 = arith.constant 16 : index
      %get3A_2260 = tpu.vector_load %arg6[%get3A_2259] {strides = array<i32>} : memref<384xi32, #tpu.memory_space<vmem>>, vector<16xi32>,
      %get3A_2261 = vector.shape_cast %get3A_2260 : vector<16xi32> to vector<16xi32>
      %mul3A_2262 = arith.constant 304 : i32
      %mul3A_2263 = vector.broadcast %mul3A_2262 : i32 to vector<16xi32>
      %mul3A_2264 = arith.muli %get3A_2261, %mul3A_2263 : vector<16xi32>
      %add3A_2265 = arith.addi %mul3A_2264, %get3A_2258 : vector<16xi32>
      %swap3A_2266 = arith.constant 0 : i32
      %swap3A_2267 = arith.index_cast %swap3A_2266 : i32 to index
      %swap3A_2268 = arith.constant 16 : index
      %swap3A_2269 = tpu.vector_load %arg7[%swap3A_2267, %swap3A_2268] {strides = array<i32>} : memref<3x128xi32, #tpu.memory_space<vmem>>, vector<1x16xi32>,
      %swap3A_2270 = vector.shape_cast %swap3A_2269 : vector<1x16xi32> to vector<16xi32>
      %swap3A_2271 = vector.shape_cast %add3A_2265 : vector<16xi32> to vector<1x16xi32>
      tpu.vector_store %arg7[%swap3A_2267, %swap3A_2268], %swap3A_2271 {strides = array<i32>} : memref<3x128xi32, #tpu.memory_space<vmem>>, vector<1x16xi32>,
      %get3A_2272 = arith.constant 32 : index
      %get3A_2273 = tpu.vector_load %arg5[%get3A_2272] {strides = array<i32>} : memref<384xi32, #tpu.memory_space<vmem>>, vector<16xi32>,
      %get3A_2274 = vector.shape_cast %get3A_2273 : vector<16xi32> to vector<16xi32>
      %get3A_2275 = arith.constant 32 : index
      %get3A_2276 = tpu.vector_load %arg6[%get3A_2275] {strides = array<i32>} : memref<384xi32, #tpu.memory_space<vmem>>, vector<16xi32>,
      %get3A_2277 = vector.shape_cast %get3A_2276 : vector<16xi32> to vector<16xi32>
      %mul3A_2278 = arith.constant 304 : i32
      %mul3A_2279 = vector.broadcast %mul3A_2278 : i32 to vector<16xi32>
      %mul3A_2280 = arith.muli %get3A_2277, %mul3A_2279 : vector<16xi32>
      %add3A_2281 = arith.addi %mul3A_2280, %get3A_2274 : vector<16xi32>
      %swap3A_2282 = arith.constant 0 : i32
      %swap3A_2283 = arith.index_cast %swap3A_2282 : i32 to index
      %swap3A_2284 = arith.constant 32 : index
      %swap3A_2285 = tpu.vector_load %arg7[%swap3A_2283, %swap3A_2284] {strides = array<i32>} : memref<3x128xi32, #tpu.memory_space<vmem>>, vector<1x16xi32>,
      %swap3A_2286 = vector.shape_cast %swap3A_2285 : vector<1x16xi32> to vector<16xi32>
      %swap3A_2287 = vector.shape_cast %add3A_2281 : vector<16xi32> to vector<1x16xi32>
      tpu.vector_store %arg7[%swap3A_2283, %swap3A_2284], %swap3A_2287 {strides = array<i32>} : memref<3x128xi32, #tpu.memory_space<vmem>>, vector<1x16xi32>,
      %get3A_2288 = arith.constant 48 : index
      %get3A_2289 = tpu.vector_load %arg5[%get3A_2288] {strides = array<i32>} : memref<384xi32, #tpu.memory_space<vmem>>, vector<16xi32>,
      %get3A_2290 = vector.shape_cast %get3A_2289 : vector<16xi32> to vector<16xi32>
      %get3A_2291 = arith.constant 48 : index
      %get3A_2292 = tpu.vector_load %arg6[%get3A_2291] {strides = array<i32>} : memref<384xi32, #tpu.memory_space<vmem>>, vector<16xi32>,
      %get3A_2293 = vector.shape_cast %get3A_2292 : vector<16xi32> to vector<16xi32>
      %mul3A_2294 = arith.constant 304 : i32
      %mul3A_2295 = vector.broadcast %mul3A_2294 : i32 to vector<16xi32>
      %mul3A_2296 = arith.muli %get3A_2293, %mul3A_2295 : vector<16xi32>
      %add3A_2297 = arith.addi %mul3A_2296, %get3A_2290 : vector<16xi32>
      %swap3A_2298 = arith.constant 0 : i32
      %swap3A_2299 = arith.index_cast %swap3A_2298 : i32 to index
      %swap3A_2300 = arith.constant 48 : index
      %swap3A_2301 = tpu.vector_load %arg7[%swap3A_2299, %swap3A_2300] {strides = array<i32>} : memref<3x128xi32, #tpu.memory_space<vmem>>, vector<1x16xi32>,
      %swap3A_2302 = vector.shape_cast %swap3A_2301 : vector<1x16xi32> to vector<16xi32>
      %swap3A_2303 = vector.shape_cast %add3A_2297 : vector<16xi32> to vector<1x16xi32>
      tpu.vector_store %arg7[%swap3A_2299, %swap3A_2300], %swap3A_2303 {strides = array<i32>} : memref<3x128xi32, #tpu.memory_space<vmem>>, vector<1x16xi32>,
      %get3A_2304 = arith.constant 64 : index
      %get3A_2305 = tpu.vector_load %arg5[%get3A_2304] {strides = array<i32>} : memref<384xi32, #tpu.memory_space<vmem>>, vector<16xi32>,
      %get3A_2306 = vector.shape_cast %get3A_2305 : vector<16xi32> to vector<16xi32>
      %get3A_2307 = arith.constant 64 : index
      %get3A_2308 = tpu.vector_load %arg6[%get3A_2307] {strides = array<i32>} : memref<384xi32, #tpu.memory_space<vmem>>, vector<16xi32>,
      %get3A_2309 = vector.shape_cast %get3A_2308 : vector<16xi32> to vector<16xi32>
      %mul3A_2310 = arith.constant 304 : i32
      %mul3A_2311 = vector.broadcast %mul3A_2310 : i32 to vector<16xi32>
      %mul3A_2312 = arith.muli %get3A_2309, %mul3A_2311 : vector<16xi32>
      %add3A_2313 = arith.addi %mul3A_2312, %get3A_2306 : vector<16xi32>
      %swap3A_2314 = arith.constant 0 : i32
      %swap3A_2315 = arith.index_cast %swap3A_2314 : i32 to index
      %swap3A_2316 = arith.constant 64 : index
      %swap3A_2317 = tpu.vector_load %arg7[%swap3A_2315, %swap3A_2316] {strides = array<i32>} : memref<3x128xi32, #tpu.memory_space<vmem>>, vector<1x16xi32>,
      %swap3A_2318 = vector.shape_cast %swap3A_2317 : vector<1x16xi32> to vector<16xi32>
      %swap3A_2319 = vector.shape_cast %add3A_2313 : vector<16xi32> to vector<1x16xi32>
      tpu.vector_store %arg7[%swap3A_2315, %swap3A_2316], %swap3A_2319 {strides = array<i32>} : memref<3x128xi32, #tpu.memory_space<vmem>>, vector<1x16xi32>,
      %get3A_2320 = arith.constant 80 : index
      %get3A_2321 = tpu.vector_load %arg5[%get3A_2320] {strides = array<i32>} : memref<384xi32, #tpu.memory_space<vmem>>, vector<16xi32>,
      %get3A_2322 = vector.shape_cast %get3A_2321 : vector<16xi32> to vector<16xi32>
      %get3A_2323 = arith.constant 80 : index
      %get3A_2324 = tpu.vector_load %arg6[%get3A_2323] {strides = array<i32>} : memref<384xi32, #tpu.memory_space<vmem>>, vector<16xi32>,
      %get3A_2325 = vector.shape_cast %get3A_2324 : vector<16xi32> to vector<16xi32>
      %mul3A_2326 = arith.constant 304 : i32
      %mul3A_2327 = vector.broadcast %mul3A_2326 : i32 to vector<16xi32>
      %mul3A_2328 = arith.muli %get3A_2325, %mul3A_2327 : vector<16xi32>
      %add3A_2329 = arith.addi %mul3A_2328, %get3A_2322 : vector<16xi32>
      %swap3A_2330 = arith.constant 0 : i32
      %swap3A_2331 = arith.index_cast %swap3A_2330 : i32 to index
      %swap3A_2332 = arith.constant 80 : index
      %swap3A_2333 = tpu.vector_load %arg7[%swap3A_2331, %swap3A_2332] {strides = array<i32>} : memref<3x128xi32, #tpu.memory_space<vmem>>, vector<1x16xi32>,
      %swap3A_2334 = vector.shape_cast %swap3A_2333 : vector<1x16xi32> to vector<16xi32>
      %swap3A_2335 = vector.shape_cast %add3A_2329 : vector<16xi32> to vector<1x16xi32>
      tpu.vector_store %arg7[%swap3A_2331, %swap3A_2332], %swap3A_2335 {strides = array<i32>} : memref<3x128xi32, #tpu.memory_space<vmem>>, vector<1x16xi32>,
      %get3A_2336 = arith.constant 96 : index
      %get3A_2337 = tpu.vector_load %arg5[%get3A_2336] {strides = array<i32>} : memref<384xi32, #tpu.memory_space<vmem>>, vector<16xi32>,
      %get3A_2338 = vector.shape_cast %get3A_2337 : vector<16xi32> to vector<16xi32>
      %get3A_2339 = arith.constant 96 : index
      %get3A_2340 = tpu.vector_load %arg6[%get3A_2339] {strides = array<i32>} : memref<384xi32, #tpu.memory_space<vmem>>, vector<16xi32>,
      %get3A_2341 = vector.shape_cast %get3A_2340 : vector<16xi32> to vector<16xi32>
      %mul3A_2342 = arith.constant 304 : i32
      %mul3A_2343 = vector.broadcast %mul3A_2342 : i32 to vector<16xi32>
      %mul3A_2344 = arith.muli %get3A_2341, %mul3A_2343 : vector<16xi32>
      %add3A_2345 = arith.addi %mul3A_2344, %get3A_2338 : vector<16xi32>
      %swap3A_2346 = arith.constant 0 : i32
      %swap3A_2347 = arith.index_cast %swap3A_2346 : i32 to index
      %swap3A_2348 = arith.constant 96 : index
      %swap3A_2349 = tpu.vector_load %arg7[%swap3A_2347, %swap3A_2348] {strides = array<i32>} : memref<3x128xi32, #tpu.memory_space<vmem>>, vector<1x16xi32>,
      %swap3A_2350 = vector.shape_cast %swap3A_2349 : vector<1x16xi32> to vector<16xi32>
      %swap3A_2351 = vector.shape_cast %add3A_2345 : vector<16xi32> to vector<1x16xi32>
      tpu.vector_store %arg7[%swap3A_2347, %swap3A_2348], %swap3A_2351 {strides = array<i32>} : memref<3x128xi32, #tpu.memory_space<vmem>>, vector<1x16xi32>,
      %get3A_2352 = arith.constant 112 : index
      %get3A_2353 = tpu.vector_load %arg5[%get3A_2352] {strides = array<i32>} : memref<384xi32, #tpu.memory_space<vmem>>, vector<16xi32>,
      %get3A_2354 = vector.shape_cast %get3A_2353 : vector<16xi32> to vector<16xi32>
      %get3A_2355 = arith.constant 112 : index
      %get3A_2356 = tpu.vector_load %arg6[%get3A_2355] {strides = array<i32>} : memref<384xi32, #tpu.memory_space<vmem>>, vector<16xi32>,
      %get3A_2357 = vector.shape_cast %get3A_2356 : vector<16xi32> to vector<16xi32>
      %mul3A_2358 = arith.constant 304 : i32
      %mul3A_2359 = vector.broadcast %mul3A_2358 : i32 to vector<16xi32>
      %mul3A_2360 = arith.muli %get3A_2357, %mul3A_2359 : vector<16xi32>
      %add3A_2361 = arith.addi %mul3A_2360, %get3A_2354 : vector<16xi32>
      %swap3A_2362 = arith.constant 0 : i32
      %swap3A_2363 = arith.index_cast %swap3A_2362 : i32 to index
      %swap3A_2364 = arith.constant 112 : index
      %swap3A_2365 = tpu.vector_load %arg7[%swap3A_2363, %swap3A_2364] {strides = array<i32>} : memref<3x128xi32, #tpu.memory_space<vmem>>, vector<1x16xi32>,
      %swap3A_2366 = vector.shape_cast %swap3A_2365 : vector<1x16xi32> to vector<16xi32>
      %swap3A_2367 = vector.shape_cast %add3A_2361 : vector<16xi32> to vector<1x16xi32>
      tpu.vector_store %arg7[%swap3A_2363, %swap3A_2364], %swap3A_2367 {strides = array<i32>} : memref<3x128xi32, #tpu.memory_space<vmem>>, vector<1x16xi32>,
      %get3A_2368 = arith.constant 128 : index
      %get3A_2369 = tpu.vector_load %arg5[%get3A_2368] {strides = array<i32>} : memref<384xi32, #tpu.memory_space<vmem>>, vector<16xi32>,
      %get3A_2370 = vector.shape_cast %get3A_2369 : vector<16xi32> to vector<16xi32>
      %get3A_2371 = arith.constant 128 : index
      %get3A_2372 = tpu.vector_load %arg6[%get3A_2371] {strides = array<i32>} : memref<384xi32, #tpu.memory_space<vmem>>, vector<16xi32>,
      %get3A_2373 = vector.shape_cast %get3A_2372 : vector<16xi32> to vector<16xi32>
      %mul3A_2374 = arith.constant 304 : i32
      %mul3A_2375 = vector.broadcast %mul3A_2374 : i32 to vector<16xi32>
      %mul3A_2376 = arith.muli %get3A_2373, %mul3A_2375 : vector<16xi32>
      %add3A_2377 = arith.addi %mul3A_2376, %get3A_2370 : vector<16xi32>
      %swap3A_2378 = arith.constant 1 : i32
      %swap3A_2379 = arith.index_cast %swap3A_2378 : i32 to index
      %swap3A_2380 = arith.constant 0 : index
      %swap3A_2381 = tpu.vector_load %arg7[%swap3A_2379, %swap3A_2380] {strides = array<i32>} : memref<3x128xi32, #tpu.memory_space<vmem>>, vector<1x16xi32>,
      %swap3A_2382 = vector.shape_cast %swap3A_2381 : vector<1x16xi32> to vector<16xi32>
      %swap3A_2383 = vector.shape_cast %add3A_2377 : vector<16xi32> to vector<1x16xi32>
      tpu.vector_store %arg7[%swap3A_2379, %swap3A_2380], %swap3A_2383 {strides = array<i32>} : memref<3x128xi32, #tpu.memory_space<vmem>>, vector<1x16xi32>,
      %get3A_2384 = arith.constant 144 : index
      %get3A_2385 = tpu.vector_load %arg5[%get3A_2384] {strides = array<i32>} : memref<384xi32, #tpu.memory_space<vmem>>, vector<16xi32>,
      %get3A_2386 = vector.shape_cast %get3A_2385 : vector<16xi32> to vector<16xi32>
      %get3A_2387 = arith.constant 144 : index
      %get3A_2388 = tpu.vector_load %arg6[%get3A_2387] {strides = array<i32>} : memref<384xi32, #tpu.memory_space<vmem>>, vector<16xi32>,
      %get3A_2389 = vector.shape_cast %get3A_2388 : vector<16xi32> to vector<16xi32>
      %mul3A_2390 = arith.constant 304 : i32
      %mul3A_2391 = vector.broadcast %mul3A_2390 : i32 to vector<16xi32>
      %mul3A_2392 = arith.muli %get3A_2389, %mul3A_2391 : vector<16xi32>
      %add3A_2393 = arith.addi %mul3A_2392, %get3A_2386 : vector<16xi32>
      %swap3A_2394 = arith.constant 1 : i32
      %swap3A_2395 = arith.index_cast %swap3A_2394 : i32 to index
      %swap3A_2396 = arith.constant 16 : index
      %swap3A_2397 = tpu.vector_load %arg7[%swap3A_2395, %swap3A_2396] {strides = array<i32>} : memref<3x128xi32, #tpu.memory_space<vmem>>, vector<1x16xi32>,
      %swap3A_2398 = vector.shape_cast %swap3A_2397 : vector<1x16xi32> to vector<16xi32>
      %swap3A_2399 = vector.shape_cast %add3A_2393 : vector<16xi32> to vector<1x16xi32>
      tpu.vector_store %arg7[%swap3A_2395, %swap3A_2396], %swap3A_2399 {strides = array<i32>} : memref<3x128xi32, #tpu.memory_space<vmem>>, vector<1x16xi32>,
      %get3A_2400 = arith.constant 160 : index
      %get3A_2401 = tpu.vector_load %arg5[%get3A_2400] {strides = array<i32>} : memref<384xi32, #tpu.memory_space<vmem>>, vector<16xi32>,
      %get3A_2402 = vector.shape_cast %get3A_2401 : vector<16xi32> to vector<16xi32>
      %get3A_2403 = arith.constant 160 : index
      %get3A_2404 = tpu.vector_load %arg6[%get3A_2403] {strides = array<i32>} : memref<384xi32, #tpu.memory_space<vmem>>, vector<16xi32>,
      %get3A_2405 = vector.shape_cast %get3A_2404 : vector<16xi32> to vector<16xi32>
      %mul3A_2406 = arith.constant 304 : i32
      %mul3A_2407 = vector.broadcast %mul3A_2406 : i32 to vector<16xi32>
      %mul3A_2408 = arith.muli %get3A_2405, %mul3A_2407 : vector<16xi32>
      %add3A_2409 = arith.addi %mul3A_2408, %get3A_2402 : vector<16xi32>
      %swap3A_2410 = arith.constant 1 : i32
      %swap3A_2411 = arith.index_cast %swap3A_2410 : i32 to index
      %swap3A_2412 = arith.constant 32 : index
      %swap3A_2413 = tpu.vector_load %arg7[%swap3A_2411, %swap3A_2412] {strides = array<i32>} : memref<3x128xi32, #tpu.memory_space<vmem>>, vector<1x16xi32>,
      %swap3A_2414 = vector.shape_cast %swap3A_2413 : vector<1x16xi32> to vector<16xi32>
      %swap3A_2415 = vector.shape_cast %add3A_2409 : vector<16xi32> to vector<1x16xi32>
      tpu.vector_store %arg7[%swap3A_2411, %swap3A_2412], %swap3A_2415 {strides = array<i32>} : memref<3x128xi32, #tpu.memory_space<vmem>>, vector<1x16xi32>,
      %get3A_2416 = arith.constant 176 : index
      %get3A_2417 = tpu.vector_load %arg5[%get3A_2416] {strides = array<i32>} : memref<384xi32, #tpu.memory_space<vmem>>, vector<16xi32>,
      %get3A_2418 = vector.shape_cast %get3A_2417 : vector<16xi32> to vector<16xi32>
      %get3A_2419 = arith.constant 176 : index
      %get3A_2420 = tpu.vector_load %arg6[%get3A_2419] {strides = array<i32>} : memref<384xi32, #tpu.memory_space<vmem>>, vector<16xi32>,
      %get3A_2421 = vector.shape_cast %get3A_2420 : vector<16xi32> to vector<16xi32>
      %mul3A_2422 = arith.constant 304 : i32
      %mul3A_2423 = vector.broadcast %mul3A_2422 : i32 to vector<16xi32>
      %mul3A_2424 = arith.muli %get3A_2421, %mul3A_2423 : vector<16xi32>
      %add3A_2425 = arith.addi %mul3A_2424, %get3A_2418 : vector<16xi32>
      %swap3A_2426 = arith.constant 1 : i32
      %swap3A_2427 = arith.index_cast %swap3A_2426 : i32 to index
      %swap3A_2428 = arith.constant 48 : index
      %swap3A_2429 = tpu.vector_load %arg7[%swap3A_2427, %swap3A_2428] {strides = array<i32>} : memref<3x128xi32, #tpu.memory_space<vmem>>, vector<1x16xi32>,
      %swap3A_2430 = vector.shape_cast %swap3A_2429 : vector<1x16xi32> to vector<16xi32>
      %swap3A_2431 = vector.shape_cast %add3A_2425 : vector<16xi32> to vector<1x16xi32>
      tpu.vector_store %arg7[%swap3A_2427, %swap3A_2428], %swap3A_2431 {strides = array<i32>} : memref<3x128xi32, #tpu.memory_space<vmem>>, vector<1x16xi32>,
      %get3A_2432 = arith.constant 192 : index
      %get3A_2433 = tpu.vector_load %arg5[%get3A_2432] {strides = array<i32>} : memref<384xi32, #tpu.memory_space<vmem>>, vector<16xi32>,
      %get3A_2434 = vector.shape_cast %get3A_2433 : vector<16xi32> to vector<16xi32>
      %get3A_2435 = arith.constant 192 : index
      %get3A_2436 = tpu.vector_load %arg6[%get3A_2435] {strides = array<i32>} : memref<384xi32, #tpu.memory_space<vmem>>, vector<16xi32>,
      %get3A_2437 = vector.shape_cast %get3A_2436 : vector<16xi32> to vector<16xi32>
      %mul3A_2438 = arith.constant 304 : i32
      %mul3A_2439 = vector.broadcast %mul3A_2438 : i32 to vector<16xi32>
      %mul3A_2440 = arith.muli %get3A_2437, %mul3A_2439 : vector<16xi32>
      %add3A_2441 = arith.addi %mul3A_2440, %get3A_2434 : vector<16xi32>
      %swap3A_2442 = arith.constant 1 : i32
      %swap3A_2443 = arith.index_cast %swap3A_2442 : i32 to index
      %swap3A_2444 = arith.constant 64 : index
      %swap3A_2445 = tpu.vector_load %arg7[%swap3A_2443, %swap3A_2444] {strides = array<i32>} : memref<3x128xi32, #tpu.memory_space<vmem>>, vector<1x16xi32>,
      %swap3A_2446 = vector.shape_cast %swap3A_2445 : vector<1x16xi32> to vector<16xi32>
      %swap3A_2447 = vector.shape_cast %add3A_2441 : vector<16xi32> to vector<1x16xi32>
      tpu.vector_store %arg7[%swap3A_2443, %swap3A_2444], %swap3A_2447 {strides = array<i32>} : memref<3x128xi32, #tpu.memory_space<vmem>>, vector<1x16xi32>,
      %get3A_2448 = arith.constant 208 : index
      %get3A_2449 = tpu.vector_load %arg5[%get3A_2448] {strides = array<i32>} : memref<384xi32, #tpu.memory_space<vmem>>, vector<16xi32>,
      %get3A_2450 = vector.shape_cast %get3A_2449 : vector<16xi32> to vector<16xi32>
      %get3A_2451 = arith.constant 208 : index
      %get3A_2452 = tpu.vector_load %arg6[%get3A_2451] {strides = array<i32>} : memref<384xi32, #tpu.memory_space<vmem>>, vector<16xi32>,
      %get3A_2453 = vector.shape_cast %get3A_2452 : vector<16xi32> to vector<16xi32>
      %mul3A_2454 = arith.constant 304 : i32
      %mul3A_2455 = vector.broadcast %mul3A_2454 : i32 to vector<16xi32>
      %mul3A_2456 = arith.muli %get3A_2453, %mul3A_2455 : vector<16xi32>
      %add3A_2457 = arith.addi %mul3A_2456, %get3A_2450 : vector<16xi32>
      %swap3A_2458 = arith.constant 1 : i32
      %swap3A_2459 = arith.index_cast %swap3A_2458 : i32 to index
      %swap3A_2460 = arith.constant 80 : index
      %swap3A_2461 = tpu.vector_load %arg7[%swap3A_2459, %swap3A_2460] {strides = array<i32>} : memref<3x128xi32, #tpu.memory_space<vmem>>, vector<1x16xi32>,
      %swap3A_2462 = vector.shape_cast %swap3A_2461 : vector<1x16xi32> to vector<16xi32>
      %swap3A_2463 = vector.shape_cast %add3A_2457 : vector<16xi32> to vector<1x16xi32>
      tpu.vector_store %arg7[%swap3A_2459, %swap3A_2460], %swap3A_2463 {strides = array<i32>} : memref<3x128xi32, #tpu.memory_space<vmem>>, vector<1x16xi32>,
      %get3A_2464 = arith.constant 224 : index
      %get3A_2465 = tpu.vector_load %arg5[%get3A_2464] {strides = array<i32>} : memref<384xi32, #tpu.memory_space<vmem>>, vector<16xi32>,
      %get3A_2466 = vector.shape_cast %get3A_2465 : vector<16xi32> to vector<16xi32>
      %get3A_2467 = arith.constant 224 : index
      %get3A_2468 = tpu.vector_load %arg6[%get3A_2467] {strides = array<i32>} : memref<384xi32, #tpu.memory_space<vmem>>, vector<16xi32>,
      %get3A_2469 = vector.shape_cast %get3A_2468 : vector<16xi32> to vector<16xi32>
      %mul3A_2470 = arith.constant 304 : i32
      %mul3A_2471 = vector.broadcast %mul3A_2470 : i32 to vector<16xi32>
      %mul3A_2472 = arith.muli %get3A_2469, %mul3A_2471 : vector<16xi32>
      %add3A_2473 = arith.addi %mul3A_2472, %get3A_2466 : vector<16xi32>
      %swap3A_2474 = arith.constant 1 : i32
      %swap3A_2475 = arith.index_cast %swap3A_2474 : i32 to index
      %swap3A_2476 = arith.constant 96 : index
      %swap3A_2477 = tpu.vector_load %arg7[%swap3A_2475, %swap3A_2476] {strides = array<i32>} : memref<3x128xi32, #tpu.memory_space<vmem>>, vector<1x16xi32>,
      %swap3A_2478 = vector.shape_cast %swap3A_2477 : vector<1x16xi32> to vector<16xi32>
      %swap3A_2479 = vector.shape_cast %add3A_2473 : vector<16xi32> to vector<1x16xi32>
      tpu.vector_store %arg7[%swap3A_2475, %swap3A_2476], %swap3A_2479 {strides = array<i32>} : memref<3x128xi32, #tpu.memory_space<vmem>>, vector<1x16xi32>,
      %get3A_2480 = arith.constant 240 : index
      %get3A_2481 = tpu.vector_load %arg5[%get3A_2480] {strides = array<i32>} : memref<384xi32, #tpu.memory_space<vmem>>, vector<16xi32>,
      %get3A_2482 = vector.shape_cast %get3A_2481 : vector<16xi32> to vector<16xi32>
      %get3A_2483 = arith.constant 240 : index
      %get3A_2484 = tpu.vector_load %arg6[%get3A_2483] {strides = array<i32>} : memref<384xi32, #tpu.memory_space<vmem>>, vector<16xi32>,
      %get3A_2485 = vector.shape_cast %get3A_2484 : vector<16xi32> to vector<16xi32>
      %mul3A_2486 = arith.constant 304 : i32
      %mul3A_2487 = vector.broadcast %mul3A_2486 : i32 to vector<16xi32>
      %mul3A_2488 = arith.muli %get3A_2485, %mul3A_2487 : vector<16xi32>
      %add3A_2489 = arith.addi %mul3A_2488, %get3A_2482 : vector<16xi32>
      %swap3A_2490 = arith.constant 1 : i32
      %swap3A_2491 = arith.index_cast %swap3A_2490 : i32 to index
      %swap3A_2492 = arith.constant 112 : index
      %swap3A_2493 = tpu.vector_load %arg7[%swap3A_2491, %swap3A_2492] {strides = array<i32>} : memref<3x128xi32, #tpu.memory_space<vmem>>, vector<1x16xi32>,
      %swap3A_2494 = vector.shape_cast %swap3A_2493 : vector<1x16xi32> to vector<16xi32>
      %swap3A_2495 = vector.shape_cast %add3A_2489 : vector<16xi32> to vector<1x16xi32>
      tpu.vector_store %arg7[%swap3A_2491, %swap3A_2492], %swap3A_2495 {strides = array<i32>} : memref<3x128xi32, #tpu.memory_space<vmem>>, vector<1x16xi32>,
      %get3A_2496 = arith.constant 256 : index
      %get3A_2497 = tpu.vector_load %arg5[%get3A_2496] {strides = array<i32>} : memref<384xi32, #tpu.memory_space<vmem>>, vector<16xi32>,
      %get3A_2498 = vector.shape_cast %get3A_2497 : vector<16xi32> to vector<16xi32>
      %get3A_2499 = arith.constant 256 : index
      %get3A_2500 = tpu.vector_load %arg6[%get3A_2499] {strides = array<i32>} : memref<384xi32, #tpu.memory_space<vmem>>, vector<16xi32>,
      %get3A_2501 = vector.shape_cast %get3A_2500 : vector<16xi32> to vector<16xi32>
      %mul3A_2502 = arith.constant 304 : i32
      %mul3A_2503 = vector.broadcast %mul3A_2502 : i32 to vector<16xi32>
      %mul3A_2504 = arith.muli %get3A_2501, %mul3A_2503 : vector<16xi32>
      %add3A_2505 = arith.addi %mul3A_2504, %get3A_2498 : vector<16xi32>
      %swap3A_2506 = arith.constant 2 : i32
      %swap3A_2507 = arith.index_cast %swap3A_2506 : i32 to index
      %swap3A_2508 = arith.constant 0 : index
      %swap3A_2509 = tpu.vector_load %arg7[%swap3A_2507, %swap3A_2508] {strides = array<i32>} : memref<3x128xi32, #tpu.memory_space<vmem>>, vector<1x16xi32>,
      %swap3A_2510 = vector.shape_cast %swap3A_2509 : vector<1x16xi32> to vector<16xi32>
      %swap3A_2511 = vector.shape_cast %add3A_2505 : vector<16xi32> to vector<1x16xi32>
      tpu.vector_store %arg7[%swap3A_2507, %swap3A_2508], %swap3A_2511 {strides = array<i32>} : memref<3x128xi32, #tpu.memory_space<vmem>>, vector<1x16xi32>,
      %get3A_2512 = arith.constant 272 : index
      %get3A_2513 = tpu.vector_load %arg5[%get3A_2512] {strides = array<i32>} : memref<384xi32, #tpu.memory_space<vmem>>, vector<16xi32>,
      %get3A_2514 = vector.shape_cast %get3A_2513 : vector<16xi32> to vector<16xi32>
      %get3A_2515 = arith.constant 272 : index
      %get3A_2516 = tpu.vector_load %arg6[%get3A_2515] {strides = array<i32>} : memref<384xi32, #tpu.memory_space<vmem>>, vector<16xi32>,
      %get3A_2517 = vector.shape_cast %get3A_2516 : vector<16xi32> to vector<16xi32>
      %mul3A_2518 = arith.constant 304 : i32
      %mul3A_2519 = vector.broadcast %mul3A_2518 : i32 to vector<16xi32>
      %mul3A_2520 = arith.muli %get3A_2517, %mul3A_2519 : vector<16xi32>
      %add3A_2521 = arith.addi %mul3A_2520, %get3A_2514 : vector<16xi32>
      %swap3A_2522 = arith.constant 2 : i32
      %swap3A_2523 = arith.index_cast %swap3A_2522 : i32 to index
      %swap3A_2524 = arith.constant 16 : index
      %swap3A_2525 = tpu.vector_load %arg7[%swap3A_2523, %swap3A_2524] {strides = array<i32>} : memref<3x128xi32, #tpu.memory_space<vmem>>, vector<1x16xi32>,
      %swap3A_2526 = vector.shape_cast %swap3A_2525 : vector<1x16xi32> to vector<16xi32>
      %swap3A_2527 = vector.shape_cast %add3A_2521 : vector<16xi32> to vector<1x16xi32>
      tpu.vector_store %arg7[%swap3A_2523, %swap3A_2524], %swap3A_2527 {strides = array<i32>} : memref<3x128xi32, #tpu.memory_space<vmem>>, vector<1x16xi32>,
      %get3A_2528 = arith.constant 288 : index
      %get3A_2529 = tpu.vector_load %arg5[%get3A_2528] {strides = array<i32>} : memref<384xi32, #tpu.memory_space<vmem>>, vector<16xi32>,
      %get3A_2530 = vector.shape_cast %get3A_2529 : vector<16xi32> to vector<16xi32>
      %get3A_2531 = arith.constant 288 : index
      %get3A_2532 = tpu.vector_load %arg6[%get3A_2531] {strides = array<i32>} : memref<384xi32, #tpu.memory_space<vmem>>, vector<16xi32>,
      %get3A_2533 = vector.shape_cast %get3A_2532 : vector<16xi32> to vector<16xi32>
      %mul3A_2534 = arith.constant 304 : i32
      %mul3A_2535 = vector.broadcast %mul3A_2534 : i32 to vector<16xi32>
      %mul3A_2536 = arith.muli %get3A_2533, %mul3A_2535 : vector<16xi32>
      %add3A_2537 = arith.addi %mul3A_2536, %get3A_2530 : vector<16xi32>
      %swap3A_2538 = arith.constant 2 : i32
      %swap3A_2539 = arith.index_cast %swap3A_2538 : i32 to index
      %swap3A_2540 = arith.constant 32 : index
      %swap3A_2541 = tpu.vector_load %arg7[%swap3A_2539, %swap3A_2540] {strides = array<i32>} : memref<3x128xi32, #tpu.memory_space<vmem>>, vector<1x16xi32>,
      %swap3A_2542 = vector.shape_cast %swap3A_2541 : vector<1x16xi32> to vector<16xi32>
      %swap3A_2543 = vector.shape_cast %add3A_2537 : vector<16xi32> to vector<1x16xi32>
      tpu.vector_store %arg7[%swap3A_2539, %swap3A_2540], %swap3A_2543 {strides = array<i32>} : memref<3x128xi32, #tpu.memory_space<vmem>>, vector<1x16xi32>,
      %get3A_2544 = arith.constant 304 : index
      %get3A_2545 = tpu.vector_load %arg5[%get3A_2544] {strides = array<i32>} : memref<384xi32, #tpu.memory_space<vmem>>, vector<16xi32>,
      %get3A_2546 = vector.shape_cast %get3A_2545 : vector<16xi32> to vector<16xi32>
      %get3A_2547 = arith.constant 304 : index
      %get3A_2548 = tpu.vector_load %arg6[%get3A_2547] {strides = array<i32>} : memref<384xi32, #tpu.memory_space<vmem>>, vector<16xi32>,
      %get3A_2549 = vector.shape_cast %get3A_2548 : vector<16xi32> to vector<16xi32>
      %mul3A_2550 = arith.constant 304 : i32
      %mul3A_2551 = vector.broadcast %mul3A_2550 : i32 to vector<16xi32>
      %mul3A_2552 = arith.muli %get3A_2549, %mul3A_2551 : vector<16xi32>
      %add3A_2553 = arith.addi %mul3A_2552, %get3A_2546 : vector<16xi32>
      %swap3A_2554 = arith.constant 2 : i32
      %swap3A_2555 = arith.index_cast %swap3A_2554 : i32 to index
      %swap3A_2556 = arith.constant 48 : index
      %swap3A_2557 = tpu.vector_load %arg7[%swap3A_2555, %swap3A_2556] {strides = array<i32>} : memref<3x128xi32, #tpu.memory_space<vmem>>, vector<1x16xi32>,
      %swap3A_2558 = vector.shape_cast %swap3A_2557 : vector<1x16xi32> to vector<16xi32>
      %swap3A_2559 = vector.shape_cast %add3A_2553 : vector<16xi32> to vector<1x16xi32>
      tpu.vector_store %arg7[%swap3A_2555, %swap3A_2556], %swap3A_2559 {strides = array<i32>} : memref<3x128xi32, #tpu.memory_space<vmem>>, vector<1x16xi32>,
      %get3A_2560 = arith.constant 320 : index
      %get3A_2561 = tpu.vector_load %arg5[%get3A_2560] {strides = array<i32>} : memref<384xi32, #tpu.memory_space<vmem>>, vector<16xi32>,
      %get3A_2562 = vector.shape_cast %get3A_2561 : vector<16xi32> to vector<16xi32>
      %get3A_2563 = arith.constant 320 : index
      %get3A_2564 = tpu.vector_load %arg6[%get3A_2563] {strides = array<i32>} : memref<384xi32, #tpu.memory_space<vmem>>, vector<16xi32>,
      %get3A_2565 = vector.shape_cast %get3A_2564 : vector<16xi32> to vector<16xi32>
      %mul3A_2566 = arith.constant 304 : i32
      %mul3A_2567 = vector.broadcast %mul3A_2566 : i32 to vector<16xi32>
      %mul3A_2568 = arith.muli %get3A_2565, %mul3A_2567 : vector<16xi32>
      %add3A_2569 = arith.addi %mul3A_2568, %get3A_2562 : vector<16xi32>
      %swap3A_2570 = arith.constant 2 : i32
      %swap3A_2571 = arith.index_cast %swap3A_2570 : i32 to index
      %swap3A_2572 = arith.constant 64 : index
      %swap3A_2573 = tpu.vector_load %arg7[%swap3A_2571, %swap3A_2572] {strides = array<i32>} : memref<3x128xi32, #tpu.memory_space<vmem>>, vector<1x16xi32>,
      %swap3A_2574 = vector.shape_cast %swap3A_2573 : vector<1x16xi32> to vector<16xi32>
      %swap3A_2575 = vector.shape_cast %add3A_2569 : vector<16xi32> to vector<1x16xi32>
      tpu.vector_store %arg7[%swap3A_2571, %swap3A_2572], %swap3A_2575 {strides = array<i32>} : memref<3x128xi32, #tpu.memory_space<vmem>>, vector<1x16xi32>,
      %get3A_2576 = arith.constant 336 : index
      %get3A_2577 = tpu.vector_load %arg5[%get3A_2576] {strides = array<i32>} : memref<384xi32, #tpu.memory_space<vmem>>, vector<16xi32>,
      %get3A_2578 = vector.shape_cast %get3A_2577 : vector<16xi32> to vector<16xi32>
      %get3A_2579 = arith.constant 336 : index
      %get3A_2580 = tpu.vector_load %arg6[%get3A_2579] {strides = array<i32>} : memref<384xi32, #tpu.memory_space<vmem>>, vector<16xi32>,
      %get3A_2581 = vector.shape_cast %get3A_2580 : vector<16xi32> to vector<16xi32>
      %mul3A_2582 = arith.constant 304 : i32
      %mul3A_2583 = vector.broadcast %mul3A_2582 : i32 to vector<16xi32>
      %mul3A_2584 = arith.muli %get3A_2581, %mul3A_2583 : vector<16xi32>
      %add3A_2585 = arith.addi %mul3A_2584, %get3A_2578 : vector<16xi32>
      %swap3A_2586 = arith.constant 2 : i32
      %swap3A_2587 = arith.index_cast %swap3A_2586 : i32 to index
      %swap3A_2588 = arith.constant 80 : index
      %swap3A_2589 = tpu.vector_load %arg7[%swap3A_2587, %swap3A_2588] {strides = array<i32>} : memref<3x128xi32, #tpu.memory_space<vmem>>, vector<1x16xi32>,
      %swap3A_2590 = vector.shape_cast %swap3A_2589 : vector<1x16xi32> to vector<16xi32>
      %swap3A_2591 = vector.shape_cast %add3A_2585 : vector<16xi32> to vector<1x16xi32>
      tpu.vector_store %arg7[%swap3A_2587, %swap3A_2588], %swap3A_2591 {strides = array<i32>} : memref<3x128xi32, #tpu.memory_space<vmem>>, vector<1x16xi32>,
      %get3A_2592 = arith.constant 352 : index
      %get3A_2593 = tpu.vector_load %arg5[%get3A_2592] {strides = array<i32>} : memref<384xi32, #tpu.memory_space<vmem>>, vector<16xi32>,
      %get3A_2594 = vector.shape_cast %get3A_2593 : vector<16xi32> to vector<16xi32>
      %get3A_2595 = arith.constant 352 : index
      %get3A_2596 = tpu.vector_load %arg6[%get3A_2595] {strides = array<i32>} : memref<384xi32, #tpu.memory_space<vmem>>, vector<16xi32>,
      %get3A_2597 = vector.shape_cast %get3A_2596 : vector<16xi32> to vector<16xi32>
      %mul3A_2598 = arith.constant 304 : i32
      %mul3A_2599 = vector.broadcast %mul3A_2598 : i32 to vector<16xi32>
      %mul3A_2600 = arith.muli %get3A_2597, %mul3A_2599 : vector<16xi32>
      %add3A_2601 = arith.addi %mul3A_2600, %get3A_2594 : vector<16xi32>
      %swap3A_2602 = arith.constant 2 : i32
      %swap3A_2603 = arith.index_cast %swap3A_2602 : i32 to index
      %swap3A_2604 = arith.constant 96 : index
      %swap3A_2605 = tpu.vector_load %arg7[%swap3A_2603, %swap3A_2604] {strides = array<i32>} : memref<3x128xi32, #tpu.memory_space<vmem>>, vector<1x16xi32>,
      %swap3A_2606 = vector.shape_cast %swap3A_2605 : vector<1x16xi32> to vector<16xi32>
      %swap3A_2607 = vector.shape_cast %add3A_2601 : vector<16xi32> to vector<1x16xi32>
      tpu.vector_store %arg7[%swap3A_2603, %swap3A_2604], %swap3A_2607 {strides = array<i32>} : memref<3x128xi32, #tpu.memory_space<vmem>>, vector<1x16xi32>,
      %get3A_2608 = arith.constant 368 : index
      %get3A_2609 = tpu.vector_load %arg5[%get3A_2608] {strides = array<i32>} : memref<384xi32, #tpu.memory_space<vmem>>, vector<16xi32>,
      %get3A_2610 = vector.shape_cast %get3A_2609 : vector<16xi32> to vector<16xi32>
      %get3A_2611 = arith.constant 368 : index
      %get3A_2612 = tpu.vector_load %arg6[%get3A_2611] {strides = array<i32>} : memref<384xi32, #tpu.memory_space<vmem>>, vector<16xi32>,
      %get3A_2613 = vector.shape_cast %get3A_2612 : vector<16xi32> to vector<16xi32>
      %mul3A_2614 = arith.constant 304 : i32
      %mul3A_2615 = vector.broadcast %mul3A_2614 : i32 to vector<16xi32>
      %mul3A_2616 = arith.muli %get3A_2613, %mul3A_2615 : vector<16xi32>
      %add3A_2617 = arith.addi %mul3A_2616, %get3A_2610 : vector<16xi32>
      %swap3A_2618 = arith.constant 2 : i32
      %swap3A_2619 = arith.index_cast %swap3A_2618 : i32 to index
      %swap3A_2620 = arith.constant 112 : index
      %swap3A_2621 = tpu.vector_load %arg7[%swap3A_2619, %swap3A_2620] {strides = array<i32>} : memref<3x128xi32, #tpu.memory_space<vmem>>, vector<1x16xi32>,
      %swap3A_2622 = vector.shape_cast %swap3A_2621 : vector<1x16xi32> to vector<16xi32>
      %swap3A_2623 = vector.shape_cast %add3A_2617 : vector<16xi32> to vector<1x16xi32>
      tpu.vector_store %arg7[%swap3A_2619, %swap3A_2620], %swap3A_2623 {strides = array<i32>} : memref<3x128xi32, #tpu.memory_space<vmem>>, vector<1x16xi32>,
    } else {
    }
    %lt3A_2198 = arith.constant 15 : i32
    %lt3A_2199 = arith.cmpi slt, %arg1, %lt3A_2198 : i32
    %eq3A_2200 = arith.constant 1 : i32
    %eq3A_2201 = arith.cmpi eq, %arg0, %eq3A_2200 : i32
    %and3A_2202 = arith.andi %lt3A_2199, %eq3A_2201 : i1
    %convert_element_type3A_2203 = arith.extui %and3A_2202 : i1 to i32
    %cond3A_2204 = arith.constant 0 : i32
    %cond3A_2205 = arith.cmpi ne, %convert_element_type3A_2203, %cond3A_2204 : i32
    scf.if %cond3A_2205 {
      %mul3A_2239 = arith.constant 256 : i32
      %mul3A_2240 = arith.muli %arg1, %mul3A_2239 : i32
      %add3A = arith.constant 5760 : i32
      %add3A_2241 = arith.addi %add3A, %mul3A_2240 : i32
      %run_scoped3A = arith.constant 0 : i32
      "tpu.region"() ({
        %run_scoped3A_2498 = tpu.sem_alloc : memref<!tpu.dma_semaphore, #tpu.memory_space<semaphore_mem>>
        %dma_start3A = arith.constant 0 : i32
        %dma_start3A_2499 = tpu.memref_slice %arg5[%dma_start3A] : memref<384xi32, #tpu.memory_space<vmem>> -> memref<256xi32, #tpu.memory_space<vmem>>
        %dma_start3A_2500 = tpu.memref_slice %arg2[%run_scoped3A, %add3A_2241] : memref<2x9600xi32, #tpu.memory_space<hbm>> -> memref<1x256xi32, #tpu.memory_space<hbm>>
        %dma_start3A_2501 = tpu.memref_squeeze %dma_start3A_2500 : memref<1x256xi32, #tpu.memory_space<hbm>> -> memref<256xi32, #tpu.memory_space<hbm>>
        %dma_start3A_2502 = arith.constant 0 : i32
        %dma_start3A_2503 = tpu.memref_slice %arg5[%dma_start3A_2502] : memref<384xi32, #tpu.memory_space<vmem>> -> memref<256xi32, #tpu.memory_space<vmem>>
        %dma_start3A_2504 = tpu.memref_slice %arg2[%run_scoped3A, %add3A_2241] : memref<2x9600xi32, #tpu.memory_space<hbm>> -> memref<1x256xi32, #tpu.memory_space<hbm>>
        %dma_start3A_2505 = tpu.memref_squeeze %dma_start3A_2504 : memref<1x256xi32, #tpu.memory_space<hbm>> -> memref<256xi32, #tpu.memory_space<hbm>>
        tpu.enqueue_dma source(%dma_start3A_2505 : memref<256xi32, #tpu.memory_space<hbm>>) target(%dma_start3A_2503 : memref<256xi32, #tpu.memory_space<vmem>>) target_semaphore(%run_scoped3A_2498 : memref<!tpu.dma_semaphore, #tpu.memory_space<semaphore_mem>>)
        %dma_wait3A = arith.constant 0 : i32
        %dma_wait3A_2506 = tpu.memref_slice %arg5[%dma_wait3A] : memref<384xi32, #tpu.memory_space<vmem>> -> memref<256xi32, #tpu.memory_space<vmem>>
        %dma_wait3A_2507 = tpu.memref_slice %arg2[%run_scoped3A, %add3A_2241] : memref<2x9600xi32, #tpu.memory_space<hbm>> -> memref<1x256xi32, #tpu.memory_space<hbm>>
        %dma_wait3A_2508 = tpu.memref_squeeze %dma_wait3A_2507 : memref<1x256xi32, #tpu.memory_space<hbm>> -> memref<256xi32, #tpu.memory_space<hbm>>
        %dma_wait3A_2509 = arith.constant 0 : i32
        %dma_wait3A_2510 = tpu.memref_slice %arg5[%dma_wait3A_2509] : memref<384xi32, #tpu.memory_space<vmem>> -> memref<256xi32, #tpu.memory_space<vmem>>
        %dma_wait3A_2511 = tpu.memref_slice %arg2[%run_scoped3A, %add3A_2241] : memref<2x9600xi32, #tpu.memory_space<hbm>> -> memref<1x256xi32, #tpu.memory_space<hbm>>
        %dma_wait3A_2512 = tpu.memref_squeeze %dma_wait3A_2511 : memref<1x256xi32, #tpu.memory_space<hbm>> -> memref<256xi32, #tpu.memory_space<hbm>>
        tpu.wait_dma2 semaphore(%run_scoped3A_2498 : memref<!tpu.dma_semaphore, #tpu.memory_space<semaphore_mem>>) src(%dma_wait3A_2512 : memref<256xi32, #tpu.memory_space<hbm>>) dst(%dma_wait3A_2510 : memref<256xi32, #tpu.memory_space<vmem>>)
        tpu.yield
      }) : () -> ()
      %run_scoped3A_2242 = arith.constant 1 : i32
      "tpu.region"() ({
        %run_scoped3A_2498 = tpu.sem_alloc : memref<!tpu.dma_semaphore, #tpu.memory_space<semaphore_mem>>
        %dma_start3A = arith.constant 0 : i32
        %dma_start3A_2499 = tpu.memref_slice %arg6[%dma_start3A] : memref<384xi32, #tpu.memory_space<vmem>> -> memref<256xi32, #tpu.memory_space<vmem>>
        %dma_start3A_2500 = tpu.memref_slice %arg2[%run_scoped3A_2242, %add3A_2241] : memref<2x9600xi32, #tpu.memory_space<hbm>> -> memref<1x256xi32, #tpu.memory_space<hbm>>
        %dma_start3A_2501 = tpu.memref_squeeze %dma_start3A_2500 : memref<1x256xi32, #tpu.memory_space<hbm>> -> memref<256xi32, #tpu.memory_space<hbm>>
        %dma_start3A_2502 = arith.constant 0 : i32
        %dma_start3A_2503 = tpu.memref_slice %arg6[%dma_start3A_2502] : memref<384xi32, #tpu.memory_space<vmem>> -> memref<256xi32, #tpu.memory_space<vmem>>
        %dma_start3A_2504 = tpu.memref_slice %arg2[%run_scoped3A_2242, %add3A_2241] : memref<2x9600xi32, #tpu.memory_space<hbm>> -> memref<1x256xi32, #tpu.memory_space<hbm>>
        %dma_start3A_2505 = tpu.memref_squeeze %dma_start3A_2504 : memref<1x256xi32, #tpu.memory_space<hbm>> -> memref<256xi32, #tpu.memory_space<hbm>>
        tpu.enqueue_dma source(%dma_start3A_2505 : memref<256xi32, #tpu.memory_space<hbm>>) target(%dma_start3A_2503 : memref<256xi32, #tpu.memory_space<vmem>>) target_semaphore(%run_scoped3A_2498 : memref<!tpu.dma_semaphore, #tpu.memory_space<semaphore_mem>>)
        %dma_wait3A = arith.constant 0 : i32
        %dma_wait3A_2506 = tpu.memref_slice %arg6[%dma_wait3A] : memref<384xi32, #tpu.memory_space<vmem>> -> memref<256xi32, #tpu.memory_space<vmem>>
        %dma_wait3A_2507 = tpu.memref_slice %arg2[%run_scoped3A_2242, %add3A_2241] : memref<2x9600xi32, #tpu.memory_space<hbm>> -> memref<1x256xi32, #tpu.memory_space<hbm>>
        %dma_wait3A_2508 = tpu.memref_squeeze %dma_wait3A_2507 : memref<1x256xi32, #tpu.memory_space<hbm>> -> memref<256xi32, #tpu.memory_space<hbm>>
        %dma_wait3A_2509 = arith.constant 0 : i32
        %dma_wait3A_2510 = tpu.memref_slice %arg6[%dma_wait3A_2509] : memref<384xi32, #tpu.memory_space<vmem>> -> memref<256xi32, #tpu.memory_space<vmem>>
        %dma_wait3A_2511 = tpu.memref_slice %arg2[%run_scoped3A_2242, %add3A_2241] : memref<2x9600xi32, #tpu.memory_space<hbm>> -> memref<1x256xi32, #tpu.memory_space<hbm>>
        %dma_wait3A_2512 = tpu.memref_squeeze %dma_wait3A_2511 : memref<1x256xi32, #tpu.memory_space<hbm>> -> memref<256xi32, #tpu.memory_space<hbm>>
        tpu.wait_dma2 semaphore(%run_scoped3A_2498 : memref<!tpu.dma_semaphore, #tpu.memory_space<semaphore_mem>>) src(%dma_wait3A_2512 : memref<256xi32, #tpu.memory_space<hbm>>) dst(%dma_wait3A_2510 : memref<256xi32, #tpu.memory_space<vmem>>)
        tpu.yield
      }) : () -> ()
      %get3A = arith.constant 0 : index
      %get3A_2243 = tpu.vector_load %arg5[%get3A] {strides = array<i32>} : memref<384xi32, #tpu.memory_space<vmem>>, vector<16xi32>,
      %get3A_2244 = vector.shape_cast %get3A_2243 : vector<16xi32> to vector<16xi32>
      %get3A_2245 = arith.constant 0 : index
      %get3A_2246 = tpu.vector_load %arg6[%get3A_2245] {strides = array<i32>} : memref<384xi32, #tpu.memory_space<vmem>>, vector<16xi32>,
      %get3A_2247 = vector.shape_cast %get3A_2246 : vector<16xi32> to vector<16xi32>
      %mul3A_2248 = arith.constant 304 : i32
      %mul3A_2249 = vector.broadcast %mul3A_2248 : i32 to vector<16xi32>
      %mul3A_2250 = arith.muli %get3A_2247, %mul3A_2249 : vector<16xi32>
      %add3A_2251 = arith.addi %mul3A_2250, %get3A_2244 : vector<16xi32>
      %swap3A_2252 = arith.constant 0 : i32
      %swap3A_2253 = arith.index_cast %swap3A_2252 : i32 to index
      %swap3A_2254 = arith.constant 0 : index
      %swap3A_2255 = tpu.vector_load %arg7[%swap3A_2253, %swap3A_2254] {strides = array<i32>} : memref<3x128xi32, #tpu.memory_space<vmem>>, vector<1x16xi32>,
      %swap3A_2256 = vector.shape_cast %swap3A_2255 : vector<1x16xi32> to vector<16xi32>
      %swap3A_2257 = vector.shape_cast %add3A_2251 : vector<16xi32> to vector<1x16xi32>
      tpu.vector_store %arg7[%swap3A_2253, %swap3A_2254], %swap3A_2257 {strides = array<i32>} : memref<3x128xi32, #tpu.memory_space<vmem>>, vector<1x16xi32>,
      %get3A_2258 = arith.constant 16 : index
      %get3A_2259 = tpu.vector_load %arg5[%get3A_2258] {strides = array<i32>} : memref<384xi32, #tpu.memory_space<vmem>>, vector<16xi32>,
      %get3A_2260 = vector.shape_cast %get3A_2259 : vector<16xi32> to vector<16xi32>
      %get3A_2261 = arith.constant 16 : index
      %get3A_2262 = tpu.vector_load %arg6[%get3A_2261] {strides = array<i32>} : memref<384xi32, #tpu.memory_space<vmem>>, vector<16xi32>,
      %get3A_2263 = vector.shape_cast %get3A_2262 : vector<16xi32> to vector<16xi32>
      %mul3A_2264 = arith.constant 304 : i32
      %mul3A_2265 = vector.broadcast %mul3A_2264 : i32 to vector<16xi32>
      %mul3A_2266 = arith.muli %get3A_2263, %mul3A_2265 : vector<16xi32>
      %add3A_2267 = arith.addi %mul3A_2266, %get3A_2260 : vector<16xi32>
      %swap3A_2268 = arith.constant 0 : i32
      %swap3A_2269 = arith.index_cast %swap3A_2268 : i32 to index
      %swap3A_2270 = arith.constant 16 : index
      %swap3A_2271 = tpu.vector_load %arg7[%swap3A_2269, %swap3A_2270] {strides = array<i32>} : memref<3x128xi32, #tpu.memory_space<vmem>>, vector<1x16xi32>,
      %swap3A_2272 = vector.shape_cast %swap3A_2271 : vector<1x16xi32> to vector<16xi32>
      %swap3A_2273 = vector.shape_cast %add3A_2267 : vector<16xi32> to vector<1x16xi32>
      tpu.vector_store %arg7[%swap3A_2269, %swap3A_2270], %swap3A_2273 {strides = array<i32>} : memref<3x128xi32, #tpu.memory_space<vmem>>, vector<1x16xi32>,
      %get3A_2274 = arith.constant 32 : index
      %get3A_2275 = tpu.vector_load %arg5[%get3A_2274] {strides = array<i32>} : memref<384xi32, #tpu.memory_space<vmem>>, vector<16xi32>,
      %get3A_2276 = vector.shape_cast %get3A_2275 : vector<16xi32> to vector<16xi32>
      %get3A_2277 = arith.constant 32 : index
      %get3A_2278 = tpu.vector_load %arg6[%get3A_2277] {strides = array<i32>} : memref<384xi32, #tpu.memory_space<vmem>>, vector<16xi32>,
      %get3A_2279 = vector.shape_cast %get3A_2278 : vector<16xi32> to vector<16xi32>
      %mul3A_2280 = arith.constant 304 : i32
      %mul3A_2281 = vector.broadcast %mul3A_2280 : i32 to vector<16xi32>
      %mul3A_2282 = arith.muli %get3A_2279, %mul3A_2281 : vector<16xi32>
      %add3A_2283 = arith.addi %mul3A_2282, %get3A_2276 : vector<16xi32>
      %swap3A_2284 = arith.constant 0 : i32
      %swap3A_2285 = arith.index_cast %swap3A_2284 : i32 to index
      %swap3A_2286 = arith.constant 32 : index
      %swap3A_2287 = tpu.vector_load %arg7[%swap3A_2285, %swap3A_2286] {strides = array<i32>} : memref<3x128xi32, #tpu.memory_space<vmem>>, vector<1x16xi32>,
      %swap3A_2288 = vector.shape_cast %swap3A_2287 : vector<1x16xi32> to vector<16xi32>
      %swap3A_2289 = vector.shape_cast %add3A_2283 : vector<16xi32> to vector<1x16xi32>
      tpu.vector_store %arg7[%swap3A_2285, %swap3A_2286], %swap3A_2289 {strides = array<i32>} : memref<3x128xi32, #tpu.memory_space<vmem>>, vector<1x16xi32>,
      %get3A_2290 = arith.constant 48 : index
      %get3A_2291 = tpu.vector_load %arg5[%get3A_2290] {strides = array<i32>} : memref<384xi32, #tpu.memory_space<vmem>>, vector<16xi32>,
      %get3A_2292 = vector.shape_cast %get3A_2291 : vector<16xi32> to vector<16xi32>
      %get3A_2293 = arith.constant 48 : index
      %get3A_2294 = tpu.vector_load %arg6[%get3A_2293] {strides = array<i32>} : memref<384xi32, #tpu.memory_space<vmem>>, vector<16xi32>,
      %get3A_2295 = vector.shape_cast %get3A_2294 : vector<16xi32> to vector<16xi32>
      %mul3A_2296 = arith.constant 304 : i32
      %mul3A_2297 = vector.broadcast %mul3A_2296 : i32 to vector<16xi32>
      %mul3A_2298 = arith.muli %get3A_2295, %mul3A_2297 : vector<16xi32>
      %add3A_2299 = arith.addi %mul3A_2298, %get3A_2292 : vector<16xi32>
      %swap3A_2300 = arith.constant 0 : i32
      %swap3A_2301 = arith.index_cast %swap3A_2300 : i32 to index
      %swap3A_2302 = arith.constant 48 : index
      %swap3A_2303 = tpu.vector_load %arg7[%swap3A_2301, %swap3A_2302] {strides = array<i32>} : memref<3x128xi32, #tpu.memory_space<vmem>>, vector<1x16xi32>,
      %swap3A_2304 = vector.shape_cast %swap3A_2303 : vector<1x16xi32> to vector<16xi32>
      %swap3A_2305 = vector.shape_cast %add3A_2299 : vector<16xi32> to vector<1x16xi32>
      tpu.vector_store %arg7[%swap3A_2301, %swap3A_2302], %swap3A_2305 {strides = array<i32>} : memref<3x128xi32, #tpu.memory_space<vmem>>, vector<1x16xi32>,
      %get3A_2306 = arith.constant 64 : index
      %get3A_2307 = tpu.vector_load %arg5[%get3A_2306] {strides = array<i32>} : memref<384xi32, #tpu.memory_space<vmem>>, vector<16xi32>,
      %get3A_2308 = vector.shape_cast %get3A_2307 : vector<16xi32> to vector<16xi32>
      %get3A_2309 = arith.constant 64 : index
      %get3A_2310 = tpu.vector_load %arg6[%get3A_2309] {strides = array<i32>} : memref<384xi32, #tpu.memory_space<vmem>>, vector<16xi32>,
      %get3A_2311 = vector.shape_cast %get3A_2310 : vector<16xi32> to vector<16xi32>
      %mul3A_2312 = arith.constant 304 : i32
      %mul3A_2313 = vector.broadcast %mul3A_2312 : i32 to vector<16xi32>
      %mul3A_2314 = arith.muli %get3A_2311, %mul3A_2313 : vector<16xi32>
      %add3A_2315 = arith.addi %mul3A_2314, %get3A_2308 : vector<16xi32>
      %swap3A_2316 = arith.constant 0 : i32
      %swap3A_2317 = arith.index_cast %swap3A_2316 : i32 to index
      %swap3A_2318 = arith.constant 64 : index
      %swap3A_2319 = tpu.vector_load %arg7[%swap3A_2317, %swap3A_2318] {strides = array<i32>} : memref<3x128xi32, #tpu.memory_space<vmem>>, vector<1x16xi32>,
      %swap3A_2320 = vector.shape_cast %swap3A_2319 : vector<1x16xi32> to vector<16xi32>
      %swap3A_2321 = vector.shape_cast %add3A_2315 : vector<16xi32> to vector<1x16xi32>
      tpu.vector_store %arg7[%swap3A_2317, %swap3A_2318], %swap3A_2321 {strides = array<i32>} : memref<3x128xi32, #tpu.memory_space<vmem>>, vector<1x16xi32>,
      %get3A_2322 = arith.constant 80 : index
      %get3A_2323 = tpu.vector_load %arg5[%get3A_2322] {strides = array<i32>} : memref<384xi32, #tpu.memory_space<vmem>>, vector<16xi32>,
      %get3A_2324 = vector.shape_cast %get3A_2323 : vector<16xi32> to vector<16xi32>
      %get3A_2325 = arith.constant 80 : index
      %get3A_2326 = tpu.vector_load %arg6[%get3A_2325] {strides = array<i32>} : memref<384xi32, #tpu.memory_space<vmem>>, vector<16xi32>,
      %get3A_2327 = vector.shape_cast %get3A_2326 : vector<16xi32> to vector<16xi32>
      %mul3A_2328 = arith.constant 304 : i32
      %mul3A_2329 = vector.broadcast %mul3A_2328 : i32 to vector<16xi32>
      %mul3A_2330 = arith.muli %get3A_2327, %mul3A_2329 : vector<16xi32>
      %add3A_2331 = arith.addi %mul3A_2330, %get3A_2324 : vector<16xi32>
      %swap3A_2332 = arith.constant 0 : i32
      %swap3A_2333 = arith.index_cast %swap3A_2332 : i32 to index
      %swap3A_2334 = arith.constant 80 : index
      %swap3A_2335 = tpu.vector_load %arg7[%swap3A_2333, %swap3A_2334] {strides = array<i32>} : memref<3x128xi32, #tpu.memory_space<vmem>>, vector<1x16xi32>,
      %swap3A_2336 = vector.shape_cast %swap3A_2335 : vector<1x16xi32> to vector<16xi32>
      %swap3A_2337 = vector.shape_cast %add3A_2331 : vector<16xi32> to vector<1x16xi32>
      tpu.vector_store %arg7[%swap3A_2333, %swap3A_2334], %swap3A_2337 {strides = array<i32>} : memref<3x128xi32, #tpu.memory_space<vmem>>, vector<1x16xi32>,
      %get3A_2338 = arith.constant 96 : index
      %get3A_2339 = tpu.vector_load %arg5[%get3A_2338] {strides = array<i32>} : memref<384xi32, #tpu.memory_space<vmem>>, vector<16xi32>,
      %get3A_2340 = vector.shape_cast %get3A_2339 : vector<16xi32> to vector<16xi32>
      %get3A_2341 = arith.constant 96 : index
      %get3A_2342 = tpu.vector_load %arg6[%get3A_2341] {strides = array<i32>} : memref<384xi32, #tpu.memory_space<vmem>>, vector<16xi32>,
      %get3A_2343 = vector.shape_cast %get3A_2342 : vector<16xi32> to vector<16xi32>
      %mul3A_2344 = arith.constant 304 : i32
      %mul3A_2345 = vector.broadcast %mul3A_2344 : i32 to vector<16xi32>
      %mul3A_2346 = arith.muli %get3A_2343, %mul3A_2345 : vector<16xi32>
      %add3A_2347 = arith.addi %mul3A_2346, %get3A_2340 : vector<16xi32>
      %swap3A_2348 = arith.constant 0 : i32
      %swap3A_2349 = arith.index_cast %swap3A_2348 : i32 to index
      %swap3A_2350 = arith.constant 96 : index
      %swap3A_2351 = tpu.vector_load %arg7[%swap3A_2349, %swap3A_2350] {strides = array<i32>} : memref<3x128xi32, #tpu.memory_space<vmem>>, vector<1x16xi32>,
      %swap3A_2352 = vector.shape_cast %swap3A_2351 : vector<1x16xi32> to vector<16xi32>
      %swap3A_2353 = vector.shape_cast %add3A_2347 : vector<16xi32> to vector<1x16xi32>
      tpu.vector_store %arg7[%swap3A_2349, %swap3A_2350], %swap3A_2353 {strides = array<i32>} : memref<3x128xi32, #tpu.memory_space<vmem>>, vector<1x16xi32>,
      %get3A_2354 = arith.constant 112 : index
      %get3A_2355 = tpu.vector_load %arg5[%get3A_2354] {strides = array<i32>} : memref<384xi32, #tpu.memory_space<vmem>>, vector<16xi32>,
      %get3A_2356 = vector.shape_cast %get3A_2355 : vector<16xi32> to vector<16xi32>
      %get3A_2357 = arith.constant 112 : index
      %get3A_2358 = tpu.vector_load %arg6[%get3A_2357] {strides = array<i32>} : memref<384xi32, #tpu.memory_space<vmem>>, vector<16xi32>,
      %get3A_2359 = vector.shape_cast %get3A_2358 : vector<16xi32> to vector<16xi32>
      %mul3A_2360 = arith.constant 304 : i32
      %mul3A_2361 = vector.broadcast %mul3A_2360 : i32 to vector<16xi32>
      %mul3A_2362 = arith.muli %get3A_2359, %mul3A_2361 : vector<16xi32>
      %add3A_2363 = arith.addi %mul3A_2362, %get3A_2356 : vector<16xi32>
      %swap3A_2364 = arith.constant 0 : i32
      %swap3A_2365 = arith.index_cast %swap3A_2364 : i32 to index
      %swap3A_2366 = arith.constant 112 : index
      %swap3A_2367 = tpu.vector_load %arg7[%swap3A_2365, %swap3A_2366] {strides = array<i32>} : memref<3x128xi32, #tpu.memory_space<vmem>>, vector<1x16xi32>,
      %swap3A_2368 = vector.shape_cast %swap3A_2367 : vector<1x16xi32> to vector<16xi32>
      %swap3A_2369 = vector.shape_cast %add3A_2363 : vector<16xi32> to vector<1x16xi32>
      tpu.vector_store %arg7[%swap3A_2365, %swap3A_2366], %swap3A_2369 {strides = array<i32>} : memref<3x128xi32, #tpu.memory_space<vmem>>, vector<1x16xi32>,
      %get3A_2370 = arith.constant 128 : index
      %get3A_2371 = tpu.vector_load %arg5[%get3A_2370] {strides = array<i32>} : memref<384xi32, #tpu.memory_space<vmem>>, vector<16xi32>,
      %get3A_2372 = vector.shape_cast %get3A_2371 : vector<16xi32> to vector<16xi32>
      %get3A_2373 = arith.constant 128 : index
      %get3A_2374 = tpu.vector_load %arg6[%get3A_2373] {strides = array<i32>} : memref<384xi32, #tpu.memory_space<vmem>>, vector<16xi32>,
      %get3A_2375 = vector.shape_cast %get3A_2374 : vector<16xi32> to vector<16xi32>
      %mul3A_2376 = arith.constant 304 : i32
      %mul3A_2377 = vector.broadcast %mul3A_2376 : i32 to vector<16xi32>
      %mul3A_2378 = arith.muli %get3A_2375, %mul3A_2377 : vector<16xi32>
      %add3A_2379 = arith.addi %mul3A_2378, %get3A_2372 : vector<16xi32>
      %swap3A_2380 = arith.constant 1 : i32
      %swap3A_2381 = arith.index_cast %swap3A_2380 : i32 to index
      %swap3A_2382 = arith.constant 0 : index
      %swap3A_2383 = tpu.vector_load %arg7[%swap3A_2381, %swap3A_2382] {strides = array<i32>} : memref<3x128xi32, #tpu.memory_space<vmem>>, vector<1x16xi32>,
      %swap3A_2384 = vector.shape_cast %swap3A_2383 : vector<1x16xi32> to vector<16xi32>
      %swap3A_2385 = vector.shape_cast %add3A_2379 : vector<16xi32> to vector<1x16xi32>
      tpu.vector_store %arg7[%swap3A_2381, %swap3A_2382], %swap3A_2385 {strides = array<i32>} : memref<3x128xi32, #tpu.memory_space<vmem>>, vector<1x16xi32>,
      %get3A_2386 = arith.constant 144 : index
      %get3A_2387 = tpu.vector_load %arg5[%get3A_2386] {strides = array<i32>} : memref<384xi32, #tpu.memory_space<vmem>>, vector<16xi32>,
      %get3A_2388 = vector.shape_cast %get3A_2387 : vector<16xi32> to vector<16xi32>
      %get3A_2389 = arith.constant 144 : index
      %get3A_2390 = tpu.vector_load %arg6[%get3A_2389] {strides = array<i32>} : memref<384xi32, #tpu.memory_space<vmem>>, vector<16xi32>,
      %get3A_2391 = vector.shape_cast %get3A_2390 : vector<16xi32> to vector<16xi32>
      %mul3A_2392 = arith.constant 304 : i32
      %mul3A_2393 = vector.broadcast %mul3A_2392 : i32 to vector<16xi32>
      %mul3A_2394 = arith.muli %get3A_2391, %mul3A_2393 : vector<16xi32>
      %add3A_2395 = arith.addi %mul3A_2394, %get3A_2388 : vector<16xi32>
      %swap3A_2396 = arith.constant 1 : i32
      %swap3A_2397 = arith.index_cast %swap3A_2396 : i32 to index
      %swap3A_2398 = arith.constant 16 : index
      %swap3A_2399 = tpu.vector_load %arg7[%swap3A_2397, %swap3A_2398] {strides = array<i32>} : memref<3x128xi32, #tpu.memory_space<vmem>>, vector<1x16xi32>,
      %swap3A_2400 = vector.shape_cast %swap3A_2399 : vector<1x16xi32> to vector<16xi32>
      %swap3A_2401 = vector.shape_cast %add3A_2395 : vector<16xi32> to vector<1x16xi32>
      tpu.vector_store %arg7[%swap3A_2397, %swap3A_2398], %swap3A_2401 {strides = array<i32>} : memref<3x128xi32, #tpu.memory_space<vmem>>, vector<1x16xi32>,
      %get3A_2402 = arith.constant 160 : index
      %get3A_2403 = tpu.vector_load %arg5[%get3A_2402] {strides = array<i32>} : memref<384xi32, #tpu.memory_space<vmem>>, vector<16xi32>,
      %get3A_2404 = vector.shape_cast %get3A_2403 : vector<16xi32> to vector<16xi32>
      %get3A_2405 = arith.constant 160 : index
      %get3A_2406 = tpu.vector_load %arg6[%get3A_2405] {strides = array<i32>} : memref<384xi32, #tpu.memory_space<vmem>>, vector<16xi32>,
      %get3A_2407 = vector.shape_cast %get3A_2406 : vector<16xi32> to vector<16xi32>
      %mul3A_2408 = arith.constant 304 : i32
      %mul3A_2409 = vector.broadcast %mul3A_2408 : i32 to vector<16xi32>
      %mul3A_2410 = arith.muli %get3A_2407, %mul3A_2409 : vector<16xi32>
      %add3A_2411 = arith.addi %mul3A_2410, %get3A_2404 : vector<16xi32>
      %swap3A_2412 = arith.constant 1 : i32
      %swap3A_2413 = arith.index_cast %swap3A_2412 : i32 to index
      %swap3A_2414 = arith.constant 32 : index
      %swap3A_2415 = tpu.vector_load %arg7[%swap3A_2413, %swap3A_2414] {strides = array<i32>} : memref<3x128xi32, #tpu.memory_space<vmem>>, vector<1x16xi32>,
      %swap3A_2416 = vector.shape_cast %swap3A_2415 : vector<1x16xi32> to vector<16xi32>
      %swap3A_2417 = vector.shape_cast %add3A_2411 : vector<16xi32> to vector<1x16xi32>
      tpu.vector_store %arg7[%swap3A_2413, %swap3A_2414], %swap3A_2417 {strides = array<i32>} : memref<3x128xi32, #tpu.memory_space<vmem>>, vector<1x16xi32>,
      %get3A_2418 = arith.constant 176 : index
      %get3A_2419 = tpu.vector_load %arg5[%get3A_2418] {strides = array<i32>} : memref<384xi32, #tpu.memory_space<vmem>>, vector<16xi32>,
      %get3A_2420 = vector.shape_cast %get3A_2419 : vector<16xi32> to vector<16xi32>
      %get3A_2421 = arith.constant 176 : index
      %get3A_2422 = tpu.vector_load %arg6[%get3A_2421] {strides = array<i32>} : memref<384xi32, #tpu.memory_space<vmem>>, vector<16xi32>,
      %get3A_2423 = vector.shape_cast %get3A_2422 : vector<16xi32> to vector<16xi32>
      %mul3A_2424 = arith.constant 304 : i32
      %mul3A_2425 = vector.broadcast %mul3A_2424 : i32 to vector<16xi32>
      %mul3A_2426 = arith.muli %get3A_2423, %mul3A_2425 : vector<16xi32>
      %add3A_2427 = arith.addi %mul3A_2426, %get3A_2420 : vector<16xi32>
      %swap3A_2428 = arith.constant 1 : i32
      %swap3A_2429 = arith.index_cast %swap3A_2428 : i32 to index
      %swap3A_2430 = arith.constant 48 : index
      %swap3A_2431 = tpu.vector_load %arg7[%swap3A_2429, %swap3A_2430] {strides = array<i32>} : memref<3x128xi32, #tpu.memory_space<vmem>>, vector<1x16xi32>,
      %swap3A_2432 = vector.shape_cast %swap3A_2431 : vector<1x16xi32> to vector<16xi32>
      %swap3A_2433 = vector.shape_cast %add3A_2427 : vector<16xi32> to vector<1x16xi32>
      tpu.vector_store %arg7[%swap3A_2429, %swap3A_2430], %swap3A_2433 {strides = array<i32>} : memref<3x128xi32, #tpu.memory_space<vmem>>, vector<1x16xi32>,
      %get3A_2434 = arith.constant 192 : index
      %get3A_2435 = tpu.vector_load %arg5[%get3A_2434] {strides = array<i32>} : memref<384xi32, #tpu.memory_space<vmem>>, vector<16xi32>,
      %get3A_2436 = vector.shape_cast %get3A_2435 : vector<16xi32> to vector<16xi32>
      %get3A_2437 = arith.constant 192 : index
      %get3A_2438 = tpu.vector_load %arg6[%get3A_2437] {strides = array<i32>} : memref<384xi32, #tpu.memory_space<vmem>>, vector<16xi32>,
      %get3A_2439 = vector.shape_cast %get3A_2438 : vector<16xi32> to vector<16xi32>
      %mul3A_2440 = arith.constant 304 : i32
      %mul3A_2441 = vector.broadcast %mul3A_2440 : i32 to vector<16xi32>
      %mul3A_2442 = arith.muli %get3A_2439, %mul3A_2441 : vector<16xi32>
      %add3A_2443 = arith.addi %mul3A_2442, %get3A_2436 : vector<16xi32>
      %swap3A_2444 = arith.constant 1 : i32
      %swap3A_2445 = arith.index_cast %swap3A_2444 : i32 to index
      %swap3A_2446 = arith.constant 64 : index
      %swap3A_2447 = tpu.vector_load %arg7[%swap3A_2445, %swap3A_2446] {strides = array<i32>} : memref<3x128xi32, #tpu.memory_space<vmem>>, vector<1x16xi32>,
      %swap3A_2448 = vector.shape_cast %swap3A_2447 : vector<1x16xi32> to vector<16xi32>
      %swap3A_2449 = vector.shape_cast %add3A_2443 : vector<16xi32> to vector<1x16xi32>
      tpu.vector_store %arg7[%swap3A_2445, %swap3A_2446], %swap3A_2449 {strides = array<i32>} : memref<3x128xi32, #tpu.memory_space<vmem>>, vector<1x16xi32>,
      %get3A_2450 = arith.constant 208 : index
      %get3A_2451 = tpu.vector_load %arg5[%get3A_2450] {strides = array<i32>} : memref<384xi32, #tpu.memory_space<vmem>>, vector<16xi32>,
      %get3A_2452 = vector.shape_cast %get3A_2451 : vector<16xi32> to vector<16xi32>
      %get3A_2453 = arith.constant 208 : index
      %get3A_2454 = tpu.vector_load %arg6[%get3A_2453] {strides = array<i32>} : memref<384xi32, #tpu.memory_space<vmem>>, vector<16xi32>,
      %get3A_2455 = vector.shape_cast %get3A_2454 : vector<16xi32> to vector<16xi32>
      %mul3A_2456 = arith.constant 304 : i32
      %mul3A_2457 = vector.broadcast %mul3A_2456 : i32 to vector<16xi32>
      %mul3A_2458 = arith.muli %get3A_2455, %mul3A_2457 : vector<16xi32>
      %add3A_2459 = arith.addi %mul3A_2458, %get3A_2452 : vector<16xi32>
      %swap3A_2460 = arith.constant 1 : i32
      %swap3A_2461 = arith.index_cast %swap3A_2460 : i32 to index
      %swap3A_2462 = arith.constant 80 : index
      %swap3A_2463 = tpu.vector_load %arg7[%swap3A_2461, %swap3A_2462] {strides = array<i32>} : memref<3x128xi32, #tpu.memory_space<vmem>>, vector<1x16xi32>,
      %swap3A_2464 = vector.shape_cast %swap3A_2463 : vector<1x16xi32> to vector<16xi32>
      %swap3A_2465 = vector.shape_cast %add3A_2459 : vector<16xi32> to vector<1x16xi32>
      tpu.vector_store %arg7[%swap3A_2461, %swap3A_2462], %swap3A_2465 {strides = array<i32>} : memref<3x128xi32, #tpu.memory_space<vmem>>, vector<1x16xi32>,
      %get3A_2466 = arith.constant 224 : index
      %get3A_2467 = tpu.vector_load %arg5[%get3A_2466] {strides = array<i32>} : memref<384xi32, #tpu.memory_space<vmem>>, vector<16xi32>,
      %get3A_2468 = vector.shape_cast %get3A_2467 : vector<16xi32> to vector<16xi32>
      %get3A_2469 = arith.constant 224 : index
      %get3A_2470 = tpu.vector_load %arg6[%get3A_2469] {strides = array<i32>} : memref<384xi32, #tpu.memory_space<vmem>>, vector<16xi32>,
      %get3A_2471 = vector.shape_cast %get3A_2470 : vector<16xi32> to vector<16xi32>
      %mul3A_2472 = arith.constant 304 : i32
      %mul3A_2473 = vector.broadcast %mul3A_2472 : i32 to vector<16xi32>
      %mul3A_2474 = arith.muli %get3A_2471, %mul3A_2473 : vector<16xi32>
      %add3A_2475 = arith.addi %mul3A_2474, %get3A_2468 : vector<16xi32>
      %swap3A_2476 = arith.constant 1 : i32
      %swap3A_2477 = arith.index_cast %swap3A_2476 : i32 to index
      %swap3A_2478 = arith.constant 96 : index
      %swap3A_2479 = tpu.vector_load %arg7[%swap3A_2477, %swap3A_2478] {strides = array<i32>} : memref<3x128xi32, #tpu.memory_space<vmem>>, vector<1x16xi32>,
      %swap3A_2480 = vector.shape_cast %swap3A_2479 : vector<1x16xi32> to vector<16xi32>
      %swap3A_2481 = vector.shape_cast %add3A_2475 : vector<16xi32> to vector<1x16xi32>
      tpu.vector_store %arg7[%swap3A_2477, %swap3A_2478], %swap3A_2481 {strides = array<i32>} : memref<3x128xi32, #tpu.memory_space<vmem>>, vector<1x16xi32>,
      %get3A_2482 = arith.constant 240 : index
      %get3A_2483 = tpu.vector_load %arg5[%get3A_2482] {strides = array<i32>} : memref<384xi32, #tpu.memory_space<vmem>>, vector<16xi32>,
      %get3A_2484 = vector.shape_cast %get3A_2483 : vector<16xi32> to vector<16xi32>
      %get3A_2485 = arith.constant 240 : index
      %get3A_2486 = tpu.vector_load %arg6[%get3A_2485] {strides = array<i32>} : memref<384xi32, #tpu.memory_space<vmem>>, vector<16xi32>,
      %get3A_2487 = vector.shape_cast %get3A_2486 : vector<16xi32> to vector<16xi32>
      %mul3A_2488 = arith.constant 304 : i32
      %mul3A_2489 = vector.broadcast %mul3A_2488 : i32 to vector<16xi32>
      %mul3A_2490 = arith.muli %get3A_2487, %mul3A_2489 : vector<16xi32>
      %add3A_2491 = arith.addi %mul3A_2490, %get3A_2484 : vector<16xi32>
      %swap3A_2492 = arith.constant 1 : i32
      %swap3A_2493 = arith.index_cast %swap3A_2492 : i32 to index
      %swap3A_2494 = arith.constant 112 : index
      %swap3A_2495 = tpu.vector_load %arg7[%swap3A_2493, %swap3A_2494] {strides = array<i32>} : memref<3x128xi32, #tpu.memory_space<vmem>>, vector<1x16xi32>,
      %swap3A_2496 = vector.shape_cast %swap3A_2495 : vector<1x16xi32> to vector<16xi32>
      %swap3A_2497 = vector.shape_cast %add3A_2491 : vector<16xi32> to vector<1x16xi32>
      tpu.vector_store %arg7[%swap3A_2493, %swap3A_2494], %swap3A_2497 {strides = array<i32>} : memref<3x128xi32, #tpu.memory_space<vmem>>, vector<1x16xi32>,
    } else {
    }
    %barrier3A = arith.constant 0 : index
    tpu.barrier barrier_id(%barrier3A)
    %lt3A_2206 = arith.constant 15 : i32
    %lt3A_2207 = arith.cmpi slt, %arg1, %lt3A_2206 : i32
    %eq3A_2208 = arith.constant 0 : i32
    %eq3A_2209 = arith.cmpi eq, %arg0, %eq3A_2208 : i32
    %and3A_2210 = arith.andi %lt3A_2207, %eq3A_2209 : i1
    %convert_element_type3A_2211 = arith.extui %and3A_2210 : i1 to i32
    %cond3A_2212 = arith.constant 0 : i32
    %cond3A_2213 = arith.cmpi ne, %convert_element_type3A_2211, %cond3A_2212 : i32
    scf.if %cond3A_2213 {
      %run_scoped3A = arith.constant 0 : i32
      "tpu.region"() ({
        %run_scoped3A_2241 = tpu.sem_alloc : memref<!tpu.dma_semaphore, #tpu.memory_space<semaphore_mem>>
        %dma_start3A = arith.constant 0 : i32
        %dma_start3A_2242 = tpu.memref_slice %arg7[%run_scoped3A, %dma_start3A] : memref<3x128xi32, #tpu.memory_space<vmem>> -> memref<1x128xi32, #tpu.memory_space<vmem>>
        %dma_start3A_2243 = tpu.memref_squeeze %dma_start3A_2242 : memref<1x128xi32, #tpu.memory_space<vmem>> -> memref<128xi32, #tpu.memory_space<vmem>>
        %dma_start3A_2244 = arith.constant 0 : i32
        %dma_start3A_2245 = tpu.memref_slice %arg11[%dma_start3A_2244] : memref<91648xf32, #tpu.memory_space<vmem_shared>> -> memref<91648xf32, #tpu.memory_space<vmem_shared>>
        tpu.enqueue_indirect_dma source(%arg8 : memref<128xf32, #tpu.memory_space<vmem>>) target(%dma_start3A_2245 : memref<91648xf32, #tpu.memory_space<vmem_shared>>) offsets(%dma_start3A_2243 : memref<128xi32, #tpu.memory_space<vmem>>) semaphore(%run_scoped3A_2241 : memref<!tpu.dma_semaphore, #tpu.memory_space<semaphore_mem>>) {add = true}
        %dma_wait3A = arith.constant 0 : i32
        %dma_wait3A_2246 = tpu.memref_slice %arg7[%run_scoped3A, %dma_wait3A] : memref<3x128xi32, #tpu.memory_space<vmem>> -> memref<1x128xi32, #tpu.memory_space<vmem>>
        %dma_wait3A_2247 = tpu.memref_squeeze %dma_wait3A_2246 : memref<1x128xi32, #tpu.memory_space<vmem>> -> memref<128xi32, #tpu.memory_space<vmem>>
        %dma_wait3A_2248 = arith.constant 0 : i32
        %dma_wait3A_2249 = tpu.memref_slice %arg11[%dma_wait3A_2248] : memref<91648xf32, #tpu.memory_space<vmem_shared>> -> memref<91648xf32, #tpu.memory_space<vmem_shared>>
        tpu.wait_indirect_dma semaphore(%run_scoped3A_2241 : memref<!tpu.dma_semaphore, #tpu.memory_space<semaphore_mem>>) src(%arg8 : memref<128xf32, #tpu.memory_space<vmem>>) dst(%dma_wait3A_2249 : memref<91648xf32, #tpu.memory_space<vmem_shared>>)
        tpu.yield
      }) : () -> ()
      %run_scoped3A_2239 = arith.constant 1 : i32
      "tpu.region"() ({
        %run_scoped3A_2241 = tpu.sem_alloc : memref<!tpu.dma_semaphore, #tpu.memory_space<semaphore_mem>>
        %dma_start3A = arith.constant 0 : i32
        %dma_start3A_2242 = tpu.memref_slice %arg7[%run_scoped3A_2239, %dma_start3A] : memref<3x128xi32, #tpu.memory_space<vmem>> -> memref<1x128xi32, #tpu.memory_space<vmem>>
        %dma_start3A_2243 = tpu.memref_squeeze %dma_start3A_2242 : memref<1x128xi32, #tpu.memory_space<vmem>> -> memref<128xi32, #tpu.memory_space<vmem>>
        %dma_start3A_2244 = arith.constant 0 : i32
        %dma_start3A_2245 = tpu.memref_slice %arg11[%dma_start3A_2244] : memref<91648xf32, #tpu.memory_space<vmem_shared>> -> memref<91648xf32, #tpu.memory_space<vmem_shared>>
        tpu.enqueue_indirect_dma source(%arg8 : memref<128xf32, #tpu.memory_space<vmem>>) target(%dma_start3A_2245 : memref<91648xf32, #tpu.memory_space<vmem_shared>>) offsets(%dma_start3A_2243 : memref<128xi32, #tpu.memory_space<vmem>>) semaphore(%run_scoped3A_2241 : memref<!tpu.dma_semaphore, #tpu.memory_space<semaphore_mem>>) {add = true}
        %dma_wait3A = arith.constant 0 : i32
        %dma_wait3A_2246 = tpu.memref_slice %arg7[%run_scoped3A_2239, %dma_wait3A] : memref<3x128xi32, #tpu.memory_space<vmem>> -> memref<1x128xi32, #tpu.memory_space<vmem>>
        %dma_wait3A_2247 = tpu.memref_squeeze %dma_wait3A_2246 : memref<1x128xi32, #tpu.memory_space<vmem>> -> memref<128xi32, #tpu.memory_space<vmem>>
        %dma_wait3A_2248 = arith.constant 0 : i32
        %dma_wait3A_2249 = tpu.memref_slice %arg11[%dma_wait3A_2248] : memref<91648xf32, #tpu.memory_space<vmem_shared>> -> memref<91648xf32, #tpu.memory_space<vmem_shared>>
        tpu.wait_indirect_dma semaphore(%run_scoped3A_2241 : memref<!tpu.dma_semaphore, #tpu.memory_space<semaphore_mem>>) src(%arg8 : memref<128xf32, #tpu.memory_space<vmem>>) dst(%dma_wait3A_2249 : memref<91648xf32, #tpu.memory_space<vmem_shared>>)
        tpu.yield
      }) : () -> ()
      %run_scoped3A_2240 = arith.constant 2 : i32
      "tpu.region"() ({
        %run_scoped3A_2241 = tpu.sem_alloc : memref<!tpu.dma_semaphore, #tpu.memory_space<semaphore_mem>>
        %dma_start3A = arith.constant 0 : i32
        %dma_start3A_2242 = tpu.memref_slice %arg7[%run_scoped3A_2240, %dma_start3A] : memref<3x128xi32, #tpu.memory_space<vmem>> -> memref<1x128xi32, #tpu.memory_space<vmem>>
        %dma_start3A_2243 = tpu.memref_squeeze %dma_start3A_2242 : memref<1x128xi32, #tpu.memory_space<vmem>> -> memref<128xi32, #tpu.memory_space<vmem>>
        %dma_start3A_2244 = arith.constant 0 : i32
        %dma_start3A_2245 = tpu.memref_slice %arg11[%dma_start3A_2244] : memref<91648xf32, #tpu.memory_space<vmem_shared>> -> memref<91648xf32, #tpu.memory_space<vmem_shared>>
        tpu.enqueue_indirect_dma source(%arg8 : memref<128xf32, #tpu.memory_space<vmem>>) target(%dma_start3A_2245 : memref<91648xf32, #tpu.memory_space<vmem_shared>>) offsets(%dma_start3A_2243 : memref<128xi32, #tpu.memory_space<vmem>>) semaphore(%run_scoped3A_2241 : memref<!tpu.dma_semaphore, #tpu.memory_space<semaphore_mem>>) {add = true}
        %dma_wait3A = arith.constant 0 : i32
        %dma_wait3A_2246 = tpu.memref_slice %arg7[%run_scoped3A_2240, %dma_wait3A] : memref<3x128xi32, #tpu.memory_space<vmem>> -> memref<1x128xi32, #tpu.memory_space<vmem>>
        %dma_wait3A_2247 = tpu.memref_squeeze %dma_wait3A_2246 : memref<1x128xi32, #tpu.memory_space<vmem>> -> memref<128xi32, #tpu.memory_space<vmem>>
        %dma_wait3A_2248 = arith.constant 0 : i32
        %dma_wait3A_2249 = tpu.memref_slice %arg11[%dma_wait3A_2248] : memref<91648xf32, #tpu.memory_space<vmem_shared>> -> memref<91648xf32, #tpu.memory_space<vmem_shared>>
        tpu.wait_indirect_dma semaphore(%run_scoped3A_2241 : memref<!tpu.dma_semaphore, #tpu.memory_space<semaphore_mem>>) src(%arg8 : memref<128xf32, #tpu.memory_space<vmem>>) dst(%dma_wait3A_2249 : memref<91648xf32, #tpu.memory_space<vmem_shared>>)
        tpu.yield
      }) : () -> ()
    } else {
    }
    %lt3A_2214 = arith.constant 15 : i32
    %lt3A_2215 = arith.cmpi slt, %arg1, %lt3A_2214 : i32
    %eq3A_2216 = arith.constant 1 : i32
    %eq3A_2217 = arith.cmpi eq, %arg0, %eq3A_2216 : i32
    %and3A_2218 = arith.andi %lt3A_2215, %eq3A_2217 : i1
    %convert_element_type3A_2219 = arith.extui %and3A_2218 : i1 to i32
    %cond3A_2220 = arith.constant 0 : i32
    %cond3A_2221 = arith.cmpi ne, %convert_element_type3A_2219, %cond3A_2220 : i32
    scf.if %cond3A_2221 {
      %run_scoped3A = arith.constant 0 : i32
      "tpu.region"() ({
        %run_scoped3A_2240 = tpu.sem_alloc : memref<!tpu.dma_semaphore, #tpu.memory_space<semaphore_mem>>
        %dma_start3A = arith.constant 0 : i32
        %dma_start3A_2241 = tpu.memref_slice %arg7[%run_scoped3A, %dma_start3A] : memref<3x128xi32, #tpu.memory_space<vmem>> -> memref<1x128xi32, #tpu.memory_space<vmem>>
        %dma_start3A_2242 = tpu.memref_squeeze %dma_start3A_2241 : memref<1x128xi32, #tpu.memory_space<vmem>> -> memref<128xi32, #tpu.memory_space<vmem>>
        %dma_start3A_2243 = arith.constant 0 : i32
        %dma_start3A_2244 = tpu.memref_slice %arg11[%dma_start3A_2243] : memref<91648xf32, #tpu.memory_space<vmem_shared>> -> memref<91648xf32, #tpu.memory_space<vmem_shared>>
        tpu.enqueue_indirect_dma source(%arg8 : memref<128xf32, #tpu.memory_space<vmem>>) target(%dma_start3A_2244 : memref<91648xf32, #tpu.memory_space<vmem_shared>>) offsets(%dma_start3A_2242 : memref<128xi32, #tpu.memory_space<vmem>>) semaphore(%run_scoped3A_2240 : memref<!tpu.dma_semaphore, #tpu.memory_space<semaphore_mem>>) {add = true}
        %dma_wait3A = arith.constant 0 : i32
        %dma_wait3A_2245 = tpu.memref_slice %arg7[%run_scoped3A, %dma_wait3A] : memref<3x128xi32, #tpu.memory_space<vmem>> -> memref<1x128xi32, #tpu.memory_space<vmem>>
        %dma_wait3A_2246 = tpu.memref_squeeze %dma_wait3A_2245 : memref<1x128xi32, #tpu.memory_space<vmem>> -> memref<128xi32, #tpu.memory_space<vmem>>
        %dma_wait3A_2247 = arith.constant 0 : i32
        %dma_wait3A_2248 = tpu.memref_slice %arg11[%dma_wait3A_2247] : memref<91648xf32, #tpu.memory_space<vmem_shared>> -> memref<91648xf32, #tpu.memory_space<vmem_shared>>
        tpu.wait_indirect_dma semaphore(%run_scoped3A_2240 : memref<!tpu.dma_semaphore, #tpu.memory_space<semaphore_mem>>) src(%arg8 : memref<128xf32, #tpu.memory_space<vmem>>) dst(%dma_wait3A_2248 : memref<91648xf32, #tpu.memory_space<vmem_shared>>)
        tpu.yield
      }) : () -> ()
      %run_scoped3A_2239 = arith.constant 1 : i32
      "tpu.region"() ({
        %run_scoped3A_2240 = tpu.sem_alloc : memref<!tpu.dma_semaphore, #tpu.memory_space<semaphore_mem>>
        %dma_start3A = arith.constant 0 : i32
        %dma_start3A_2241 = tpu.memref_slice %arg7[%run_scoped3A_2239, %dma_start3A] : memref<3x128xi32, #tpu.memory_space<vmem>> -> memref<1x128xi32, #tpu.memory_space<vmem>>
        %dma_start3A_2242 = tpu.memref_squeeze %dma_start3A_2241 : memref<1x128xi32, #tpu.memory_space<vmem>> -> memref<128xi32, #tpu.memory_space<vmem>>
        %dma_start3A_2243 = arith.constant 0 : i32
        %dma_start3A_2244 = tpu.memref_slice %arg11[%dma_start3A_2243] : memref<91648xf32, #tpu.memory_space<vmem_shared>> -> memref<91648xf32, #tpu.memory_space<vmem_shared>>
        tpu.enqueue_indirect_dma source(%arg8 : memref<128xf32, #tpu.memory_space<vmem>>) target(%dma_start3A_2244 : memref<91648xf32, #tpu.memory_space<vmem_shared>>) offsets(%dma_start3A_2242 : memref<128xi32, #tpu.memory_space<vmem>>) semaphore(%run_scoped3A_2240 : memref<!tpu.dma_semaphore, #tpu.memory_space<semaphore_mem>>) {add = true}
        %dma_wait3A = arith.constant 0 : i32
        %dma_wait3A_2245 = tpu.memref_slice %arg7[%run_scoped3A_2239, %dma_wait3A] : memref<3x128xi32, #tpu.memory_space<vmem>> -> memref<1x128xi32, #tpu.memory_space<vmem>>
        %dma_wait3A_2246 = tpu.memref_squeeze %dma_wait3A_2245 : memref<1x128xi32, #tpu.memory_space<vmem>> -> memref<128xi32, #tpu.memory_space<vmem>>
        %dma_wait3A_2247 = arith.constant 0 : i32
        %dma_wait3A_2248 = tpu.memref_slice %arg11[%dma_wait3A_2247] : memref<91648xf32, #tpu.memory_space<vmem_shared>> -> memref<91648xf32, #tpu.memory_space<vmem_shared>>
        tpu.wait_indirect_dma semaphore(%run_scoped3A_2240 : memref<!tpu.dma_semaphore, #tpu.memory_space<semaphore_mem>>) src(%arg8 : memref<128xf32, #tpu.memory_space<vmem>>) dst(%dma_wait3A_2248 : memref<91648xf32, #tpu.memory_space<vmem_shared>>)
        tpu.yield
      }) : () -> ()
    } else {
    }
    %barrier3A_2222 = arith.constant 0 : index
    tpu.barrier barrier_id(%barrier3A_2222)
    %lt3A_2223 = arith.constant 15 : i32
    %lt3A_2224 = arith.cmpi slt, %arg1, %lt3A_2223 : i32
    %eq3A_2225 = arith.constant 0 : i32
    %eq3A_2226 = arith.cmpi eq, %arg0, %eq3A_2225 : i32
    %and3A_2227 = arith.andi %lt3A_2224, %eq3A_2226 : i1
    %convert_element_type3A_2228 = arith.extui %and3A_2227 : i1 to i32
    %cond3A_2229 = arith.constant 0 : i32
    %cond3A_2230 = arith.cmpi ne, %convert_element_type3A_2228, %cond3A_2229 : i32
    scf.if %cond3A_2230 {
      %mul3A_2239 = arith.constant 20 : i32
      %mul3A_2240 = arith.muli %arg1, %mul3A_2239 : i32
      %mul3A_2241 = arith.constant 304 : i32
      %mul3A_2242 = arith.muli %mul3A_2240, %mul3A_2241 : i32
      "tpu.region"() ({
        %run_scoped3A = tpu.sem_alloc : memref<!tpu.dma_semaphore, #tpu.memory_space<semaphore_mem>>
        %dma_start3A = tpu.memref_slice %arg11[%mul3A_2242] : memref<91648xf32, #tpu.memory_space<vmem_shared>> -> memref<6080xf32, #tpu.memory_space<vmem_shared>>
        %dma_start3A_2245 = tpu.memref_slice %arg11[%mul3A_2242] : memref<91648xf32, #tpu.memory_space<vmem_shared>> -> memref<6080xf32, #tpu.memory_space<vmem_shared>>
        tpu.enqueue_dma source(%dma_start3A_2245 : memref<6080xf32, #tpu.memory_space<vmem_shared>>) target(%arg10 : memref<6080xf32, #tpu.memory_space<vmem>>) target_semaphore(%run_scoped3A : memref<!tpu.dma_semaphore, #tpu.memory_space<semaphore_mem>>)
        %dma_wait3A = tpu.memref_slice %arg11[%mul3A_2242] : memref<91648xf32, #tpu.memory_space<vmem_shared>> -> memref<6080xf32, #tpu.memory_space<vmem_shared>>
        %dma_wait3A_2246 = tpu.memref_slice %arg11[%mul3A_2242] : memref<91648xf32, #tpu.memory_space<vmem_shared>> -> memref<6080xf32, #tpu.memory_space<vmem_shared>>
        tpu.wait_dma2 semaphore(%run_scoped3A : memref<!tpu.dma_semaphore, #tpu.memory_space<semaphore_mem>>) src(%dma_wait3A_2246 : memref<6080xf32, #tpu.memory_space<vmem_shared>>) dst(%arg10 : memref<6080xf32, #tpu.memory_space<vmem>>)
        tpu.yield
      }) : () -> ()
      %mul3A_2243 = arith.constant 304 : i32
      %mul3A_2244 = arith.muli %mul3A_2240, %mul3A_2243 : i32
      "tpu.region"() ({
        %run_scoped3A = tpu.sem_alloc : memref<!tpu.dma_semaphore, #tpu.memory_space<semaphore_mem>>
        %dma_start3A = tpu.memref_slice %arg3[%mul3A_2244] : memref<91200xf32, #tpu.memory_space<hbm>> -> memref<6080xf32, #tpu.memory_space<hbm>>
        %dma_start3A_2245 = tpu.memref_slice %arg3[%mul3A_2244] : memref<91200xf32, #tpu.memory_space<hbm>> -> memref<6080xf32, #tpu.memory_space<hbm>>
        tpu.enqueue_dma source(%arg10 : memref<6080xf32, #tpu.memory_space<vmem>>) target(%dma_start3A_2245 : memref<6080xf32, #tpu.memory_space<hbm>>) target_semaphore(%run_scoped3A : memref<!tpu.dma_semaphore, #tpu.memory_space<semaphore_mem>>)
        %dma_wait3A = tpu.memref_slice %arg3[%mul3A_2244] : memref<91200xf32, #tpu.memory_space<hbm>> -> memref<6080xf32, #tpu.memory_space<hbm>>
        %dma_wait3A_2246 = tpu.memref_slice %arg3[%mul3A_2244] : memref<91200xf32, #tpu.memory_space<hbm>> -> memref<6080xf32, #tpu.memory_space<hbm>>
        tpu.wait_dma2 semaphore(%run_scoped3A : memref<!tpu.dma_semaphore, #tpu.memory_space<semaphore_mem>>) src(%arg10 : memref<6080xf32, #tpu.memory_space<vmem>>) dst(%dma_wait3A_2246 : memref<6080xf32, #tpu.memory_space<hbm>>)
        tpu.yield
      }) : () -> ()
    } else {
    }
    %lt3A_2231 = arith.constant 15 : i32
    %lt3A_2232 = arith.cmpi slt, %arg1, %lt3A_2231 : i32
    %eq3A_2233 = arith.constant 1 : i32
    %eq3A_2234 = arith.cmpi eq, %arg0, %eq3A_2233 : i32
    %and3A_2235 = arith.andi %lt3A_2232, %eq3A_2234 : i1
    %convert_element_type3A_2236 = arith.extui %and3A_2235 : i1 to i32
    %cond3A_2237 = arith.constant 0 : i32
    %cond3A_2238 = arith.cmpi ne, %convert_element_type3A_2236, %cond3A_2237 : i32
    scf.if %cond3A_2238 {
      %mul3A_2239 = arith.constant 20 : i32
      %mul3A_2240 = arith.muli %arg1, %mul3A_2239 : i32
      %mul3A_2241 = arith.constant 304 : i32
      %mul3A_2242 = arith.muli %mul3A_2240, %mul3A_2241 : i32
      "tpu.region"() ({
        %run_scoped3A = tpu.sem_alloc : memref<!tpu.dma_semaphore, #tpu.memory_space<semaphore_mem>>
        %dma_start3A = tpu.memref_slice %arg11[%mul3A_2242] : memref<91648xf32, #tpu.memory_space<vmem_shared>> -> memref<6080xf32, #tpu.memory_space<vmem_shared>>
        %dma_start3A_2245 = tpu.memref_slice %arg11[%mul3A_2242] : memref<91648xf32, #tpu.memory_space<vmem_shared>> -> memref<6080xf32, #tpu.memory_space<vmem_shared>>
        tpu.enqueue_dma source(%dma_start3A_2245 : memref<6080xf32, #tpu.memory_space<vmem_shared>>) target(%arg10 : memref<6080xf32, #tpu.memory_space<vmem>>) target_semaphore(%run_scoped3A : memref<!tpu.dma_semaphore, #tpu.memory_space<semaphore_mem>>)
        %dma_wait3A = tpu.memref_slice %arg11[%mul3A_2242] : memref<91648xf32, #tpu.memory_space<vmem_shared>> -> memref<6080xf32, #tpu.memory_space<vmem_shared>>
        %dma_wait3A_2246 = tpu.memref_slice %arg11[%mul3A_2242] : memref<91648xf32, #tpu.memory_space<vmem_shared>> -> memref<6080xf32, #tpu.memory_space<vmem_shared>>
        tpu.wait_dma2 semaphore(%run_scoped3A : memref<!tpu.dma_semaphore, #tpu.memory_space<semaphore_mem>>) src(%dma_wait3A_2246 : memref<6080xf32, #tpu.memory_space<vmem_shared>>) dst(%arg10 : memref<6080xf32, #tpu.memory_space<vmem>>)
        tpu.yield
      }) : () -> ()
      %mul3A_2243 = arith.constant 304 : i32
      %mul3A_2244 = arith.muli %mul3A_2240, %mul3A_2243 : i32
      "tpu.region"() ({
        %run_scoped3A = tpu.sem_alloc : memref<!tpu.dma_semaphore, #tpu.memory_space<semaphore_mem>>
        %dma_start3A = tpu.memref_slice %arg4[%mul3A_2244] : memref<91200xf32, #tpu.memory_space<hbm>> -> memref<6080xf32, #tpu.memory_space<hbm>>
        %dma_start3A_2245 = tpu.memref_slice %arg4[%mul3A_2244] : memref<91200xf32, #tpu.memory_space<hbm>> -> memref<6080xf32, #tpu.memory_space<hbm>>
        tpu.enqueue_dma source(%arg10 : memref<6080xf32, #tpu.memory_space<vmem>>) target(%dma_start3A_2245 : memref<6080xf32, #tpu.memory_space<hbm>>) target_semaphore(%run_scoped3A : memref<!tpu.dma_semaphore, #tpu.memory_space<semaphore_mem>>)
        %dma_wait3A = tpu.memref_slice %arg4[%mul3A_2244] : memref<91200xf32, #tpu.memory_space<hbm>> -> memref<6080xf32, #tpu.memory_space<hbm>>
        %dma_wait3A_2246 = tpu.memref_slice %arg4[%mul3A_2244] : memref<91200xf32, #tpu.memory_space<hbm>> -> memref<6080xf32, #tpu.memory_space<hbm>>
        tpu.wait_dma2 semaphore(%run_scoped3A : memref<!tpu.dma_semaphore, #tpu.memory_space<semaphore_mem>>) src(%arg10 : memref<6080xf32, #tpu.memory_space<vmem>>) dst(%dma_wait3A_2246 : memref<6080xf32, #tpu.memory_space<hbm>>)
        tpu.yield
      }) : () -> ()
    } else {
    }
    return
  }
}

module attributes {stable_mosaic.version = 14 : i64} {
  func.func @_fwd_body(%arg0: memref<300x304xf32, #tpu.memory_space<vmem>>, %arg1: memref<300x2xf32, #tpu.memory_space<vmem>>, %arg2: memref<2x64xf32, #tpu.memory_space<vmem>>, %arg3: memref<64xf32, #tpu.memory_space<vmem>>, %arg4: memref<64xf32, #tpu.memory_space<vmem>>, %arg5: memref<64xf32, #tpu.memory_space<vmem>>, %arg6: memref<64x64xf32, #tpu.memory_space<vmem>>, %arg7: memref<64xf32, #tpu.memory_space<vmem>>, %arg8: memref<64x64xf32, #tpu.memory_space<vmem>>, %arg9: memref<64xf32, #tpu.memory_space<vmem>>, %arg10: memref<64xf32, #tpu.memory_space<vmem>>, %arg11: memref<64xf32, #tpu.memory_space<vmem>>, %arg12: memref<64x64xf32, #tpu.memory_space<vmem>>, %arg13: memref<64xf32, #tpu.memory_space<vmem>>, %arg14: memref<192x32xf32, #tpu.memory_space<vmem>>, %arg15: memref<32xf32, #tpu.memory_space<vmem>>, %arg16: memref<32x1xf32, #tpu.memory_space<vmem>>, %arg17: memref<64x32xf32, #tpu.memory_space<vmem>>, %arg18: memref<32xf32, #tpu.memory_space<vmem>>, %arg19: memref<32x1xf32, #tpu.memory_space<vmem>>, %arg20: memref<1x1xf32, #tpu.memory_space<vmem>>, %arg21: memref<300x300xf32, #tpu.memory_space<vmem>>, %arg22: memref<1x1xf32, #tpu.memory_space<vmem>>) attributes {dimension_semantics = [], scalar_prefetch = 0 : i64, scratch_operands = 0 : i64, tpu.core_type = #tpu.core_type<tc>} {
    %get3A = arith.constant 0 : index
    %get3A_0 = arith.constant 0 : index
    %get3A_1 = vector.load %arg0[%get3A, %get3A_0] : memref<300x304xf32, #tpu.memory_space<vmem>>, vector<300x304xf32>
    %get3A_2 = arith.constant 0 : index
    %get3A_3 = arith.constant 0 : index
    %get3A_4 = vector.load %arg1[%get3A_2, %get3A_3] : memref<300x2xf32, #tpu.memory_space<vmem>>, vector<300x2xf32>
    %broadcast_in_dim3A = arith.constant 0.000000e+00 : f32
    %broadcast_in_dim3A_5 = vector.broadcast %broadcast_in_dim3A : f32 to vector<4x2xf32>
    %concatenate3A = tpu.concatenate %get3A_4, %broadcast_in_dim3A_5 in 0 : vector<300x2xf32>, vector<4x2xf32> -> vector<304x2xf32>
    %dot_general3A = arith.constant dense<0.000000e+00> : vector<300x2xf32>
    %dot_general3A_6 = tpu.matmul %get3A_1, %concatenate3A, %dot_general3A {dimension_numbers = #tpu.dot_dimension_numbers<[1], [0], [0], [1], [0, 0, 1, 1], [], []>, transpose_lhs_hint = false} : vector<300x304xf32>, vector<304x2xf32>, vector<300x2xf32> -> vector<300x2xf32>
    %add3A = arith.addf %get3A_4, %dot_general3A_6 : vector<300x2xf32>
    %get3A_7 = arith.constant 0 : index
    %get3A_8 = arith.constant 0 : index
    %get3A_9 = vector.load %arg2[%get3A_7, %get3A_8] : memref<2x64xf32, #tpu.memory_space<vmem>>, vector<2x64xf32>
    %dot_general3A_10 = arith.constant dense<0.000000e+00> : vector<300x64xf32>
    %dot_general3A_11 = tpu.matmul %add3A, %get3A_9, %dot_general3A_10 {dimension_numbers = #tpu.dot_dimension_numbers<[1], [0], [0], [1], [0, 0, 1, 1], [], []>, transpose_lhs_hint = false} : vector<300x2xf32>, vector<2x64xf32>, vector<300x64xf32> -> vector<300x64xf32>
    %get3A_12 = arith.constant 0 : index
    %get3A_13 = vector.load %arg3[%get3A_12] : memref<64xf32, #tpu.memory_space<vmem>>, vector<64xf32>
    %broadcast_in_dim3A_14 = vector.shape_cast %get3A_13 : vector<64xf32> to vector<1x64xf32>
    %add3A_15 = vector.broadcast %broadcast_in_dim3A_14 : vector<1x64xf32> to vector<300x64xf32>
    %add3A_16 = arith.addf %dot_general3A_11, %add3A_15 : vector<300x64xf32>
    %reduce_sum3A = arith.constant dense<0.000000e+00> : vector<64xf32>
    %reduce_sum3A_17 = vector.multi_reduction <add>, %add3A_16, %reduce_sum3A [0] : vector<300x64xf32> to vector<64xf32>
    %broadcast_in_dim3A_18 = vector.shape_cast %reduce_sum3A_17 : vector<64xf32> to vector<1x64xf32>
    %div3A = arith.constant 3.000000e+02 : f32
    %div3A_19 = vector.broadcast %div3A : f32 to vector<1x64xf32>
    %div3A_20 = arith.divf %broadcast_in_dim3A_18, %div3A_19 : vector<1x64xf32>
    %sub3A = vector.broadcast %div3A_20 : vector<1x64xf32> to vector<300x64xf32>
    %sub3A_21 = arith.subf %add3A_16, %sub3A : vector<300x64xf32>
    %integer_pow3A = arith.mulf %sub3A_21, %sub3A_21 : vector<300x64xf32>
    %reduce_sum3A_22 = arith.constant dense<0.000000e+00> : vector<64xf32>
    %reduce_sum3A_23 = vector.multi_reduction <add>, %integer_pow3A, %reduce_sum3A_22 [0] : vector<300x64xf32> to vector<64xf32>
    %broadcast_in_dim3A_24 = vector.shape_cast %reduce_sum3A_23 : vector<64xf32> to vector<1x64xf32>
    %div3A_25 = arith.constant 3.000000e+02 : f32
    %div3A_26 = vector.broadcast %div3A_25 : f32 to vector<1x64xf32>
    %div3A_27 = arith.divf %broadcast_in_dim3A_24, %div3A_26 : vector<1x64xf32>
    %get3A_28 = arith.constant 0 : index
    %get3A_29 = vector.load %arg4[%get3A_28] : memref<64xf32, #tpu.memory_space<vmem>>, vector<64xf32>
    %sub3A_30 = vector.broadcast %div3A_20 : vector<1x64xf32> to vector<300x64xf32>
    %sub3A_31 = arith.subf %add3A_16, %sub3A_30 : vector<300x64xf32>
    %broadcast_in_dim3A_32 = vector.shape_cast %get3A_29 : vector<64xf32> to vector<1x64xf32>
    %mul3A = vector.broadcast %broadcast_in_dim3A_32 : vector<1x64xf32> to vector<300x64xf32>
    %mul3A_33 = arith.mulf %mul3A, %sub3A_31 : vector<300x64xf32>
    %add3A_34 = arith.constant 9.99999974E-6 : f32
    %add3A_35 = vector.broadcast %add3A_34 : f32 to vector<1x64xf32>
    %add3A_36 = arith.addf %div3A_27, %add3A_35 : vector<1x64xf32>
    %sqrt3A = math.sqrt %add3A_36 : vector<1x64xf32>
    %div3A_37 = vector.broadcast %sqrt3A : vector<1x64xf32> to vector<300x64xf32>
    %div3A_38 = arith.divf %mul3A_33, %div3A_37 : vector<300x64xf32>
    %get3A_39 = arith.constant 0 : index
    %get3A_40 = vector.load %arg5[%get3A_39] : memref<64xf32, #tpu.memory_space<vmem>>, vector<64xf32>
    %broadcast_in_dim3A_41 = vector.shape_cast %get3A_40 : vector<64xf32> to vector<1x64xf32>
    %add3A_42 = vector.broadcast %broadcast_in_dim3A_41 : vector<1x64xf32> to vector<300x64xf32>
    %add3A_43 = arith.addf %div3A_38, %add3A_42 : vector<300x64xf32>
    %max3A = arith.constant 0.000000e+00 : f32
    %max3A_44 = vector.broadcast %max3A : f32 to vector<300x64xf32>
    %max3A_45 = arith.maximumf %add3A_43, %max3A_44 : vector<300x64xf32>
    %get3A_46 = arith.constant 0 : index
    %get3A_47 = arith.constant 0 : index
    %get3A_48 = vector.load %arg6[%get3A_46, %get3A_47] : memref<64x64xf32, #tpu.memory_space<vmem>>, vector<64x64xf32>
    %dot_general3A_49 = arith.constant dense<0.000000e+00> : vector<300x64xf32>
    %dot_general3A_50 = tpu.matmul %max3A_45, %get3A_48, %dot_general3A_49 {dimension_numbers = #tpu.dot_dimension_numbers<[1], [0], [0], [1], [0, 0, 1, 1], [], []>, transpose_lhs_hint = false} : vector<300x64xf32>, vector<64x64xf32>, vector<300x64xf32> -> vector<300x64xf32>
    %get3A_51 = arith.constant 0 : index
    %get3A_52 = vector.load %arg7[%get3A_51] : memref<64xf32, #tpu.memory_space<vmem>>, vector<64xf32>
    %broadcast_in_dim3A_53 = vector.shape_cast %get3A_52 : vector<64xf32> to vector<1x64xf32>
    %add3A_54 = vector.broadcast %broadcast_in_dim3A_53 : vector<1x64xf32> to vector<300x64xf32>
    %add3A_55 = arith.addf %dot_general3A_50, %add3A_54 : vector<300x64xf32>
    %broadcast_in_dim3A_56 = arith.constant 0.000000e+00 : f32
    %broadcast_in_dim3A_57 = vector.broadcast %broadcast_in_dim3A_56 : f32 to vector<4x64xf32>
    %concatenate3A_58 = tpu.concatenate %add3A_55, %broadcast_in_dim3A_57 in 0 : vector<300x64xf32>, vector<4x64xf32> -> vector<304x64xf32>
    %dot_general3A_59 = arith.constant dense<0.000000e+00> : vector<300x64xf32>
    %dot_general3A_60 = tpu.matmul %get3A_1, %concatenate3A_58, %dot_general3A_59 {dimension_numbers = #tpu.dot_dimension_numbers<[1], [0], [0], [1], [0, 0, 1, 1], [], []>, transpose_lhs_hint = false} : vector<300x304xf32>, vector<304x64xf32>, vector<300x64xf32> -> vector<300x64xf32>
    %add3A_61 = arith.addf %add3A_55, %dot_general3A_60 : vector<300x64xf32>
    %get3A_62 = arith.constant 0 : index
    %get3A_63 = arith.constant 0 : index
    %get3A_64 = vector.load %arg8[%get3A_62, %get3A_63] : memref<64x64xf32, #tpu.memory_space<vmem>>, vector<64x64xf32>
    %dot_general3A_65 = arith.constant dense<0.000000e+00> : vector<300x64xf32>
    %dot_general3A_66 = tpu.matmul %add3A_61, %get3A_64, %dot_general3A_65 {dimension_numbers = #tpu.dot_dimension_numbers<[1], [0], [0], [1], [0, 0, 1, 1], [], []>, transpose_lhs_hint = false} : vector<300x64xf32>, vector<64x64xf32>, vector<300x64xf32> -> vector<300x64xf32>
    %get3A_67 = arith.constant 0 : index
    %get3A_68 = vector.load %arg9[%get3A_67] : memref<64xf32, #tpu.memory_space<vmem>>, vector<64xf32>
    %broadcast_in_dim3A_69 = vector.shape_cast %get3A_68 : vector<64xf32> to vector<1x64xf32>
    %add3A_70 = vector.broadcast %broadcast_in_dim3A_69 : vector<1x64xf32> to vector<300x64xf32>
    %add3A_71 = arith.addf %dot_general3A_66, %add3A_70 : vector<300x64xf32>
    %reduce_sum3A_72 = arith.constant dense<0.000000e+00> : vector<64xf32>
    %reduce_sum3A_73 = vector.multi_reduction <add>, %add3A_71, %reduce_sum3A_72 [0] : vector<300x64xf32> to vector<64xf32>
    %broadcast_in_dim3A_74 = vector.shape_cast %reduce_sum3A_73 : vector<64xf32> to vector<1x64xf32>
    %div3A_75 = arith.constant 3.000000e+02 : f32
    %div3A_76 = vector.broadcast %div3A_75 : f32 to vector<1x64xf32>
    %div3A_77 = arith.divf %broadcast_in_dim3A_74, %div3A_76 : vector<1x64xf32>
    %sub3A_78 = vector.broadcast %div3A_77 : vector<1x64xf32> to vector<300x64xf32>
    %sub3A_79 = arith.subf %add3A_71, %sub3A_78 : vector<300x64xf32>
    %integer_pow3A_80 = arith.mulf %sub3A_79, %sub3A_79 : vector<300x64xf32>
    %reduce_sum3A_81 = arith.constant dense<0.000000e+00> : vector<64xf32>
    %reduce_sum3A_82 = vector.multi_reduction <add>, %integer_pow3A_80, %reduce_sum3A_81 [0] : vector<300x64xf32> to vector<64xf32>
    %broadcast_in_dim3A_83 = vector.shape_cast %reduce_sum3A_82 : vector<64xf32> to vector<1x64xf32>
    %div3A_84 = arith.constant 3.000000e+02 : f32
    %div3A_85 = vector.broadcast %div3A_84 : f32 to vector<1x64xf32>
    %div3A_86 = arith.divf %broadcast_in_dim3A_83, %div3A_85 : vector<1x64xf32>
    %get3A_87 = arith.constant 0 : index
    %get3A_88 = vector.load %arg10[%get3A_87] : memref<64xf32, #tpu.memory_space<vmem>>, vector<64xf32>
    %sub3A_89 = vector.broadcast %div3A_77 : vector<1x64xf32> to vector<300x64xf32>
    %sub3A_90 = arith.subf %add3A_71, %sub3A_89 : vector<300x64xf32>
    %broadcast_in_dim3A_91 = vector.shape_cast %get3A_88 : vector<64xf32> to vector<1x64xf32>
    %mul3A_92 = vector.broadcast %broadcast_in_dim3A_91 : vector<1x64xf32> to vector<300x64xf32>
    %mul3A_93 = arith.mulf %mul3A_92, %sub3A_90 : vector<300x64xf32>
    %add3A_94 = arith.constant 9.99999974E-6 : f32
    %add3A_95 = vector.broadcast %add3A_94 : f32 to vector<1x64xf32>
    %add3A_96 = arith.addf %div3A_86, %add3A_95 : vector<1x64xf32>
    %sqrt3A_97 = math.sqrt %add3A_96 : vector<1x64xf32>
    %div3A_98 = vector.broadcast %sqrt3A_97 : vector<1x64xf32> to vector<300x64xf32>
    %div3A_99 = arith.divf %mul3A_93, %div3A_98 : vector<300x64xf32>
    %get3A_100 = arith.constant 0 : index
    %get3A_101 = vector.load %arg11[%get3A_100] : memref<64xf32, #tpu.memory_space<vmem>>, vector<64xf32>
    %broadcast_in_dim3A_102 = vector.shape_cast %get3A_101 : vector<64xf32> to vector<1x64xf32>
    %add3A_103 = vector.broadcast %broadcast_in_dim3A_102 : vector<1x64xf32> to vector<300x64xf32>
    %add3A_104 = arith.addf %div3A_99, %add3A_103 : vector<300x64xf32>
    %max3A_105 = arith.constant 0.000000e+00 : f32
    %max3A_106 = vector.broadcast %max3A_105 : f32 to vector<300x64xf32>
    %max3A_107 = arith.maximumf %add3A_104, %max3A_106 : vector<300x64xf32>
    %get3A_108 = arith.constant 0 : index
    %get3A_109 = arith.constant 0 : index
    %get3A_110 = vector.load %arg12[%get3A_108, %get3A_109] : memref<64x64xf32, #tpu.memory_space<vmem>>, vector<64x64xf32>
    %dot_general3A_111 = arith.constant dense<0.000000e+00> : vector<300x64xf32>
    %dot_general3A_112 = tpu.matmul %max3A_107, %get3A_110, %dot_general3A_111 {dimension_numbers = #tpu.dot_dimension_numbers<[1], [0], [0], [1], [0, 0, 1, 1], [], []>, transpose_lhs_hint = false} : vector<300x64xf32>, vector<64x64xf32>, vector<300x64xf32> -> vector<300x64xf32>
    %get3A_113 = arith.constant 0 : index
    %get3A_114 = vector.load %arg13[%get3A_113] : memref<64xf32, #tpu.memory_space<vmem>>, vector<64xf32>
    %broadcast_in_dim3A_115 = vector.shape_cast %get3A_114 : vector<64xf32> to vector<1x64xf32>
    %add3A_116 = vector.broadcast %broadcast_in_dim3A_115 : vector<1x64xf32> to vector<300x64xf32>
    %add3A_117 = arith.addf %dot_general3A_112, %add3A_116 : vector<300x64xf32>
    %reduce_sum3A_118 = arith.constant dense<0.000000e+00> : vector<64xf32>
    %reduce_sum3A_119 = vector.multi_reduction <add>, %add3A_117, %reduce_sum3A_118 [0] : vector<300x64xf32> to vector<64xf32>
    %broadcast_in_dim3A_120 = vector.shape_cast %reduce_sum3A_119 : vector<64xf32> to vector<1x64xf32>
    %div3A_121 = arith.constant 3.000000e+02 : f32
    %div3A_122 = vector.broadcast %div3A_121 : f32 to vector<1x64xf32>
    %div3A_123 = arith.divf %broadcast_in_dim3A_120, %div3A_122 : vector<1x64xf32>
    %get3A_124 = arith.constant 0 : index
    %get3A_125 = arith.constant 0 : index
    %get3A_126 = vector.load %arg17[%get3A_124, %get3A_125] : memref<64x32xf32, #tpu.memory_space<vmem>>, vector<64x32xf32>
    %dot_general3A_127 = arith.constant dense<0.000000e+00> : vector<1x32xf32>
    %dot_general3A_128 = tpu.matmul %div3A_123, %get3A_126, %dot_general3A_127 {dimension_numbers = #tpu.dot_dimension_numbers<[1], [0], [0], [1], [0, 0, 1, 1], [], []>, transpose_lhs_hint = false} : vector<1x64xf32>, vector<64x32xf32>, vector<1x32xf32> -> vector<1x32xf32>
    %get3A_129 = arith.constant 0 : index
    %get3A_130 = vector.load %arg18[%get3A_129] : memref<32xf32, #tpu.memory_space<vmem>>, vector<32xf32>
    %broadcast_in_dim3A_131 = vector.shape_cast %get3A_130 : vector<32xf32> to vector<1x32xf32>
    %add3A_132 = arith.addf %dot_general3A_128, %broadcast_in_dim3A_131 : vector<1x32xf32>
    %max3A_133 = arith.constant 0.000000e+00 : f32
    %max3A_134 = vector.broadcast %max3A_133 : f32 to vector<1x32xf32>
    %max3A_135 = arith.maximumf %add3A_132, %max3A_134 : vector<1x32xf32>
    %get3A_136 = arith.constant 0 : index
    %get3A_137 = arith.constant 0 : index
    %get3A_138 = vector.load %arg19[%get3A_136, %get3A_137] : memref<32x1xf32, #tpu.memory_space<vmem>>, vector<32x1xf32>
    %dot_general3A_139 = arith.constant dense<0.000000e+00> : vector<1x1xf32>
    %dot_general3A_140 = tpu.matmul %max3A_135, %get3A_138, %dot_general3A_139 {dimension_numbers = #tpu.dot_dimension_numbers<[1], [0], [0], [1], [0, 0, 1, 1], [], []>, transpose_lhs_hint = false} : vector<1x32xf32>, vector<32x1xf32>, vector<1x1xf32> -> vector<1x1xf32>
    %get3A_141 = arith.constant 0 : index
    %get3A_142 = arith.constant 0 : index
    %get3A_143 = vector.load %arg20[%get3A_141, %get3A_142] : memref<1x1xf32, #tpu.memory_space<vmem>>, vector<1x1xf32>
    %add3A_144 = arith.addf %dot_general3A_140, %get3A_143 : vector<1x1xf32>
    %swap3A = arith.constant 0 : index
    %swap3A_145 = arith.constant 0 : index
    %swap3A_146 = vector.load %arg22[%swap3A, %swap3A_145] : memref<1x1xf32, #tpu.memory_space<vmem>>, vector<1x1xf32>
    tpu.vector_store %arg22[%swap3A, %swap3A_145], %add3A_144 {strides = array<i32>} : memref<1x1xf32, #tpu.memory_space<vmem>>, vector<1x1xf32>,
    %get3A_147 = arith.constant 64 : index
    %get3A_148 = arith.constant 0 : index
    %get3A_149 = vector.load %arg14[%get3A_147, %get3A_148] : memref<192x32xf32, #tpu.memory_space<vmem>>, vector<64x32xf32>
    %dot_general3A_150 = arith.constant dense<0.000000e+00> : vector<32x300xf32>
    %dot_general3A_151 = tpu.matmul %get3A_149, %add3A_117, %dot_general3A_150 {dimension_numbers = #tpu.dot_dimension_numbers<[0], [1], [1], [0], [0, 1, 1, 0], [], []>, transpose_lhs_hint = false} : vector<64x32xf32>, vector<300x64xf32>, vector<32x300xf32> -> vector<32x300xf32>
    %get3A_152 = arith.constant 128 : index
    %get3A_153 = arith.constant 0 : index
    %get3A_154 = vector.load %arg14[%get3A_152, %get3A_153] : memref<192x32xf32, #tpu.memory_space<vmem>>, vector<64x32xf32>
    %dot_general3A_155 = arith.constant dense<0.000000e+00> : vector<300x32xf32>
    %dot_general3A_156 = tpu.matmul %add3A_117, %get3A_154, %dot_general3A_155 {dimension_numbers = #tpu.dot_dimension_numbers<[1], [0], [0], [1], [0, 0, 1, 1], [], []>, transpose_lhs_hint = false} : vector<300x64xf32>, vector<64x32xf32>, vector<300x32xf32> -> vector<300x32xf32>
    %get3A_157 = arith.constant 0 : index
    %get3A_158 = arith.constant 0 : index
    %get3A_159 = vector.load %arg14[%get3A_157, %get3A_158] : memref<192x32xf32, #tpu.memory_space<vmem>>, vector<64x32xf32>
    %dot_general3A_160 = arith.constant dense<0.000000e+00> : vector<1x32xf32>
    %dot_general3A_161 = tpu.matmul %div3A_123, %get3A_159, %dot_general3A_160 {dimension_numbers = #tpu.dot_dimension_numbers<[1], [0], [0], [1], [0, 0, 1, 1], [], []>, transpose_lhs_hint = false} : vector<1x64xf32>, vector<64x32xf32>, vector<1x32xf32> -> vector<1x32xf32>
    %get3A_162 = arith.constant 0 : index
    %get3A_163 = vector.load %arg15[%get3A_162] : memref<32xf32, #tpu.memory_space<vmem>>, vector<32xf32>
    %broadcast_in_dim3A_164 = vector.shape_cast %get3A_163 : vector<32xf32> to vector<1x32xf32>
    %add3A_165 = arith.addf %dot_general3A_161, %broadcast_in_dim3A_164 : vector<1x32xf32>
    %broadcast_in_dim3A_166 = arith.constant 0.000000e+00 : f32
    %broadcast_in_dim3A_167 = vector.broadcast %broadcast_in_dim3A_166 : f32 to vector<300x300xf32>
    %slice3A = vector.extract_strided_slice %dot_general3A_151 {offsets = [0, 0], sizes = [1, 300], strides = [1, 1]} : vector<32x300xf32> to vector<1x300xf32>
    %slice3A_168 = vector.extract_strided_slice %dot_general3A_156 {offsets = [0, 0], sizes = [300, 1], strides = [1, 1]} : vector<300x32xf32> to vector<300x1xf32>
    %add3A_169 = vector.broadcast %slice3A : vector<1x300xf32> to vector<300x300xf32>
    %add3A_170 = vector.broadcast %slice3A_168 : vector<300x1xf32> to vector<300x300xf32>
    %add3A_171 = arith.addf %add3A_169, %add3A_170 : vector<300x300xf32>
    %slice3A_172 = vector.extract_strided_slice %add3A_165 {offsets = [0, 0], sizes = [1, 1], strides = [1, 1]} : vector<1x32xf32> to vector<1x1xf32>
    %add3A_173 = vector.broadcast %slice3A_172 : vector<1x1xf32> to vector<300x300xf32>
    %add3A_174 = arith.addf %add3A_171, %add3A_173 : vector<300x300xf32>
    %max3A_175 = arith.constant 0.000000e+00 : f32
    %max3A_176 = vector.broadcast %max3A_175 : f32 to vector<300x300xf32>
    %max3A_177 = arith.maximumf %add3A_174, %max3A_176 : vector<300x300xf32>
    %get3A_178 = arith.constant 0 : index
    %get3A_179 = arith.constant 0 : index
    %get3A_180 = vector.load %arg16[%get3A_178, %get3A_179] : memref<32x1xf32, #tpu.memory_space<vmem>>, vector<1x1xf32>
    %mul3A_181 = vector.broadcast %get3A_180 : vector<1x1xf32> to vector<300x300xf32>
    %mul3A_182 = arith.mulf %max3A_177, %mul3A_181 : vector<300x300xf32>
    %add3A_183 = arith.addf %broadcast_in_dim3A_167, %mul3A_182 : vector<300x300xf32>
    %slice3A_184 = vector.extract_strided_slice %dot_general3A_151 {offsets = [1, 0], sizes = [1, 300], strides = [1, 1]} : vector<32x300xf32> to vector<1x300xf32>
    %slice3A_185 = vector.extract_strided_slice %dot_general3A_156 {offsets = [0, 1], sizes = [300, 1], strides = [1, 1]} : vector<300x32xf32> to vector<300x1xf32>
    %add3A_186 = vector.broadcast %slice3A_184 : vector<1x300xf32> to vector<300x300xf32>
    %add3A_187 = vector.broadcast %slice3A_185 : vector<300x1xf32> to vector<300x300xf32>
    %add3A_188 = arith.addf %add3A_186, %add3A_187 : vector<300x300xf32>
    %slice3A_189 = vector.extract_strided_slice %add3A_165 {offsets = [0, 1], sizes = [1, 1], strides = [1, 1]} : vector<1x32xf32> to vector<1x1xf32>
    %add3A_190 = vector.broadcast %slice3A_189 : vector<1x1xf32> to vector<300x300xf32>
    %add3A_191 = arith.addf %add3A_188, %add3A_190 : vector<300x300xf32>
    %max3A_192 = arith.constant 0.000000e+00 : f32
    %max3A_193 = vector.broadcast %max3A_192 : f32 to vector<300x300xf32>
    %max3A_194 = arith.maximumf %add3A_191, %max3A_193 : vector<300x300xf32>
    %get3A_195 = arith.constant 1 : index
    %get3A_196 = arith.constant 0 : index
    %get3A_197 = vector.load %arg16[%get3A_195, %get3A_196] : memref<32x1xf32, #tpu.memory_space<vmem>>, vector<1x1xf32>
    %mul3A_198 = vector.broadcast %get3A_197 : vector<1x1xf32> to vector<300x300xf32>
    %mul3A_199 = arith.mulf %max3A_194, %mul3A_198 : vector<300x300xf32>
    %add3A_200 = arith.addf %add3A_183, %mul3A_199 : vector<300x300xf32>
    %slice3A_201 = vector.extract_strided_slice %dot_general3A_151 {offsets = [2, 0], sizes = [1, 300], strides = [1, 1]} : vector<32x300xf32> to vector<1x300xf32>
    %slice3A_202 = vector.extract_strided_slice %dot_general3A_156 {offsets = [0, 2], sizes = [300, 1], strides = [1, 1]} : vector<300x32xf32> to vector<300x1xf32>
    %add3A_203 = vector.broadcast %slice3A_201 : vector<1x300xf32> to vector<300x300xf32>
    %add3A_204 = vector.broadcast %slice3A_202 : vector<300x1xf32> to vector<300x300xf32>
    %add3A_205 = arith.addf %add3A_203, %add3A_204 : vector<300x300xf32>
    %slice3A_206 = vector.extract_strided_slice %add3A_165 {offsets = [0, 2], sizes = [1, 1], strides = [1, 1]} : vector<1x32xf32> to vector<1x1xf32>
    %add3A_207 = vector.broadcast %slice3A_206 : vector<1x1xf32> to vector<300x300xf32>
    %add3A_208 = arith.addf %add3A_205, %add3A_207 : vector<300x300xf32>
    %max3A_209 = arith.constant 0.000000e+00 : f32
    %max3A_210 = vector.broadcast %max3A_209 : f32 to vector<300x300xf32>
    %max3A_211 = arith.maximumf %add3A_208, %max3A_210 : vector<300x300xf32>
    %get3A_212 = arith.constant 2 : index
    %get3A_213 = arith.constant 0 : index
    %get3A_214 = vector.load %arg16[%get3A_212, %get3A_213] : memref<32x1xf32, #tpu.memory_space<vmem>>, vector<1x1xf32>
    %mul3A_215 = vector.broadcast %get3A_214 : vector<1x1xf32> to vector<300x300xf32>
    %mul3A_216 = arith.mulf %max3A_211, %mul3A_215 : vector<300x300xf32>
    %add3A_217 = arith.addf %add3A_200, %mul3A_216 : vector<300x300xf32>
    %slice3A_218 = vector.extract_strided_slice %dot_general3A_151 {offsets = [3, 0], sizes = [1, 300], strides = [1, 1]} : vector<32x300xf32> to vector<1x300xf32>
    %slice3A_219 = vector.extract_strided_slice %dot_general3A_156 {offsets = [0, 3], sizes = [300, 1], strides = [1, 1]} : vector<300x32xf32> to vector<300x1xf32>
    %add3A_220 = vector.broadcast %slice3A_218 : vector<1x300xf32> to vector<300x300xf32>
    %add3A_221 = vector.broadcast %slice3A_219 : vector<300x1xf32> to vector<300x300xf32>
    %add3A_222 = arith.addf %add3A_220, %add3A_221 : vector<300x300xf32>
    %slice3A_223 = vector.extract_strided_slice %add3A_165 {offsets = [0, 3], sizes = [1, 1], strides = [1, 1]} : vector<1x32xf32> to vector<1x1xf32>
    %add3A_224 = vector.broadcast %slice3A_223 : vector<1x1xf32> to vector<300x300xf32>
    %add3A_225 = arith.addf %add3A_222, %add3A_224 : vector<300x300xf32>
    %max3A_226 = arith.constant 0.000000e+00 : f32
    %max3A_227 = vector.broadcast %max3A_226 : f32 to vector<300x300xf32>
    %max3A_228 = arith.maximumf %add3A_225, %max3A_227 : vector<300x300xf32>
    %get3A_229 = arith.constant 3 : index
    %get3A_230 = arith.constant 0 : index
    %get3A_231 = vector.load %arg16[%get3A_229, %get3A_230] : memref<32x1xf32, #tpu.memory_space<vmem>>, vector<1x1xf32>
    %mul3A_232 = vector.broadcast %get3A_231 : vector<1x1xf32> to vector<300x300xf32>
    %mul3A_233 = arith.mulf %max3A_228, %mul3A_232 : vector<300x300xf32>
    %add3A_234 = arith.addf %add3A_217, %mul3A_233 : vector<300x300xf32>
    %slice3A_235 = vector.extract_strided_slice %dot_general3A_151 {offsets = [4, 0], sizes = [1, 300], strides = [1, 1]} : vector<32x300xf32> to vector<1x300xf32>
    %slice3A_236 = vector.extract_strided_slice %dot_general3A_156 {offsets = [0, 4], sizes = [300, 1], strides = [1, 1]} : vector<300x32xf32> to vector<300x1xf32>
    %add3A_237 = vector.broadcast %slice3A_235 : vector<1x300xf32> to vector<300x300xf32>
    %add3A_238 = vector.broadcast %slice3A_236 : vector<300x1xf32> to vector<300x300xf32>
    %add3A_239 = arith.addf %add3A_237, %add3A_238 : vector<300x300xf32>
    %slice3A_240 = vector.extract_strided_slice %add3A_165 {offsets = [0, 4], sizes = [1, 1], strides = [1, 1]} : vector<1x32xf32> to vector<1x1xf32>
    %add3A_241 = vector.broadcast %slice3A_240 : vector<1x1xf32> to vector<300x300xf32>
    %add3A_242 = arith.addf %add3A_239, %add3A_241 : vector<300x300xf32>
    %max3A_243 = arith.constant 0.000000e+00 : f32
    %max3A_244 = vector.broadcast %max3A_243 : f32 to vector<300x300xf32>
    %max3A_245 = arith.maximumf %add3A_242, %max3A_244 : vector<300x300xf32>
    %get3A_246 = arith.constant 4 : index
    %get3A_247 = arith.constant 0 : index
    %get3A_248 = vector.load %arg16[%get3A_246, %get3A_247] : memref<32x1xf32, #tpu.memory_space<vmem>>, vector<1x1xf32>
    %mul3A_249 = vector.broadcast %get3A_248 : vector<1x1xf32> to vector<300x300xf32>
    %mul3A_250 = arith.mulf %max3A_245, %mul3A_249 : vector<300x300xf32>
    %add3A_251 = arith.addf %add3A_234, %mul3A_250 : vector<300x300xf32>
    %slice3A_252 = vector.extract_strided_slice %dot_general3A_151 {offsets = [5, 0], sizes = [1, 300], strides = [1, 1]} : vector<32x300xf32> to vector<1x300xf32>
    %slice3A_253 = vector.extract_strided_slice %dot_general3A_156 {offsets = [0, 5], sizes = [300, 1], strides = [1, 1]} : vector<300x32xf32> to vector<300x1xf32>
    %add3A_254 = vector.broadcast %slice3A_252 : vector<1x300xf32> to vector<300x300xf32>
    %add3A_255 = vector.broadcast %slice3A_253 : vector<300x1xf32> to vector<300x300xf32>
    %add3A_256 = arith.addf %add3A_254, %add3A_255 : vector<300x300xf32>
    %slice3A_257 = vector.extract_strided_slice %add3A_165 {offsets = [0, 5], sizes = [1, 1], strides = [1, 1]} : vector<1x32xf32> to vector<1x1xf32>
    %add3A_258 = vector.broadcast %slice3A_257 : vector<1x1xf32> to vector<300x300xf32>
    %add3A_259 = arith.addf %add3A_256, %add3A_258 : vector<300x300xf32>
    %max3A_260 = arith.constant 0.000000e+00 : f32
    %max3A_261 = vector.broadcast %max3A_260 : f32 to vector<300x300xf32>
    %max3A_262 = arith.maximumf %add3A_259, %max3A_261 : vector<300x300xf32>
    %get3A_263 = arith.constant 5 : index
    %get3A_264 = arith.constant 0 : index
    %get3A_265 = vector.load %arg16[%get3A_263, %get3A_264] : memref<32x1xf32, #tpu.memory_space<vmem>>, vector<1x1xf32>
    %mul3A_266 = vector.broadcast %get3A_265 : vector<1x1xf32> to vector<300x300xf32>
    %mul3A_267 = arith.mulf %max3A_262, %mul3A_266 : vector<300x300xf32>
    %add3A_268 = arith.addf %add3A_251, %mul3A_267 : vector<300x300xf32>
    %slice3A_269 = vector.extract_strided_slice %dot_general3A_151 {offsets = [6, 0], sizes = [1, 300], strides = [1, 1]} : vector<32x300xf32> to vector<1x300xf32>
    %slice3A_270 = vector.extract_strided_slice %dot_general3A_156 {offsets = [0, 6], sizes = [300, 1], strides = [1, 1]} : vector<300x32xf32> to vector<300x1xf32>
    %add3A_271 = vector.broadcast %slice3A_269 : vector<1x300xf32> to vector<300x300xf32>
    %add3A_272 = vector.broadcast %slice3A_270 : vector<300x1xf32> to vector<300x300xf32>
    %add3A_273 = arith.addf %add3A_271, %add3A_272 : vector<300x300xf32>
    %slice3A_274 = vector.extract_strided_slice %add3A_165 {offsets = [0, 6], sizes = [1, 1], strides = [1, 1]} : vector<1x32xf32> to vector<1x1xf32>
    %add3A_275 = vector.broadcast %slice3A_274 : vector<1x1xf32> to vector<300x300xf32>
    %add3A_276 = arith.addf %add3A_273, %add3A_275 : vector<300x300xf32>
    %max3A_277 = arith.constant 0.000000e+00 : f32
    %max3A_278 = vector.broadcast %max3A_277 : f32 to vector<300x300xf32>
    %max3A_279 = arith.maximumf %add3A_276, %max3A_278 : vector<300x300xf32>
    %get3A_280 = arith.constant 6 : index
    %get3A_281 = arith.constant 0 : index
    %get3A_282 = vector.load %arg16[%get3A_280, %get3A_281] : memref<32x1xf32, #tpu.memory_space<vmem>>, vector<1x1xf32>
    %mul3A_283 = vector.broadcast %get3A_282 : vector<1x1xf32> to vector<300x300xf32>
    %mul3A_284 = arith.mulf %max3A_279, %mul3A_283 : vector<300x300xf32>
    %add3A_285 = arith.addf %add3A_268, %mul3A_284 : vector<300x300xf32>
    %slice3A_286 = vector.extract_strided_slice %dot_general3A_151 {offsets = [7, 0], sizes = [1, 300], strides = [1, 1]} : vector<32x300xf32> to vector<1x300xf32>
    %slice3A_287 = vector.extract_strided_slice %dot_general3A_156 {offsets = [0, 7], sizes = [300, 1], strides = [1, 1]} : vector<300x32xf32> to vector<300x1xf32>
    %add3A_288 = vector.broadcast %slice3A_286 : vector<1x300xf32> to vector<300x300xf32>
    %add3A_289 = vector.broadcast %slice3A_287 : vector<300x1xf32> to vector<300x300xf32>
    %add3A_290 = arith.addf %add3A_288, %add3A_289 : vector<300x300xf32>
    %slice3A_291 = vector.extract_strided_slice %add3A_165 {offsets = [0, 7], sizes = [1, 1], strides = [1, 1]} : vector<1x32xf32> to vector<1x1xf32>
    %add3A_292 = vector.broadcast %slice3A_291 : vector<1x1xf32> to vector<300x300xf32>
    %add3A_293 = arith.addf %add3A_290, %add3A_292 : vector<300x300xf32>
    %max3A_294 = arith.constant 0.000000e+00 : f32
    %max3A_295 = vector.broadcast %max3A_294 : f32 to vector<300x300xf32>
    %max3A_296 = arith.maximumf %add3A_293, %max3A_295 : vector<300x300xf32>
    %get3A_297 = arith.constant 7 : index
    %get3A_298 = arith.constant 0 : index
    %get3A_299 = vector.load %arg16[%get3A_297, %get3A_298] : memref<32x1xf32, #tpu.memory_space<vmem>>, vector<1x1xf32>
    %mul3A_300 = vector.broadcast %get3A_299 : vector<1x1xf32> to vector<300x300xf32>
    %mul3A_301 = arith.mulf %max3A_296, %mul3A_300 : vector<300x300xf32>
    %add3A_302 = arith.addf %add3A_285, %mul3A_301 : vector<300x300xf32>
    %slice3A_303 = vector.extract_strided_slice %dot_general3A_151 {offsets = [8, 0], sizes = [1, 300], strides = [1, 1]} : vector<32x300xf32> to vector<1x300xf32>
    %slice3A_304 = vector.extract_strided_slice %dot_general3A_156 {offsets = [0, 8], sizes = [300, 1], strides = [1, 1]} : vector<300x32xf32> to vector<300x1xf32>
    %add3A_305 = vector.broadcast %slice3A_303 : vector<1x300xf32> to vector<300x300xf32>
    %add3A_306 = vector.broadcast %slice3A_304 : vector<300x1xf32> to vector<300x300xf32>
    %add3A_307 = arith.addf %add3A_305, %add3A_306 : vector<300x300xf32>
    %slice3A_308 = vector.extract_strided_slice %add3A_165 {offsets = [0, 8], sizes = [1, 1], strides = [1, 1]} : vector<1x32xf32> to vector<1x1xf32>
    %add3A_309 = vector.broadcast %slice3A_308 : vector<1x1xf32> to vector<300x300xf32>
    %add3A_310 = arith.addf %add3A_307, %add3A_309 : vector<300x300xf32>
    %max3A_311 = arith.constant 0.000000e+00 : f32
    %max3A_312 = vector.broadcast %max3A_311 : f32 to vector<300x300xf32>
    %max3A_313 = arith.maximumf %add3A_310, %max3A_312 : vector<300x300xf32>
    %get3A_314 = arith.constant 8 : index
    %get3A_315 = arith.constant 0 : index
    %get3A_316 = vector.load %arg16[%get3A_314, %get3A_315] : memref<32x1xf32, #tpu.memory_space<vmem>>, vector<1x1xf32>
    %mul3A_317 = vector.broadcast %get3A_316 : vector<1x1xf32> to vector<300x300xf32>
    %mul3A_318 = arith.mulf %max3A_313, %mul3A_317 : vector<300x300xf32>
    %add3A_319 = arith.addf %add3A_302, %mul3A_318 : vector<300x300xf32>
    %slice3A_320 = vector.extract_strided_slice %dot_general3A_151 {offsets = [9, 0], sizes = [1, 300], strides = [1, 1]} : vector<32x300xf32> to vector<1x300xf32>
    %slice3A_321 = vector.extract_strided_slice %dot_general3A_156 {offsets = [0, 9], sizes = [300, 1], strides = [1, 1]} : vector<300x32xf32> to vector<300x1xf32>
    %add3A_322 = vector.broadcast %slice3A_320 : vector<1x300xf32> to vector<300x300xf32>
    %add3A_323 = vector.broadcast %slice3A_321 : vector<300x1xf32> to vector<300x300xf32>
    %add3A_324 = arith.addf %add3A_322, %add3A_323 : vector<300x300xf32>
    %slice3A_325 = vector.extract_strided_slice %add3A_165 {offsets = [0, 9], sizes = [1, 1], strides = [1, 1]} : vector<1x32xf32> to vector<1x1xf32>
    %add3A_326 = vector.broadcast %slice3A_325 : vector<1x1xf32> to vector<300x300xf32>
    %add3A_327 = arith.addf %add3A_324, %add3A_326 : vector<300x300xf32>
    %max3A_328 = arith.constant 0.000000e+00 : f32
    %max3A_329 = vector.broadcast %max3A_328 : f32 to vector<300x300xf32>
    %max3A_330 = arith.maximumf %add3A_327, %max3A_329 : vector<300x300xf32>
    %get3A_331 = arith.constant 9 : index
    %get3A_332 = arith.constant 0 : index
    %get3A_333 = vector.load %arg16[%get3A_331, %get3A_332] : memref<32x1xf32, #tpu.memory_space<vmem>>, vector<1x1xf32>
    %mul3A_334 = vector.broadcast %get3A_333 : vector<1x1xf32> to vector<300x300xf32>
    %mul3A_335 = arith.mulf %max3A_330, %mul3A_334 : vector<300x300xf32>
    %add3A_336 = arith.addf %add3A_319, %mul3A_335 : vector<300x300xf32>
    %slice3A_337 = vector.extract_strided_slice %dot_general3A_151 {offsets = [10, 0], sizes = [1, 300], strides = [1, 1]} : vector<32x300xf32> to vector<1x300xf32>
    %slice3A_338 = vector.extract_strided_slice %dot_general3A_156 {offsets = [0, 10], sizes = [300, 1], strides = [1, 1]} : vector<300x32xf32> to vector<300x1xf32>
    %add3A_339 = vector.broadcast %slice3A_337 : vector<1x300xf32> to vector<300x300xf32>
    %add3A_340 = vector.broadcast %slice3A_338 : vector<300x1xf32> to vector<300x300xf32>
    %add3A_341 = arith.addf %add3A_339, %add3A_340 : vector<300x300xf32>
    %slice3A_342 = vector.extract_strided_slice %add3A_165 {offsets = [0, 10], sizes = [1, 1], strides = [1, 1]} : vector<1x32xf32> to vector<1x1xf32>
    %add3A_343 = vector.broadcast %slice3A_342 : vector<1x1xf32> to vector<300x300xf32>
    %add3A_344 = arith.addf %add3A_341, %add3A_343 : vector<300x300xf32>
    %max3A_345 = arith.constant 0.000000e+00 : f32
    %max3A_346 = vector.broadcast %max3A_345 : f32 to vector<300x300xf32>
    %max3A_347 = arith.maximumf %add3A_344, %max3A_346 : vector<300x300xf32>
    %get3A_348 = arith.constant 10 : index
    %get3A_349 = arith.constant 0 : index
    %get3A_350 = vector.load %arg16[%get3A_348, %get3A_349] : memref<32x1xf32, #tpu.memory_space<vmem>>, vector<1x1xf32>
    %mul3A_351 = vector.broadcast %get3A_350 : vector<1x1xf32> to vector<300x300xf32>
    %mul3A_352 = arith.mulf %max3A_347, %mul3A_351 : vector<300x300xf32>
    %add3A_353 = arith.addf %add3A_336, %mul3A_352 : vector<300x300xf32>
    %slice3A_354 = vector.extract_strided_slice %dot_general3A_151 {offsets = [11, 0], sizes = [1, 300], strides = [1, 1]} : vector<32x300xf32> to vector<1x300xf32>
    %slice3A_355 = vector.extract_strided_slice %dot_general3A_156 {offsets = [0, 11], sizes = [300, 1], strides = [1, 1]} : vector<300x32xf32> to vector<300x1xf32>
    %add3A_356 = vector.broadcast %slice3A_354 : vector<1x300xf32> to vector<300x300xf32>
    %add3A_357 = vector.broadcast %slice3A_355 : vector<300x1xf32> to vector<300x300xf32>
    %add3A_358 = arith.addf %add3A_356, %add3A_357 : vector<300x300xf32>
    %slice3A_359 = vector.extract_strided_slice %add3A_165 {offsets = [0, 11], sizes = [1, 1], strides = [1, 1]} : vector<1x32xf32> to vector<1x1xf32>
    %add3A_360 = vector.broadcast %slice3A_359 : vector<1x1xf32> to vector<300x300xf32>
    %add3A_361 = arith.addf %add3A_358, %add3A_360 : vector<300x300xf32>
    %max3A_362 = arith.constant 0.000000e+00 : f32
    %max3A_363 = vector.broadcast %max3A_362 : f32 to vector<300x300xf32>
    %max3A_364 = arith.maximumf %add3A_361, %max3A_363 : vector<300x300xf32>
    %get3A_365 = arith.constant 11 : index
    %get3A_366 = arith.constant 0 : index
    %get3A_367 = vector.load %arg16[%get3A_365, %get3A_366] : memref<32x1xf32, #tpu.memory_space<vmem>>, vector<1x1xf32>
    %mul3A_368 = vector.broadcast %get3A_367 : vector<1x1xf32> to vector<300x300xf32>
    %mul3A_369 = arith.mulf %max3A_364, %mul3A_368 : vector<300x300xf32>
    %add3A_370 = arith.addf %add3A_353, %mul3A_369 : vector<300x300xf32>
    %slice3A_371 = vector.extract_strided_slice %dot_general3A_151 {offsets = [12, 0], sizes = [1, 300], strides = [1, 1]} : vector<32x300xf32> to vector<1x300xf32>
    %slice3A_372 = vector.extract_strided_slice %dot_general3A_156 {offsets = [0, 12], sizes = [300, 1], strides = [1, 1]} : vector<300x32xf32> to vector<300x1xf32>
    %add3A_373 = vector.broadcast %slice3A_371 : vector<1x300xf32> to vector<300x300xf32>
    %add3A_374 = vector.broadcast %slice3A_372 : vector<300x1xf32> to vector<300x300xf32>
    %add3A_375 = arith.addf %add3A_373, %add3A_374 : vector<300x300xf32>
    %slice3A_376 = vector.extract_strided_slice %add3A_165 {offsets = [0, 12], sizes = [1, 1], strides = [1, 1]} : vector<1x32xf32> to vector<1x1xf32>
    %add3A_377 = vector.broadcast %slice3A_376 : vector<1x1xf32> to vector<300x300xf32>
    %add3A_378 = arith.addf %add3A_375, %add3A_377 : vector<300x300xf32>
    %max3A_379 = arith.constant 0.000000e+00 : f32
    %max3A_380 = vector.broadcast %max3A_379 : f32 to vector<300x300xf32>
    %max3A_381 = arith.maximumf %add3A_378, %max3A_380 : vector<300x300xf32>
    %get3A_382 = arith.constant 12 : index
    %get3A_383 = arith.constant 0 : index
    %get3A_384 = vector.load %arg16[%get3A_382, %get3A_383] : memref<32x1xf32, #tpu.memory_space<vmem>>, vector<1x1xf32>
    %mul3A_385 = vector.broadcast %get3A_384 : vector<1x1xf32> to vector<300x300xf32>
    %mul3A_386 = arith.mulf %max3A_381, %mul3A_385 : vector<300x300xf32>
    %add3A_387 = arith.addf %add3A_370, %mul3A_386 : vector<300x300xf32>
    %slice3A_388 = vector.extract_strided_slice %dot_general3A_151 {offsets = [13, 0], sizes = [1, 300], strides = [1, 1]} : vector<32x300xf32> to vector<1x300xf32>
    %slice3A_389 = vector.extract_strided_slice %dot_general3A_156 {offsets = [0, 13], sizes = [300, 1], strides = [1, 1]} : vector<300x32xf32> to vector<300x1xf32>
    %add3A_390 = vector.broadcast %slice3A_388 : vector<1x300xf32> to vector<300x300xf32>
    %add3A_391 = vector.broadcast %slice3A_389 : vector<300x1xf32> to vector<300x300xf32>
    %add3A_392 = arith.addf %add3A_390, %add3A_391 : vector<300x300xf32>
    %slice3A_393 = vector.extract_strided_slice %add3A_165 {offsets = [0, 13], sizes = [1, 1], strides = [1, 1]} : vector<1x32xf32> to vector<1x1xf32>
    %add3A_394 = vector.broadcast %slice3A_393 : vector<1x1xf32> to vector<300x300xf32>
    %add3A_395 = arith.addf %add3A_392, %add3A_394 : vector<300x300xf32>
    %max3A_396 = arith.constant 0.000000e+00 : f32
    %max3A_397 = vector.broadcast %max3A_396 : f32 to vector<300x300xf32>
    %max3A_398 = arith.maximumf %add3A_395, %max3A_397 : vector<300x300xf32>
    %get3A_399 = arith.constant 13 : index
    %get3A_400 = arith.constant 0 : index
    %get3A_401 = vector.load %arg16[%get3A_399, %get3A_400] : memref<32x1xf32, #tpu.memory_space<vmem>>, vector<1x1xf32>
    %mul3A_402 = vector.broadcast %get3A_401 : vector<1x1xf32> to vector<300x300xf32>
    %mul3A_403 = arith.mulf %max3A_398, %mul3A_402 : vector<300x300xf32>
    %add3A_404 = arith.addf %add3A_387, %mul3A_403 : vector<300x300xf32>
    %slice3A_405 = vector.extract_strided_slice %dot_general3A_151 {offsets = [14, 0], sizes = [1, 300], strides = [1, 1]} : vector<32x300xf32> to vector<1x300xf32>
    %slice3A_406 = vector.extract_strided_slice %dot_general3A_156 {offsets = [0, 14], sizes = [300, 1], strides = [1, 1]} : vector<300x32xf32> to vector<300x1xf32>
    %add3A_407 = vector.broadcast %slice3A_405 : vector<1x300xf32> to vector<300x300xf32>
    %add3A_408 = vector.broadcast %slice3A_406 : vector<300x1xf32> to vector<300x300xf32>
    %add3A_409 = arith.addf %add3A_407, %add3A_408 : vector<300x300xf32>
    %slice3A_410 = vector.extract_strided_slice %add3A_165 {offsets = [0, 14], sizes = [1, 1], strides = [1, 1]} : vector<1x32xf32> to vector<1x1xf32>
    %add3A_411 = vector.broadcast %slice3A_410 : vector<1x1xf32> to vector<300x300xf32>
    %add3A_412 = arith.addf %add3A_409, %add3A_411 : vector<300x300xf32>
    %max3A_413 = arith.constant 0.000000e+00 : f32
    %max3A_414 = vector.broadcast %max3A_413 : f32 to vector<300x300xf32>
    %max3A_415 = arith.maximumf %add3A_412, %max3A_414 : vector<300x300xf32>
    %get3A_416 = arith.constant 14 : index
    %get3A_417 = arith.constant 0 : index
    %get3A_418 = vector.load %arg16[%get3A_416, %get3A_417] : memref<32x1xf32, #tpu.memory_space<vmem>>, vector<1x1xf32>
    %mul3A_419 = vector.broadcast %get3A_418 : vector<1x1xf32> to vector<300x300xf32>
    %mul3A_420 = arith.mulf %max3A_415, %mul3A_419 : vector<300x300xf32>
    %add3A_421 = arith.addf %add3A_404, %mul3A_420 : vector<300x300xf32>
    %slice3A_422 = vector.extract_strided_slice %dot_general3A_151 {offsets = [15, 0], sizes = [1, 300], strides = [1, 1]} : vector<32x300xf32> to vector<1x300xf32>
    %slice3A_423 = vector.extract_strided_slice %dot_general3A_156 {offsets = [0, 15], sizes = [300, 1], strides = [1, 1]} : vector<300x32xf32> to vector<300x1xf32>
    %add3A_424 = vector.broadcast %slice3A_422 : vector<1x300xf32> to vector<300x300xf32>
    %add3A_425 = vector.broadcast %slice3A_423 : vector<300x1xf32> to vector<300x300xf32>
    %add3A_426 = arith.addf %add3A_424, %add3A_425 : vector<300x300xf32>
    %slice3A_427 = vector.extract_strided_slice %add3A_165 {offsets = [0, 15], sizes = [1, 1], strides = [1, 1]} : vector<1x32xf32> to vector<1x1xf32>
    %add3A_428 = vector.broadcast %slice3A_427 : vector<1x1xf32> to vector<300x300xf32>
    %add3A_429 = arith.addf %add3A_426, %add3A_428 : vector<300x300xf32>
    %max3A_430 = arith.constant 0.000000e+00 : f32
    %max3A_431 = vector.broadcast %max3A_430 : f32 to vector<300x300xf32>
    %max3A_432 = arith.maximumf %add3A_429, %max3A_431 : vector<300x300xf32>
    %get3A_433 = arith.constant 15 : index
    %get3A_434 = arith.constant 0 : index
    %get3A_435 = vector.load %arg16[%get3A_433, %get3A_434] : memref<32x1xf32, #tpu.memory_space<vmem>>, vector<1x1xf32>
    %mul3A_436 = vector.broadcast %get3A_435 : vector<1x1xf32> to vector<300x300xf32>
    %mul3A_437 = arith.mulf %max3A_432, %mul3A_436 : vector<300x300xf32>
    %add3A_438 = arith.addf %add3A_421, %mul3A_437 : vector<300x300xf32>
    %slice3A_439 = vector.extract_strided_slice %dot_general3A_151 {offsets = [16, 0], sizes = [1, 300], strides = [1, 1]} : vector<32x300xf32> to vector<1x300xf32>
    %slice3A_440 = vector.extract_strided_slice %dot_general3A_156 {offsets = [0, 16], sizes = [300, 1], strides = [1, 1]} : vector<300x32xf32> to vector<300x1xf32>
    %add3A_441 = vector.broadcast %slice3A_439 : vector<1x300xf32> to vector<300x300xf32>
    %add3A_442 = vector.broadcast %slice3A_440 : vector<300x1xf32> to vector<300x300xf32>
    %add3A_443 = arith.addf %add3A_441, %add3A_442 : vector<300x300xf32>
    %slice3A_444 = vector.extract_strided_slice %add3A_165 {offsets = [0, 16], sizes = [1, 1], strides = [1, 1]} : vector<1x32xf32> to vector<1x1xf32>
    %add3A_445 = vector.broadcast %slice3A_444 : vector<1x1xf32> to vector<300x300xf32>
    %add3A_446 = arith.addf %add3A_443, %add3A_445 : vector<300x300xf32>
    %max3A_447 = arith.constant 0.000000e+00 : f32
    %max3A_448 = vector.broadcast %max3A_447 : f32 to vector<300x300xf32>
    %max3A_449 = arith.maximumf %add3A_446, %max3A_448 : vector<300x300xf32>
    %get3A_450 = arith.constant 16 : index
    %get3A_451 = arith.constant 0 : index
    %get3A_452 = vector.load %arg16[%get3A_450, %get3A_451] : memref<32x1xf32, #tpu.memory_space<vmem>>, vector<1x1xf32>
    %mul3A_453 = vector.broadcast %get3A_452 : vector<1x1xf32> to vector<300x300xf32>
    %mul3A_454 = arith.mulf %max3A_449, %mul3A_453 : vector<300x300xf32>
    %add3A_455 = arith.addf %add3A_438, %mul3A_454 : vector<300x300xf32>
    %slice3A_456 = vector.extract_strided_slice %dot_general3A_151 {offsets = [17, 0], sizes = [1, 300], strides = [1, 1]} : vector<32x300xf32> to vector<1x300xf32>
    %slice3A_457 = vector.extract_strided_slice %dot_general3A_156 {offsets = [0, 17], sizes = [300, 1], strides = [1, 1]} : vector<300x32xf32> to vector<300x1xf32>
    %add3A_458 = vector.broadcast %slice3A_456 : vector<1x300xf32> to vector<300x300xf32>
    %add3A_459 = vector.broadcast %slice3A_457 : vector<300x1xf32> to vector<300x300xf32>
    %add3A_460 = arith.addf %add3A_458, %add3A_459 : vector<300x300xf32>
    %slice3A_461 = vector.extract_strided_slice %add3A_165 {offsets = [0, 17], sizes = [1, 1], strides = [1, 1]} : vector<1x32xf32> to vector<1x1xf32>
    %add3A_462 = vector.broadcast %slice3A_461 : vector<1x1xf32> to vector<300x300xf32>
    %add3A_463 = arith.addf %add3A_460, %add3A_462 : vector<300x300xf32>
    %max3A_464 = arith.constant 0.000000e+00 : f32
    %max3A_465 = vector.broadcast %max3A_464 : f32 to vector<300x300xf32>
    %max3A_466 = arith.maximumf %add3A_463, %max3A_465 : vector<300x300xf32>
    %get3A_467 = arith.constant 17 : index
    %get3A_468 = arith.constant 0 : index
    %get3A_469 = vector.load %arg16[%get3A_467, %get3A_468] : memref<32x1xf32, #tpu.memory_space<vmem>>, vector<1x1xf32>
    %mul3A_470 = vector.broadcast %get3A_469 : vector<1x1xf32> to vector<300x300xf32>
    %mul3A_471 = arith.mulf %max3A_466, %mul3A_470 : vector<300x300xf32>
    %add3A_472 = arith.addf %add3A_455, %mul3A_471 : vector<300x300xf32>
    %slice3A_473 = vector.extract_strided_slice %dot_general3A_151 {offsets = [18, 0], sizes = [1, 300], strides = [1, 1]} : vector<32x300xf32> to vector<1x300xf32>
    %slice3A_474 = vector.extract_strided_slice %dot_general3A_156 {offsets = [0, 18], sizes = [300, 1], strides = [1, 1]} : vector<300x32xf32> to vector<300x1xf32>
    %add3A_475 = vector.broadcast %slice3A_473 : vector<1x300xf32> to vector<300x300xf32>
    %add3A_476 = vector.broadcast %slice3A_474 : vector<300x1xf32> to vector<300x300xf32>
    %add3A_477 = arith.addf %add3A_475, %add3A_476 : vector<300x300xf32>
    %slice3A_478 = vector.extract_strided_slice %add3A_165 {offsets = [0, 18], sizes = [1, 1], strides = [1, 1]} : vector<1x32xf32> to vector<1x1xf32>
    %add3A_479 = vector.broadcast %slice3A_478 : vector<1x1xf32> to vector<300x300xf32>
    %add3A_480 = arith.addf %add3A_477, %add3A_479 : vector<300x300xf32>
    %max3A_481 = arith.constant 0.000000e+00 : f32
    %max3A_482 = vector.broadcast %max3A_481 : f32 to vector<300x300xf32>
    %max3A_483 = arith.maximumf %add3A_480, %max3A_482 : vector<300x300xf32>
    %get3A_484 = arith.constant 18 : index
    %get3A_485 = arith.constant 0 : index
    %get3A_486 = vector.load %arg16[%get3A_484, %get3A_485] : memref<32x1xf32, #tpu.memory_space<vmem>>, vector<1x1xf32>
    %mul3A_487 = vector.broadcast %get3A_486 : vector<1x1xf32> to vector<300x300xf32>
    %mul3A_488 = arith.mulf %max3A_483, %mul3A_487 : vector<300x300xf32>
    %add3A_489 = arith.addf %add3A_472, %mul3A_488 : vector<300x300xf32>
    %slice3A_490 = vector.extract_strided_slice %dot_general3A_151 {offsets = [19, 0], sizes = [1, 300], strides = [1, 1]} : vector<32x300xf32> to vector<1x300xf32>
    %slice3A_491 = vector.extract_strided_slice %dot_general3A_156 {offsets = [0, 19], sizes = [300, 1], strides = [1, 1]} : vector<300x32xf32> to vector<300x1xf32>
    %add3A_492 = vector.broadcast %slice3A_490 : vector<1x300xf32> to vector<300x300xf32>
    %add3A_493 = vector.broadcast %slice3A_491 : vector<300x1xf32> to vector<300x300xf32>
    %add3A_494 = arith.addf %add3A_492, %add3A_493 : vector<300x300xf32>
    %slice3A_495 = vector.extract_strided_slice %add3A_165 {offsets = [0, 19], sizes = [1, 1], strides = [1, 1]} : vector<1x32xf32> to vector<1x1xf32>
    %add3A_496 = vector.broadcast %slice3A_495 : vector<1x1xf32> to vector<300x300xf32>
    %add3A_497 = arith.addf %add3A_494, %add3A_496 : vector<300x300xf32>
    %max3A_498 = arith.constant 0.000000e+00 : f32
    %max3A_499 = vector.broadcast %max3A_498 : f32 to vector<300x300xf32>
    %max3A_500 = arith.maximumf %add3A_497, %max3A_499 : vector<300x300xf32>
    %get3A_501 = arith.constant 19 : index
    %get3A_502 = arith.constant 0 : index
    %get3A_503 = vector.load %arg16[%get3A_501, %get3A_502] : memref<32x1xf32, #tpu.memory_space<vmem>>, vector<1x1xf32>
    %mul3A_504 = vector.broadcast %get3A_503 : vector<1x1xf32> to vector<300x300xf32>
    %mul3A_505 = arith.mulf %max3A_500, %mul3A_504 : vector<300x300xf32>
    %add3A_506 = arith.addf %add3A_489, %mul3A_505 : vector<300x300xf32>
    %slice3A_507 = vector.extract_strided_slice %dot_general3A_151 {offsets = [20, 0], sizes = [1, 300], strides = [1, 1]} : vector<32x300xf32> to vector<1x300xf32>
    %slice3A_508 = vector.extract_strided_slice %dot_general3A_156 {offsets = [0, 20], sizes = [300, 1], strides = [1, 1]} : vector<300x32xf32> to vector<300x1xf32>
    %add3A_509 = vector.broadcast %slice3A_507 : vector<1x300xf32> to vector<300x300xf32>
    %add3A_510 = vector.broadcast %slice3A_508 : vector<300x1xf32> to vector<300x300xf32>
    %add3A_511 = arith.addf %add3A_509, %add3A_510 : vector<300x300xf32>
    %slice3A_512 = vector.extract_strided_slice %add3A_165 {offsets = [0, 20], sizes = [1, 1], strides = [1, 1]} : vector<1x32xf32> to vector<1x1xf32>
    %add3A_513 = vector.broadcast %slice3A_512 : vector<1x1xf32> to vector<300x300xf32>
    %add3A_514 = arith.addf %add3A_511, %add3A_513 : vector<300x300xf32>
    %max3A_515 = arith.constant 0.000000e+00 : f32
    %max3A_516 = vector.broadcast %max3A_515 : f32 to vector<300x300xf32>
    %max3A_517 = arith.maximumf %add3A_514, %max3A_516 : vector<300x300xf32>
    %get3A_518 = arith.constant 20 : index
    %get3A_519 = arith.constant 0 : index
    %get3A_520 = vector.load %arg16[%get3A_518, %get3A_519] : memref<32x1xf32, #tpu.memory_space<vmem>>, vector<1x1xf32>
    %mul3A_521 = vector.broadcast %get3A_520 : vector<1x1xf32> to vector<300x300xf32>
    %mul3A_522 = arith.mulf %max3A_517, %mul3A_521 : vector<300x300xf32>
    %add3A_523 = arith.addf %add3A_506, %mul3A_522 : vector<300x300xf32>
    %slice3A_524 = vector.extract_strided_slice %dot_general3A_151 {offsets = [21, 0], sizes = [1, 300], strides = [1, 1]} : vector<32x300xf32> to vector<1x300xf32>
    %slice3A_525 = vector.extract_strided_slice %dot_general3A_156 {offsets = [0, 21], sizes = [300, 1], strides = [1, 1]} : vector<300x32xf32> to vector<300x1xf32>
    %add3A_526 = vector.broadcast %slice3A_524 : vector<1x300xf32> to vector<300x300xf32>
    %add3A_527 = vector.broadcast %slice3A_525 : vector<300x1xf32> to vector<300x300xf32>
    %add3A_528 = arith.addf %add3A_526, %add3A_527 : vector<300x300xf32>
    %slice3A_529 = vector.extract_strided_slice %add3A_165 {offsets = [0, 21], sizes = [1, 1], strides = [1, 1]} : vector<1x32xf32> to vector<1x1xf32>
    %add3A_530 = vector.broadcast %slice3A_529 : vector<1x1xf32> to vector<300x300xf32>
    %add3A_531 = arith.addf %add3A_528, %add3A_530 : vector<300x300xf32>
    %max3A_532 = arith.constant 0.000000e+00 : f32
    %max3A_533 = vector.broadcast %max3A_532 : f32 to vector<300x300xf32>
    %max3A_534 = arith.maximumf %add3A_531, %max3A_533 : vector<300x300xf32>
    %get3A_535 = arith.constant 21 : index
    %get3A_536 = arith.constant 0 : index
    %get3A_537 = vector.load %arg16[%get3A_535, %get3A_536] : memref<32x1xf32, #tpu.memory_space<vmem>>, vector<1x1xf32>
    %mul3A_538 = vector.broadcast %get3A_537 : vector<1x1xf32> to vector<300x300xf32>
    %mul3A_539 = arith.mulf %max3A_534, %mul3A_538 : vector<300x300xf32>
    %add3A_540 = arith.addf %add3A_523, %mul3A_539 : vector<300x300xf32>
    %slice3A_541 = vector.extract_strided_slice %dot_general3A_151 {offsets = [22, 0], sizes = [1, 300], strides = [1, 1]} : vector<32x300xf32> to vector<1x300xf32>
    %slice3A_542 = vector.extract_strided_slice %dot_general3A_156 {offsets = [0, 22], sizes = [300, 1], strides = [1, 1]} : vector<300x32xf32> to vector<300x1xf32>
    %add3A_543 = vector.broadcast %slice3A_541 : vector<1x300xf32> to vector<300x300xf32>
    %add3A_544 = vector.broadcast %slice3A_542 : vector<300x1xf32> to vector<300x300xf32>
    %add3A_545 = arith.addf %add3A_543, %add3A_544 : vector<300x300xf32>
    %slice3A_546 = vector.extract_strided_slice %add3A_165 {offsets = [0, 22], sizes = [1, 1], strides = [1, 1]} : vector<1x32xf32> to vector<1x1xf32>
    %add3A_547 = vector.broadcast %slice3A_546 : vector<1x1xf32> to vector<300x300xf32>
    %add3A_548 = arith.addf %add3A_545, %add3A_547 : vector<300x300xf32>
    %max3A_549 = arith.constant 0.000000e+00 : f32
    %max3A_550 = vector.broadcast %max3A_549 : f32 to vector<300x300xf32>
    %max3A_551 = arith.maximumf %add3A_548, %max3A_550 : vector<300x300xf32>
    %get3A_552 = arith.constant 22 : index
    %get3A_553 = arith.constant 0 : index
    %get3A_554 = vector.load %arg16[%get3A_552, %get3A_553] : memref<32x1xf32, #tpu.memory_space<vmem>>, vector<1x1xf32>
    %mul3A_555 = vector.broadcast %get3A_554 : vector<1x1xf32> to vector<300x300xf32>
    %mul3A_556 = arith.mulf %max3A_551, %mul3A_555 : vector<300x300xf32>
    %add3A_557 = arith.addf %add3A_540, %mul3A_556 : vector<300x300xf32>
    %slice3A_558 = vector.extract_strided_slice %dot_general3A_151 {offsets = [23, 0], sizes = [1, 300], strides = [1, 1]} : vector<32x300xf32> to vector<1x300xf32>
    %slice3A_559 = vector.extract_strided_slice %dot_general3A_156 {offsets = [0, 23], sizes = [300, 1], strides = [1, 1]} : vector<300x32xf32> to vector<300x1xf32>
    %add3A_560 = vector.broadcast %slice3A_558 : vector<1x300xf32> to vector<300x300xf32>
    %add3A_561 = vector.broadcast %slice3A_559 : vector<300x1xf32> to vector<300x300xf32>
    %add3A_562 = arith.addf %add3A_560, %add3A_561 : vector<300x300xf32>
    %slice3A_563 = vector.extract_strided_slice %add3A_165 {offsets = [0, 23], sizes = [1, 1], strides = [1, 1]} : vector<1x32xf32> to vector<1x1xf32>
    %add3A_564 = vector.broadcast %slice3A_563 : vector<1x1xf32> to vector<300x300xf32>
    %add3A_565 = arith.addf %add3A_562, %add3A_564 : vector<300x300xf32>
    %max3A_566 = arith.constant 0.000000e+00 : f32
    %max3A_567 = vector.broadcast %max3A_566 : f32 to vector<300x300xf32>
    %max3A_568 = arith.maximumf %add3A_565, %max3A_567 : vector<300x300xf32>
    %get3A_569 = arith.constant 23 : index
    %get3A_570 = arith.constant 0 : index
    %get3A_571 = vector.load %arg16[%get3A_569, %get3A_570] : memref<32x1xf32, #tpu.memory_space<vmem>>, vector<1x1xf32>
    %mul3A_572 = vector.broadcast %get3A_571 : vector<1x1xf32> to vector<300x300xf32>
    %mul3A_573 = arith.mulf %max3A_568, %mul3A_572 : vector<300x300xf32>
    %add3A_574 = arith.addf %add3A_557, %mul3A_573 : vector<300x300xf32>
    %slice3A_575 = vector.extract_strided_slice %dot_general3A_151 {offsets = [24, 0], sizes = [1, 300], strides = [1, 1]} : vector<32x300xf32> to vector<1x300xf32>
    %slice3A_576 = vector.extract_strided_slice %dot_general3A_156 {offsets = [0, 24], sizes = [300, 1], strides = [1, 1]} : vector<300x32xf32> to vector<300x1xf32>
    %add3A_577 = vector.broadcast %slice3A_575 : vector<1x300xf32> to vector<300x300xf32>
    %add3A_578 = vector.broadcast %slice3A_576 : vector<300x1xf32> to vector<300x300xf32>
    %add3A_579 = arith.addf %add3A_577, %add3A_578 : vector<300x300xf32>
    %slice3A_580 = vector.extract_strided_slice %add3A_165 {offsets = [0, 24], sizes = [1, 1], strides = [1, 1]} : vector<1x32xf32> to vector<1x1xf32>
    %add3A_581 = vector.broadcast %slice3A_580 : vector<1x1xf32> to vector<300x300xf32>
    %add3A_582 = arith.addf %add3A_579, %add3A_581 : vector<300x300xf32>
    %max3A_583 = arith.constant 0.000000e+00 : f32
    %max3A_584 = vector.broadcast %max3A_583 : f32 to vector<300x300xf32>
    %max3A_585 = arith.maximumf %add3A_582, %max3A_584 : vector<300x300xf32>
    %get3A_586 = arith.constant 24 : index
    %get3A_587 = arith.constant 0 : index
    %get3A_588 = vector.load %arg16[%get3A_586, %get3A_587] : memref<32x1xf32, #tpu.memory_space<vmem>>, vector<1x1xf32>
    %mul3A_589 = vector.broadcast %get3A_588 : vector<1x1xf32> to vector<300x300xf32>
    %mul3A_590 = arith.mulf %max3A_585, %mul3A_589 : vector<300x300xf32>
    %add3A_591 = arith.addf %add3A_574, %mul3A_590 : vector<300x300xf32>
    %slice3A_592 = vector.extract_strided_slice %dot_general3A_151 {offsets = [25, 0], sizes = [1, 300], strides = [1, 1]} : vector<32x300xf32> to vector<1x300xf32>
    %slice3A_593 = vector.extract_strided_slice %dot_general3A_156 {offsets = [0, 25], sizes = [300, 1], strides = [1, 1]} : vector<300x32xf32> to vector<300x1xf32>
    %add3A_594 = vector.broadcast %slice3A_592 : vector<1x300xf32> to vector<300x300xf32>
    %add3A_595 = vector.broadcast %slice3A_593 : vector<300x1xf32> to vector<300x300xf32>
    %add3A_596 = arith.addf %add3A_594, %add3A_595 : vector<300x300xf32>
    %slice3A_597 = vector.extract_strided_slice %add3A_165 {offsets = [0, 25], sizes = [1, 1], strides = [1, 1]} : vector<1x32xf32> to vector<1x1xf32>
    %add3A_598 = vector.broadcast %slice3A_597 : vector<1x1xf32> to vector<300x300xf32>
    %add3A_599 = arith.addf %add3A_596, %add3A_598 : vector<300x300xf32>
    %max3A_600 = arith.constant 0.000000e+00 : f32
    %max3A_601 = vector.broadcast %max3A_600 : f32 to vector<300x300xf32>
    %max3A_602 = arith.maximumf %add3A_599, %max3A_601 : vector<300x300xf32>
    %get3A_603 = arith.constant 25 : index
    %get3A_604 = arith.constant 0 : index
    %get3A_605 = vector.load %arg16[%get3A_603, %get3A_604] : memref<32x1xf32, #tpu.memory_space<vmem>>, vector<1x1xf32>
    %mul3A_606 = vector.broadcast %get3A_605 : vector<1x1xf32> to vector<300x300xf32>
    %mul3A_607 = arith.mulf %max3A_602, %mul3A_606 : vector<300x300xf32>
    %add3A_608 = arith.addf %add3A_591, %mul3A_607 : vector<300x300xf32>
    %slice3A_609 = vector.extract_strided_slice %dot_general3A_151 {offsets = [26, 0], sizes = [1, 300], strides = [1, 1]} : vector<32x300xf32> to vector<1x300xf32>
    %slice3A_610 = vector.extract_strided_slice %dot_general3A_156 {offsets = [0, 26], sizes = [300, 1], strides = [1, 1]} : vector<300x32xf32> to vector<300x1xf32>
    %add3A_611 = vector.broadcast %slice3A_609 : vector<1x300xf32> to vector<300x300xf32>
    %add3A_612 = vector.broadcast %slice3A_610 : vector<300x1xf32> to vector<300x300xf32>
    %add3A_613 = arith.addf %add3A_611, %add3A_612 : vector<300x300xf32>
    %slice3A_614 = vector.extract_strided_slice %add3A_165 {offsets = [0, 26], sizes = [1, 1], strides = [1, 1]} : vector<1x32xf32> to vector<1x1xf32>
    %add3A_615 = vector.broadcast %slice3A_614 : vector<1x1xf32> to vector<300x300xf32>
    %add3A_616 = arith.addf %add3A_613, %add3A_615 : vector<300x300xf32>
    %max3A_617 = arith.constant 0.000000e+00 : f32
    %max3A_618 = vector.broadcast %max3A_617 : f32 to vector<300x300xf32>
    %max3A_619 = arith.maximumf %add3A_616, %max3A_618 : vector<300x300xf32>
    %get3A_620 = arith.constant 26 : index
    %get3A_621 = arith.constant 0 : index
    %get3A_622 = vector.load %arg16[%get3A_620, %get3A_621] : memref<32x1xf32, #tpu.memory_space<vmem>>, vector<1x1xf32>
    %mul3A_623 = vector.broadcast %get3A_622 : vector<1x1xf32> to vector<300x300xf32>
    %mul3A_624 = arith.mulf %max3A_619, %mul3A_623 : vector<300x300xf32>
    %add3A_625 = arith.addf %add3A_608, %mul3A_624 : vector<300x300xf32>
    %slice3A_626 = vector.extract_strided_slice %dot_general3A_151 {offsets = [27, 0], sizes = [1, 300], strides = [1, 1]} : vector<32x300xf32> to vector<1x300xf32>
    %slice3A_627 = vector.extract_strided_slice %dot_general3A_156 {offsets = [0, 27], sizes = [300, 1], strides = [1, 1]} : vector<300x32xf32> to vector<300x1xf32>
    %add3A_628 = vector.broadcast %slice3A_626 : vector<1x300xf32> to vector<300x300xf32>
    %add3A_629 = vector.broadcast %slice3A_627 : vector<300x1xf32> to vector<300x300xf32>
    %add3A_630 = arith.addf %add3A_628, %add3A_629 : vector<300x300xf32>
    %slice3A_631 = vector.extract_strided_slice %add3A_165 {offsets = [0, 27], sizes = [1, 1], strides = [1, 1]} : vector<1x32xf32> to vector<1x1xf32>
    %add3A_632 = vector.broadcast %slice3A_631 : vector<1x1xf32> to vector<300x300xf32>
    %add3A_633 = arith.addf %add3A_630, %add3A_632 : vector<300x300xf32>
    %max3A_634 = arith.constant 0.000000e+00 : f32
    %max3A_635 = vector.broadcast %max3A_634 : f32 to vector<300x300xf32>
    %max3A_636 = arith.maximumf %add3A_633, %max3A_635 : vector<300x300xf32>
    %get3A_637 = arith.constant 27 : index
    %get3A_638 = arith.constant 0 : index
    %get3A_639 = vector.load %arg16[%get3A_637, %get3A_638] : memref<32x1xf32, #tpu.memory_space<vmem>>, vector<1x1xf32>
    %mul3A_640 = vector.broadcast %get3A_639 : vector<1x1xf32> to vector<300x300xf32>
    %mul3A_641 = arith.mulf %max3A_636, %mul3A_640 : vector<300x300xf32>
    %add3A_642 = arith.addf %add3A_625, %mul3A_641 : vector<300x300xf32>
    %slice3A_643 = vector.extract_strided_slice %dot_general3A_151 {offsets = [28, 0], sizes = [1, 300], strides = [1, 1]} : vector<32x300xf32> to vector<1x300xf32>
    %slice3A_644 = vector.extract_strided_slice %dot_general3A_156 {offsets = [0, 28], sizes = [300, 1], strides = [1, 1]} : vector<300x32xf32> to vector<300x1xf32>
    %add3A_645 = vector.broadcast %slice3A_643 : vector<1x300xf32> to vector<300x300xf32>
    %add3A_646 = vector.broadcast %slice3A_644 : vector<300x1xf32> to vector<300x300xf32>
    %add3A_647 = arith.addf %add3A_645, %add3A_646 : vector<300x300xf32>
    %slice3A_648 = vector.extract_strided_slice %add3A_165 {offsets = [0, 28], sizes = [1, 1], strides = [1, 1]} : vector<1x32xf32> to vector<1x1xf32>
    %add3A_649 = vector.broadcast %slice3A_648 : vector<1x1xf32> to vector<300x300xf32>
    %add3A_650 = arith.addf %add3A_647, %add3A_649 : vector<300x300xf32>
    %max3A_651 = arith.constant 0.000000e+00 : f32
    %max3A_652 = vector.broadcast %max3A_651 : f32 to vector<300x300xf32>
    %max3A_653 = arith.maximumf %add3A_650, %max3A_652 : vector<300x300xf32>
    %get3A_654 = arith.constant 28 : index
    %get3A_655 = arith.constant 0 : index
    %get3A_656 = vector.load %arg16[%get3A_654, %get3A_655] : memref<32x1xf32, #tpu.memory_space<vmem>>, vector<1x1xf32>
    %mul3A_657 = vector.broadcast %get3A_656 : vector<1x1xf32> to vector<300x300xf32>
    %mul3A_658 = arith.mulf %max3A_653, %mul3A_657 : vector<300x300xf32>
    %add3A_659 = arith.addf %add3A_642, %mul3A_658 : vector<300x300xf32>
    %slice3A_660 = vector.extract_strided_slice %dot_general3A_151 {offsets = [29, 0], sizes = [1, 300], strides = [1, 1]} : vector<32x300xf32> to vector<1x300xf32>
    %slice3A_661 = vector.extract_strided_slice %dot_general3A_156 {offsets = [0, 29], sizes = [300, 1], strides = [1, 1]} : vector<300x32xf32> to vector<300x1xf32>
    %add3A_662 = vector.broadcast %slice3A_660 : vector<1x300xf32> to vector<300x300xf32>
    %add3A_663 = vector.broadcast %slice3A_661 : vector<300x1xf32> to vector<300x300xf32>
    %add3A_664 = arith.addf %add3A_662, %add3A_663 : vector<300x300xf32>
    %slice3A_665 = vector.extract_strided_slice %add3A_165 {offsets = [0, 29], sizes = [1, 1], strides = [1, 1]} : vector<1x32xf32> to vector<1x1xf32>
    %add3A_666 = vector.broadcast %slice3A_665 : vector<1x1xf32> to vector<300x300xf32>
    %add3A_667 = arith.addf %add3A_664, %add3A_666 : vector<300x300xf32>
    %max3A_668 = arith.constant 0.000000e+00 : f32
    %max3A_669 = vector.broadcast %max3A_668 : f32 to vector<300x300xf32>
    %max3A_670 = arith.maximumf %add3A_667, %max3A_669 : vector<300x300xf32>
    %get3A_671 = arith.constant 29 : index
    %get3A_672 = arith.constant 0 : index
    %get3A_673 = vector.load %arg16[%get3A_671, %get3A_672] : memref<32x1xf32, #tpu.memory_space<vmem>>, vector<1x1xf32>
    %mul3A_674 = vector.broadcast %get3A_673 : vector<1x1xf32> to vector<300x300xf32>
    %mul3A_675 = arith.mulf %max3A_670, %mul3A_674 : vector<300x300xf32>
    %add3A_676 = arith.addf %add3A_659, %mul3A_675 : vector<300x300xf32>
    %slice3A_677 = vector.extract_strided_slice %dot_general3A_151 {offsets = [30, 0], sizes = [1, 300], strides = [1, 1]} : vector<32x300xf32> to vector<1x300xf32>
    %slice3A_678 = vector.extract_strided_slice %dot_general3A_156 {offsets = [0, 30], sizes = [300, 1], strides = [1, 1]} : vector<300x32xf32> to vector<300x1xf32>
    %add3A_679 = vector.broadcast %slice3A_677 : vector<1x300xf32> to vector<300x300xf32>
    %add3A_680 = vector.broadcast %slice3A_678 : vector<300x1xf32> to vector<300x300xf32>
    %add3A_681 = arith.addf %add3A_679, %add3A_680 : vector<300x300xf32>
    %slice3A_682 = vector.extract_strided_slice %add3A_165 {offsets = [0, 30], sizes = [1, 1], strides = [1, 1]} : vector<1x32xf32> to vector<1x1xf32>
    %add3A_683 = vector.broadcast %slice3A_682 : vector<1x1xf32> to vector<300x300xf32>
    %add3A_684 = arith.addf %add3A_681, %add3A_683 : vector<300x300xf32>
    %max3A_685 = arith.constant 0.000000e+00 : f32
    %max3A_686 = vector.broadcast %max3A_685 : f32 to vector<300x300xf32>
    %max3A_687 = arith.maximumf %add3A_684, %max3A_686 : vector<300x300xf32>
    %get3A_688 = arith.constant 30 : index
    %get3A_689 = arith.constant 0 : index
    %get3A_690 = vector.load %arg16[%get3A_688, %get3A_689] : memref<32x1xf32, #tpu.memory_space<vmem>>, vector<1x1xf32>
    %mul3A_691 = vector.broadcast %get3A_690 : vector<1x1xf32> to vector<300x300xf32>
    %mul3A_692 = arith.mulf %max3A_687, %mul3A_691 : vector<300x300xf32>
    %add3A_693 = arith.addf %add3A_676, %mul3A_692 : vector<300x300xf32>
    %slice3A_694 = vector.extract_strided_slice %dot_general3A_151 {offsets = [31, 0], sizes = [1, 300], strides = [1, 1]} : vector<32x300xf32> to vector<1x300xf32>
    %slice3A_695 = vector.extract_strided_slice %dot_general3A_156 {offsets = [0, 31], sizes = [300, 1], strides = [1, 1]} : vector<300x32xf32> to vector<300x1xf32>
    %add3A_696 = vector.broadcast %slice3A_694 : vector<1x300xf32> to vector<300x300xf32>
    %add3A_697 = vector.broadcast %slice3A_695 : vector<300x1xf32> to vector<300x300xf32>
    %add3A_698 = arith.addf %add3A_696, %add3A_697 : vector<300x300xf32>
    %slice3A_699 = vector.extract_strided_slice %add3A_165 {offsets = [0, 31], sizes = [1, 1], strides = [1, 1]} : vector<1x32xf32> to vector<1x1xf32>
    %add3A_700 = vector.broadcast %slice3A_699 : vector<1x1xf32> to vector<300x300xf32>
    %add3A_701 = arith.addf %add3A_698, %add3A_700 : vector<300x300xf32>
    %max3A_702 = arith.constant 0.000000e+00 : f32
    %max3A_703 = vector.broadcast %max3A_702 : f32 to vector<300x300xf32>
    %max3A_704 = arith.maximumf %add3A_701, %max3A_703 : vector<300x300xf32>
    %get3A_705 = arith.constant 31 : index
    %get3A_706 = arith.constant 0 : index
    %get3A_707 = vector.load %arg16[%get3A_705, %get3A_706] : memref<32x1xf32, #tpu.memory_space<vmem>>, vector<1x1xf32>
    %mul3A_708 = vector.broadcast %get3A_707 : vector<1x1xf32> to vector<300x300xf32>
    %mul3A_709 = arith.mulf %max3A_704, %mul3A_708 : vector<300x300xf32>
    %add3A_710 = arith.addf %add3A_693, %mul3A_709 : vector<300x300xf32>
    %reduce_max3A = vector.shape_cast %add3A_710 : vector<300x300xf32> to vector<1x300x300xf32>
    %reduce_max3A_711 = arith.constant dense<0xFF800000> : vector<1xf32>
    %reduce_max3A_712 = vector.multi_reduction <maximumf>, %reduce_max3A, %reduce_max3A_711 [1, 2] : vector<1x300x300xf32> to vector<1xf32>
    %reduce_max3A_713 = vector.shape_cast %reduce_max3A_712 : vector<1xf32> to vector<1x1x1xf32>
    %reduce_max3A_714 = vector.extract %reduce_max3A_713[0, 0, 0] : f32 from vector<1x1x1xf32>
    %broadcast_in_dim3A_715 = vector.broadcast %reduce_max3A_714 : f32 to vector<1x1xf32>
    %sub3A_716 = vector.broadcast %broadcast_in_dim3A_715 : vector<1x1xf32> to vector<300x300xf32>
    %sub3A_717 = arith.subf %add3A_710, %sub3A_716 : vector<300x300xf32>
    %exp3A = math.exp %sub3A_717 : vector<300x300xf32>
    %reduce_sum3A_718 = vector.shape_cast %exp3A : vector<300x300xf32> to vector<1x300x300xf32>
    %reduce_sum3A_719 = arith.constant dense<0.000000e+00> : vector<1xf32>
    %reduce_sum3A_720 = vector.multi_reduction <add>, %reduce_sum3A_718, %reduce_sum3A_719 [1, 2] : vector<1x300x300xf32> to vector<1xf32>
    %reduce_sum3A_721 = vector.shape_cast %reduce_sum3A_720 : vector<1xf32> to vector<1x1x1xf32>
    %reduce_sum3A_722 = vector.extract %reduce_sum3A_721[0, 0, 0] : f32 from vector<1x1x1xf32>
    %broadcast_in_dim3A_723 = vector.broadcast %reduce_sum3A_722 : f32 to vector<1x1xf32>
    %div3A_724 = vector.broadcast %broadcast_in_dim3A_723 : vector<1x1xf32> to vector<300x300xf32>
    %div3A_725 = arith.divf %exp3A, %div3A_724 : vector<300x300xf32>
    %swap3A_726 = arith.constant 0 : index
    %swap3A_727 = arith.constant 0 : index
    %swap3A_728 = vector.load %arg21[%swap3A_726, %swap3A_727] : memref<300x300xf32, #tpu.memory_space<vmem>>, vector<300x300xf32>
    tpu.vector_store %arg21[%swap3A_726, %swap3A_727], %div3A_725 {strides = array<i32>} : memref<300x300xf32, #tpu.memory_space<vmem>>, vector<300x300xf32>,
    return
  }
}

</mosaic_0001>

<sc_bundles>
// kernel: kernel.4.cloned.1.call-start
scs
__scs_entry_jumppad:
0x0: {  	(pc) =	sbr.rel $0x88, $3  }
0x1: {  	(tag) =	ssettag $0x0;
	lr =	simm.s32 $0x1  }
0x2: {  	[smem:$0x3F8C] =	sst lr;
	_ =	strace $0xD0000000  }
0x3: {  	_ = 	snop  }
0x4: {  	_ = 	snop  }
0x5: {  	_ = 	snop  }
0x6: {  	_ = 	snop  }
0x7: {  	_ = 	snop  }
__scs_overlays_trampoline_lowered:
0x8: {  	[smem:$0x3F9B] =	sst s0  }
0x9: {  	[smem:$0x3F9C] =	sst s1  }
0xa: {  	[smem:$0x3F9D] =	sst s2  }
0xb: {  	[smem:$0x3F9E] =	sst s3  }
0xc: {  	[smem:$0x3F9F] =	sst s4  }
0xd: {  	[smem:$0x3FA0] =	sst s5  }
0xe: {  	[smem:$0x3FA1] =	sst s6  }
0xf: {  	[smem:$0x3FA2] =	sst s7  }
0x10: {  	[smem:$0x3FA3] =	sst s8  }
0x11: {  	[smem:$0x3FA4] =	sst s9;
	s0 =	simm.s32 @!p0 $0x0  }
0x12: {  	s1 =	sld [smem:$0x3F8A];
	s0 =	simm.s32 @p0 $0x1  }
0x13: {  	[smem:$0x3FA5] =	sst s0;
	s0 =	simm.s32 @!p1 $0x0  }
0x14: {  	s2 =	sld [smem:$0x3F89];
	s0 =	simm.s32 @p1 $0x1  }
0x15: {  	[smem:$0x3FA6] =	sst s0;
	s0 =	simm.s32 @!p2 $0x0  }
0x16: {  	s3 =	sld [smem:$0x3FDB];
	s0 =	simm.s32 @p2 $0x1  }
0x17: {  	s4 =	simm.s32 $0x1BF5;
	[smem:$0x3FA8] =	sst s0  }
0x18: {  	s0 =	sld [smem:$0x3F8B];
	_ =	swait.ge [sflag:s4], $0x0  }
0x19: {  	s7 =	sld [smem:$0x3F8C]  }
0x1a: {  	s8 =	sadd.s32 $0xFFFFE003, lr  }
0x1b: {  	s9 =	sadd.s32 $0xFFFFFEF7, lr;
	s5 =	simm.s32 $0xFFFFFFFF;
	p2 =	slt.u32 s8, $0xFFFFF086  }
0x1c: {  	p1 =	slt.u32 s9, $0xF7A;
	s5 =	simm.s32 @!p2 $0x0  }
0x1d: {  	s5 =	simm.s32 @p1 $0x1;
	p0 =	seq.s32 s7, s2  }
0x1e: {  	s7 =	smul.u32 @!p0 $0xF7A, s2;
	p2 =	seq.s32 @!p0 s5, $0x0  }
0x1f: {  	s9 =	smul.u32 $0xF7A, s1;
	s8 =	simm.s32 @!p0 $0x1BF5;
	p2 =	por !p2, p0  }
0x20: {  	[sflag:s8] =	ssyncset.s32 @!p0 $0xFFFFF086;
	s6 =	sadd.s32 @!p0 s3, s7;
	s7 =	simm.s32 @!p0 $0x108  }
0x21: {  	s3 =	sadd.s32 s3, s9;
	s6 =	sadd.s32 @!p0 $0x88, s6;
	s7 =	simm.s32 @p2 $0x1082  }
0x22: {  	[simem:s7], [sflag:s8] =	dma.local @!p0 [hbm:s6], $0xF7A  }
0x23: {  	s9 =	sor.u32 $0xD0000000, s2;
	s6 =	simm.s32 $0x108;
	_ =	swait.ge @!p0 [sflag:s8], $0x0  }
0x24: {  	s3 =	sadd.s32 $0x88, s3;
	s6 =	simm.s32 @!p1 $0x1082;
	[sflag:s4] =	ssyncset.s32 $0xFFFFF086  }
0x25: {  	[simem:s6], [sflag:s4] =	dma.local [hbm:s3], $0xF7A  }
0x26: {  	[smem:$0x3F8C] =	sst s1;
	(tag) =	ssettag s2;
	_ =	strace s9  }
0x27: {  	s1 =	sld [smem:$0x3F9C]  }
0x28: {  	s2 =	sld [smem:$0x3F9D]  }
0x29: {  	s4 =	sld [smem:$0x3F9F]  }
0x2a: {  	p0 =	seq.s32 s5, $0x0;
	s5 =	sld [smem:$0x3FA0]  }
0x2b: {  	s6 =	sld [smem:$0x3FA1]  }
0x2c: {  	s7 =	sld [smem:$0x3FA2]  }
0x2d: {  	s3 =	simm.s32 $0x108;
	s8 =	sld [smem:$0x3FA3]  }
0x2e: {  	s3 =	simm.s32 @!p0 $0x1082;
	s9 =	sld [smem:$0x3FA4]  }
0x2f: {  	lr =	sadd.s32 s0, s3;
	s0 =	sld [smem:$0x3F9B]  }
0x30: {  	s3 =	sld [smem:$0x3F9E]  }
0x31: {  	[smem:$0x3FA7] =	sst s10  }
0x32: {  	s10 =	sld [smem:$0x3FA5];
	_ =	sdelay $0x3  }
0x33: {  	p0 =	seq.s32 s10, $0x1;
	s10 =	sld [smem:$0x3FA7];
	_ =	sdelay $0x3  }
0x34: {  	[smem:$0x3FA7] =	sst s10  }
0x35: {  	s10 =	sld [smem:$0x3FA6];
	_ =	sdelay $0x3  }
0x36: {  	p1 =	seq.s32 s10, $0x1;
	s10 =	sld [smem:$0x3FA7];
	_ =	sdelay $0x3  }
0x37: {  	[smem:$0x3FA7] =	sst s10  }
0x38: {  	s10 =	sld [smem:$0x3FA8]  }
0x39: {  	_ = 	snop;
	(pc) =	sbr.ind lr, $3  }
0x3a: {  	_ = 	snop  }
0x3b: {  	_ = 	snop  }
0x3c: {  	p2 =	seq.s32 s10, $0x1;
	s10 =	sld [smem:$0x3FA7]  }
0x3d: {  	_ =	shalt  }
0x3e: {  	_ =	shalt  }
0x3f: {  	_ =	shalt  }
0x40: {  	_ =	shalt  }
0x41: {  	_ =	shalt  }
0x42: {  	_ =	shalt  }
0x43: {  	_ =	shalt  }
0x44: {  	_ =	shalt  }
0x45: {  	_ =	shalt  }
0x46: {  	_ =	shalt  }
0x47: {  	_ =	shalt  }
0x48: {  	_ =	shalt  }
0x49: {  	_ =	shalt  }
0x4a: {  	_ =	shalt  }
0x4b: {  	_ =	shalt  }
0x4c: {  	_ =	shalt  }
0x4d: {  	_ =	shalt  }
0x4e: {  	_ =	shalt  }
0x4f: {  	_ =	shalt  }
0x50: {  	_ =	shalt  }
0x51: {  	_ =	shalt  }
0x52: {  	_ =	shalt  }
0x53: {  	_ =	shalt  }
0x54: {  	_ =	shalt  }
0x55: {  	_ =	shalt  }
0x56: {  	_ =	shalt  }
0x57: {  	_ =	shalt  }
0x58: {  	_ =	shalt  }
0x59: {  	_ =	shalt  }
0x5a: {  	_ =	shalt  }
0x5b: {  	_ =	shalt  }
0x5c: {  	_ =	shalt  }
0x5d: {  	_ =	shalt  }
0x5e: {  	_ =	shalt  }
0x5f: {  	_ =	shalt  }
0x60: {  	_ =	shalt  }
0x61: {  	_ =	shalt  }
0x62: {  	_ =	shalt  }
0x63: {  	_ =	shalt  }
0x64: {  	_ =	shalt  }
0x65: {  	_ =	shalt  }
0x66: {  	_ =	shalt  }
0x67: {  	_ =	shalt  }
0x68: {  	_ =	shalt  }
0x69: {  	_ =	shalt  }
0x6a: {  	_ =	shalt  }
0x6b: {  	_ =	shalt  }
0x6c: {  	_ =	shalt  }
0x6d: {  	_ =	shalt  }
0x6e: {  	_ =	shalt  }
0x6f: {  	_ =	shalt  }
0x70: {  	_ =	shalt  }
0x71: {  	_ =	shalt  }
0x72: {  	_ =	shalt  }
0x73: {  	_ =	shalt  }
0x74: {  	_ =	shalt  }
0x75: {  	_ =	shalt  }
0x76: {  	_ =	shalt  }
0x77: {  	_ =	shalt  }
0x78: {  	_ =	shalt  }
0x79: {  	_ =	shalt  }
0x7a: {  	_ =	shalt  }
0x7b: {  	_ =	shalt  }
0x7c: {  	_ =	shalt  }
0x7d: {  	_ =	shalt  }
0x7e: {  	_ =	shalt  }
0x7f: {  	_ =	shalt  }
0x80: {  	_ =	shalt  }
0x81: {  	_ =	shalt  }
0x82: {  	_ =	shalt  }
0x83: {  	_ =	shalt  }
0x84: {  	_ =	shalt  }
0x85: {  	_ =	shalt  }
0x86: {  	_ =	shalt  }
0x87: {  	_ =	shalt  }
.Lfunc_end0:
.L_simem_size_0:
called_computation_lowered:
.L_overlay_start_0:
0x88: {  	s2 =	sld [smem:$0x3FD9]  }
0x89: {  	s3 =	sld [smem:$0x3FFE];
	_ =	sdelay $0x1  }
0x8a: {  	s1 =	srdreg.scid  }
0x8b: {  	s0 =	sand.u32 $0x1, s1  }
0x8c: {  	s17 =	sshll.u32 s0, $0xA;
	s2 =	sadd.s32 s3, s2  }
0x8d: {  	s2 =	sadd.s32 s2, s17  }
0x8e: {  	[smem:$0x3FB3] =	sst s2  }
0x8f: {  	_ = 	snop  }
0x90: {  	s2 =	sld [smem:$0x3FC8];
	(tm) =	ssettm $0x1  }
0x91: {  	s18 =	sld [smem:$0x3FFB];
	_ =	sdelay $0x3  }
0x92: {  	_ =	strace s18  }
0x93: {  	s3 =	sld [smem:$0x3FFC];
	_ =	sdelay $0x3  }
0x94: {  	_ =	strace s3  }
0x95: {  	s3 =	sld [smem:$0x3FFD];
	_ =	sdelay $0x3  }
0x96: {  	_ =	strace s3  }
0x97: {  	_ =	strace $0x8FFFFFFF  }
0x98: {  	s19 =	sld [smem:$0x3FDB];
	_ =	sdelay $0x1  }
0x99: {  	s4 =	simm.s32 $_scs_section_size  }
0x9a: {  	s5 =	simm.s32 $_size__tile_overlayer_lowered;
	s6 =	simm.s32 $_tile_overlayer_lowered  }
0x9b: {  	s22 =	simm.s32 $0x1BFF;
	s21 =	sshll.u32 s6, $0x1;
	s3 =	sadd.s32 s4, s19  }
0x9c: {  	s7 =	simm.s32 $0x0;
	s20 =	sshll.u32 s5, $0x1;
	s5 =	sadd.s32 s21, s3  }
0x9d: {  	[timem:s7], [sflag:s22] =	dma.local [hbm:s5], s20  }
0x9e: {  	_ =	swait.ge [sflag:s22], s20  }
0x9f: {  	s4 =	ssub.s32 $0x0, s20;
	[sflag:s22] =	ssyncset.done $0x0  }
0xa0: {  	[sflag:s22] =	ssyncadd.s32 s4;
	_ =	sdelay $0x1  }
0xa1: {  	s23 =	simm.s32 $0x1B8B  }
0xa2: {  	_ =	swait.ge [sflag:s23], $0x1  }
0xa3: {  	[sflag:s23] =	ssyncset.done $0x0  }
0xa4: {  	s25 =	simm.s32 $0x1B8E;
	s24 =	sld [smem:$0x3FFE];
	[sflag:s23] =	ssyncadd.s32 $0xFFFFFFFF  }
0xa5: {  	s26 =	simm.s32 $execute0_lowered;
	[smem:$0x3FD2] =	sst s25  }
0xa6: {  	s5 =	sshll.u32 s26, $0x1;
	_ =	strace $0x80000046;
	[dreg:$0x1] =	wrdreg $0xFFFFFFFF  }
0xa7: {  	s28 =	simm.s32 $_size_execute0_lowered;
	s3 =	sadd.s32 s3, s5;
	[dreg:$0x0] =	wrdreg $0x0  }
0xa8: {  	s5 =	sshll.u32 s28, $0x1;
	[dreg:$0x2] =	wrdreg s3  }
0xa9: {  	[dreg:$0x3] =	wrdreg s5  }
0xaa: {  	[dreg:$0x4] =	wrdreg $0xC0  }
0xab: {  	_ =	task [dreg:s7], $0x5FFFF  }
0xac: {  	[dreg:$0x1] =	wrdreg $0xFFFFFFFF  }
0xad: {  	[dreg:$0x0] =	wrdreg $0x60  }
0xae: {  	[dreg:$0x2] =	wrdreg s2  }
0xaf: {  	[dreg:$0x3] =	wrdreg s24  }
0xb0: {  	[dreg:$0x4] =	wrdreg $0x34000  }
0xb1: {  	[dreg:$0x5] =	wrdreg $0x9  }
0xb2: {  	_ =	task.clear_ibuf [dreg:s7], $0x6FFFF;
	_ =	strace $0x90000046  }
0xb3: {  	s29 =	simm.s32 $0x9;
	_ =	strace $0x80000048  }
0xb4: {  	_ =	swait.ge [sflag:s29], $0x1  }
0xb5: {  	[sflag:s29] =	ssyncadd.s32 $0xFFFFFFFF  }
0xb6: {  	_ =	strace $0x90000048  }
0xb7: {  	_ =	sfence  }
0xb8: {  	s30 =	sld [smem:$0x0];
	_ =	sdelay $0x2  }
0xb9: {  	s31 =	sshll.u32 s1, $0xD;
	s1 =	sshrl.u32 s1, $0x2  }
0xba: {  	s3 =	sand.u32 $0x4000, s31;
	s1 =	sadd.s32 s1, s30  }
0xbb: {  	s0 =	sor.u32 s3, s0;
	s1 =	sshll.u32 s1, $0x11  }
0xbc: {  	s0 =	sor.u32 s1, s0  }
0xbd: {  	s0 =	sadd.s32 $0x8F2B, s0  }
0xbe: {  	[sflag:s0] =	ssyncadd.remote.s32 $0x1  }
0xbf: {  	_ =	sfence.sel $0xFFFF  }
0xc0: {  	[dreg:$0x0] =	wrdreg $0xFFFFFFFF;
	(pc) =	sbr.abs _section_cstart, $3  }
0xc1: {  	[dreg:$0x1] =	wrdreg $0xFFFFFFFF  }
0xc2: {  	_ =	task.clear_ibuf [dreg:s7], $0x2FFFF;
	_ =	strace $0x9FFFFFFF  }
0xc3: {  	(tm) =	ssettm $0x7FFFFFFF  }
tec
execute0_lowered:
.L_overlay_start_1:
0x0: {  	(tag) =	ssettag $0x1  }
0x1: {  	s7 =	rddreg [dreg:$0x0]  }
0x2: {  	s4 =	rddreg [dreg:$0x1]  }
0x3: {  	s2 =	rddreg [dreg:$0x2];
	s1 =	stileid.u32  }
0x4: {  	s0 =	rddreg [dreg:$0x3];
	s3 =	simm.s32 $0x0;
	s5 =	srdreg.scid  }
0x5: {  	s13 =	simm.s32 $0x580;
	s14 =	simm.s32 $0x1;
	s15 =	simm.s32 $0x80  }
0x6: {  	s16 =	simm.s32 $0x100;
	s17 =	simm.s32 $0x180;
	s9 =	smul.u32 $0x17C0, s1  }
0x7: {  	[smem:$0x7FF] =	sst s3;
	s8 =	sand.u32 $0x1, s5;
	s29 =	smul.u32 $0x5980, s1  }
0x8: {  	p1 =	sne.s32 s1, $0xF;
	s10 =	smul.u32 $0x60, s1;
	s31 =	sshll.u32 s1, $0x6  }
0x9: {  	_ =	strace $0x80000047;
	s28 =	ssub.s32 $0x2, s8;
	p0 =	seq.s32 s8, $0x0  }
0xa: {  	p2 =	seq.s32 s8, $0x1;
	s8 =	sadd.s32 s7, s31;
	s6 =	sshrl.u32 s9, $0x3  }
0xb: {  	s30 =	sshrl.u32 s28, $0x1;
	s5 =	sshrl.u32 s29, $0x2;
	p0 =	por !p1, !p0  }
.Ltmp0:
0xc: {  	p1 =	por !p1, !p2;
	s9 =	sadd.s32 s9, s2;
	(pc) =	sbr.rel .LBB2_1-.Ltmp0, $4  }
0xd: {  	s11 =	sadd.s32 s6, s4;
	s12 =	ssub.s32 s28, s30;
	s4 =	sadd.s32 s5, s2  }
0xe: {  	p0 =	por !p0, !p0;
	s5 =	sadd.s32 s7, s10;
	p1 =	por !p1, !p1  }
0xf: {  	s7 =	sadd.s32 $0x5A0, s8;
	s8 =	sadd.s32 $0x5B0, s8;
	s6 =	sadd.s32 $0x10, s5  }
0x10: {  	v0 =	vimm.f32 $0.0e+00;
	v1 =	vimm.f32 $1.000000000e+00;
	s10 =	sadd.s32 $0x3000, s11;
	s11 =	sadd.s32 $0x5E00, s11;
	s12 =	smax.u32 s12, $0x1  }
.LBB2_5:
0x11: {  	[bflag:$0x0] =	sbarrier.arrive $0xFFFF  }
0x12: {  	s18 =	simm.s32 @p0 $0x80;
	s19 =	simm.s32 @p0 $0x300;
	s20 =	simm.s32 @p0 $0x500  }
0x13: {  	[spmem:s2] =	stream.indirect.scatter.add.f32 @p0 [tilespmem:s20], [sflag:$0x1], $0x1, s19, s18, $0xb8;
	[tilespmem:$0x4A60] =	vst v63  }
0x14: {  	s19 =	simm.s32 @p0 $0x1  }
0x15: {  	_ =	swait.ge @p0 [sflag:s19], $0x80  }
0x16: {  	[sflag:s19] =	ssyncset.done @p0 $0x0  }
0x17: {  	s21 =	simm.s32 @p0 $0x380;
	[sflag:s19] =	ssyncadd.s32 @p0 $0xFFFFFF80  }
0x18: {  	[spmem:s2] =	stream.indirect.scatter.add.f32 @p0 [tilespmem:s20], [sflag:$0x1], $0x1, s21, s18, $0xb8;
	[tilespmem:$0x4A60] =	vst v63  }
0x19: {  	_ =	swait.ge @p0 [sflag:s19], $0x80  }
0x1a: {  	[sflag:s19] =	ssyncset.done @p0 $0x0  }
0x1b: {  	s21 =	simm.s32 @p0 $0x400;
	[sflag:s19] =	ssyncadd.s32 @p0 $0xFFFFFF80  }
0x1c: {  	[spmem:s2] =	stream.indirect.scatter.add.f32 @p0 [tilespmem:s20], [sflag:$0x1], $0x1, s21, s18, $0xb8;
	[tilespmem:$0x4A60] =	vst v63  }
0x1d: {  	_ =	swait.ge @p0 [sflag:s19], $0x80  }
0x1e: {  	s18 =	simm.s32 @p1 $0x80;
	[sflag:s19] =	ssyncset.done @p0 $0x0  }
0x1f: {  	s20 =	simm.s32 @p1 $0x300;
	s21 =	simm.s32 @p1 $0x500;
	[sflag:s19] =	ssyncadd.s32 @p0 $0xFFFFFF80  }
0x20: {  	[spmem:s2] =	stream.indirect.scatter.add.f32 @p1 [tilespmem:s21], [sflag:$0x1], $0x1, s20, s18, $0xb8;
	[tilespmem:$0x4A60] =	vst v63  }
0x21: {  	s20 =	simm.s32 @p1 $0x1  }
0x22: {  	_ =	swait.ge @p1 [sflag:s20], $0x80  }
0x23: {  	[sflag:s20] =	ssyncset.done @p1 $0x0  }
0x24: {  	s22 =	simm.s32 @p1 $0x380;
	[sflag:s20] =	ssyncadd.s32 @p1 $0xFFFFFF80  }
0x25: {  	[spmem:s2] =	stream.indirect.scatter.add.f32 @p1 [tilespmem:s21], [sflag:$0x1], $0x1, s22, s18, $0xb8;
	[tilespmem:$0x4A60] =	vst v63  }
0x26: {  	_ =	swait.ge @p1 [sflag:s20], $0x80  }
0x27: {  	[sflag:s20] =	ssyncset.done @p1 $0x0  }
0x28: {  	[sflag:s20] =	ssyncadd.s32 @p1 $0xFFFFFF80  }
0x29: {  	s18 =	simm.s32 @p0 $0x1C00;
	[bflag:$0x0] =	sbarrier.arrive $0xFFFF  }
0x2a: {  	[tilespmem:s18], [sflag:$0x1] =	stream.linear.gather @p0 [spmem:s9], $0x17C0, $0x38;
	[tilespmem:$0x4A60] =	vst v63  }
0x2b: {  	_ =	swait.ge @p0 [sflag:s19], $0x17C0  }
0x2c: {  	[sflag:s19] =	ssyncset.done @p0 $0x0  }
0x2d: {  	s21 =	simm.s32 @p0 $0x0;
	[sflag:s19] =	ssyncadd.s32 @p0 $0xFFFFE840  }
0x2e: {  	[hbm4b:s10+s21] =	stream.linear.scatter @p0 [tilespmem:s18], [sflag:$0x1], $0x17C0, $0x38;
	[tilespmem:$0x4A60] =	vst v63  }
0x2f: {  	_ =	swait.ge @p0 [sflag:s19], $0x17C0  }
0x30: {  	[sflag:s19] =	ssyncset.done @p0 $0x0  }
0x31: {  	s18 =	simm.s32 @p1 $0x1C00;
	[sflag:s19] =	ssyncadd.s32 @p0 $0xFFFFE840  }
0x32: {  	[tilespmem:s18], [sflag:$0x1] =	stream.linear.gather @p1 [spmem:s9], $0x17C0, $0x38;
	[tilespmem:$0x4A60] =	vst v63  }
0x33: {  	s12 =	sadd.s32 $0xFFFFFFFF, s12;
	_ =	swait.ge @p1 [sflag:s20], $0x17C0  }
0x34: {  	p2 =	sne.s32 s12, $0x0;
	[sflag:s20] =	ssyncset.done @p1 $0x0  }
.Ltmp1:
0x35: {  	s19 =	simm.s32 @p1 $0x0;
	[sflag:s20] =	ssyncadd.s32 @p1 $0xFFFFE840;
	(pc) =	sbr.rel @!p2 .LBB2_6-.Ltmp1, $4  }
0x36: {  	[hbm4b:s11+s19] =	stream.linear.scatter @p1 [tilespmem:s18], [sflag:$0x1], $0x17C0, $0x38;
	[tilespmem:$0x4A60] =	vst v63  }
0x37: {  	_ =	swait.ge @p1 [sflag:s20], $0x17C0  }
0x38: {  	[sflag:s20] =	ssyncset.done @p1 $0x0  }
0x39: {  	[sflag:s20] =	ssyncadd.s32 @p1 $0xFFFFE840  }
.LBB2_1:
0x3a: {  	[tilespmem:$0x580] =	vst v0  }
0x3b: {  	[tilespmem:$0x590] =	vst v0  }
0x3c: {  	[tilespmem:$0x5A0] =	vst v0  }
0x3d: {  	[tilespmem:$0x5B0] =	vst v0  }
0x3e: {  	[tilespmem:$0x5C0] =	vst v0  }
0x3f: {  	[tilespmem:$0x5D0] =	vst v0  }
0x40: {  	[tilespmem:$0x5E0] =	vst v0  }
0x41: {  	[tilespmem:$0x5F0] =	vst v0  }
0x42: {  	[tilespmem:$0x600] =	vst v0  }
0x43: {  	[tilespmem:$0x610] =	vst v0  }
0x44: {  	[tilespmem:$0x620] =	vst v0  }
0x45: {  	[tilespmem:$0x630] =	vst v0  }
0x46: {  	[tilespmem:$0x640] =	vst v0  }
0x47: {  	[tilespmem:$0x650] =	vst v0  }
0x48: {  	[tilespmem:$0x660] =	vst v0  }
0x49: {  	[tilespmem:$0x670] =	vst v0  }
0x4a: {  	[tilespmem:$0x680] =	vst v0  }
0x4b: {  	[tilespmem:$0x690] =	vst v0  }
0x4c: {  	[tilespmem:$0x6A0] =	vst v0  }
0x4d: {  	[tilespmem:$0x6B0] =	vst v0  }
0x4e: {  	[tilespmem:$0x6C0] =	vst v0  }
0x4f: {  	[tilespmem:$0x6D0] =	vst v0  }
0x50: {  	[tilespmem:$0x6E0] =	vst v0  }
0x51: {  	[tilespmem:$0x6F0] =	vst v0  }
0x52: {  	[tilespmem:$0x700] =	vst v0  }
0x53: {  	[tilespmem:$0x710] =	vst v0  }
0x54: {  	[tilespmem:$0x720] =	vst v0  }
0x55: {  	[tilespmem:$0x730] =	vst v0  }
0x56: {  	[tilespmem:$0x740] =	vst v0  }
0x57: {  	[tilespmem:$0x750] =	vst v0  }
0x58: {  	[tilespmem:$0x760] =	vst v0  }
0x59: {  	[tilespmem:$0x770] =	vst v0  }
0x5a: {  	[tilespmem:$0x780] =	vst v0  }
0x5b: {  	[tilespmem:$0x790] =	vst v0  }
0x5c: {  	[tilespmem:$0x7A0] =	vst v0  }
0x5d: {  	[tilespmem:$0x7B0] =	vst v0  }
0x5e: {  	[tilespmem:$0x7C0] =	vst v0  }
0x5f: {  	[tilespmem:$0x7D0] =	vst v0  }
0x60: {  	[tilespmem:$0x7E0] =	vst v0  }
0x61: {  	[tilespmem:$0x7F0] =	vst v0  }
0x62: {  	[tilespmem:$0x800] =	vst v0  }
0x63: {  	[tilespmem:$0x810] =	vst v0  }
0x64: {  	[tilespmem:$0x820] =	vst v0  }
0x65: {  	[tilespmem:$0x830] =	vst v0  }
0x66: {  	[tilespmem:$0x840] =	vst v0  }
0x67: {  	[tilespmem:$0x850] =	vst v0  }
0x68: {  	[tilespmem:$0x860] =	vst v0  }
0x69: {  	[tilespmem:$0x870] =	vst v0  }
0x6a: {  	[tilespmem:$0x880] =	vst v0  }
0x6b: {  	[tilespmem:$0x890] =	vst v0  }
0x6c: {  	[tilespmem:$0x8A0] =	vst v0  }
0x6d: {  	[tilespmem:$0x8B0] =	vst v0  }
0x6e: {  	[tilespmem:$0x8C0] =	vst v0  }
0x6f: {  	[tilespmem:$0x8D0] =	vst v0  }
0x70: {  	[tilespmem:$0x8E0] =	vst v0  }
0x71: {  	[tilespmem:$0x8F0] =	vst v0  }
0x72: {  	[tilespmem:$0x900] =	vst v0  }
0x73: {  	[tilespmem:$0x910] =	vst v0  }
0x74: {  	[tilespmem:$0x920] =	vst v0  }
0x75: {  	[tilespmem:$0x930] =	vst v0  }
0x76: {  	[tilespmem:$0x940] =	vst v0  }
0x77: {  	[tilespmem:$0x950] =	vst v0  }
0x78: {  	[tilespmem:$0x960] =	vst v0  }
0x79: {  	[tilespmem:$0x970] =	vst v0  }
0x7a: {  	[tilespmem:$0x980] =	vst v0  }
0x7b: {  	[tilespmem:$0x990] =	vst v0  }
0x7c: {  	[tilespmem:$0x9A0] =	vst v0  }
0x7d: {  	[tilespmem:$0x9B0] =	vst v0  }
0x7e: {  	[tilespmem:$0x9C0] =	vst v0  }
0x7f: {  	[tilespmem:$0x9D0] =	vst v0  }
0x80: {  	[tilespmem:$0x9E0] =	vst v0  }
0x81: {  	[tilespmem:$0x9F0] =	vst v0  }
0x82: {  	[tilespmem:$0xA00] =	vst v0  }
0x83: {  	[tilespmem:$0xA10] =	vst v0  }
0x84: {  	[tilespmem:$0xA20] =	vst v0  }
0x85: {  	[tilespmem:$0xA30] =	vst v0  }
0x86: {  	[tilespmem:$0xA40] =	vst v0  }
0x87: {  	[tilespmem:$0xA50] =	vst v0  }
0x88: {  	[tilespmem:$0xA60] =	vst v0  }
0x89: {  	[tilespmem:$0xA70] =	vst v0  }
0x8a: {  	[tilespmem:$0xA80] =	vst v0  }
0x8b: {  	[tilespmem:$0xA90] =	vst v0  }
0x8c: {  	[tilespmem:$0xAA0] =	vst v0  }
0x8d: {  	[tilespmem:$0xAB0] =	vst v0  }
0x8e: {  	[tilespmem:$0xAC0] =	vst v0  }
0x8f: {  	[tilespmem:$0xAD0] =	vst v0  }
0x90: {  	[tilespmem:$0xAE0] =	vst v0  }
0x91: {  	[tilespmem:$0xAF0] =	vst v0  }
0x92: {  	[tilespmem:$0xB00] =	vst v0  }
0x93: {  	[tilespmem:$0xB10] =	vst v0  }
0x94: {  	[tilespmem:$0xB20] =	vst v0  }
0x95: {  	[tilespmem:$0xB30] =	vst v0  }
0x96: {  	[tilespmem:$0xB40] =	vst v0  }
0x97: {  	[tilespmem:$0xB50] =	vst v0  }
0x98: {  	[tilespmem:$0xB60] =	vst v0  }
0x99: {  	[tilespmem:$0xB70] =	vst v0  }
0x9a: {  	[tilespmem:$0xB80] =	vst v0  }
0x9b: {  	[tilespmem:$0xB90] =	vst v0  }
0x9c: {  	[tilespmem:$0xBA0] =	vst v0  }
0x9d: {  	[tilespmem:$0xBB0] =	vst v0  }
0x9e: {  	[tilespmem:$0xBC0] =	vst v0  }
0x9f: {  	[tilespmem:$0xBD0] =	vst v0  }
0xa0: {  	[tilespmem:$0xBE0] =	vst v0  }
0xa1: {  	[tilespmem:$0xBF0] =	vst v0  }
0xa2: {  	[tilespmem:$0xC00] =	vst v0  }
0xa3: {  	[tilespmem:$0xC10] =	vst v0  }
0xa4: {  	[tilespmem:$0xC20] =	vst v0  }
0xa5: {  	[tilespmem:$0xC30] =	vst v0  }
0xa6: {  	[tilespmem:$0xC40] =	vst v0  }
0xa7: {  	[tilespmem:$0xC50] =	vst v0  }
0xa8: {  	[tilespmem:$0xC60] =	vst v0  }
0xa9: {  	[tilespmem:$0xC70] =	vst v0  }
0xaa: {  	[tilespmem:$0xC80] =	vst v0  }
0xab: {  	[tilespmem:$0xC90] =	vst v0  }
0xac: {  	[tilespmem:$0xCA0] =	vst v0  }
0xad: {  	[tilespmem:$0xCB0] =	vst v0  }
0xae: {  	[tilespmem:$0xCC0] =	vst v0  }
0xaf: {  	[tilespmem:$0xCD0] =	vst v0  }
0xb0: {  	[tilespmem:$0xCE0] =	vst v0  }
0xb1: {  	[tilespmem:$0xCF0] =	vst v0  }
0xb2: {  	[tilespmem:$0xD00] =	vst v0  }
0xb3: {  	[tilespmem:$0xD10] =	vst v0  }
0xb4: {  	[tilespmem:$0xD20] =	vst v0  }
0xb5: {  	[tilespmem:$0xD30] =	vst v0  }
0xb6: {  	[tilespmem:$0xD40] =	vst v0  }
0xb7: {  	[tilespmem:$0xD50] =	vst v0  }
0xb8: {  	[tilespmem:$0xD60] =	vst v0  }
0xb9: {  	[tilespmem:$0xD70] =	vst v0  }
0xba: {  	[tilespmem:$0xD80] =	vst v0  }
0xbb: {  	[tilespmem:$0xD90] =	vst v0  }
0xbc: {  	[tilespmem:$0xDA0] =	vst v0  }
0xbd: {  	[tilespmem:$0xDB0] =	vst v0  }
0xbe: {  	[tilespmem:$0xDC0] =	vst v0  }
0xbf: {  	[tilespmem:$0xDD0] =	vst v0  }
0xc0: {  	[tilespmem:$0xDE0] =	vst v0  }
0xc1: {  	[tilespmem:$0xDF0] =	vst v0  }
0xc2: {  	[tilespmem:$0xE00] =	vst v0  }
0xc3: {  	[tilespmem:$0xE10] =	vst v0  }
0xc4: {  	[tilespmem:$0xE20] =	vst v0  }
0xc5: {  	[tilespmem:$0xE30] =	vst v0  }
0xc6: {  	[tilespmem:$0xE40] =	vst v0  }
0xc7: {  	[tilespmem:$0xE50] =	vst v0  }
0xc8: {  	[tilespmem:$0xE60] =	vst v0  }
0xc9: {  	[tilespmem:$0xE70] =	vst v0  }
0xca: {  	[tilespmem:$0xE80] =	vst v0  }
0xcb: {  	[tilespmem:$0xE90] =	vst v0  }
0xcc: {  	[tilespmem:$0xEA0] =	vst v0  }
0xcd: {  	[tilespmem:$0xEB0] =	vst v0  }
0xce: {  	[tilespmem:$0xEC0] =	vst v0  }
0xcf: {  	[tilespmem:$0xED0] =	vst v0  }
0xd0: {  	[tilespmem:$0xEE0] =	vst v0  }
0xd1: {  	[tilespmem:$0xEF0] =	vst v0  }
0xd2: {  	[tilespmem:$0xF00] =	vst v0  }
0xd3: {  	[tilespmem:$0xF10] =	vst v0  }
0xd4: {  	[tilespmem:$0xF20] =	vst v0  }
0xd5: {  	[tilespmem:$0xF30] =	vst v0  }
0xd6: {  	[tilespmem:$0xF40] =	vst v0  }
0xd7: {  	[tilespmem:$0xF50] =	vst v0  }
0xd8: {  	[tilespmem:$0xF60] =	vst v0  }
0xd9: {  	[tilespmem:$0xF70] =	vst v0  }
0xda: {  	[tilespmem:$0xF80] =	vst v0  }
0xdb: {  	[tilespmem:$0xF90] =	vst v0  }
0xdc: {  	[tilespmem:$0xFA0] =	vst v0  }
0xdd: {  	[tilespmem:$0xFB0] =	vst v0  }
0xde: {  	[tilespmem:$0xFC0] =	vst v0  }
0xdf: {  	[tilespmem:$0xFD0] =	vst v0  }
0xe0: {  	[tilespmem:$0xFE0] =	vst v0  }
0xe1: {  	[tilespmem:$0xFF0] =	vst v0  }
0xe2: {  	[tilespmem:$0x1000] =	vst v0  }
0xe3: {  	[tilespmem:$0x1010] =	vst v0  }
0xe4: {  	[tilespmem:$0x1020] =	vst v0  }
0xe5: {  	[tilespmem:$0x1030] =	vst v0  }
0xe6: {  	[tilespmem:$0x1040] =	vst v0  }
0xe7: {  	[tilespmem:$0x1050] =	vst v0  }
0xe8: {  	[tilespmem:$0x1060] =	vst v0  }
0xe9: {  	[tilespmem:$0x1070] =	vst v0  }
0xea: {  	[tilespmem:$0x1080] =	vst v0  }
0xeb: {  	[tilespmem:$0x1090] =	vst v0  }
0xec: {  	[tilespmem:$0x10A0] =	vst v0  }
0xed: {  	[tilespmem:$0x10B0] =	vst v0  }
0xee: {  	[tilespmem:$0x10C0] =	vst v0  }
0xef: {  	[tilespmem:$0x10D0] =	vst v0  }
0xf0: {  	[tilespmem:$0x10E0] =	vst v0  }
0xf1: {  	[tilespmem:$0x10F0] =	vst v0  }
0xf2: {  	[tilespmem:$0x1100] =	vst v0  }
0xf3: {  	[tilespmem:$0x1110] =	vst v0  }
0xf4: {  	[tilespmem:$0x1120] =	vst v0  }
0xf5: {  	[tilespmem:$0x1130] =	vst v0  }
0xf6: {  	[tilespmem:$0x1140] =	vst v0  }
0xf7: {  	[tilespmem:$0x1150] =	vst v0  }
0xf8: {  	[tilespmem:$0x1160] =	vst v0  }
0xf9: {  	[tilespmem:$0x1170] =	vst v0  }
0xfa: {  	[tilespmem:$0x1180] =	vst v0  }
0xfb: {  	[tilespmem:$0x1190] =	vst v0  }
0xfc: {  	[tilespmem:$0x11A0] =	vst v0  }
0xfd: {  	[tilespmem:$0x11B0] =	vst v0  }
0xfe: {  	[tilespmem:$0x11C0] =	vst v0  }
0xff: {  	[tilespmem:$0x11D0] =	vst v0  }
0x100: {  	[tilespmem:$0x11E0] =	vst v0  }
0x101: {  	[tilespmem:$0x11F0] =	vst v0  }
0x102: {  	[tilespmem:$0x1200] =	vst v0  }
0x103: {  	[tilespmem:$0x1210] =	vst v0  }
0x104: {  	[tilespmem:$0x1220] =	vst v0  }
0x105: {  	[tilespmem:$0x1230] =	vst v0  }
0x106: {  	[tilespmem:$0x1240] =	vst v0  }
0x107: {  	[tilespmem:$0x1250] =	vst v0  }
0x108: {  	[tilespmem:$0x1260] =	vst v0  }
0x109: {  	[tilespmem:$0x1270] =	vst v0  }
0x10a: {  	[tilespmem:$0x1280] =	vst v0  }
0x10b: {  	[tilespmem:$0x1290] =	vst v0  }
0x10c: {  	[tilespmem:$0x12A0] =	vst v0  }
0x10d: {  	[tilespmem:$0x12B0] =	vst v0  }
0x10e: {  	[tilespmem:$0x12C0] =	vst v0  }
0x10f: {  	[tilespmem:$0x12D0] =	vst v0  }
0x110: {  	[tilespmem:$0x12E0] =	vst v0  }
0x111: {  	[tilespmem:$0x12F0] =	vst v0  }
0x112: {  	[tilespmem:$0x1300] =	vst v0  }
0x113: {  	[tilespmem:$0x1310] =	vst v0  }
0x114: {  	[tilespmem:$0x1320] =	vst v0  }
0x115: {  	[tilespmem:$0x1330] =	vst v0  }
0x116: {  	[tilespmem:$0x1340] =	vst v0  }
0x117: {  	[tilespmem:$0x1350] =	vst v0  }
0x118: {  	[tilespmem:$0x1360] =	vst v0  }
0x119: {  	[tilespmem:$0x1370] =	vst v0  }
0x11a: {  	[tilespmem:$0x1380] =	vst v0  }
0x11b: {  	[tilespmem:$0x1390] =	vst v0  }
0x11c: {  	[tilespmem:$0x13A0] =	vst v0  }
0x11d: {  	[tilespmem:$0x13B0] =	vst v0  }
0x11e: {  	[tilespmem:$0x13C0] =	vst v0  }
0x11f: {  	[tilespmem:$0x13D0] =	vst v0  }
0x120: {  	[tilespmem:$0x13E0] =	vst v0  }
0x121: {  	[tilespmem:$0x13F0] =	vst v0  }
0x122: {  	[tilespmem:$0x1400] =	vst v0  }
0x123: {  	[tilespmem:$0x1410] =	vst v0  }
0x124: {  	[tilespmem:$0x1420] =	vst v0  }
0x125: {  	[tilespmem:$0x1430] =	vst v0  }
0x126: {  	[tilespmem:$0x1440] =	vst v0  }
0x127: {  	[tilespmem:$0x1450] =	vst v0  }
0x128: {  	[tilespmem:$0x1460] =	vst v0  }
0x129: {  	[tilespmem:$0x1470] =	vst v0  }
0x12a: {  	[tilespmem:$0x1480] =	vst v0  }
0x12b: {  	[tilespmem:$0x1490] =	vst v0  }
0x12c: {  	[tilespmem:$0x14A0] =	vst v0  }
0x12d: {  	[tilespmem:$0x14B0] =	vst v0  }
0x12e: {  	[tilespmem:$0x14C0] =	vst v0  }
0x12f: {  	[tilespmem:$0x14D0] =	vst v0  }
0x130: {  	[tilespmem:$0x14E0] =	vst v0  }
0x131: {  	[tilespmem:$0x14F0] =	vst v0  }
0x132: {  	[tilespmem:$0x1500] =	vst v0  }
0x133: {  	[tilespmem:$0x1510] =	vst v0  }
0x134: {  	[tilespmem:$0x1520] =	vst v0  }
0x135: {  	[tilespmem:$0x1530] =	vst v0  }
0x136: {  	[tilespmem:$0x1540] =	vst v0  }
0x137: {  	[tilespmem:$0x1550] =	vst v0  }
0x138: {  	[tilespmem:$0x1560] =	vst v0  }
0x139: {  	[tilespmem:$0x1570] =	vst v0  }
0x13a: {  	[tilespmem:$0x1580] =	vst v0  }
0x13b: {  	[tilespmem:$0x1590] =	vst v0  }
0x13c: {  	[tilespmem:$0x15A0] =	vst v0  }
0x13d: {  	[tilespmem:$0x15B0] =	vst v0  }
0x13e: {  	[tilespmem:$0x15C0] =	vst v0  }
0x13f: {  	[tilespmem:$0x15D0] =	vst v0  }
0x140: {  	[tilespmem:$0x15E0] =	vst v0  }
0x141: {  	[tilespmem:$0x15F0] =	vst v0  }
0x142: {  	[tilespmem:$0x1600] =	vst v0  }
0x143: {  	[tilespmem:$0x1610] =	vst v0  }
0x144: {  	[tilespmem:$0x1620] =	vst v0  }
0x145: {  	[tilespmem:$0x1630] =	vst v0  }
0x146: {  	[tilespmem:$0x1640] =	vst v0  }
0x147: {  	[tilespmem:$0x1650] =	vst v0  }
0x148: {  	[tilespmem:$0x1660] =	vst v0  }
0x149: {  	[tilespmem:$0x1670] =	vst v0  }
0x14a: {  	[tilespmem:$0x1680] =	vst v0  }
0x14b: {  	[tilespmem:$0x1690] =	vst v0  }
0x14c: {  	[tilespmem:$0x16A0] =	vst v0  }
0x14d: {  	[tilespmem:$0x16B0] =	vst v0  }
0x14e: {  	[tilespmem:$0x16C0] =	vst v0  }
0x14f: {  	[tilespmem:$0x16D0] =	vst v0  }
0x150: {  	[tilespmem:$0x16E0] =	vst v0  }
0x151: {  	[tilespmem:$0x16F0] =	vst v0  }
0x152: {  	[tilespmem:$0x1700] =	vst v0  }
0x153: {  	[tilespmem:$0x1710] =	vst v0  }
0x154: {  	[tilespmem:$0x1720] =	vst v0  }
0x155: {  	[tilespmem:$0x1730] =	vst v0  }
0x156: {  	[tilespmem:$0x1740] =	vst v0  }
0x157: {  	[tilespmem:$0x1750] =	vst v0  }
0x158: {  	[tilespmem:$0x1760] =	vst v0  }
0x159: {  	[tilespmem:$0x1770] =	vst v0  }
0x15a: {  	[tilespmem:$0x1780] =	vst v0  }
0x15b: {  	[tilespmem:$0x1790] =	vst v0  }
0x15c: {  	[tilespmem:$0x17A0] =	vst v0  }
0x15d: {  	[tilespmem:$0x17B0] =	vst v0  }
0x15e: {  	[tilespmem:$0x17C0] =	vst v0  }
0x15f: {  	[tilespmem:$0x17D0] =	vst v0  }
0x160: {  	[tilespmem:$0x17E0] =	vst v0  }
0x161: {  	[tilespmem:$0x17F0] =	vst v0  }
0x162: {  	[tilespmem:$0x1800] =	vst v0  }
0x163: {  	[tilespmem:$0x1810] =	vst v0  }
0x164: {  	[tilespmem:$0x1820] =	vst v0  }
0x165: {  	[tilespmem:$0x1830] =	vst v0  }
0x166: {  	[tilespmem:$0x1840] =	vst v0  }
0x167: {  	[tilespmem:$0x1850] =	vst v0  }
0x168: {  	[tilespmem:$0x1860] =	vst v0  }
0x169: {  	[tilespmem:$0x1870] =	vst v0  }
0x16a: {  	[tilespmem:$0x1880] =	vst v0  }
0x16b: {  	[tilespmem:$0x1890] =	vst v0  }
0x16c: {  	[tilespmem:$0x18A0] =	vst v0  }
0x16d: {  	[tilespmem:$0x18B0] =	vst v0  }
0x16e: {  	[tilespmem:$0x18C0] =	vst v0  }
0x16f: {  	[tilespmem:$0x18D0] =	vst v0  }
0x170: {  	[tilespmem:$0x18E0] =	vst v0  }
0x171: {  	[tilespmem:$0x18F0] =	vst v0  }
0x172: {  	[tilespmem:$0x1900] =	vst v0  }
0x173: {  	[tilespmem:$0x1910] =	vst v0  }
0x174: {  	[tilespmem:$0x1920] =	vst v0  }
0x175: {  	[tilespmem:$0x1930] =	vst v0  }
0x176: {  	[tilespmem:$0x1940] =	vst v0  }
0x177: {  	[tilespmem:$0x1950] =	vst v0  }
0x178: {  	[tilespmem:$0x1960] =	vst v0  }
0x179: {  	[tilespmem:$0x1970] =	vst v0  }
0x17a: {  	[tilespmem:$0x1980] =	vst v0  }
0x17b: {  	[tilespmem:$0x1990] =	vst v0  }
0x17c: {  	[tilespmem:$0x19A0] =	vst v0  }
0x17d: {  	[tilespmem:$0x19B0] =	vst v0  }
0x17e: {  	[tilespmem:$0x19C0] =	vst v0  }
0x17f: {  	[tilespmem:$0x19D0] =	vst v0  }
0x180: {  	[tilespmem:$0x19E0] =	vst v0  }
0x181: {  	[tilespmem:$0x19F0] =	vst v0  }
0x182: {  	[tilespmem:$0x1A00] =	vst v0  }
0x183: {  	[tilespmem:$0x1A10] =	vst v0  }
0x184: {  	[tilespmem:$0x1A20] =	vst v0  }
0x185: {  	[tilespmem:$0x1A30] =	vst v0  }
0x186: {  	[tilespmem:$0x1A40] =	vst v0  }
0x187: {  	[tilespmem:$0x1A50] =	vst v0  }
0x188: {  	[tilespmem:$0x1A60] =	vst v0  }
0x189: {  	[tilespmem:$0x1A70] =	vst v0  }
0x18a: {  	[tilespmem:$0x1A80] =	vst v0  }
0x18b: {  	[tilespmem:$0x1A90] =	vst v0  }
0x18c: {  	[tilespmem:$0x1AA0] =	vst v0  }
0x18d: {  	[tilespmem:$0x1AB0] =	vst v0  }
0x18e: {  	[tilespmem:$0x1AC0] =	vst v0  }
0x18f: {  	[tilespmem:$0x1AD0] =	vst v0  }
0x190: {  	[tilespmem:$0x1AE0] =	vst v0  }
0x191: {  	[tilespmem:$0x1AF0] =	vst v0  }
0x192: {  	[tilespmem:$0x1B00] =	vst v0  }
0x193: {  	[tilespmem:$0x1B10] =	vst v0  }
0x194: {  	[tilespmem:$0x1B20] =	vst v0  }
0x195: {  	[tilespmem:$0x1B30] =	vst v0  }
0x196: {  	[tilespmem:$0x1B40] =	vst v0  }
0x197: {  	[tilespmem:$0x1B50] =	vst v0  }
0x198: {  	[tilespmem:$0x1B60] =	vst v0  }
0x199: {  	[tilespmem:$0x1B70] =	vst v0  }
0x19a: {  	[tilespmem:$0x1B80] =	vst v0  }
0x19b: {  	[tilespmem:$0x1B90] =	vst v0  }
0x19c: {  	[tilespmem:$0x1BA0] =	vst v0  }
0x19d: {  	[tilespmem:$0x1BB0] =	vst v0  }
0x19e: {  	[tilespmem:$0x1BC0] =	vst v0  }
0x19f: {  	[tilespmem:$0x1BD0] =	vst v0  }
0x1a0: {  	[spmem:s4] =	stream.linear.scatter [tilespmem:s13], [sflag:$0x1], $0x1660, $0x38;
	[tilespmem:$0x4A60] =	vst v63  }
0x1a1: {  	_ =	swait.ge [sflag:s14], $0x1660  }
0x1a2: {  	[sflag:s14] =	ssyncset.done $0x0  }
0x1a3: {  	[sflag:s14] =	ssyncadd.s32 $0xFFFFE9A0  }
0x1a4: {  	[tilespmem:$0x500] =	vst v1  }
0x1a5: {  	[tilespmem:$0x510] =	vst v1  }
0x1a6: {  	[tilespmem:$0x520] =	vst v1  }
.Ltmp2:
0x1a7: {  	[tilespmem:$0x530] =	vst v1;
	(pc) =	sbr.rel @!p0 .LBB2_3-.Ltmp2, $4  }
0x1a8: {  	[tilespmem:$0x540] =	vst v1  }
0x1a9: {  	[tilespmem:$0x550] =	vst v1  }
0x1aa: {  	[tilespmem:$0x560] =	vst v1  }
0x1ab: {  	[tilespmem:$0x570] =	vst v1  }
0x1ac: {  	[tilespmem:s3], [sflag:$0x1] =	stream.strided.gather [hbm4b:s5+s15], $0x180, s16, s15, $0x38;
	[tilespmem:$0x4A60] =	vst v63  }
0x1ad: {  	_ =	swait.ge [sflag:s14], $0x180  }
0x1ae: {  	[sflag:s14] =	ssyncset.done $0x0  }
0x1af: {  	[sflag:s14] =	ssyncadd.s32 $0xFFFFFE80  }
0x1b0: {  	[tilespmem:s17], [sflag:$0x1] =	stream.strided.gather [hbm4b:s6+s15], $0x180, s16, s15, $0x38;
	[tilespmem:$0x4A60] =	vst v63  }
0x1b1: {  	_ =	swait.ge [sflag:s14], $0x180  }
0x1b2: {  	[sflag:s14] =	ssyncset.done $0x0  }
0x1b3: {  	[sflag:s14] =	ssyncadd.s32 $0xFFFFFE80  }
0x1b4: {  	v2 =	vld [tilespmem:$0x0]  }
0x1b5: {  	v3 =	vld [tilespmem:$0x180]  }
0x1b6: {  	v4 =	vld [tilespmem:$0x10]  }
0x1b7: {  	v5 =	vld [tilespmem:$0x190]  }
0x1b8: {  	v6 =	vld [tilespmem:$0x20]  }
0x1b9: {  	v7 =	vld [tilespmem:$0x1A0]  }
0x1ba: {  	v8 =	vld [tilespmem:$0x30]  }
0x1bb: {  	v9 =	vld [tilespmem:$0x1B0]  }
0x1bc: {  	v10 =	vld [tilespmem:$0x40]  }
0x1bd: {  	v11 =	vld [tilespmem:$0x1C0]  }
0x1be: {  	v12 =	vld [tilespmem:$0x50]  }
0x1bf: {  	v13 =	vld [tilespmem:$0x1D0]  }
0x1c0: {  	v14 =	vld [tilespmem:$0x60]  }
0x1c1: {  	v15 =	vld [tilespmem:$0x1E0]  }
0x1c2: {  	v16 =	vld [tilespmem:$0x70]  }
0x1c3: {  	v17 =	vld [tilespmem:$0x1F0]  }
0x1c4: {  	v18 =	vld [tilespmem:$0x80]  }
0x1c5: {  	v19 =	vld [tilespmem:$0x200]  }
0x1c6: {  	v20 =	vld [tilespmem:$0x90]  }
0x1c7: {  	v21 =	vld [tilespmem:$0x210]  }
0x1c8: {  	v22 =	vld [tilespmem:$0xA0]  }
0x1c9: {  	v23 =	vld [tilespmem:$0x220]  }
0x1ca: {  	v24 =	vld [tilespmem:$0xB0]  }
0x1cb: {  	v25 =	vld [tilespmem:$0x230]  }
0x1cc: {  	v26 =	vld [tilespmem:$0xC0]  }
0x1cd: {  	v27 =	vld [tilespmem:$0x240]  }
0x1ce: {  	v28 =	vld [tilespmem:$0xD0]  }
0x1cf: {  	v29 =	vld [tilespmem:$0x250];
	v3 =	vmul.u32 $0x130, v3  }
0x1d0: {  	v30 =	vld [tilespmem:$0xE0];
	v5 =	vmul.u32 $0x130, v5  }
0x1d1: {  	v34 =	vld [tilespmem:$0x260];
	v2 =	vadd.s32 v2, v3;
	v3 =	vmul.u32 $0x130, v7  }
0x1d2: {  	v36 =	vld [tilespmem:$0xF0];
	v35 =	vmul.u32 $0x130, v9;
	[tilespmem:$0x300] =	vst v2;
	v2 =	vadd.s32 v4, v5  }
0x1d3: {  	v37 =	vld [tilespmem:$0x270];
	[tilespmem:$0x310] =	vst v2;
	v2 =	vadd.s32 v6, v3;
	v3 =	vmul.u32 $0x130, v11  }
0x1d4: {  	v39 =	vld [tilespmem:$0x100];
	v38 =	vmul.u32 $0x130, v13;
	[tilespmem:$0x320] =	vst v2;
	v2 =	vadd.s32 v8, v35  }
0x1d5: {  	v40 =	vld [tilespmem:$0x280];
	[tilespmem:$0x330] =	vst v2;
	v2 =	vadd.s32 v10, v3;
	v3 =	vmul.u32 $0x130, v15  }
0x1d6: {  	v42 =	vld [tilespmem:$0x110];
	v41 =	vmul.u32 $0x130, v17;
	[tilespmem:$0x340] =	vst v2;
	v2 =	vadd.s32 v12, v38  }
0x1d7: {  	v43 =	vld [tilespmem:$0x290];
	[tilespmem:$0x350] =	vst v2;
	v2 =	vadd.s32 v14, v3;
	v3 =	vmul.u32 $0x130, v19  }
0x1d8: {  	v45 =	vld [tilespmem:$0x120];
	v44 =	vmul.u32 $0x130, v21;
	[tilespmem:$0x360] =	vst v2;
	v2 =	vadd.s32 v16, v41  }
0x1d9: {  	v46 =	vld [tilespmem:$0x2A0];
	[tilespmem:$0x370] =	vst v2;
	v2 =	vadd.s32 v18, v3;
	v3 =	vmul.u32 $0x130, v23  }
0x1da: {  	v48 =	vld [tilespmem:$0x130];
	v47 =	vmul.u32 $0x130, v25;
	[tilespmem:$0x380] =	vst v2;
	v2 =	vadd.s32 v20, v44  }
0x1db: {  	v49 =	vld [tilespmem:$0x2B0];
	[tilespmem:$0x390] =	vst v2;
	v2 =	vadd.s32 v22, v3;
	v3 =	vmul.u32 $0x130, v27  }
0x1dc: {  	v51 =	vld [tilespmem:$0x140];
	v50 =	vmul.u32 $0x130, v29;
	[tilespmem:$0x3A0] =	vst v2;
	v2 =	vadd.s32 v24, v47  }
0x1dd: {  	v52 =	vld [tilespmem:$0x2C0];
	[tilespmem:$0x3B0] =	vst v2;
	v2 =	vadd.s32 v26, v3;
	v3 =	vmul.u32 $0x130, v34  }
0x1de: {  	v54 =	vld [tilespmem:$0x150];
	v53 =	vmul.u32 $0x130, v37;
	[tilespmem:$0x3C0] =	vst v2;
	v2 =	vadd.s32 v28, v50  }
0x1df: {  	v55 =	vld [tilespmem:$0x2D0];
	[tilespmem:$0x3D0] =	vst v2;
	v2 =	vadd.s32 v30, v3;
	v3 =	vmul.u32 $0x130, v40  }
0x1e0: {  	v57 =	vld [tilespmem:$0x2E0];
	v56 =	vmul.u32 $0x130, v43;
	[tilespmem:$0x3E0] =	vst v2;
	v2 =	vadd.s32 v36, v53  }
0x1e1: {  	v58 =	vld [tilespmem:$0x2F0];
	[tilespmem:$0x3F0] =	vst v2;
	v2 =	vadd.s32 v39, v3;
	v3 =	vmul.u32 $0x130, v46  }
0x1e2: {  	v60 =	vld [tilespmem:$0x160];
	v59 =	vmul.u32 $0x130, v49;
	[tilespmem:$0x400] =	vst v2;
	v2 =	vadd.s32 v42, v56  }
0x1e3: {  	v61 =	vld [tilespmem:$0x170];
	[tilespmem:$0x410] =	vst v2;
	v2 =	vadd.s32 v45, v3;
	v3 =	vmul.u32 $0x130, v52  }
0x1e4: {  	v62 =	vmul.u32 $0x130, v55;
	[tilespmem:$0x420] =	vst v2;
	v2 =	vadd.s32 v48, v59  }
0x1e5: {  	[tilespmem:$0x430] =	vst v2;
	v2 =	vadd.s32 v51, v3;
	v3 =	vmul.u32 $0x130, v57  }
0x1e6: {  	v63 =	vmul.u32 $0x130, v58;
	[tilespmem:$0x440] =	vst v2;
	v2 =	vadd.s32 v54, v62  }
0x1e7: {  	[tilespmem:$0x450] =	vst v2;
	v2 =	vadd.s32 v60, v3  }
0x1e8: {  	[tilespmem:$0x460] =	vst v2;
	v2 =	vadd.s32 v61, v63  }
0x1e9: {  	[tilespmem:$0x470] =	vst v2  }
.LBB2_3:
.Ltmp3:
0x1ea: {  	(pc) =	sbr.rel @!p1 .LBB2_5-.Ltmp3, $1  }
0x1eb: {  	_ =	sdelay $0x3  }
0x1ec: {  	[tilespmem:s3], [sflag:$0x1] =	stream.strided.gather [hbm4b:s7+s15], $0x100, s16, s15, $0x38;
	[tilespmem:$0x4A60] =	vst v63  }
0x1ed: {  	_ =	swait.ge [sflag:s14], $0x100  }
0x1ee: {  	[sflag:s14] =	ssyncset.done $0x0  }
0x1ef: {  	[sflag:s14] =	ssyncadd.s32 $0xFFFFFF00  }
0x1f0: {  	[tilespmem:s17], [sflag:$0x1] =	stream.strided.gather [hbm4b:s8+s15], $0x100, s16, s15, $0x38;
	[tilespmem:$0x4A60] =	vst v63  }
0x1f1: {  	_ =	swait.ge [sflag:s14], $0x100  }
0x1f2: {  	[sflag:s14] =	ssyncset.done $0x0  }
0x1f3: {  	[sflag:s14] =	ssyncadd.s32 $0xFFFFFF00  }
0x1f4: {  	v2 =	vld [tilespmem:$0x0]  }
0x1f5: {  	v3 =	vld [tilespmem:$0x180]  }
0x1f6: {  	v4 =	vld [tilespmem:$0x10]  }
0x1f7: {  	v5 =	vld [tilespmem:$0x190]  }
0x1f8: {  	v6 =	vld [tilespmem:$0x20]  }
0x1f9: {  	v7 =	vld [tilespmem:$0x1A0]  }
0x1fa: {  	v8 =	vld [tilespmem:$0x30]  }
0x1fb: {  	v9 =	vld [tilespmem:$0x1B0]  }
0x1fc: {  	v10 =	vld [tilespmem:$0x40]  }
0x1fd: {  	v11 =	vld [tilespmem:$0x1C0]  }
0x1fe: {  	v12 =	vld [tilespmem:$0x50]  }
0x1ff: {  	v13 =	vld [tilespmem:$0x1D0]  }
0x200: {  	v14 =	vld [tilespmem:$0x60]  }
0x201: {  	v15 =	vld [tilespmem:$0x1E0]  }
0x202: {  	v16 =	vld [tilespmem:$0x70]  }
0x203: {  	v17 =	vld [tilespmem:$0x1F0]  }
0x204: {  	v18 =	vld [tilespmem:$0x80]  }
0x205: {  	v19 =	vld [tilespmem:$0x200]  }
0x206: {  	v20 =	vld [tilespmem:$0x90]  }
0x207: {  	v21 =	vld [tilespmem:$0x210];
	v3 =	vmul.u32 $0x130, v3  }
0x208: {  	v22 =	vld [tilespmem:$0xA0];
	v5 =	vmul.u32 $0x130, v5  }
0x209: {  	v46 =	vld [tilespmem:$0x220];
	v2 =	vadd.s32 v2, v3;
	v3 =	vmul.u32 $0x130, v7  }
0x20a: {  	v48 =	vld [tilespmem:$0xB0];
	v47 =	vmul.u32 $0x130, v9;
	[tilespmem:$0x300] =	vst v2;
	v2 =	vadd.s32 v4, v5  }
0x20b: {  	v49 =	vld [tilespmem:$0x230];
	[tilespmem:$0x310] =	vst v2;
	v2 =	vadd.s32 v6, v3;
	v3 =	vmul.u32 $0x130, v11  }
0x20c: {  	v51 =	vld [tilespmem:$0xC0];
	v50 =	vmul.u32 $0x130, v13;
	[tilespmem:$0x320] =	vst v2;
	v2 =	vadd.s32 v8, v47  }
0x20d: {  	v52 =	vld [tilespmem:$0x240];
	[tilespmem:$0x330] =	vst v2;
	v2 =	vadd.s32 v10, v3;
	v3 =	vmul.u32 $0x130, v15  }
0x20e: {  	v54 =	vld [tilespmem:$0xD0];
	v53 =	vmul.u32 $0x130, v17;
	[tilespmem:$0x340] =	vst v2;
	v2 =	vadd.s32 v12, v50  }
0x20f: {  	v55 =	vld [tilespmem:$0x250];
	[tilespmem:$0x350] =	vst v2;
	v2 =	vadd.s32 v14, v3;
	v3 =	vmul.u32 $0x130, v19  }
0x210: {  	v57 =	vld [tilespmem:$0x260];
	v56 =	vmul.u32 $0x130, v21;
	[tilespmem:$0x360] =	vst v2;
	v2 =	vadd.s32 v16, v53  }
0x211: {  	v58 =	vld [tilespmem:$0x270];
	[tilespmem:$0x370] =	vst v2;
	v2 =	vadd.s32 v18, v3;
	v3 =	vmul.u32 $0x130, v46  }
0x212: {  	v60 =	vld [tilespmem:$0xE0];
	v59 =	vmul.u32 $0x130, v49;
	[tilespmem:$0x380] =	vst v2;
	v2 =	vadd.s32 v20, v56  }
0x213: {  	v61 =	vld [tilespmem:$0xF0];
	[tilespmem:$0x390] =	vst v2;
	v2 =	vadd.s32 v22, v3;
	v3 =	vmul.u32 $0x130, v52  }
0x214: {  	v62 =	vmul.u32 $0x130, v55;
	[tilespmem:$0x3A0] =	vst v2;
	v2 =	vadd.s32 v48, v59  }
.Ltmp4:
0x215: {  	[tilespmem:$0x3B0] =	vst v2;
	v2 =	vadd.s32 v51, v3;
	v3 =	vmul.u32 $0x130, v57;
	(pc) =	sbr.rel .LBB2_5-.Ltmp4, $4  }
0x216: {  	v63 =	vmul.u32 $0x130, v58;
	[tilespmem:$0x3C0] =	vst v2;
	v2 =	vadd.s32 v54, v62  }
0x217: {  	[tilespmem:$0x3D0] =	vst v2;
	v2 =	vadd.s32 v60, v3  }
0x218: {  	[tilespmem:$0x3E0] =	vst v2;
	v2 =	vadd.s32 v61, v63  }
0x219: {  	[tilespmem:$0x3F0] =	vst v2  }
.LBB2_6:
0x21a: {  	_ =	sfence.sel $0x180000  }
0x21b: {  	[bflag:$0x0] =	sbarrier.arrive $0xFFFF  }
0x21c: {  	p0 =	sne.s32 s1, $0x0;
	_ =	strace $0x90000047  }
0x21d: {  	s0 =	sadd.s32 @!p0 $0x100000, s0;
	[bflag:$0x2] =	sbarrier.arrive $0xFFFF  }
0x21e: {  	[sflag:s0] =	ssyncadd.tile.s32 @!p0 $0x1;
	_ =	shalt  }
.Lfunc_end2:
_tile_overlayer_lowered:
.L_overlay_start_2:
0x21f: {  	(tag) =	ssettag $0x2  }
0x220: {  	s0 =	rddreg [dreg:$0x0];
	s2 =	stileid.u32  }
0x221: {  	s1 =	rddreg [dreg:$0x1];
	p0 =	sne.s32 s2, $0x0  }
0x222: {  	s3 =	rddreg [dreg:$0x2];
	[bflag:$0x3] =	sbarrier.arrive $0xFFFF;
	s2 =	simm.s32 @!p0 $0x1C01  }
0x223: {  	[timem:s3], [sflag:s2] =	dma.local @!p0 [hbm:s0], s1  }
0x224: {  	s0 =	simm.s32 @!p0 $0x1  }
0x225: {  	_ =	swait.ge @!p0 [sflag:s0], s1  }
0x226: {  	s1 =	ssub.s32 @!p0 $0x0, s1;
	[sflag:s0] =	ssyncset.done @!p0 $0x0  }
0x227: {  	[sflag:s0] =	ssyncadd.s32 @!p0 s1  }
0x228: {  	[bflag:$0x3] =	sbarrier.arrive $0xFFFF  }
0x229: {  	_ =	shalt  }

</sc_bundles>
